<compile_context>
chip_gen: v7x
topology: tpu7x:2x2x1
jax: 0.10.2.dev20260603
libtpu: 0.0.44.dev20260713+nightly
codegen_flags: <defaults>
</compile_context>

<pallas_src>
import functools

import jax
import jax.numpy as jnp
from jax import lax
from jax.experimental import pallas as pl
from jax.experimental.pallas import tpu as pltpu
from jax.experimental.pallas import tpu_sc as plsc

B, L, D, E = 4096, 77, 64, 8
N = B * L
NW = 32
IDS_PER_W = N // NW
CHUNK = 112
NCHUNK = IDS_PER_W // CHUNK
NBUF = 11
LOOK = 6
LAG = NBUF - LOOK
SCAT = 128
NSCAT = (B * E) // (NW * SCAT)


def kernel(input_ids, fix_vec, fix_offsets, table):
    ids_r = input_ids.reshape(NW, NCHUNK, CHUNK)
    pos = (jnp.arange(B, dtype=jnp.int32) * L + fix_offsets + 1)[:, None] \
        + jnp.arange(E, dtype=jnp.int32)[None, :]
    pos_r = pos.reshape(NW, NSCAT, SCAT)
    fix_tiled = jnp.tile(fix_vec, (SCAT // E, 1))

    mesh = plsc.VectorSubcoreMesh(core_axis_name="c", subcore_axis_name="s")

    @functools.partial(
        pl.kernel, mesh=mesh,
        compiler_params=pltpu.CompilerParams(use_tc_tiling_on_sc=False),
        out_type=jax.ShapeDtypeStruct((N, D), jnp.float32),
        scratch_types=[
            pltpu.VMEM((NCHUNK, CHUNK), jnp.int32),
            pltpu.VMEM((NBUF, CHUNK, D), jnp.float32),
            pltpu.VMEM((NSCAT, SCAT), jnp.int32),
            pltpu.VMEM((SCAT, D), jnp.float32),
            pltpu.SemaphoreType.DMA((NBUF,)),
            pltpu.SemaphoreType.DMA((NBUF,)),
            pltpu.SemaphoreType.DMA,
        ],
    )
    def emb_fix_kernel(ids_hbm, pos_hbm, fixt_hbm, table_hbm, out_hbm,
                       idx_v, rows_v, pos_v, fixt_v, gsem, wsem, ssem):
        wid = lax.axis_index("s") * 2 + lax.axis_index("c")
        pltpu.sync_copy(ids_hbm.at[wid], idx_v)
        base = wid * IDS_PER_W

        def g_copy(j, b):
            return pltpu.make_async_copy(
                table_hbm.at[idx_v.at[j]], rows_v.at[b], gsem.at[b])

        def w_copy(j, b):
            return pltpu.make_async_copy(
                rows_v.at[b], out_hbm.at[pl.ds(base + j * CHUNK, CHUNK)],
                wsem.at[b])

        for j in range(LOOK):
            g_copy(j, j).start()
        for j in range(NBUF):
            g_copy(j, j % NBUF).wait()
            if j >= LAG:
                w_copy(j - LAG, (j + LOOK) % NBUF).wait()
            g_copy(j + LOOK, (j + LOOK) % NBUF).start()
            w_copy(j, j % NBUF).start()

        @pl.loop(1, NCHUNK // NBUF - 1)
        def _(s):
            j0 = s * NBUF
            for k in range(NBUF):
                j = j0 + k
                g_copy(j, k).wait()
                w_copy(j - LAG, (k + LOOK) % NBUF).wait()
                g_copy(j + LOOK, (k + LOOK) % NBUF).start()
                w_copy(j, k).start()

        j0 = NCHUNK - NBUF
        for k in range(NBUF):
            j = j0 + k
            g_copy(j, k).wait()
            if k < LAG:
                w_copy(j - LAG, (k + LOOK) % NBUF).wait()
                g_copy(j + LOOK, (k + LOOK) % NBUF).start()
            w_copy(j, k).start()
        for k in range(NBUF):
            w_copy(j0 + k, k).wait()

        pltpu.sync_copy(pos_hbm.at[wid], pos_v)
        pltpu.sync_copy(fixt_hbm, fixt_v)
        for j in range(NSCAT):
            pltpu.async_copy(fixt_v, out_hbm.at[pos_v.at[j]], ssem)
        for j in range(NSCAT):
            pltpu.make_async_copy(fixt_v, out_hbm.at[pos_v.at[j]], ssem).wait()

    out = emb_fix_kernel(ids_r, pos_r, fix_tiled, table)
    return out.reshape(B, L, D)

# --- scband reference (transcript-rebuilt; emitter-appended) ---
"""Pipeline reference for scband-embeddings-with-fixes-63995012710408 (READ-ONLY COPY).

The authoritative reference and input builder live on the scoring server;
editing this copy changes nothing except your own understanding.
"""

import jax, jax.numpy as jnp
import numpy as np

VOCAB = 1000000
DIM = 64
B = 4096
L = 77
EMB_LEN = 8

def setup_inputs(seed: int = 0) -> dict:
    key = jax.random.key(seed)
    k1, k2, k3, k4 = jax.random.split(key, 4)
    input_ids = jax.random.randint(k1, (B, L), 0, VOCAB, dtype=jnp.int64 if jax.config.jax_enable_x64 else jnp.int32).astype(jnp.int32)
    fix_vec = jax.random.normal(k2, (EMB_LEN, DIM), dtype=jnp.float32)
    fix_offsets = jax.random.randint(k3, (B,), 0, 68).astype(jnp.int32)
    table = jax.random.normal(k4, (VOCAB, DIM), dtype=jnp.float32) * 0.02
    return {"input_ids": input_ids, "fix_vec": fix_vec, "fix_offsets": fix_offsets, "table": table}

def reference(input_ids, fix_vec, fix_offsets, table):
    # wrapped embedding lookup: inputs_embeds = wrapped(input_ids)
    emb = jnp.take(table, input_ids, axis=0)  # [B, L, D]
    # apply fixes: overwrite emb[b, offset+1 : offset+1+emb_len] with embedding.vec
    b = emb.shape[0]
    e = fix_vec.shape[0]
    pos = fix_offsets[:, None] + 1 + jnp.arange(e)[None, :]  # [B, E]
    batch_idx = jnp.arange(b)[:, None]  # [B, 1]
    emb = emb.at[batch_idx, pos].set(jnp.broadcast_to(fix_vec[None, :, :], (b, e, fix_vec.shape[1])))
    return emb

if __name__ == "__main__":
    import jax
    _d = setup_inputs()
    print(jax.jit(kernel)(*tuple(_d.values())))

</pallas_src>

<mosaic_0001>
#map = affine_map<(d0, d1) -> (0, 0, 0)>
#map1 = affine_map<(d0, d1) -> (0, 0)>
module attributes {stable_mosaic.version = 14 : i64} {
  func.func @emb_fix_kernel(%arg0: i32, %arg1: i32, %arg2: memref<32x88x112xi32, #tpu.memory_space<hbm>>, %arg3: memref<32x8x128xi32, #tpu.memory_space<hbm>>, %arg4: memref<128x64xf32, #tpu.memory_space<hbm>>, %arg5: memref<1000000x64xf32, #tpu.memory_space<hbm>>, %arg6: memref<315392x64xf32, #tpu.memory_space<hbm>>, %arg7: memref<88x112xi32, #tpu.memory_space<vmem>>, %arg8: memref<11x112x64xf32, #tpu.memory_space<vmem>>, %arg9: memref<8x128xi32, #tpu.memory_space<vmem>>, %arg10: memref<128x64xf32, #tpu.memory_space<vmem>>, %arg11: memref<11x!tpu.dma_semaphore, #tpu.memory_space<semaphore_mem>>, %arg12: memref<11x!tpu.dma_semaphore, #tpu.memory_space<semaphore_mem>>, %arg13: memref<!tpu.dma_semaphore, #tpu.memory_space<semaphore_mem>>) attributes {dimension_semantics = [#tpu.dimension_semantics<core_parallel>, #tpu.dimension_semantics<subcore_parallel>], iteration_bounds = array<i64: 2, 16>, scalar_prefetch = 0 : i64, scratch_operands = 7 : i64, tpu.core_type = #tpu.core_type<sc_vector_subcore>, window_params = [{transform_indices = #map}, {transform_indices = #map}, {transform_indices = #map1}, {transform_indices = #map1}, {transform_indices = #map1}]} {
    %mul3A = arith.constant 2 : i32
    %mul3A_0 = arith.muli %arg1, %mul3A : i32
    %add3A = arith.addi %mul3A_0, %arg0 : i32
    "tpu.region"() ({
      %run_scoped3A = tpu.sem_alloc : memref<!tpu.dma_semaphore, #tpu.memory_space<semaphore_mem>>
      %dma_start3A_1569 = arith.constant 0 : i32
      %dma_start3A_1570 = arith.constant 0 : i32
      %dma_start3A_1571 = tpu.memref_slice %arg2[%add3A, %dma_start3A_1569, %dma_start3A_1570] : memref<32x88x112xi32, #tpu.memory_space<hbm>> -> memref<1x88x112xi32, #tpu.memory_space<hbm>>
      %dma_start3A_1572 = tpu.memref_squeeze %dma_start3A_1571 : memref<1x88x112xi32, #tpu.memory_space<hbm>> -> memref<88x112xi32, #tpu.memory_space<hbm>>
      %dma_start3A_1573 = arith.constant 0 : i32
      %dma_start3A_1574 = arith.constant 0 : i32
      %dma_start3A_1575 = tpu.memref_slice %arg2[%add3A, %dma_start3A_1573, %dma_start3A_1574] : memref<32x88x112xi32, #tpu.memory_space<hbm>> -> memref<1x88x112xi32, #tpu.memory_space<hbm>>
      %dma_start3A_1576 = tpu.memref_squeeze %dma_start3A_1575 : memref<1x88x112xi32, #tpu.memory_space<hbm>> -> memref<88x112xi32, #tpu.memory_space<hbm>>
      tpu.enqueue_dma source(%dma_start3A_1576 : memref<88x112xi32, #tpu.memory_space<hbm>>) target(%arg7 : memref<88x112xi32, #tpu.memory_space<vmem>>) target_semaphore(%run_scoped3A : memref<!tpu.dma_semaphore, #tpu.memory_space<semaphore_mem>>)
      %dma_wait3A_1577 = arith.constant 0 : i32
      %dma_wait3A_1578 = arith.constant 0 : i32
      %dma_wait3A_1579 = tpu.memref_slice %arg2[%add3A, %dma_wait3A_1577, %dma_wait3A_1578] : memref<32x88x112xi32, #tpu.memory_space<hbm>> -> memref<1x88x112xi32, #tpu.memory_space<hbm>>
      %dma_wait3A_1580 = tpu.memref_squeeze %dma_wait3A_1579 : memref<1x88x112xi32, #tpu.memory_space<hbm>> -> memref<88x112xi32, #tpu.memory_space<hbm>>
      %dma_wait3A_1581 = arith.constant 0 : i32
      %dma_wait3A_1582 = arith.constant 0 : i32
      %dma_wait3A_1583 = tpu.memref_slice %arg2[%add3A, %dma_wait3A_1581, %dma_wait3A_1582] : memref<32x88x112xi32, #tpu.memory_space<hbm>> -> memref<1x88x112xi32, #tpu.memory_space<hbm>>
      %dma_wait3A_1584 = tpu.memref_squeeze %dma_wait3A_1583 : memref<1x88x112xi32, #tpu.memory_space<hbm>> -> memref<88x112xi32, #tpu.memory_space<hbm>>
      tpu.wait_dma2 semaphore(%run_scoped3A : memref<!tpu.dma_semaphore, #tpu.memory_space<semaphore_mem>>) src(%dma_wait3A_1584 : memref<88x112xi32, #tpu.memory_space<hbm>>) dst(%arg7 : memref<88x112xi32, #tpu.memory_space<vmem>>)
      tpu.yield
    }) : () -> ()
    %mul3A_1 = arith.constant 9856 : i32
    %mul3A_2 = arith.muli %add3A, %mul3A_1 : i32
    %dma_start3A = arith.constant 0 : i32
    %dma_start3A_3 = arith.constant 0 : i32
    %dma_start3A_4 = arith.constant 0 : i32
    %dma_start3A_5 = arith.constant 0 : i32
    %dma_start3A_6 = arith.constant 0 : i32
    %dma_start3A_7 = tpu.memref_slice %arg8[%dma_start3A_3, %dma_start3A_5, %dma_start3A_6] : memref<11x112x64xf32, #tpu.memory_space<vmem>> -> memref<1x112x64xf32, #tpu.memory_space<vmem>>
    %dma_start3A_8 = tpu.memref_squeeze %dma_start3A_7 : memref<1x112x64xf32, #tpu.memory_space<vmem>> -> memref<112x64xf32, #tpu.memory_space<vmem>>
    %dma_start3A_9 = arith.constant 0 : i32
    %dma_start3A_10 = tpu.memref_slice %arg7[%dma_start3A, %dma_start3A_9] : memref<88x112xi32, #tpu.memory_space<vmem>> -> memref<1x112xi32, #tpu.memory_space<vmem>>
    %dma_start3A_11 = tpu.memref_squeeze %dma_start3A_10 : memref<1x112xi32, #tpu.memory_space<vmem>> -> memref<112xi32, #tpu.memory_space<vmem>>
    %dma_start3A_12 = arith.constant 0 : i32
    %dma_start3A_13 = arith.constant 0 : i32
    %dma_start3A_14 = tpu.memref_slice %arg5[%dma_start3A_12, %dma_start3A_13] : memref<1000000x64xf32, #tpu.memory_space<hbm>> -> memref<1000000x64xf32, #tpu.memory_space<hbm>>
    %dma_start3A_15 = tpu.memref_slice %arg11[%dma_start3A_4] : memref<11x!tpu.dma_semaphore, #tpu.memory_space<semaphore_mem>> -> memref<1x!tpu.dma_semaphore, #tpu.memory_space<semaphore_mem>>
    %dma_start3A_16 = tpu.memref_squeeze %dma_start3A_15 : memref<1x!tpu.dma_semaphore, #tpu.memory_space<semaphore_mem>> -> memref<!tpu.dma_semaphore, #tpu.memory_space<semaphore_mem>>
    tpu.enqueue_indirect_dma source(%dma_start3A_14 : memref<1000000x64xf32, #tpu.memory_space<hbm>>) target(%dma_start3A_8 : memref<112x64xf32, #tpu.memory_space<vmem>>) offsets(%dma_start3A_11 : memref<112xi32, #tpu.memory_space<vmem>>) semaphore(%dma_start3A_16 : memref<!tpu.dma_semaphore, #tpu.memory_space<semaphore_mem>>)
    %dma_start3A_17 = arith.constant 1 : i32
    %dma_start3A_18 = arith.constant 1 : i32
    %dma_start3A_19 = arith.constant 1 : i32
    %dma_start3A_20 = arith.constant 0 : i32
    %dma_start3A_21 = arith.constant 0 : i32
    %dma_start3A_22 = tpu.memref_slice %arg8[%dma_start3A_18, %dma_start3A_20, %dma_start3A_21] : memref<11x112x64xf32, #tpu.memory_space<vmem>> -> memref<1x112x64xf32, #tpu.memory_space<vmem>>
    %dma_start3A_23 = tpu.memref_squeeze %dma_start3A_22 : memref<1x112x64xf32, #tpu.memory_space<vmem>> -> memref<112x64xf32, #tpu.memory_space<vmem>>
    %dma_start3A_24 = arith.constant 0 : i32
    %dma_start3A_25 = tpu.memref_slice %arg7[%dma_start3A_17, %dma_start3A_24] : memref<88x112xi32, #tpu.memory_space<vmem>> -> memref<1x112xi32, #tpu.memory_space<vmem>>
    %dma_start3A_26 = tpu.memref_squeeze %dma_start3A_25 : memref<1x112xi32, #tpu.memory_space<vmem>> -> memref<112xi32, #tpu.memory_space<vmem>>
    %dma_start3A_27 = arith.constant 0 : i32
    %dma_start3A_28 = arith.constant 0 : i32
    %dma_start3A_29 = tpu.memref_slice %arg5[%dma_start3A_27, %dma_start3A_28] : memref<1000000x64xf32, #tpu.memory_space<hbm>> -> memref<1000000x64xf32, #tpu.memory_space<hbm>>
    %dma_start3A_30 = tpu.memref_slice %arg11[%dma_start3A_19] : memref<11x!tpu.dma_semaphore, #tpu.memory_space<semaphore_mem>> -> memref<1x!tpu.dma_semaphore, #tpu.memory_space<semaphore_mem>>
    %dma_start3A_31 = tpu.memref_squeeze %dma_start3A_30 : memref<1x!tpu.dma_semaphore, #tpu.memory_space<semaphore_mem>> -> memref<!tpu.dma_semaphore, #tpu.memory_space<semaphore_mem>>
    tpu.enqueue_indirect_dma source(%dma_start3A_29 : memref<1000000x64xf32, #tpu.memory_space<hbm>>) target(%dma_start3A_23 : memref<112x64xf32, #tpu.memory_space<vmem>>) offsets(%dma_start3A_26 : memref<112xi32, #tpu.memory_space<vmem>>) semaphore(%dma_start3A_31 : memref<!tpu.dma_semaphore, #tpu.memory_space<semaphore_mem>>)
    %dma_start3A_32 = arith.constant 2 : i32
    %dma_start3A_33 = arith.constant 2 : i32
    %dma_start3A_34 = arith.constant 2 : i32
    %dma_start3A_35 = arith.constant 0 : i32
    %dma_start3A_36 = arith.constant 0 : i32
    %dma_start3A_37 = tpu.memref_slice %arg8[%dma_start3A_33, %dma_start3A_35, %dma_start3A_36] : memref<11x112x64xf32, #tpu.memory_space<vmem>> -> memref<1x112x64xf32, #tpu.memory_space<vmem>>
    %dma_start3A_38 = tpu.memref_squeeze %dma_start3A_37 : memref<1x112x64xf32, #tpu.memory_space<vmem>> -> memref<112x64xf32, #tpu.memory_space<vmem>>
    %dma_start3A_39 = arith.constant 0 : i32
    %dma_start3A_40 = tpu.memref_slice %arg7[%dma_start3A_32, %dma_start3A_39] : memref<88x112xi32, #tpu.memory_space<vmem>> -> memref<1x112xi32, #tpu.memory_space<vmem>>
    %dma_start3A_41 = tpu.memref_squeeze %dma_start3A_40 : memref<1x112xi32, #tpu.memory_space<vmem>> -> memref<112xi32, #tpu.memory_space<vmem>>
    %dma_start3A_42 = arith.constant 0 : i32
    %dma_start3A_43 = arith.constant 0 : i32
    %dma_start3A_44 = tpu.memref_slice %arg5[%dma_start3A_42, %dma_start3A_43] : memref<1000000x64xf32, #tpu.memory_space<hbm>> -> memref<1000000x64xf32, #tpu.memory_space<hbm>>
    %dma_start3A_45 = tpu.memref_slice %arg11[%dma_start3A_34] : memref<11x!tpu.dma_semaphore, #tpu.memory_space<semaphore_mem>> -> memref<1x!tpu.dma_semaphore, #tpu.memory_space<semaphore_mem>>
    %dma_start3A_46 = tpu.memref_squeeze %dma_start3A_45 : memref<1x!tpu.dma_semaphore, #tpu.memory_space<semaphore_mem>> -> memref<!tpu.dma_semaphore, #tpu.memory_space<semaphore_mem>>
    tpu.enqueue_indirect_dma source(%dma_start3A_44 : memref<1000000x64xf32, #tpu.memory_space<hbm>>) target(%dma_start3A_38 : memref<112x64xf32, #tpu.memory_space<vmem>>) offsets(%dma_start3A_41 : memref<112xi32, #tpu.memory_space<vmem>>) semaphore(%dma_start3A_46 : memref<!tpu.dma_semaphore, #tpu.memory_space<semaphore_mem>>)
    %dma_start3A_47 = arith.constant 3 : i32
    %dma_start3A_48 = arith.constant 3 : i32
    %dma_start3A_49 = arith.constant 3 : i32
    %dma_start3A_50 = arith.constant 0 : i32
    %dma_start3A_51 = arith.constant 0 : i32
    %dma_start3A_52 = tpu.memref_slice %arg8[%dma_start3A_48, %dma_start3A_50, %dma_start3A_51] : memref<11x112x64xf32, #tpu.memory_space<vmem>> -> memref<1x112x64xf32, #tpu.memory_space<vmem>>
    %dma_start3A_53 = tpu.memref_squeeze %dma_start3A_52 : memref<1x112x64xf32, #tpu.memory_space<vmem>> -> memref<112x64xf32, #tpu.memory_space<vmem>>
    %dma_start3A_54 = arith.constant 0 : i32
    %dma_start3A_55 = tpu.memref_slice %arg7[%dma_start3A_47, %dma_start3A_54] : memref<88x112xi32, #tpu.memory_space<vmem>> -> memref<1x112xi32, #tpu.memory_space<vmem>>
    %dma_start3A_56 = tpu.memref_squeeze %dma_start3A_55 : memref<1x112xi32, #tpu.memory_space<vmem>> -> memref<112xi32, #tpu.memory_space<vmem>>
    %dma_start3A_57 = arith.constant 0 : i32
    %dma_start3A_58 = arith.constant 0 : i32
    %dma_start3A_59 = tpu.memref_slice %arg5[%dma_start3A_57, %dma_start3A_58] : memref<1000000x64xf32, #tpu.memory_space<hbm>> -> memref<1000000x64xf32, #tpu.memory_space<hbm>>
    %dma_start3A_60 = tpu.memref_slice %arg11[%dma_start3A_49] : memref<11x!tpu.dma_semaphore, #tpu.memory_space<semaphore_mem>> -> memref<1x!tpu.dma_semaphore, #tpu.memory_space<semaphore_mem>>
    %dma_start3A_61 = tpu.memref_squeeze %dma_start3A_60 : memref<1x!tpu.dma_semaphore, #tpu.memory_space<semaphore_mem>> -> memref<!tpu.dma_semaphore, #tpu.memory_space<semaphore_mem>>
    tpu.enqueue_indirect_dma source(%dma_start3A_59 : memref<1000000x64xf32, #tpu.memory_space<hbm>>) target(%dma_start3A_53 : memref<112x64xf32, #tpu.memory_space<vmem>>) offsets(%dma_start3A_56 : memref<112xi32, #tpu.memory_space<vmem>>) semaphore(%dma_start3A_61 : memref<!tpu.dma_semaphore, #tpu.memory_space<semaphore_mem>>)
    %dma_start3A_62 = arith.constant 4 : i32
    %dma_start3A_63 = arith.constant 4 : i32
    %dma_start3A_64 = arith.constant 4 : i32
    %dma_start3A_65 = arith.constant 0 : i32
    %dma_start3A_66 = arith.constant 0 : i32
    %dma_start3A_67 = tpu.memref_slice %arg8[%dma_start3A_63, %dma_start3A_65, %dma_start3A_66] : memref<11x112x64xf32, #tpu.memory_space<vmem>> -> memref<1x112x64xf32, #tpu.memory_space<vmem>>
    %dma_start3A_68 = tpu.memref_squeeze %dma_start3A_67 : memref<1x112x64xf32, #tpu.memory_space<vmem>> -> memref<112x64xf32, #tpu.memory_space<vmem>>
    %dma_start3A_69 = arith.constant 0 : i32
    %dma_start3A_70 = tpu.memref_slice %arg7[%dma_start3A_62, %dma_start3A_69] : memref<88x112xi32, #tpu.memory_space<vmem>> -> memref<1x112xi32, #tpu.memory_space<vmem>>
    %dma_start3A_71 = tpu.memref_squeeze %dma_start3A_70 : memref<1x112xi32, #tpu.memory_space<vmem>> -> memref<112xi32, #tpu.memory_space<vmem>>
    %dma_start3A_72 = arith.constant 0 : i32
    %dma_start3A_73 = arith.constant 0 : i32
    %dma_start3A_74 = tpu.memref_slice %arg5[%dma_start3A_72, %dma_start3A_73] : memref<1000000x64xf32, #tpu.memory_space<hbm>> -> memref<1000000x64xf32, #tpu.memory_space<hbm>>
    %dma_start3A_75 = tpu.memref_slice %arg11[%dma_start3A_64] : memref<11x!tpu.dma_semaphore, #tpu.memory_space<semaphore_mem>> -> memref<1x!tpu.dma_semaphore, #tpu.memory_space<semaphore_mem>>
    %dma_start3A_76 = tpu.memref_squeeze %dma_start3A_75 : memref<1x!tpu.dma_semaphore, #tpu.memory_space<semaphore_mem>> -> memref<!tpu.dma_semaphore, #tpu.memory_space<semaphore_mem>>
    tpu.enqueue_indirect_dma source(%dma_start3A_74 : memref<1000000x64xf32, #tpu.memory_space<hbm>>) target(%dma_start3A_68 : memref<112x64xf32, #tpu.memory_space<vmem>>) offsets(%dma_start3A_71 : memref<112xi32, #tpu.memory_space<vmem>>) semaphore(%dma_start3A_76 : memref<!tpu.dma_semaphore, #tpu.memory_space<semaphore_mem>>)
    %dma_start3A_77 = arith.constant 5 : i32
    %dma_start3A_78 = arith.constant 5 : i32
    %dma_start3A_79 = arith.constant 5 : i32
    %dma_start3A_80 = arith.constant 0 : i32
    %dma_start3A_81 = arith.constant 0 : i32
    %dma_start3A_82 = tpu.memref_slice %arg8[%dma_start3A_78, %dma_start3A_80, %dma_start3A_81] : memref<11x112x64xf32, #tpu.memory_space<vmem>> -> memref<1x112x64xf32, #tpu.memory_space<vmem>>
    %dma_start3A_83 = tpu.memref_squeeze %dma_start3A_82 : memref<1x112x64xf32, #tpu.memory_space<vmem>> -> memref<112x64xf32, #tpu.memory_space<vmem>>
    %dma_start3A_84 = arith.constant 0 : i32
    %dma_start3A_85 = tpu.memref_slice %arg7[%dma_start3A_77, %dma_start3A_84] : memref<88x112xi32, #tpu.memory_space<vmem>> -> memref<1x112xi32, #tpu.memory_space<vmem>>
    %dma_start3A_86 = tpu.memref_squeeze %dma_start3A_85 : memref<1x112xi32, #tpu.memory_space<vmem>> -> memref<112xi32, #tpu.memory_space<vmem>>
    %dma_start3A_87 = arith.constant 0 : i32
    %dma_start3A_88 = arith.constant 0 : i32
    %dma_start3A_89 = tpu.memref_slice %arg5[%dma_start3A_87, %dma_start3A_88] : memref<1000000x64xf32, #tpu.memory_space<hbm>> -> memref<1000000x64xf32, #tpu.memory_space<hbm>>
    %dma_start3A_90 = tpu.memref_slice %arg11[%dma_start3A_79] : memref<11x!tpu.dma_semaphore, #tpu.memory_space<semaphore_mem>> -> memref<1x!tpu.dma_semaphore, #tpu.memory_space<semaphore_mem>>
    %dma_start3A_91 = tpu.memref_squeeze %dma_start3A_90 : memref<1x!tpu.dma_semaphore, #tpu.memory_space<semaphore_mem>> -> memref<!tpu.dma_semaphore, #tpu.memory_space<semaphore_mem>>
    tpu.enqueue_indirect_dma source(%dma_start3A_89 : memref<1000000x64xf32, #tpu.memory_space<hbm>>) target(%dma_start3A_83 : memref<112x64xf32, #tpu.memory_space<vmem>>) offsets(%dma_start3A_86 : memref<112xi32, #tpu.memory_space<vmem>>) semaphore(%dma_start3A_91 : memref<!tpu.dma_semaphore, #tpu.memory_space<semaphore_mem>>)
    %dma_wait3A = arith.constant 0 : i32
    %dma_wait3A_92 = arith.constant 0 : i32
    %dma_wait3A_93 = arith.constant 0 : i32
    %dma_wait3A_94 = arith.constant 0 : i32
    %dma_wait3A_95 = arith.constant 0 : i32
    %dma_wait3A_96 = tpu.memref_slice %arg8[%dma_wait3A_92, %dma_wait3A_94, %dma_wait3A_95] : memref<11x112x64xf32, #tpu.memory_space<vmem>> -> memref<1x112x64xf32, #tpu.memory_space<vmem>>
    %dma_wait3A_97 = tpu.memref_squeeze %dma_wait3A_96 : memref<1x112x64xf32, #tpu.memory_space<vmem>> -> memref<112x64xf32, #tpu.memory_space<vmem>>
    %dma_wait3A_98 = arith.constant 0 : i32
    %dma_wait3A_99 = tpu.memref_slice %arg7[%dma_wait3A, %dma_wait3A_98] : memref<88x112xi32, #tpu.memory_space<vmem>> -> memref<1x112xi32, #tpu.memory_space<vmem>>
    %dma_wait3A_100 = tpu.memref_squeeze %dma_wait3A_99 : memref<1x112xi32, #tpu.memory_space<vmem>> -> memref<112xi32, #tpu.memory_space<vmem>>
    %dma_wait3A_101 = arith.constant 0 : i32
    %dma_wait3A_102 = arith.constant 0 : i32
    %dma_wait3A_103 = tpu.memref_slice %arg5[%dma_wait3A_101, %dma_wait3A_102] : memref<1000000x64xf32, #tpu.memory_space<hbm>> -> memref<1000000x64xf32, #tpu.memory_space<hbm>>
    %dma_wait3A_104 = tpu.memref_slice %arg11[%dma_wait3A_93] : memref<11x!tpu.dma_semaphore, #tpu.memory_space<semaphore_mem>> -> memref<1x!tpu.dma_semaphore, #tpu.memory_space<semaphore_mem>>
    %dma_wait3A_105 = tpu.memref_squeeze %dma_wait3A_104 : memref<1x!tpu.dma_semaphore, #tpu.memory_space<semaphore_mem>> -> memref<!tpu.dma_semaphore, #tpu.memory_space<semaphore_mem>>
    tpu.wait_indirect_dma semaphore(%dma_wait3A_105 : memref<!tpu.dma_semaphore, #tpu.memory_space<semaphore_mem>>) src(%dma_wait3A_103 : memref<1000000x64xf32, #tpu.memory_space<hbm>>) dst(%dma_wait3A_97 : memref<112x64xf32, #tpu.memory_space<vmem>>)
    %dma_start3A_106 = arith.constant 6 : i32
    %dma_start3A_107 = arith.constant 6 : i32
    %dma_start3A_108 = arith.constant 6 : i32
    %dma_start3A_109 = arith.constant 0 : i32
    %dma_start3A_110 = arith.constant 0 : i32
    %dma_start3A_111 = tpu.memref_slice %arg8[%dma_start3A_107, %dma_start3A_109, %dma_start3A_110] : memref<11x112x64xf32, #tpu.memory_space<vmem>> -> memref<1x112x64xf32, #tpu.memory_space<vmem>>
    %dma_start3A_112 = tpu.memref_squeeze %dma_start3A_111 : memref<1x112x64xf32, #tpu.memory_space<vmem>> -> memref<112x64xf32, #tpu.memory_space<vmem>>
    %dma_start3A_113 = arith.constant 0 : i32
    %dma_start3A_114 = tpu.memref_slice %arg7[%dma_start3A_106, %dma_start3A_113] : memref<88x112xi32, #tpu.memory_space<vmem>> -> memref<1x112xi32, #tpu.memory_space<vmem>>
    %dma_start3A_115 = tpu.memref_squeeze %dma_start3A_114 : memref<1x112xi32, #tpu.memory_space<vmem>> -> memref<112xi32, #tpu.memory_space<vmem>>
    %dma_start3A_116 = arith.constant 0 : i32
    %dma_start3A_117 = arith.constant 0 : i32
    %dma_start3A_118 = tpu.memref_slice %arg5[%dma_start3A_116, %dma_start3A_117] : memref<1000000x64xf32, #tpu.memory_space<hbm>> -> memref<1000000x64xf32, #tpu.memory_space<hbm>>
    %dma_start3A_119 = tpu.memref_slice %arg11[%dma_start3A_108] : memref<11x!tpu.dma_semaphore, #tpu.memory_space<semaphore_mem>> -> memref<1x!tpu.dma_semaphore, #tpu.memory_space<semaphore_mem>>
    %dma_start3A_120 = tpu.memref_squeeze %dma_start3A_119 : memref<1x!tpu.dma_semaphore, #tpu.memory_space<semaphore_mem>> -> memref<!tpu.dma_semaphore, #tpu.memory_space<semaphore_mem>>
    tpu.enqueue_indirect_dma source(%dma_start3A_118 : memref<1000000x64xf32, #tpu.memory_space<hbm>>) target(%dma_start3A_112 : memref<112x64xf32, #tpu.memory_space<vmem>>) offsets(%dma_start3A_115 : memref<112xi32, #tpu.memory_space<vmem>>) semaphore(%dma_start3A_120 : memref<!tpu.dma_semaphore, #tpu.memory_space<semaphore_mem>>)
    %add3A_121 = arith.constant 0 : i32
    %add3A_122 = arith.addi %mul3A_2, %add3A_121 : i32
    %dma_start3A_123 = arith.constant 0 : i32
    %dma_start3A_124 = arith.constant 0 : i32
    %dma_start3A_125 = arith.constant 0 : i32
    %dma_start3A_126 = arith.constant 0 : i32
    %dma_start3A_127 = tpu.memref_slice %arg8[%dma_start3A_123, %dma_start3A_125, %dma_start3A_126] : memref<11x112x64xf32, #tpu.memory_space<vmem>> -> memref<1x112x64xf32, #tpu.memory_space<vmem>>
    %dma_start3A_128 = tpu.memref_squeeze %dma_start3A_127 : memref<1x112x64xf32, #tpu.memory_space<vmem>> -> memref<112x64xf32, #tpu.memory_space<vmem>>
    %dma_start3A_129 = arith.constant 0 : i32
    %dma_start3A_130 = tpu.memref_slice %arg6[%add3A_122, %dma_start3A_129] : memref<315392x64xf32, #tpu.memory_space<hbm>> -> memref<112x64xf32, #tpu.memory_space<hbm>>
    %dma_start3A_131 = tpu.memref_slice %arg12[%dma_start3A_124] : memref<11x!tpu.dma_semaphore, #tpu.memory_space<semaphore_mem>> -> memref<1x!tpu.dma_semaphore, #tpu.memory_space<semaphore_mem>>
    %dma_start3A_132 = tpu.memref_squeeze %dma_start3A_131 : memref<1x!tpu.dma_semaphore, #tpu.memory_space<semaphore_mem>> -> memref<!tpu.dma_semaphore, #tpu.memory_space<semaphore_mem>>
    %dma_start3A_133 = arith.constant 0 : i32
    %dma_start3A_134 = tpu.memref_slice %arg6[%add3A_122, %dma_start3A_133] : memref<315392x64xf32, #tpu.memory_space<hbm>> -> memref<112x64xf32, #tpu.memory_space<hbm>>
    %dma_start3A_135 = arith.constant 0 : i32
    %dma_start3A_136 = arith.constant 0 : i32
    %dma_start3A_137 = tpu.memref_slice %arg8[%dma_start3A_123, %dma_start3A_135, %dma_start3A_136] : memref<11x112x64xf32, #tpu.memory_space<vmem>> -> memref<1x112x64xf32, #tpu.memory_space<vmem>>
    %dma_start3A_138 = tpu.memref_squeeze %dma_start3A_137 : memref<1x112x64xf32, #tpu.memory_space<vmem>> -> memref<112x64xf32, #tpu.memory_space<vmem>>
    tpu.enqueue_dma source(%dma_start3A_138 : memref<112x64xf32, #tpu.memory_space<vmem>>) target(%dma_start3A_134 : memref<112x64xf32, #tpu.memory_space<hbm>>) target_semaphore(%dma_start3A_132 : memref<!tpu.dma_semaphore, #tpu.memory_space<semaphore_mem>>)
    %dma_wait3A_139 = arith.constant 1 : i32
    %dma_wait3A_140 = arith.constant 1 : i32
    %dma_wait3A_141 = arith.constant 1 : i32
    %dma_wait3A_142 = arith.constant 0 : i32
    %dma_wait3A_143 = arith.constant 0 : i32
    %dma_wait3A_144 = tpu.memref_slice %arg8[%dma_wait3A_140, %dma_wait3A_142, %dma_wait3A_143] : memref<11x112x64xf32, #tpu.memory_space<vmem>> -> memref<1x112x64xf32, #tpu.memory_space<vmem>>
    %dma_wait3A_145 = tpu.memref_squeeze %dma_wait3A_144 : memref<1x112x64xf32, #tpu.memory_space<vmem>> -> memref<112x64xf32, #tpu.memory_space<vmem>>
    %dma_wait3A_146 = arith.constant 0 : i32
    %dma_wait3A_147 = tpu.memref_slice %arg7[%dma_wait3A_139, %dma_wait3A_146] : memref<88x112xi32, #tpu.memory_space<vmem>> -> memref<1x112xi32, #tpu.memory_space<vmem>>
    %dma_wait3A_148 = tpu.memref_squeeze %dma_wait3A_147 : memref<1x112xi32, #tpu.memory_space<vmem>> -> memref<112xi32, #tpu.memory_space<vmem>>
    %dma_wait3A_149 = arith.constant 0 : i32
    %dma_wait3A_150 = arith.constant 0 : i32
    %dma_wait3A_151 = tpu.memref_slice %arg5[%dma_wait3A_149, %dma_wait3A_150] : memref<1000000x64xf32, #tpu.memory_space<hbm>> -> memref<1000000x64xf32, #tpu.memory_space<hbm>>
    %dma_wait3A_152 = tpu.memref_slice %arg11[%dma_wait3A_141] : memref<11x!tpu.dma_semaphore, #tpu.memory_space<semaphore_mem>> -> memref<1x!tpu.dma_semaphore, #tpu.memory_space<semaphore_mem>>
    %dma_wait3A_153 = tpu.memref_squeeze %dma_wait3A_152 : memref<1x!tpu.dma_semaphore, #tpu.memory_space<semaphore_mem>> -> memref<!tpu.dma_semaphore, #tpu.memory_space<semaphore_mem>>
    tpu.wait_indirect_dma semaphore(%dma_wait3A_153 : memref<!tpu.dma_semaphore, #tpu.memory_space<semaphore_mem>>) src(%dma_wait3A_151 : memref<1000000x64xf32, #tpu.memory_space<hbm>>) dst(%dma_wait3A_145 : memref<112x64xf32, #tpu.memory_space<vmem>>)
    %dma_start3A_154 = arith.constant 7 : i32
    %dma_start3A_155 = arith.constant 7 : i32
    %dma_start3A_156 = arith.constant 7 : i32
    %dma_start3A_157 = arith.constant 0 : i32
    %dma_start3A_158 = arith.constant 0 : i32
    %dma_start3A_159 = tpu.memref_slice %arg8[%dma_start3A_155, %dma_start3A_157, %dma_start3A_158] : memref<11x112x64xf32, #tpu.memory_space<vmem>> -> memref<1x112x64xf32, #tpu.memory_space<vmem>>
    %dma_start3A_160 = tpu.memref_squeeze %dma_start3A_159 : memref<1x112x64xf32, #tpu.memory_space<vmem>> -> memref<112x64xf32, #tpu.memory_space<vmem>>
    %dma_start3A_161 = arith.constant 0 : i32
    %dma_start3A_162 = tpu.memref_slice %arg7[%dma_start3A_154, %dma_start3A_161] : memref<88x112xi32, #tpu.memory_space<vmem>> -> memref<1x112xi32, #tpu.memory_space<vmem>>
    %dma_start3A_163 = tpu.memref_squeeze %dma_start3A_162 : memref<1x112xi32, #tpu.memory_space<vmem>> -> memref<112xi32, #tpu.memory_space<vmem>>
    %dma_start3A_164 = arith.constant 0 : i32
    %dma_start3A_165 = arith.constant 0 : i32
    %dma_start3A_166 = tpu.memref_slice %arg5[%dma_start3A_164, %dma_start3A_165] : memref<1000000x64xf32, #tpu.memory_space<hbm>> -> memref<1000000x64xf32, #tpu.memory_space<hbm>>
    %dma_start3A_167 = tpu.memref_slice %arg11[%dma_start3A_156] : memref<11x!tpu.dma_semaphore, #tpu.memory_space<semaphore_mem>> -> memref<1x!tpu.dma_semaphore, #tpu.memory_space<semaphore_mem>>
    %dma_start3A_168 = tpu.memref_squeeze %dma_start3A_167 : memref<1x!tpu.dma_semaphore, #tpu.memory_space<semaphore_mem>> -> memref<!tpu.dma_semaphore, #tpu.memory_space<semaphore_mem>>
    tpu.enqueue_indirect_dma source(%dma_start3A_166 : memref<1000000x64xf32, #tpu.memory_space<hbm>>) target(%dma_start3A_160 : memref<112x64xf32, #tpu.memory_space<vmem>>) offsets(%dma_start3A_163 : memref<112xi32, #tpu.memory_space<vmem>>) semaphore(%dma_start3A_168 : memref<!tpu.dma_semaphore, #tpu.memory_space<semaphore_mem>>)
    %add3A_169 = arith.constant 112 : i32
    %add3A_170 = arith.addi %mul3A_2, %add3A_169 : i32
    %dma_start3A_171 = arith.constant 1 : i32
    %dma_start3A_172 = arith.constant 1 : i32
    %dma_start3A_173 = arith.constant 0 : i32
    %dma_start3A_174 = arith.constant 0 : i32
    %dma_start3A_175 = tpu.memref_slice %arg8[%dma_start3A_171, %dma_start3A_173, %dma_start3A_174] : memref<11x112x64xf32, #tpu.memory_space<vmem>> -> memref<1x112x64xf32, #tpu.memory_space<vmem>>
    %dma_start3A_176 = tpu.memref_squeeze %dma_start3A_175 : memref<1x112x64xf32, #tpu.memory_space<vmem>> -> memref<112x64xf32, #tpu.memory_space<vmem>>
    %dma_start3A_177 = arith.constant 0 : i32
    %dma_start3A_178 = tpu.memref_slice %arg6[%add3A_170, %dma_start3A_177] : memref<315392x64xf32, #tpu.memory_space<hbm>> -> memref<112x64xf32, #tpu.memory_space<hbm>>
    %dma_start3A_179 = tpu.memref_slice %arg12[%dma_start3A_172] : memref<11x!tpu.dma_semaphore, #tpu.memory_space<semaphore_mem>> -> memref<1x!tpu.dma_semaphore, #tpu.memory_space<semaphore_mem>>
    %dma_start3A_180 = tpu.memref_squeeze %dma_start3A_179 : memref<1x!tpu.dma_semaphore, #tpu.memory_space<semaphore_mem>> -> memref<!tpu.dma_semaphore, #tpu.memory_space<semaphore_mem>>
    %dma_start3A_181 = arith.constant 0 : i32
    %dma_start3A_182 = tpu.memref_slice %arg6[%add3A_170, %dma_start3A_181] : memref<315392x64xf32, #tpu.memory_space<hbm>> -> memref<112x64xf32, #tpu.memory_space<hbm>>
    %dma_start3A_183 = arith.constant 0 : i32
    %dma_start3A_184 = arith.constant 0 : i32
    %dma_start3A_185 = tpu.memref_slice %arg8[%dma_start3A_171, %dma_start3A_183, %dma_start3A_184] : memref<11x112x64xf32, #tpu.memory_space<vmem>> -> memref<1x112x64xf32, #tpu.memory_space<vmem>>
    %dma_start3A_186 = tpu.memref_squeeze %dma_start3A_185 : memref<1x112x64xf32, #tpu.memory_space<vmem>> -> memref<112x64xf32, #tpu.memory_space<vmem>>
    tpu.enqueue_dma source(%dma_start3A_186 : memref<112x64xf32, #tpu.memory_space<vmem>>) target(%dma_start3A_182 : memref<112x64xf32, #tpu.memory_space<hbm>>) target_semaphore(%dma_start3A_180 : memref<!tpu.dma_semaphore, #tpu.memory_space<semaphore_mem>>)
    %dma_wait3A_187 = arith.constant 2 : i32
    %dma_wait3A_188 = arith.constant 2 : i32
    %dma_wait3A_189 = arith.constant 2 : i32
    %dma_wait3A_190 = arith.constant 0 : i32
    %dma_wait3A_191 = arith.constant 0 : i32
    %dma_wait3A_192 = tpu.memref_slice %arg8[%dma_wait3A_188, %dma_wait3A_190, %dma_wait3A_191] : memref<11x112x64xf32, #tpu.memory_space<vmem>> -> memref<1x112x64xf32, #tpu.memory_space<vmem>>
    %dma_wait3A_193 = tpu.memref_squeeze %dma_wait3A_192 : memref<1x112x64xf32, #tpu.memory_space<vmem>> -> memref<112x64xf32, #tpu.memory_space<vmem>>
    %dma_wait3A_194 = arith.constant 0 : i32
    %dma_wait3A_195 = tpu.memref_slice %arg7[%dma_wait3A_187, %dma_wait3A_194] : memref<88x112xi32, #tpu.memory_space<vmem>> -> memref<1x112xi32, #tpu.memory_space<vmem>>
    %dma_wait3A_196 = tpu.memref_squeeze %dma_wait3A_195 : memref<1x112xi32, #tpu.memory_space<vmem>> -> memref<112xi32, #tpu.memory_space<vmem>>
    %dma_wait3A_197 = arith.constant 0 : i32
    %dma_wait3A_198 = arith.constant 0 : i32
    %dma_wait3A_199 = tpu.memref_slice %arg5[%dma_wait3A_197, %dma_wait3A_198] : memref<1000000x64xf32, #tpu.memory_space<hbm>> -> memref<1000000x64xf32, #tpu.memory_space<hbm>>
    %dma_wait3A_200 = tpu.memref_slice %arg11[%dma_wait3A_189] : memref<11x!tpu.dma_semaphore, #tpu.memory_space<semaphore_mem>> -> memref<1x!tpu.dma_semaphore, #tpu.memory_space<semaphore_mem>>
    %dma_wait3A_201 = tpu.memref_squeeze %dma_wait3A_200 : memref<1x!tpu.dma_semaphore, #tpu.memory_space<semaphore_mem>> -> memref<!tpu.dma_semaphore, #tpu.memory_space<semaphore_mem>>
    tpu.wait_indirect_dma semaphore(%dma_wait3A_201 : memref<!tpu.dma_semaphore, #tpu.memory_space<semaphore_mem>>) src(%dma_wait3A_199 : memref<1000000x64xf32, #tpu.memory_space<hbm>>) dst(%dma_wait3A_193 : memref<112x64xf32, #tpu.memory_space<vmem>>)
    %dma_start3A_202 = arith.constant 8 : i32
    %dma_start3A_203 = arith.constant 8 : i32
    %dma_start3A_204 = arith.constant 8 : i32
    %dma_start3A_205 = arith.constant 0 : i32
    %dma_start3A_206 = arith.constant 0 : i32
    %dma_start3A_207 = tpu.memref_slice %arg8[%dma_start3A_203, %dma_start3A_205, %dma_start3A_206] : memref<11x112x64xf32, #tpu.memory_space<vmem>> -> memref<1x112x64xf32, #tpu.memory_space<vmem>>
    %dma_start3A_208 = tpu.memref_squeeze %dma_start3A_207 : memref<1x112x64xf32, #tpu.memory_space<vmem>> -> memref<112x64xf32, #tpu.memory_space<vmem>>
    %dma_start3A_209 = arith.constant 0 : i32
    %dma_start3A_210 = tpu.memref_slice %arg7[%dma_start3A_202, %dma_start3A_209] : memref<88x112xi32, #tpu.memory_space<vmem>> -> memref<1x112xi32, #tpu.memory_space<vmem>>
    %dma_start3A_211 = tpu.memref_squeeze %dma_start3A_210 : memref<1x112xi32, #tpu.memory_space<vmem>> -> memref<112xi32, #tpu.memory_space<vmem>>
    %dma_start3A_212 = arith.constant 0 : i32
    %dma_start3A_213 = arith.constant 0 : i32
    %dma_start3A_214 = tpu.memref_slice %arg5[%dma_start3A_212, %dma_start3A_213] : memref<1000000x64xf32, #tpu.memory_space<hbm>> -> memref<1000000x64xf32, #tpu.memory_space<hbm>>
    %dma_start3A_215 = tpu.memref_slice %arg11[%dma_start3A_204] : memref<11x!tpu.dma_semaphore, #tpu.memory_space<semaphore_mem>> -> memref<1x!tpu.dma_semaphore, #tpu.memory_space<semaphore_mem>>
    %dma_start3A_216 = tpu.memref_squeeze %dma_start3A_215 : memref<1x!tpu.dma_semaphore, #tpu.memory_space<semaphore_mem>> -> memref<!tpu.dma_semaphore, #tpu.memory_space<semaphore_mem>>
    tpu.enqueue_indirect_dma source(%dma_start3A_214 : memref<1000000x64xf32, #tpu.memory_space<hbm>>) target(%dma_start3A_208 : memref<112x64xf32, #tpu.memory_space<vmem>>) offsets(%dma_start3A_211 : memref<112xi32, #tpu.memory_space<vmem>>) semaphore(%dma_start3A_216 : memref<!tpu.dma_semaphore, #tpu.memory_space<semaphore_mem>>)
    %add3A_217 = arith.constant 224 : i32
    %add3A_218 = arith.addi %mul3A_2, %add3A_217 : i32
    %dma_start3A_219 = arith.constant 2 : i32
    %dma_start3A_220 = arith.constant 2 : i32
    %dma_start3A_221 = arith.constant 0 : i32
    %dma_start3A_222 = arith.constant 0 : i32
    %dma_start3A_223 = tpu.memref_slice %arg8[%dma_start3A_219, %dma_start3A_221, %dma_start3A_222] : memref<11x112x64xf32, #tpu.memory_space<vmem>> -> memref<1x112x64xf32, #tpu.memory_space<vmem>>
    %dma_start3A_224 = tpu.memref_squeeze %dma_start3A_223 : memref<1x112x64xf32, #tpu.memory_space<vmem>> -> memref<112x64xf32, #tpu.memory_space<vmem>>
    %dma_start3A_225 = arith.constant 0 : i32
    %dma_start3A_226 = tpu.memref_slice %arg6[%add3A_218, %dma_start3A_225] : memref<315392x64xf32, #tpu.memory_space<hbm>> -> memref<112x64xf32, #tpu.memory_space<hbm>>
    %dma_start3A_227 = tpu.memref_slice %arg12[%dma_start3A_220] : memref<11x!tpu.dma_semaphore, #tpu.memory_space<semaphore_mem>> -> memref<1x!tpu.dma_semaphore, #tpu.memory_space<semaphore_mem>>
    %dma_start3A_228 = tpu.memref_squeeze %dma_start3A_227 : memref<1x!tpu.dma_semaphore, #tpu.memory_space<semaphore_mem>> -> memref<!tpu.dma_semaphore, #tpu.memory_space<semaphore_mem>>
    %dma_start3A_229 = arith.constant 0 : i32
    %dma_start3A_230 = tpu.memref_slice %arg6[%add3A_218, %dma_start3A_229] : memref<315392x64xf32, #tpu.memory_space<hbm>> -> memref<112x64xf32, #tpu.memory_space<hbm>>
    %dma_start3A_231 = arith.constant 0 : i32
    %dma_start3A_232 = arith.constant 0 : i32
    %dma_start3A_233 = tpu.memref_slice %arg8[%dma_start3A_219, %dma_start3A_231, %dma_start3A_232] : memref<11x112x64xf32, #tpu.memory_space<vmem>> -> memref<1x112x64xf32, #tpu.memory_space<vmem>>
    %dma_start3A_234 = tpu.memref_squeeze %dma_start3A_233 : memref<1x112x64xf32, #tpu.memory_space<vmem>> -> memref<112x64xf32, #tpu.memory_space<vmem>>
    tpu.enqueue_dma source(%dma_start3A_234 : memref<112x64xf32, #tpu.memory_space<vmem>>) target(%dma_start3A_230 : memref<112x64xf32, #tpu.memory_space<hbm>>) target_semaphore(%dma_start3A_228 : memref<!tpu.dma_semaphore, #tpu.memory_space<semaphore_mem>>)
    %dma_wait3A_235 = arith.constant 3 : i32
    %dma_wait3A_236 = arith.constant 3 : i32
    %dma_wait3A_237 = arith.constant 3 : i32
    %dma_wait3A_238 = arith.constant 0 : i32
    %dma_wait3A_239 = arith.constant 0 : i32
    %dma_wait3A_240 = tpu.memref_slice %arg8[%dma_wait3A_236, %dma_wait3A_238, %dma_wait3A_239] : memref<11x112x64xf32, #tpu.memory_space<vmem>> -> memref<1x112x64xf32, #tpu.memory_space<vmem>>
    %dma_wait3A_241 = tpu.memref_squeeze %dma_wait3A_240 : memref<1x112x64xf32, #tpu.memory_space<vmem>> -> memref<112x64xf32, #tpu.memory_space<vmem>>
    %dma_wait3A_242 = arith.constant 0 : i32
    %dma_wait3A_243 = tpu.memref_slice %arg7[%dma_wait3A_235, %dma_wait3A_242] : memref<88x112xi32, #tpu.memory_space<vmem>> -> memref<1x112xi32, #tpu.memory_space<vmem>>
    %dma_wait3A_244 = tpu.memref_squeeze %dma_wait3A_243 : memref<1x112xi32, #tpu.memory_space<vmem>> -> memref<112xi32, #tpu.memory_space<vmem>>
    %dma_wait3A_245 = arith.constant 0 : i32
    %dma_wait3A_246 = arith.constant 0 : i32
    %dma_wait3A_247 = tpu.memref_slice %arg5[%dma_wait3A_245, %dma_wait3A_246] : memref<1000000x64xf32, #tpu.memory_space<hbm>> -> memref<1000000x64xf32, #tpu.memory_space<hbm>>
    %dma_wait3A_248 = tpu.memref_slice %arg11[%dma_wait3A_237] : memref<11x!tpu.dma_semaphore, #tpu.memory_space<semaphore_mem>> -> memref<1x!tpu.dma_semaphore, #tpu.memory_space<semaphore_mem>>
    %dma_wait3A_249 = tpu.memref_squeeze %dma_wait3A_248 : memref<1x!tpu.dma_semaphore, #tpu.memory_space<semaphore_mem>> -> memref<!tpu.dma_semaphore, #tpu.memory_space<semaphore_mem>>
    tpu.wait_indirect_dma semaphore(%dma_wait3A_249 : memref<!tpu.dma_semaphore, #tpu.memory_space<semaphore_mem>>) src(%dma_wait3A_247 : memref<1000000x64xf32, #tpu.memory_space<hbm>>) dst(%dma_wait3A_241 : memref<112x64xf32, #tpu.memory_space<vmem>>)
    %dma_start3A_250 = arith.constant 9 : i32
    %dma_start3A_251 = arith.constant 9 : i32
    %dma_start3A_252 = arith.constant 9 : i32
    %dma_start3A_253 = arith.constant 0 : i32
    %dma_start3A_254 = arith.constant 0 : i32
    %dma_start3A_255 = tpu.memref_slice %arg8[%dma_start3A_251, %dma_start3A_253, %dma_start3A_254] : memref<11x112x64xf32, #tpu.memory_space<vmem>> -> memref<1x112x64xf32, #tpu.memory_space<vmem>>
    %dma_start3A_256 = tpu.memref_squeeze %dma_start3A_255 : memref<1x112x64xf32, #tpu.memory_space<vmem>> -> memref<112x64xf32, #tpu.memory_space<vmem>>
    %dma_start3A_257 = arith.constant 0 : i32
    %dma_start3A_258 = tpu.memref_slice %arg7[%dma_start3A_250, %dma_start3A_257] : memref<88x112xi32, #tpu.memory_space<vmem>> -> memref<1x112xi32, #tpu.memory_space<vmem>>
    %dma_start3A_259 = tpu.memref_squeeze %dma_start3A_258 : memref<1x112xi32, #tpu.memory_space<vmem>> -> memref<112xi32, #tpu.memory_space<vmem>>
    %dma_start3A_260 = arith.constant 0 : i32
    %dma_start3A_261 = arith.constant 0 : i32
    %dma_start3A_262 = tpu.memref_slice %arg5[%dma_start3A_260, %dma_start3A_261] : memref<1000000x64xf32, #tpu.memory_space<hbm>> -> memref<1000000x64xf32, #tpu.memory_space<hbm>>
    %dma_start3A_263 = tpu.memref_slice %arg11[%dma_start3A_252] : memref<11x!tpu.dma_semaphore, #tpu.memory_space<semaphore_mem>> -> memref<1x!tpu.dma_semaphore, #tpu.memory_space<semaphore_mem>>
    %dma_start3A_264 = tpu.memref_squeeze %dma_start3A_263 : memref<1x!tpu.dma_semaphore, #tpu.memory_space<semaphore_mem>> -> memref<!tpu.dma_semaphore, #tpu.memory_space<semaphore_mem>>
    tpu.enqueue_indirect_dma source(%dma_start3A_262 : memref<1000000x64xf32, #tpu.memory_space<hbm>>) target(%dma_start3A_256 : memref<112x64xf32, #tpu.memory_space<vmem>>) offsets(%dma_start3A_259 : memref<112xi32, #tpu.memory_space<vmem>>) semaphore(%dma_start3A_264 : memref<!tpu.dma_semaphore, #tpu.memory_space<semaphore_mem>>)
    %add3A_265 = arith.constant 336 : i32
    %add3A_266 = arith.addi %mul3A_2, %add3A_265 : i32
    %dma_start3A_267 = arith.constant 3 : i32
    %dma_start3A_268 = arith.constant 3 : i32
    %dma_start3A_269 = arith.constant 0 : i32
    %dma_start3A_270 = arith.constant 0 : i32
    %dma_start3A_271 = tpu.memref_slice %arg8[%dma_start3A_267, %dma_start3A_269, %dma_start3A_270] : memref<11x112x64xf32, #tpu.memory_space<vmem>> -> memref<1x112x64xf32, #tpu.memory_space<vmem>>
    %dma_start3A_272 = tpu.memref_squeeze %dma_start3A_271 : memref<1x112x64xf32, #tpu.memory_space<vmem>> -> memref<112x64xf32, #tpu.memory_space<vmem>>
    %dma_start3A_273 = arith.constant 0 : i32
    %dma_start3A_274 = tpu.memref_slice %arg6[%add3A_266, %dma_start3A_273] : memref<315392x64xf32, #tpu.memory_space<hbm>> -> memref<112x64xf32, #tpu.memory_space<hbm>>
    %dma_start3A_275 = tpu.memref_slice %arg12[%dma_start3A_268] : memref<11x!tpu.dma_semaphore, #tpu.memory_space<semaphore_mem>> -> memref<1x!tpu.dma_semaphore, #tpu.memory_space<semaphore_mem>>
    %dma_start3A_276 = tpu.memref_squeeze %dma_start3A_275 : memref<1x!tpu.dma_semaphore, #tpu.memory_space<semaphore_mem>> -> memref<!tpu.dma_semaphore, #tpu.memory_space<semaphore_mem>>
    %dma_start3A_277 = arith.constant 0 : i32
    %dma_start3A_278 = tpu.memref_slice %arg6[%add3A_266, %dma_start3A_277] : memref<315392x64xf32, #tpu.memory_space<hbm>> -> memref<112x64xf32, #tpu.memory_space<hbm>>
    %dma_start3A_279 = arith.constant 0 : i32
    %dma_start3A_280 = arith.constant 0 : i32
    %dma_start3A_281 = tpu.memref_slice %arg8[%dma_start3A_267, %dma_start3A_279, %dma_start3A_280] : memref<11x112x64xf32, #tpu.memory_space<vmem>> -> memref<1x112x64xf32, #tpu.memory_space<vmem>>
    %dma_start3A_282 = tpu.memref_squeeze %dma_start3A_281 : memref<1x112x64xf32, #tpu.memory_space<vmem>> -> memref<112x64xf32, #tpu.memory_space<vmem>>
    tpu.enqueue_dma source(%dma_start3A_282 : memref<112x64xf32, #tpu.memory_space<vmem>>) target(%dma_start3A_278 : memref<112x64xf32, #tpu.memory_space<hbm>>) target_semaphore(%dma_start3A_276 : memref<!tpu.dma_semaphore, #tpu.memory_space<semaphore_mem>>)
    %dma_wait3A_283 = arith.constant 4 : i32
    %dma_wait3A_284 = arith.constant 4 : i32
    %dma_wait3A_285 = arith.constant 4 : i32
    %dma_wait3A_286 = arith.constant 0 : i32
    %dma_wait3A_287 = arith.constant 0 : i32
    %dma_wait3A_288 = tpu.memref_slice %arg8[%dma_wait3A_284, %dma_wait3A_286, %dma_wait3A_287] : memref<11x112x64xf32, #tpu.memory_space<vmem>> -> memref<1x112x64xf32, #tpu.memory_space<vmem>>
    %dma_wait3A_289 = tpu.memref_squeeze %dma_wait3A_288 : memref<1x112x64xf32, #tpu.memory_space<vmem>> -> memref<112x64xf32, #tpu.memory_space<vmem>>
    %dma_wait3A_290 = arith.constant 0 : i32
    %dma_wait3A_291 = tpu.memref_slice %arg7[%dma_wait3A_283, %dma_wait3A_290] : memref<88x112xi32, #tpu.memory_space<vmem>> -> memref<1x112xi32, #tpu.memory_space<vmem>>
    %dma_wait3A_292 = tpu.memref_squeeze %dma_wait3A_291 : memref<1x112xi32, #tpu.memory_space<vmem>> -> memref<112xi32, #tpu.memory_space<vmem>>
    %dma_wait3A_293 = arith.constant 0 : i32
    %dma_wait3A_294 = arith.constant 0 : i32
    %dma_wait3A_295 = tpu.memref_slice %arg5[%dma_wait3A_293, %dma_wait3A_294] : memref<1000000x64xf32, #tpu.memory_space<hbm>> -> memref<1000000x64xf32, #tpu.memory_space<hbm>>
    %dma_wait3A_296 = tpu.memref_slice %arg11[%dma_wait3A_285] : memref<11x!tpu.dma_semaphore, #tpu.memory_space<semaphore_mem>> -> memref<1x!tpu.dma_semaphore, #tpu.memory_space<semaphore_mem>>
    %dma_wait3A_297 = tpu.memref_squeeze %dma_wait3A_296 : memref<1x!tpu.dma_semaphore, #tpu.memory_space<semaphore_mem>> -> memref<!tpu.dma_semaphore, #tpu.memory_space<semaphore_mem>>
    tpu.wait_indirect_dma semaphore(%dma_wait3A_297 : memref<!tpu.dma_semaphore, #tpu.memory_space<semaphore_mem>>) src(%dma_wait3A_295 : memref<1000000x64xf32, #tpu.memory_space<hbm>>) dst(%dma_wait3A_289 : memref<112x64xf32, #tpu.memory_space<vmem>>)
    %dma_start3A_298 = arith.constant 10 : i32
    %dma_start3A_299 = arith.constant 10 : i32
    %dma_start3A_300 = arith.constant 10 : i32
    %dma_start3A_301 = arith.constant 0 : i32
    %dma_start3A_302 = arith.constant 0 : i32
    %dma_start3A_303 = tpu.memref_slice %arg8[%dma_start3A_299, %dma_start3A_301, %dma_start3A_302] : memref<11x112x64xf32, #tpu.memory_space<vmem>> -> memref<1x112x64xf32, #tpu.memory_space<vmem>>
    %dma_start3A_304 = tpu.memref_squeeze %dma_start3A_303 : memref<1x112x64xf32, #tpu.memory_space<vmem>> -> memref<112x64xf32, #tpu.memory_space<vmem>>
    %dma_start3A_305 = arith.constant 0 : i32
    %dma_start3A_306 = tpu.memref_slice %arg7[%dma_start3A_298, %dma_start3A_305] : memref<88x112xi32, #tpu.memory_space<vmem>> -> memref<1x112xi32, #tpu.memory_space<vmem>>
    %dma_start3A_307 = tpu.memref_squeeze %dma_start3A_306 : memref<1x112xi32, #tpu.memory_space<vmem>> -> memref<112xi32, #tpu.memory_space<vmem>>
    %dma_start3A_308 = arith.constant 0 : i32
    %dma_start3A_309 = arith.constant 0 : i32
    %dma_start3A_310 = tpu.memref_slice %arg5[%dma_start3A_308, %dma_start3A_309] : memref<1000000x64xf32, #tpu.memory_space<hbm>> -> memref<1000000x64xf32, #tpu.memory_space<hbm>>
    %dma_start3A_311 = tpu.memref_slice %arg11[%dma_start3A_300] : memref<11x!tpu.dma_semaphore, #tpu.memory_space<semaphore_mem>> -> memref<1x!tpu.dma_semaphore, #tpu.memory_space<semaphore_mem>>
    %dma_start3A_312 = tpu.memref_squeeze %dma_start3A_311 : memref<1x!tpu.dma_semaphore, #tpu.memory_space<semaphore_mem>> -> memref<!tpu.dma_semaphore, #tpu.memory_space<semaphore_mem>>
    tpu.enqueue_indirect_dma source(%dma_start3A_310 : memref<1000000x64xf32, #tpu.memory_space<hbm>>) target(%dma_start3A_304 : memref<112x64xf32, #tpu.memory_space<vmem>>) offsets(%dma_start3A_307 : memref<112xi32, #tpu.memory_space<vmem>>) semaphore(%dma_start3A_312 : memref<!tpu.dma_semaphore, #tpu.memory_space<semaphore_mem>>)
    %add3A_313 = arith.constant 448 : i32
    %add3A_314 = arith.addi %mul3A_2, %add3A_313 : i32
    %dma_start3A_315 = arith.constant 4 : i32
    %dma_start3A_316 = arith.constant 4 : i32
    %dma_start3A_317 = arith.constant 0 : i32
    %dma_start3A_318 = arith.constant 0 : i32
    %dma_start3A_319 = tpu.memref_slice %arg8[%dma_start3A_315, %dma_start3A_317, %dma_start3A_318] : memref<11x112x64xf32, #tpu.memory_space<vmem>> -> memref<1x112x64xf32, #tpu.memory_space<vmem>>
    %dma_start3A_320 = tpu.memref_squeeze %dma_start3A_319 : memref<1x112x64xf32, #tpu.memory_space<vmem>> -> memref<112x64xf32, #tpu.memory_space<vmem>>
    %dma_start3A_321 = arith.constant 0 : i32
    %dma_start3A_322 = tpu.memref_slice %arg6[%add3A_314, %dma_start3A_321] : memref<315392x64xf32, #tpu.memory_space<hbm>> -> memref<112x64xf32, #tpu.memory_space<hbm>>
    %dma_start3A_323 = tpu.memref_slice %arg12[%dma_start3A_316] : memref<11x!tpu.dma_semaphore, #tpu.memory_space<semaphore_mem>> -> memref<1x!tpu.dma_semaphore, #tpu.memory_space<semaphore_mem>>
    %dma_start3A_324 = tpu.memref_squeeze %dma_start3A_323 : memref<1x!tpu.dma_semaphore, #tpu.memory_space<semaphore_mem>> -> memref<!tpu.dma_semaphore, #tpu.memory_space<semaphore_mem>>
    %dma_start3A_325 = arith.constant 0 : i32
    %dma_start3A_326 = tpu.memref_slice %arg6[%add3A_314, %dma_start3A_325] : memref<315392x64xf32, #tpu.memory_space<hbm>> -> memref<112x64xf32, #tpu.memory_space<hbm>>
    %dma_start3A_327 = arith.constant 0 : i32
    %dma_start3A_328 = arith.constant 0 : i32
    %dma_start3A_329 = tpu.memref_slice %arg8[%dma_start3A_315, %dma_start3A_327, %dma_start3A_328] : memref<11x112x64xf32, #tpu.memory_space<vmem>> -> memref<1x112x64xf32, #tpu.memory_space<vmem>>
    %dma_start3A_330 = tpu.memref_squeeze %dma_start3A_329 : memref<1x112x64xf32, #tpu.memory_space<vmem>> -> memref<112x64xf32, #tpu.memory_space<vmem>>
    tpu.enqueue_dma source(%dma_start3A_330 : memref<112x64xf32, #tpu.memory_space<vmem>>) target(%dma_start3A_326 : memref<112x64xf32, #tpu.memory_space<hbm>>) target_semaphore(%dma_start3A_324 : memref<!tpu.dma_semaphore, #tpu.memory_space<semaphore_mem>>)
    %dma_wait3A_331 = arith.constant 5 : i32
    %dma_wait3A_332 = arith.constant 5 : i32
    %dma_wait3A_333 = arith.constant 5 : i32
    %dma_wait3A_334 = arith.constant 0 : i32
    %dma_wait3A_335 = arith.constant 0 : i32
    %dma_wait3A_336 = tpu.memref_slice %arg8[%dma_wait3A_332, %dma_wait3A_334, %dma_wait3A_335] : memref<11x112x64xf32, #tpu.memory_space<vmem>> -> memref<1x112x64xf32, #tpu.memory_space<vmem>>
    %dma_wait3A_337 = tpu.memref_squeeze %dma_wait3A_336 : memref<1x112x64xf32, #tpu.memory_space<vmem>> -> memref<112x64xf32, #tpu.memory_space<vmem>>
    %dma_wait3A_338 = arith.constant 0 : i32
    %dma_wait3A_339 = tpu.memref_slice %arg7[%dma_wait3A_331, %dma_wait3A_338] : memref<88x112xi32, #tpu.memory_space<vmem>> -> memref<1x112xi32, #tpu.memory_space<vmem>>
    %dma_wait3A_340 = tpu.memref_squeeze %dma_wait3A_339 : memref<1x112xi32, #tpu.memory_space<vmem>> -> memref<112xi32, #tpu.memory_space<vmem>>
    %dma_wait3A_341 = arith.constant 0 : i32
    %dma_wait3A_342 = arith.constant 0 : i32
    %dma_wait3A_343 = tpu.memref_slice %arg5[%dma_wait3A_341, %dma_wait3A_342] : memref<1000000x64xf32, #tpu.memory_space<hbm>> -> memref<1000000x64xf32, #tpu.memory_space<hbm>>
    %dma_wait3A_344 = tpu.memref_slice %arg11[%dma_wait3A_333] : memref<11x!tpu.dma_semaphore, #tpu.memory_space<semaphore_mem>> -> memref<1x!tpu.dma_semaphore, #tpu.memory_space<semaphore_mem>>
    %dma_wait3A_345 = tpu.memref_squeeze %dma_wait3A_344 : memref<1x!tpu.dma_semaphore, #tpu.memory_space<semaphore_mem>> -> memref<!tpu.dma_semaphore, #tpu.memory_space<semaphore_mem>>
    tpu.wait_indirect_dma semaphore(%dma_wait3A_345 : memref<!tpu.dma_semaphore, #tpu.memory_space<semaphore_mem>>) src(%dma_wait3A_343 : memref<1000000x64xf32, #tpu.memory_space<hbm>>) dst(%dma_wait3A_337 : memref<112x64xf32, #tpu.memory_space<vmem>>)
    %add3A_346 = arith.constant 0 : i32
    %add3A_347 = arith.addi %mul3A_2, %add3A_346 : i32
    %dma_wait3A_348 = arith.constant 0 : i32
    %dma_wait3A_349 = arith.constant 0 : i32
    %dma_wait3A_350 = arith.constant 0 : i32
    %dma_wait3A_351 = arith.constant 0 : i32
    %dma_wait3A_352 = tpu.memref_slice %arg8[%dma_wait3A_348, %dma_wait3A_350, %dma_wait3A_351] : memref<11x112x64xf32, #tpu.memory_space<vmem>> -> memref<1x112x64xf32, #tpu.memory_space<vmem>>
    %dma_wait3A_353 = tpu.memref_squeeze %dma_wait3A_352 : memref<1x112x64xf32, #tpu.memory_space<vmem>> -> memref<112x64xf32, #tpu.memory_space<vmem>>
    %dma_wait3A_354 = arith.constant 0 : i32
    %dma_wait3A_355 = tpu.memref_slice %arg6[%add3A_347, %dma_wait3A_354] : memref<315392x64xf32, #tpu.memory_space<hbm>> -> memref<112x64xf32, #tpu.memory_space<hbm>>
    %dma_wait3A_356 = tpu.memref_slice %arg12[%dma_wait3A_349] : memref<11x!tpu.dma_semaphore, #tpu.memory_space<semaphore_mem>> -> memref<1x!tpu.dma_semaphore, #tpu.memory_space<semaphore_mem>>
    %dma_wait3A_357 = tpu.memref_squeeze %dma_wait3A_356 : memref<1x!tpu.dma_semaphore, #tpu.memory_space<semaphore_mem>> -> memref<!tpu.dma_semaphore, #tpu.memory_space<semaphore_mem>>
    %dma_wait3A_358 = arith.constant 0 : i32
    %dma_wait3A_359 = tpu.memref_slice %arg6[%add3A_347, %dma_wait3A_358] : memref<315392x64xf32, #tpu.memory_space<hbm>> -> memref<112x64xf32, #tpu.memory_space<hbm>>
    %dma_wait3A_360 = arith.constant 0 : i32
    %dma_wait3A_361 = arith.constant 0 : i32
    %dma_wait3A_362 = tpu.memref_slice %arg8[%dma_wait3A_348, %dma_wait3A_360, %dma_wait3A_361] : memref<11x112x64xf32, #tpu.memory_space<vmem>> -> memref<1x112x64xf32, #tpu.memory_space<vmem>>
    %dma_wait3A_363 = tpu.memref_squeeze %dma_wait3A_362 : memref<1x112x64xf32, #tpu.memory_space<vmem>> -> memref<112x64xf32, #tpu.memory_space<vmem>>
    tpu.wait_dma2 semaphore(%dma_wait3A_357 : memref<!tpu.dma_semaphore, #tpu.memory_space<semaphore_mem>>) src(%dma_wait3A_363 : memref<112x64xf32, #tpu.memory_space<vmem>>) dst(%dma_wait3A_359 : memref<112x64xf32, #tpu.memory_space<hbm>>)
    %dma_start3A_364 = arith.constant 11 : i32
    %dma_start3A_365 = arith.constant 0 : i32
    %dma_start3A_366 = arith.constant 0 : i32
    %dma_start3A_367 = arith.constant 0 : i32
    %dma_start3A_368 = arith.constant 0 : i32
    %dma_start3A_369 = tpu.memref_slice %arg8[%dma_start3A_365, %dma_start3A_367, %dma_start3A_368] : memref<11x112x64xf32, #tpu.memory_space<vmem>> -> memref<1x112x64xf32, #tpu.memory_space<vmem>>
    %dma_start3A_370 = tpu.memref_squeeze %dma_start3A_369 : memref<1x112x64xf32, #tpu.memory_space<vmem>> -> memref<112x64xf32, #tpu.memory_space<vmem>>
    %dma_start3A_371 = arith.constant 0 : i32
    %dma_start3A_372 = tpu.memref_slice %arg7[%dma_start3A_364, %dma_start3A_371] : memref<88x112xi32, #tpu.memory_space<vmem>> -> memref<1x112xi32, #tpu.memory_space<vmem>>
    %dma_start3A_373 = tpu.memref_squeeze %dma_start3A_372 : memref<1x112xi32, #tpu.memory_space<vmem>> -> memref<112xi32, #tpu.memory_space<vmem>>
    %dma_start3A_374 = arith.constant 0 : i32
    %dma_start3A_375 = arith.constant 0 : i32
    %dma_start3A_376 = tpu.memref_slice %arg5[%dma_start3A_374, %dma_start3A_375] : memref<1000000x64xf32, #tpu.memory_space<hbm>> -> memref<1000000x64xf32, #tpu.memory_space<hbm>>
    %dma_start3A_377 = tpu.memref_slice %arg11[%dma_start3A_366] : memref<11x!tpu.dma_semaphore, #tpu.memory_space<semaphore_mem>> -> memref<1x!tpu.dma_semaphore, #tpu.memory_space<semaphore_mem>>
    %dma_start3A_378 = tpu.memref_squeeze %dma_start3A_377 : memref<1x!tpu.dma_semaphore, #tpu.memory_space<semaphore_mem>> -> memref<!tpu.dma_semaphore, #tpu.memory_space<semaphore_mem>>
    tpu.enqueue_indirect_dma source(%dma_start3A_376 : memref<1000000x64xf32, #tpu.memory_space<hbm>>) target(%dma_start3A_370 : memref<112x64xf32, #tpu.memory_space<vmem>>) offsets(%dma_start3A_373 : memref<112xi32, #tpu.memory_space<vmem>>) semaphore(%dma_start3A_378 : memref<!tpu.dma_semaphore, #tpu.memory_space<semaphore_mem>>)
    %add3A_379 = arith.constant 560 : i32
    %add3A_380 = arith.addi %mul3A_2, %add3A_379 : i32
    %dma_start3A_381 = arith.constant 5 : i32
    %dma_start3A_382 = arith.constant 5 : i32
    %dma_start3A_383 = arith.constant 0 : i32
    %dma_start3A_384 = arith.constant 0 : i32
    %dma_start3A_385 = tpu.memref_slice %arg8[%dma_start3A_381, %dma_start3A_383, %dma_start3A_384] : memref<11x112x64xf32, #tpu.memory_space<vmem>> -> memref<1x112x64xf32, #tpu.memory_space<vmem>>
    %dma_start3A_386 = tpu.memref_squeeze %dma_start3A_385 : memref<1x112x64xf32, #tpu.memory_space<vmem>> -> memref<112x64xf32, #tpu.memory_space<vmem>>
    %dma_start3A_387 = arith.constant 0 : i32
    %dma_start3A_388 = tpu.memref_slice %arg6[%add3A_380, %dma_start3A_387] : memref<315392x64xf32, #tpu.memory_space<hbm>> -> memref<112x64xf32, #tpu.memory_space<hbm>>
    %dma_start3A_389 = tpu.memref_slice %arg12[%dma_start3A_382] : memref<11x!tpu.dma_semaphore, #tpu.memory_space<semaphore_mem>> -> memref<1x!tpu.dma_semaphore, #tpu.memory_space<semaphore_mem>>
    %dma_start3A_390 = tpu.memref_squeeze %dma_start3A_389 : memref<1x!tpu.dma_semaphore, #tpu.memory_space<semaphore_mem>> -> memref<!tpu.dma_semaphore, #tpu.memory_space<semaphore_mem>>
    %dma_start3A_391 = arith.constant 0 : i32
    %dma_start3A_392 = tpu.memref_slice %arg6[%add3A_380, %dma_start3A_391] : memref<315392x64xf32, #tpu.memory_space<hbm>> -> memref<112x64xf32, #tpu.memory_space<hbm>>
    %dma_start3A_393 = arith.constant 0 : i32
    %dma_start3A_394 = arith.constant 0 : i32
    %dma_start3A_395 = tpu.memref_slice %arg8[%dma_start3A_381, %dma_start3A_393, %dma_start3A_394] : memref<11x112x64xf32, #tpu.memory_space<vmem>> -> memref<1x112x64xf32, #tpu.memory_space<vmem>>
    %dma_start3A_396 = tpu.memref_squeeze %dma_start3A_395 : memref<1x112x64xf32, #tpu.memory_space<vmem>> -> memref<112x64xf32, #tpu.memory_space<vmem>>
    tpu.enqueue_dma source(%dma_start3A_396 : memref<112x64xf32, #tpu.memory_space<vmem>>) target(%dma_start3A_392 : memref<112x64xf32, #tpu.memory_space<hbm>>) target_semaphore(%dma_start3A_390 : memref<!tpu.dma_semaphore, #tpu.memory_space<semaphore_mem>>)
    %dma_wait3A_397 = arith.constant 6 : i32
    %dma_wait3A_398 = arith.constant 6 : i32
    %dma_wait3A_399 = arith.constant 6 : i32
    %dma_wait3A_400 = arith.constant 0 : i32
    %dma_wait3A_401 = arith.constant 0 : i32
    %dma_wait3A_402 = tpu.memref_slice %arg8[%dma_wait3A_398, %dma_wait3A_400, %dma_wait3A_401] : memref<11x112x64xf32, #tpu.memory_space<vmem>> -> memref<1x112x64xf32, #tpu.memory_space<vmem>>
    %dma_wait3A_403 = tpu.memref_squeeze %dma_wait3A_402 : memref<1x112x64xf32, #tpu.memory_space<vmem>> -> memref<112x64xf32, #tpu.memory_space<vmem>>
    %dma_wait3A_404 = arith.constant 0 : i32
    %dma_wait3A_405 = tpu.memref_slice %arg7[%dma_wait3A_397, %dma_wait3A_404] : memref<88x112xi32, #tpu.memory_space<vmem>> -> memref<1x112xi32, #tpu.memory_space<vmem>>
    %dma_wait3A_406 = tpu.memref_squeeze %dma_wait3A_405 : memref<1x112xi32, #tpu.memory_space<vmem>> -> memref<112xi32, #tpu.memory_space<vmem>>
    %dma_wait3A_407 = arith.constant 0 : i32
    %dma_wait3A_408 = arith.constant 0 : i32
    %dma_wait3A_409 = tpu.memref_slice %arg5[%dma_wait3A_407, %dma_wait3A_408] : memref<1000000x64xf32, #tpu.memory_space<hbm>> -> memref<1000000x64xf32, #tpu.memory_space<hbm>>
    %dma_wait3A_410 = tpu.memref_slice %arg11[%dma_wait3A_399] : memref<11x!tpu.dma_semaphore, #tpu.memory_space<semaphore_mem>> -> memref<1x!tpu.dma_semaphore, #tpu.memory_space<semaphore_mem>>
    %dma_wait3A_411 = tpu.memref_squeeze %dma_wait3A_410 : memref<1x!tpu.dma_semaphore, #tpu.memory_space<semaphore_mem>> -> memref<!tpu.dma_semaphore, #tpu.memory_space<semaphore_mem>>
    tpu.wait_indirect_dma semaphore(%dma_wait3A_411 : memref<!tpu.dma_semaphore, #tpu.memory_space<semaphore_mem>>) src(%dma_wait3A_409 : memref<1000000x64xf32, #tpu.memory_space<hbm>>) dst(%dma_wait3A_403 : memref<112x64xf32, #tpu.memory_space<vmem>>)
    %add3A_412 = arith.constant 112 : i32
    %add3A_413 = arith.addi %mul3A_2, %add3A_412 : i32
    %dma_wait3A_414 = arith.constant 1 : i32
    %dma_wait3A_415 = arith.constant 1 : i32
    %dma_wait3A_416 = arith.constant 0 : i32
    %dma_wait3A_417 = arith.constant 0 : i32
    %dma_wait3A_418 = tpu.memref_slice %arg8[%dma_wait3A_414, %dma_wait3A_416, %dma_wait3A_417] : memref<11x112x64xf32, #tpu.memory_space<vmem>> -> memref<1x112x64xf32, #tpu.memory_space<vmem>>
    %dma_wait3A_419 = tpu.memref_squeeze %dma_wait3A_418 : memref<1x112x64xf32, #tpu.memory_space<vmem>> -> memref<112x64xf32, #tpu.memory_space<vmem>>
    %dma_wait3A_420 = arith.constant 0 : i32
    %dma_wait3A_421 = tpu.memref_slice %arg6[%add3A_413, %dma_wait3A_420] : memref<315392x64xf32, #tpu.memory_space<hbm>> -> memref<112x64xf32, #tpu.memory_space<hbm>>
    %dma_wait3A_422 = tpu.memref_slice %arg12[%dma_wait3A_415] : memref<11x!tpu.dma_semaphore, #tpu.memory_space<semaphore_mem>> -> memref<1x!tpu.dma_semaphore, #tpu.memory_space<semaphore_mem>>
    %dma_wait3A_423 = tpu.memref_squeeze %dma_wait3A_422 : memref<1x!tpu.dma_semaphore, #tpu.memory_space<semaphore_mem>> -> memref<!tpu.dma_semaphore, #tpu.memory_space<semaphore_mem>>
    %dma_wait3A_424 = arith.constant 0 : i32
    %dma_wait3A_425 = tpu.memref_slice %arg6[%add3A_413, %dma_wait3A_424] : memref<315392x64xf32, #tpu.memory_space<hbm>> -> memref<112x64xf32, #tpu.memory_space<hbm>>
    %dma_wait3A_426 = arith.constant 0 : i32
    %dma_wait3A_427 = arith.constant 0 : i32
    %dma_wait3A_428 = tpu.memref_slice %arg8[%dma_wait3A_414, %dma_wait3A_426, %dma_wait3A_427] : memref<11x112x64xf32, #tpu.memory_space<vmem>> -> memref<1x112x64xf32, #tpu.memory_space<vmem>>
    %dma_wait3A_429 = tpu.memref_squeeze %dma_wait3A_428 : memref<1x112x64xf32, #tpu.memory_space<vmem>> -> memref<112x64xf32, #tpu.memory_space<vmem>>
    tpu.wait_dma2 semaphore(%dma_wait3A_423 : memref<!tpu.dma_semaphore, #tpu.memory_space<semaphore_mem>>) src(%dma_wait3A_429 : memref<112x64xf32, #tpu.memory_space<vmem>>) dst(%dma_wait3A_425 : memref<112x64xf32, #tpu.memory_space<hbm>>)
    %dma_start3A_430 = arith.constant 12 : i32
    %dma_start3A_431 = arith.constant 1 : i32
    %dma_start3A_432 = arith.constant 1 : i32
    %dma_start3A_433 = arith.constant 0 : i32
    %dma_start3A_434 = arith.constant 0 : i32
    %dma_start3A_435 = tpu.memref_slice %arg8[%dma_start3A_431, %dma_start3A_433, %dma_start3A_434] : memref<11x112x64xf32, #tpu.memory_space<vmem>> -> memref<1x112x64xf32, #tpu.memory_space<vmem>>
    %dma_start3A_436 = tpu.memref_squeeze %dma_start3A_435 : memref<1x112x64xf32, #tpu.memory_space<vmem>> -> memref<112x64xf32, #tpu.memory_space<vmem>>
    %dma_start3A_437 = arith.constant 0 : i32
    %dma_start3A_438 = tpu.memref_slice %arg7[%dma_start3A_430, %dma_start3A_437] : memref<88x112xi32, #tpu.memory_space<vmem>> -> memref<1x112xi32, #tpu.memory_space<vmem>>
    %dma_start3A_439 = tpu.memref_squeeze %dma_start3A_438 : memref<1x112xi32, #tpu.memory_space<vmem>> -> memref<112xi32, #tpu.memory_space<vmem>>
    %dma_start3A_440 = arith.constant 0 : i32
    %dma_start3A_441 = arith.constant 0 : i32
    %dma_start3A_442 = tpu.memref_slice %arg5[%dma_start3A_440, %dma_start3A_441] : memref<1000000x64xf32, #tpu.memory_space<hbm>> -> memref<1000000x64xf32, #tpu.memory_space<hbm>>
    %dma_start3A_443 = tpu.memref_slice %arg11[%dma_start3A_432] : memref<11x!tpu.dma_semaphore, #tpu.memory_space<semaphore_mem>> -> memref<1x!tpu.dma_semaphore, #tpu.memory_space<semaphore_mem>>
    %dma_start3A_444 = tpu.memref_squeeze %dma_start3A_443 : memref<1x!tpu.dma_semaphore, #tpu.memory_space<semaphore_mem>> -> memref<!tpu.dma_semaphore, #tpu.memory_space<semaphore_mem>>
    tpu.enqueue_indirect_dma source(%dma_start3A_442 : memref<1000000x64xf32, #tpu.memory_space<hbm>>) target(%dma_start3A_436 : memref<112x64xf32, #tpu.memory_space<vmem>>) offsets(%dma_start3A_439 : memref<112xi32, #tpu.memory_space<vmem>>) semaphore(%dma_start3A_444 : memref<!tpu.dma_semaphore, #tpu.memory_space<semaphore_mem>>)
    %add3A_445 = arith.constant 672 : i32
    %add3A_446 = arith.addi %mul3A_2, %add3A_445 : i32
    %dma_start3A_447 = arith.constant 6 : i32
    %dma_start3A_448 = arith.constant 6 : i32
    %dma_start3A_449 = arith.constant 0 : i32
    %dma_start3A_450 = arith.constant 0 : i32
    %dma_start3A_451 = tpu.memref_slice %arg8[%dma_start3A_447, %dma_start3A_449, %dma_start3A_450] : memref<11x112x64xf32, #tpu.memory_space<vmem>> -> memref<1x112x64xf32, #tpu.memory_space<vmem>>
    %dma_start3A_452 = tpu.memref_squeeze %dma_start3A_451 : memref<1x112x64xf32, #tpu.memory_space<vmem>> -> memref<112x64xf32, #tpu.memory_space<vmem>>
    %dma_start3A_453 = arith.constant 0 : i32
    %dma_start3A_454 = tpu.memref_slice %arg6[%add3A_446, %dma_start3A_453] : memref<315392x64xf32, #tpu.memory_space<hbm>> -> memref<112x64xf32, #tpu.memory_space<hbm>>
    %dma_start3A_455 = tpu.memref_slice %arg12[%dma_start3A_448] : memref<11x!tpu.dma_semaphore, #tpu.memory_space<semaphore_mem>> -> memref<1x!tpu.dma_semaphore, #tpu.memory_space<semaphore_mem>>
    %dma_start3A_456 = tpu.memref_squeeze %dma_start3A_455 : memref<1x!tpu.dma_semaphore, #tpu.memory_space<semaphore_mem>> -> memref<!tpu.dma_semaphore, #tpu.memory_space<semaphore_mem>>
    %dma_start3A_457 = arith.constant 0 : i32
    %dma_start3A_458 = tpu.memref_slice %arg6[%add3A_446, %dma_start3A_457] : memref<315392x64xf32, #tpu.memory_space<hbm>> -> memref<112x64xf32, #tpu.memory_space<hbm>>
    %dma_start3A_459 = arith.constant 0 : i32
    %dma_start3A_460 = arith.constant 0 : i32
    %dma_start3A_461 = tpu.memref_slice %arg8[%dma_start3A_447, %dma_start3A_459, %dma_start3A_460] : memref<11x112x64xf32, #tpu.memory_space<vmem>> -> memref<1x112x64xf32, #tpu.memory_space<vmem>>
    %dma_start3A_462 = tpu.memref_squeeze %dma_start3A_461 : memref<1x112x64xf32, #tpu.memory_space<vmem>> -> memref<112x64xf32, #tpu.memory_space<vmem>>
    tpu.enqueue_dma source(%dma_start3A_462 : memref<112x64xf32, #tpu.memory_space<vmem>>) target(%dma_start3A_458 : memref<112x64xf32, #tpu.memory_space<hbm>>) target_semaphore(%dma_start3A_456 : memref<!tpu.dma_semaphore, #tpu.memory_space<semaphore_mem>>)
    %dma_wait3A_463 = arith.constant 7 : i32
    %dma_wait3A_464 = arith.constant 7 : i32
    %dma_wait3A_465 = arith.constant 7 : i32
    %dma_wait3A_466 = arith.constant 0 : i32
    %dma_wait3A_467 = arith.constant 0 : i32
    %dma_wait3A_468 = tpu.memref_slice %arg8[%dma_wait3A_464, %dma_wait3A_466, %dma_wait3A_467] : memref<11x112x64xf32, #tpu.memory_space<vmem>> -> memref<1x112x64xf32, #tpu.memory_space<vmem>>
    %dma_wait3A_469 = tpu.memref_squeeze %dma_wait3A_468 : memref<1x112x64xf32, #tpu.memory_space<vmem>> -> memref<112x64xf32, #tpu.memory_space<vmem>>
    %dma_wait3A_470 = arith.constant 0 : i32
    %dma_wait3A_471 = tpu.memref_slice %arg7[%dma_wait3A_463, %dma_wait3A_470] : memref<88x112xi32, #tpu.memory_space<vmem>> -> memref<1x112xi32, #tpu.memory_space<vmem>>
    %dma_wait3A_472 = tpu.memref_squeeze %dma_wait3A_471 : memref<1x112xi32, #tpu.memory_space<vmem>> -> memref<112xi32, #tpu.memory_space<vmem>>
    %dma_wait3A_473 = arith.constant 0 : i32
    %dma_wait3A_474 = arith.constant 0 : i32
    %dma_wait3A_475 = tpu.memref_slice %arg5[%dma_wait3A_473, %dma_wait3A_474] : memref<1000000x64xf32, #tpu.memory_space<hbm>> -> memref<1000000x64xf32, #tpu.memory_space<hbm>>
    %dma_wait3A_476 = tpu.memref_slice %arg11[%dma_wait3A_465] : memref<11x!tpu.dma_semaphore, #tpu.memory_space<semaphore_mem>> -> memref<1x!tpu.dma_semaphore, #tpu.memory_space<semaphore_mem>>
    %dma_wait3A_477 = tpu.memref_squeeze %dma_wait3A_476 : memref<1x!tpu.dma_semaphore, #tpu.memory_space<semaphore_mem>> -> memref<!tpu.dma_semaphore, #tpu.memory_space<semaphore_mem>>
    tpu.wait_indirect_dma semaphore(%dma_wait3A_477 : memref<!tpu.dma_semaphore, #tpu.memory_space<semaphore_mem>>) src(%dma_wait3A_475 : memref<1000000x64xf32, #tpu.memory_space<hbm>>) dst(%dma_wait3A_469 : memref<112x64xf32, #tpu.memory_space<vmem>>)
    %add3A_478 = arith.constant 224 : i32
    %add3A_479 = arith.addi %mul3A_2, %add3A_478 : i32
    %dma_wait3A_480 = arith.constant 2 : i32
    %dma_wait3A_481 = arith.constant 2 : i32
    %dma_wait3A_482 = arith.constant 0 : i32
    %dma_wait3A_483 = arith.constant 0 : i32
    %dma_wait3A_484 = tpu.memref_slice %arg8[%dma_wait3A_480, %dma_wait3A_482, %dma_wait3A_483] : memref<11x112x64xf32, #tpu.memory_space<vmem>> -> memref<1x112x64xf32, #tpu.memory_space<vmem>>
    %dma_wait3A_485 = tpu.memref_squeeze %dma_wait3A_484 : memref<1x112x64xf32, #tpu.memory_space<vmem>> -> memref<112x64xf32, #tpu.memory_space<vmem>>
    %dma_wait3A_486 = arith.constant 0 : i32
    %dma_wait3A_487 = tpu.memref_slice %arg6[%add3A_479, %dma_wait3A_486] : memref<315392x64xf32, #tpu.memory_space<hbm>> -> memref<112x64xf32, #tpu.memory_space<hbm>>
    %dma_wait3A_488 = tpu.memref_slice %arg12[%dma_wait3A_481] : memref<11x!tpu.dma_semaphore, #tpu.memory_space<semaphore_mem>> -> memref<1x!tpu.dma_semaphore, #tpu.memory_space<semaphore_mem>>
    %dma_wait3A_489 = tpu.memref_squeeze %dma_wait3A_488 : memref<1x!tpu.dma_semaphore, #tpu.memory_space<semaphore_mem>> -> memref<!tpu.dma_semaphore, #tpu.memory_space<semaphore_mem>>
    %dma_wait3A_490 = arith.constant 0 : i32
    %dma_wait3A_491 = tpu.memref_slice %arg6[%add3A_479, %dma_wait3A_490] : memref<315392x64xf32, #tpu.memory_space<hbm>> -> memref<112x64xf32, #tpu.memory_space<hbm>>
    %dma_wait3A_492 = arith.constant 0 : i32
    %dma_wait3A_493 = arith.constant 0 : i32
    %dma_wait3A_494 = tpu.memref_slice %arg8[%dma_wait3A_480, %dma_wait3A_492, %dma_wait3A_493] : memref<11x112x64xf32, #tpu.memory_space<vmem>> -> memref<1x112x64xf32, #tpu.memory_space<vmem>>
    %dma_wait3A_495 = tpu.memref_squeeze %dma_wait3A_494 : memref<1x112x64xf32, #tpu.memory_space<vmem>> -> memref<112x64xf32, #tpu.memory_space<vmem>>
    tpu.wait_dma2 semaphore(%dma_wait3A_489 : memref<!tpu.dma_semaphore, #tpu.memory_space<semaphore_mem>>) src(%dma_wait3A_495 : memref<112x64xf32, #tpu.memory_space<vmem>>) dst(%dma_wait3A_491 : memref<112x64xf32, #tpu.memory_space<hbm>>)
    %dma_start3A_496 = arith.constant 13 : i32
    %dma_start3A_497 = arith.constant 2 : i32
    %dma_start3A_498 = arith.constant 2 : i32
    %dma_start3A_499 = arith.constant 0 : i32
    %dma_start3A_500 = arith.constant 0 : i32
    %dma_start3A_501 = tpu.memref_slice %arg8[%dma_start3A_497, %dma_start3A_499, %dma_start3A_500] : memref<11x112x64xf32, #tpu.memory_space<vmem>> -> memref<1x112x64xf32, #tpu.memory_space<vmem>>
    %dma_start3A_502 = tpu.memref_squeeze %dma_start3A_501 : memref<1x112x64xf32, #tpu.memory_space<vmem>> -> memref<112x64xf32, #tpu.memory_space<vmem>>
    %dma_start3A_503 = arith.constant 0 : i32
    %dma_start3A_504 = tpu.memref_slice %arg7[%dma_start3A_496, %dma_start3A_503] : memref<88x112xi32, #tpu.memory_space<vmem>> -> memref<1x112xi32, #tpu.memory_space<vmem>>
    %dma_start3A_505 = tpu.memref_squeeze %dma_start3A_504 : memref<1x112xi32, #tpu.memory_space<vmem>> -> memref<112xi32, #tpu.memory_space<vmem>>
    %dma_start3A_506 = arith.constant 0 : i32
    %dma_start3A_507 = arith.constant 0 : i32
    %dma_start3A_508 = tpu.memref_slice %arg5[%dma_start3A_506, %dma_start3A_507] : memref<1000000x64xf32, #tpu.memory_space<hbm>> -> memref<1000000x64xf32, #tpu.memory_space<hbm>>
    %dma_start3A_509 = tpu.memref_slice %arg11[%dma_start3A_498] : memref<11x!tpu.dma_semaphore, #tpu.memory_space<semaphore_mem>> -> memref<1x!tpu.dma_semaphore, #tpu.memory_space<semaphore_mem>>
    %dma_start3A_510 = tpu.memref_squeeze %dma_start3A_509 : memref<1x!tpu.dma_semaphore, #tpu.memory_space<semaphore_mem>> -> memref<!tpu.dma_semaphore, #tpu.memory_space<semaphore_mem>>
    tpu.enqueue_indirect_dma source(%dma_start3A_508 : memref<1000000x64xf32, #tpu.memory_space<hbm>>) target(%dma_start3A_502 : memref<112x64xf32, #tpu.memory_space<vmem>>) offsets(%dma_start3A_505 : memref<112xi32, #tpu.memory_space<vmem>>) semaphore(%dma_start3A_510 : memref<!tpu.dma_semaphore, #tpu.memory_space<semaphore_mem>>)
    %add3A_511 = arith.constant 784 : i32
    %add3A_512 = arith.addi %mul3A_2, %add3A_511 : i32
    %dma_start3A_513 = arith.constant 7 : i32
    %dma_start3A_514 = arith.constant 7 : i32
    %dma_start3A_515 = arith.constant 0 : i32
    %dma_start3A_516 = arith.constant 0 : i32
    %dma_start3A_517 = tpu.memref_slice %arg8[%dma_start3A_513, %dma_start3A_515, %dma_start3A_516] : memref<11x112x64xf32, #tpu.memory_space<vmem>> -> memref<1x112x64xf32, #tpu.memory_space<vmem>>
    %dma_start3A_518 = tpu.memref_squeeze %dma_start3A_517 : memref<1x112x64xf32, #tpu.memory_space<vmem>> -> memref<112x64xf32, #tpu.memory_space<vmem>>
    %dma_start3A_519 = arith.constant 0 : i32
    %dma_start3A_520 = tpu.memref_slice %arg6[%add3A_512, %dma_start3A_519] : memref<315392x64xf32, #tpu.memory_space<hbm>> -> memref<112x64xf32, #tpu.memory_space<hbm>>
    %dma_start3A_521 = tpu.memref_slice %arg12[%dma_start3A_514] : memref<11x!tpu.dma_semaphore, #tpu.memory_space<semaphore_mem>> -> memref<1x!tpu.dma_semaphore, #tpu.memory_space<semaphore_mem>>
    %dma_start3A_522 = tpu.memref_squeeze %dma_start3A_521 : memref<1x!tpu.dma_semaphore, #tpu.memory_space<semaphore_mem>> -> memref<!tpu.dma_semaphore, #tpu.memory_space<semaphore_mem>>
    %dma_start3A_523 = arith.constant 0 : i32
    %dma_start3A_524 = tpu.memref_slice %arg6[%add3A_512, %dma_start3A_523] : memref<315392x64xf32, #tpu.memory_space<hbm>> -> memref<112x64xf32, #tpu.memory_space<hbm>>
    %dma_start3A_525 = arith.constant 0 : i32
    %dma_start3A_526 = arith.constant 0 : i32
    %dma_start3A_527 = tpu.memref_slice %arg8[%dma_start3A_513, %dma_start3A_525, %dma_start3A_526] : memref<11x112x64xf32, #tpu.memory_space<vmem>> -> memref<1x112x64xf32, #tpu.memory_space<vmem>>
    %dma_start3A_528 = tpu.memref_squeeze %dma_start3A_527 : memref<1x112x64xf32, #tpu.memory_space<vmem>> -> memref<112x64xf32, #tpu.memory_space<vmem>>
    tpu.enqueue_dma source(%dma_start3A_528 : memref<112x64xf32, #tpu.memory_space<vmem>>) target(%dma_start3A_524 : memref<112x64xf32, #tpu.memory_space<hbm>>) target_semaphore(%dma_start3A_522 : memref<!tpu.dma_semaphore, #tpu.memory_space<semaphore_mem>>)
    %dma_wait3A_529 = arith.constant 8 : i32
    %dma_wait3A_530 = arith.constant 8 : i32
    %dma_wait3A_531 = arith.constant 8 : i32
    %dma_wait3A_532 = arith.constant 0 : i32
    %dma_wait3A_533 = arith.constant 0 : i32
    %dma_wait3A_534 = tpu.memref_slice %arg8[%dma_wait3A_530, %dma_wait3A_532, %dma_wait3A_533] : memref<11x112x64xf32, #tpu.memory_space<vmem>> -> memref<1x112x64xf32, #tpu.memory_space<vmem>>
    %dma_wait3A_535 = tpu.memref_squeeze %dma_wait3A_534 : memref<1x112x64xf32, #tpu.memory_space<vmem>> -> memref<112x64xf32, #tpu.memory_space<vmem>>
    %dma_wait3A_536 = arith.constant 0 : i32
    %dma_wait3A_537 = tpu.memref_slice %arg7[%dma_wait3A_529, %dma_wait3A_536] : memref<88x112xi32, #tpu.memory_space<vmem>> -> memref<1x112xi32, #tpu.memory_space<vmem>>
    %dma_wait3A_538 = tpu.memref_squeeze %dma_wait3A_537 : memref<1x112xi32, #tpu.memory_space<vmem>> -> memref<112xi32, #tpu.memory_space<vmem>>
    %dma_wait3A_539 = arith.constant 0 : i32
    %dma_wait3A_540 = arith.constant 0 : i32
    %dma_wait3A_541 = tpu.memref_slice %arg5[%dma_wait3A_539, %dma_wait3A_540] : memref<1000000x64xf32, #tpu.memory_space<hbm>> -> memref<1000000x64xf32, #tpu.memory_space<hbm>>
    %dma_wait3A_542 = tpu.memref_slice %arg11[%dma_wait3A_531] : memref<11x!tpu.dma_semaphore, #tpu.memory_space<semaphore_mem>> -> memref<1x!tpu.dma_semaphore, #tpu.memory_space<semaphore_mem>>
    %dma_wait3A_543 = tpu.memref_squeeze %dma_wait3A_542 : memref<1x!tpu.dma_semaphore, #tpu.memory_space<semaphore_mem>> -> memref<!tpu.dma_semaphore, #tpu.memory_space<semaphore_mem>>
    tpu.wait_indirect_dma semaphore(%dma_wait3A_543 : memref<!tpu.dma_semaphore, #tpu.memory_space<semaphore_mem>>) src(%dma_wait3A_541 : memref<1000000x64xf32, #tpu.memory_space<hbm>>) dst(%dma_wait3A_535 : memref<112x64xf32, #tpu.memory_space<vmem>>)
    %add3A_544 = arith.constant 336 : i32
    %add3A_545 = arith.addi %mul3A_2, %add3A_544 : i32
    %dma_wait3A_546 = arith.constant 3 : i32
    %dma_wait3A_547 = arith.constant 3 : i32
    %dma_wait3A_548 = arith.constant 0 : i32
    %dma_wait3A_549 = arith.constant 0 : i32
    %dma_wait3A_550 = tpu.memref_slice %arg8[%dma_wait3A_546, %dma_wait3A_548, %dma_wait3A_549] : memref<11x112x64xf32, #tpu.memory_space<vmem>> -> memref<1x112x64xf32, #tpu.memory_space<vmem>>
    %dma_wait3A_551 = tpu.memref_squeeze %dma_wait3A_550 : memref<1x112x64xf32, #tpu.memory_space<vmem>> -> memref<112x64xf32, #tpu.memory_space<vmem>>
    %dma_wait3A_552 = arith.constant 0 : i32
    %dma_wait3A_553 = tpu.memref_slice %arg6[%add3A_545, %dma_wait3A_552] : memref<315392x64xf32, #tpu.memory_space<hbm>> -> memref<112x64xf32, #tpu.memory_space<hbm>>
    %dma_wait3A_554 = tpu.memref_slice %arg12[%dma_wait3A_547] : memref<11x!tpu.dma_semaphore, #tpu.memory_space<semaphore_mem>> -> memref<1x!tpu.dma_semaphore, #tpu.memory_space<semaphore_mem>>
    %dma_wait3A_555 = tpu.memref_squeeze %dma_wait3A_554 : memref<1x!tpu.dma_semaphore, #tpu.memory_space<semaphore_mem>> -> memref<!tpu.dma_semaphore, #tpu.memory_space<semaphore_mem>>
    %dma_wait3A_556 = arith.constant 0 : i32
    %dma_wait3A_557 = tpu.memref_slice %arg6[%add3A_545, %dma_wait3A_556] : memref<315392x64xf32, #tpu.memory_space<hbm>> -> memref<112x64xf32, #tpu.memory_space<hbm>>
    %dma_wait3A_558 = arith.constant 0 : i32
    %dma_wait3A_559 = arith.constant 0 : i32
    %dma_wait3A_560 = tpu.memref_slice %arg8[%dma_wait3A_546, %dma_wait3A_558, %dma_wait3A_559] : memref<11x112x64xf32, #tpu.memory_space<vmem>> -> memref<1x112x64xf32, #tpu.memory_space<vmem>>
    %dma_wait3A_561 = tpu.memref_squeeze %dma_wait3A_560 : memref<1x112x64xf32, #tpu.memory_space<vmem>> -> memref<112x64xf32, #tpu.memory_space<vmem>>
    tpu.wait_dma2 semaphore(%dma_wait3A_555 : memref<!tpu.dma_semaphore, #tpu.memory_space<semaphore_mem>>) src(%dma_wait3A_561 : memref<112x64xf32, #tpu.memory_space<vmem>>) dst(%dma_wait3A_557 : memref<112x64xf32, #tpu.memory_space<hbm>>)
    %dma_start3A_562 = arith.constant 14 : i32
    %dma_start3A_563 = arith.constant 3 : i32
    %dma_start3A_564 = arith.constant 3 : i32
    %dma_start3A_565 = arith.constant 0 : i32
    %dma_start3A_566 = arith.constant 0 : i32
    %dma_start3A_567 = tpu.memref_slice %arg8[%dma_start3A_563, %dma_start3A_565, %dma_start3A_566] : memref<11x112x64xf32, #tpu.memory_space<vmem>> -> memref<1x112x64xf32, #tpu.memory_space<vmem>>
    %dma_start3A_568 = tpu.memref_squeeze %dma_start3A_567 : memref<1x112x64xf32, #tpu.memory_space<vmem>> -> memref<112x64xf32, #tpu.memory_space<vmem>>
    %dma_start3A_569 = arith.constant 0 : i32
    %dma_start3A_570 = tpu.memref_slice %arg7[%dma_start3A_562, %dma_start3A_569] : memref<88x112xi32, #tpu.memory_space<vmem>> -> memref<1x112xi32, #tpu.memory_space<vmem>>
    %dma_start3A_571 = tpu.memref_squeeze %dma_start3A_570 : memref<1x112xi32, #tpu.memory_space<vmem>> -> memref<112xi32, #tpu.memory_space<vmem>>
    %dma_start3A_572 = arith.constant 0 : i32
    %dma_start3A_573 = arith.constant 0 : i32
    %dma_start3A_574 = tpu.memref_slice %arg5[%dma_start3A_572, %dma_start3A_573] : memref<1000000x64xf32, #tpu.memory_space<hbm>> -> memref<1000000x64xf32, #tpu.memory_space<hbm>>
    %dma_start3A_575 = tpu.memref_slice %arg11[%dma_start3A_564] : memref<11x!tpu.dma_semaphore, #tpu.memory_space<semaphore_mem>> -> memref<1x!tpu.dma_semaphore, #tpu.memory_space<semaphore_mem>>
    %dma_start3A_576 = tpu.memref_squeeze %dma_start3A_575 : memref<1x!tpu.dma_semaphore, #tpu.memory_space<semaphore_mem>> -> memref<!tpu.dma_semaphore, #tpu.memory_space<semaphore_mem>>
    tpu.enqueue_indirect_dma source(%dma_start3A_574 : memref<1000000x64xf32, #tpu.memory_space<hbm>>) target(%dma_start3A_568 : memref<112x64xf32, #tpu.memory_space<vmem>>) offsets(%dma_start3A_571 : memref<112xi32, #tpu.memory_space<vmem>>) semaphore(%dma_start3A_576 : memref<!tpu.dma_semaphore, #tpu.memory_space<semaphore_mem>>)
    %add3A_577 = arith.constant 896 : i32
    %add3A_578 = arith.addi %mul3A_2, %add3A_577 : i32
    %dma_start3A_579 = arith.constant 8 : i32
    %dma_start3A_580 = arith.constant 8 : i32
    %dma_start3A_581 = arith.constant 0 : i32
    %dma_start3A_582 = arith.constant 0 : i32
    %dma_start3A_583 = tpu.memref_slice %arg8[%dma_start3A_579, %dma_start3A_581, %dma_start3A_582] : memref<11x112x64xf32, #tpu.memory_space<vmem>> -> memref<1x112x64xf32, #tpu.memory_space<vmem>>
    %dma_start3A_584 = tpu.memref_squeeze %dma_start3A_583 : memref<1x112x64xf32, #tpu.memory_space<vmem>> -> memref<112x64xf32, #tpu.memory_space<vmem>>
    %dma_start3A_585 = arith.constant 0 : i32
    %dma_start3A_586 = tpu.memref_slice %arg6[%add3A_578, %dma_start3A_585] : memref<315392x64xf32, #tpu.memory_space<hbm>> -> memref<112x64xf32, #tpu.memory_space<hbm>>
    %dma_start3A_587 = tpu.memref_slice %arg12[%dma_start3A_580] : memref<11x!tpu.dma_semaphore, #tpu.memory_space<semaphore_mem>> -> memref<1x!tpu.dma_semaphore, #tpu.memory_space<semaphore_mem>>
    %dma_start3A_588 = tpu.memref_squeeze %dma_start3A_587 : memref<1x!tpu.dma_semaphore, #tpu.memory_space<semaphore_mem>> -> memref<!tpu.dma_semaphore, #tpu.memory_space<semaphore_mem>>
    %dma_start3A_589 = arith.constant 0 : i32
    %dma_start3A_590 = tpu.memref_slice %arg6[%add3A_578, %dma_start3A_589] : memref<315392x64xf32, #tpu.memory_space<hbm>> -> memref<112x64xf32, #tpu.memory_space<hbm>>
    %dma_start3A_591 = arith.constant 0 : i32
    %dma_start3A_592 = arith.constant 0 : i32
    %dma_start3A_593 = tpu.memref_slice %arg8[%dma_start3A_579, %dma_start3A_591, %dma_start3A_592] : memref<11x112x64xf32, #tpu.memory_space<vmem>> -> memref<1x112x64xf32, #tpu.memory_space<vmem>>
    %dma_start3A_594 = tpu.memref_squeeze %dma_start3A_593 : memref<1x112x64xf32, #tpu.memory_space<vmem>> -> memref<112x64xf32, #tpu.memory_space<vmem>>
    tpu.enqueue_dma source(%dma_start3A_594 : memref<112x64xf32, #tpu.memory_space<vmem>>) target(%dma_start3A_590 : memref<112x64xf32, #tpu.memory_space<hbm>>) target_semaphore(%dma_start3A_588 : memref<!tpu.dma_semaphore, #tpu.memory_space<semaphore_mem>>)
    %dma_wait3A_595 = arith.constant 9 : i32
    %dma_wait3A_596 = arith.constant 9 : i32
    %dma_wait3A_597 = arith.constant 9 : i32
    %dma_wait3A_598 = arith.constant 0 : i32
    %dma_wait3A_599 = arith.constant 0 : i32
    %dma_wait3A_600 = tpu.memref_slice %arg8[%dma_wait3A_596, %dma_wait3A_598, %dma_wait3A_599] : memref<11x112x64xf32, #tpu.memory_space<vmem>> -> memref<1x112x64xf32, #tpu.memory_space<vmem>>
    %dma_wait3A_601 = tpu.memref_squeeze %dma_wait3A_600 : memref<1x112x64xf32, #tpu.memory_space<vmem>> -> memref<112x64xf32, #tpu.memory_space<vmem>>
    %dma_wait3A_602 = arith.constant 0 : i32
    %dma_wait3A_603 = tpu.memref_slice %arg7[%dma_wait3A_595, %dma_wait3A_602] : memref<88x112xi32, #tpu.memory_space<vmem>> -> memref<1x112xi32, #tpu.memory_space<vmem>>
    %dma_wait3A_604 = tpu.memref_squeeze %dma_wait3A_603 : memref<1x112xi32, #tpu.memory_space<vmem>> -> memref<112xi32, #tpu.memory_space<vmem>>
    %dma_wait3A_605 = arith.constant 0 : i32
    %dma_wait3A_606 = arith.constant 0 : i32
    %dma_wait3A_607 = tpu.memref_slice %arg5[%dma_wait3A_605, %dma_wait3A_606] : memref<1000000x64xf32, #tpu.memory_space<hbm>> -> memref<1000000x64xf32, #tpu.memory_space<hbm>>
    %dma_wait3A_608 = tpu.memref_slice %arg11[%dma_wait3A_597] : memref<11x!tpu.dma_semaphore, #tpu.memory_space<semaphore_mem>> -> memref<1x!tpu.dma_semaphore, #tpu.memory_space<semaphore_mem>>
    %dma_wait3A_609 = tpu.memref_squeeze %dma_wait3A_608 : memref<1x!tpu.dma_semaphore, #tpu.memory_space<semaphore_mem>> -> memref<!tpu.dma_semaphore, #tpu.memory_space<semaphore_mem>>
    tpu.wait_indirect_dma semaphore(%dma_wait3A_609 : memref<!tpu.dma_semaphore, #tpu.memory_space<semaphore_mem>>) src(%dma_wait3A_607 : memref<1000000x64xf32, #tpu.memory_space<hbm>>) dst(%dma_wait3A_601 : memref<112x64xf32, #tpu.memory_space<vmem>>)
    %add3A_610 = arith.constant 448 : i32
    %add3A_611 = arith.addi %mul3A_2, %add3A_610 : i32
    %dma_wait3A_612 = arith.constant 4 : i32
    %dma_wait3A_613 = arith.constant 4 : i32
    %dma_wait3A_614 = arith.constant 0 : i32
    %dma_wait3A_615 = arith.constant 0 : i32
    %dma_wait3A_616 = tpu.memref_slice %arg8[%dma_wait3A_612, %dma_wait3A_614, %dma_wait3A_615] : memref<11x112x64xf32, #tpu.memory_space<vmem>> -> memref<1x112x64xf32, #tpu.memory_space<vmem>>
    %dma_wait3A_617 = tpu.memref_squeeze %dma_wait3A_616 : memref<1x112x64xf32, #tpu.memory_space<vmem>> -> memref<112x64xf32, #tpu.memory_space<vmem>>
    %dma_wait3A_618 = arith.constant 0 : i32
    %dma_wait3A_619 = tpu.memref_slice %arg6[%add3A_611, %dma_wait3A_618] : memref<315392x64xf32, #tpu.memory_space<hbm>> -> memref<112x64xf32, #tpu.memory_space<hbm>>
    %dma_wait3A_620 = tpu.memref_slice %arg12[%dma_wait3A_613] : memref<11x!tpu.dma_semaphore, #tpu.memory_space<semaphore_mem>> -> memref<1x!tpu.dma_semaphore, #tpu.memory_space<semaphore_mem>>
    %dma_wait3A_621 = tpu.memref_squeeze %dma_wait3A_620 : memref<1x!tpu.dma_semaphore, #tpu.memory_space<semaphore_mem>> -> memref<!tpu.dma_semaphore, #tpu.memory_space<semaphore_mem>>
    %dma_wait3A_622 = arith.constant 0 : i32
    %dma_wait3A_623 = tpu.memref_slice %arg6[%add3A_611, %dma_wait3A_622] : memref<315392x64xf32, #tpu.memory_space<hbm>> -> memref<112x64xf32, #tpu.memory_space<hbm>>
    %dma_wait3A_624 = arith.constant 0 : i32
    %dma_wait3A_625 = arith.constant 0 : i32
    %dma_wait3A_626 = tpu.memref_slice %arg8[%dma_wait3A_612, %dma_wait3A_624, %dma_wait3A_625] : memref<11x112x64xf32, #tpu.memory_space<vmem>> -> memref<1x112x64xf32, #tpu.memory_space<vmem>>
    %dma_wait3A_627 = tpu.memref_squeeze %dma_wait3A_626 : memref<1x112x64xf32, #tpu.memory_space<vmem>> -> memref<112x64xf32, #tpu.memory_space<vmem>>
    tpu.wait_dma2 semaphore(%dma_wait3A_621 : memref<!tpu.dma_semaphore, #tpu.memory_space<semaphore_mem>>) src(%dma_wait3A_627 : memref<112x64xf32, #tpu.memory_space<vmem>>) dst(%dma_wait3A_623 : memref<112x64xf32, #tpu.memory_space<hbm>>)
    %dma_start3A_628 = arith.constant 15 : i32
    %dma_start3A_629 = arith.constant 4 : i32
    %dma_start3A_630 = arith.constant 4 : i32
    %dma_start3A_631 = arith.constant 0 : i32
    %dma_start3A_632 = arith.constant 0 : i32
    %dma_start3A_633 = tpu.memref_slice %arg8[%dma_start3A_629, %dma_start3A_631, %dma_start3A_632] : memref<11x112x64xf32, #tpu.memory_space<vmem>> -> memref<1x112x64xf32, #tpu.memory_space<vmem>>
    %dma_start3A_634 = tpu.memref_squeeze %dma_start3A_633 : memref<1x112x64xf32, #tpu.memory_space<vmem>> -> memref<112x64xf32, #tpu.memory_space<vmem>>
    %dma_start3A_635 = arith.constant 0 : i32
    %dma_start3A_636 = tpu.memref_slice %arg7[%dma_start3A_628, %dma_start3A_635] : memref<88x112xi32, #tpu.memory_space<vmem>> -> memref<1x112xi32, #tpu.memory_space<vmem>>
    %dma_start3A_637 = tpu.memref_squeeze %dma_start3A_636 : memref<1x112xi32, #tpu.memory_space<vmem>> -> memref<112xi32, #tpu.memory_space<vmem>>
    %dma_start3A_638 = arith.constant 0 : i32
    %dma_start3A_639 = arith.constant 0 : i32
    %dma_start3A_640 = tpu.memref_slice %arg5[%dma_start3A_638, %dma_start3A_639] : memref<1000000x64xf32, #tpu.memory_space<hbm>> -> memref<1000000x64xf32, #tpu.memory_space<hbm>>
    %dma_start3A_641 = tpu.memref_slice %arg11[%dma_start3A_630] : memref<11x!tpu.dma_semaphore, #tpu.memory_space<semaphore_mem>> -> memref<1x!tpu.dma_semaphore, #tpu.memory_space<semaphore_mem>>
    %dma_start3A_642 = tpu.memref_squeeze %dma_start3A_641 : memref<1x!tpu.dma_semaphore, #tpu.memory_space<semaphore_mem>> -> memref<!tpu.dma_semaphore, #tpu.memory_space<semaphore_mem>>
    tpu.enqueue_indirect_dma source(%dma_start3A_640 : memref<1000000x64xf32, #tpu.memory_space<hbm>>) target(%dma_start3A_634 : memref<112x64xf32, #tpu.memory_space<vmem>>) offsets(%dma_start3A_637 : memref<112xi32, #tpu.memory_space<vmem>>) semaphore(%dma_start3A_642 : memref<!tpu.dma_semaphore, #tpu.memory_space<semaphore_mem>>)
    %add3A_643 = arith.constant 1008 : i32
    %add3A_644 = arith.addi %mul3A_2, %add3A_643 : i32
    %dma_start3A_645 = arith.constant 9 : i32
    %dma_start3A_646 = arith.constant 9 : i32
    %dma_start3A_647 = arith.constant 0 : i32
    %dma_start3A_648 = arith.constant 0 : i32
    %dma_start3A_649 = tpu.memref_slice %arg8[%dma_start3A_645, %dma_start3A_647, %dma_start3A_648] : memref<11x112x64xf32, #tpu.memory_space<vmem>> -> memref<1x112x64xf32, #tpu.memory_space<vmem>>
    %dma_start3A_650 = tpu.memref_squeeze %dma_start3A_649 : memref<1x112x64xf32, #tpu.memory_space<vmem>> -> memref<112x64xf32, #tpu.memory_space<vmem>>
    %dma_start3A_651 = arith.constant 0 : i32
    %dma_start3A_652 = tpu.memref_slice %arg6[%add3A_644, %dma_start3A_651] : memref<315392x64xf32, #tpu.memory_space<hbm>> -> memref<112x64xf32, #tpu.memory_space<hbm>>
    %dma_start3A_653 = tpu.memref_slice %arg12[%dma_start3A_646] : memref<11x!tpu.dma_semaphore, #tpu.memory_space<semaphore_mem>> -> memref<1x!tpu.dma_semaphore, #tpu.memory_space<semaphore_mem>>
    %dma_start3A_654 = tpu.memref_squeeze %dma_start3A_653 : memref<1x!tpu.dma_semaphore, #tpu.memory_space<semaphore_mem>> -> memref<!tpu.dma_semaphore, #tpu.memory_space<semaphore_mem>>
    %dma_start3A_655 = arith.constant 0 : i32
    %dma_start3A_656 = tpu.memref_slice %arg6[%add3A_644, %dma_start3A_655] : memref<315392x64xf32, #tpu.memory_space<hbm>> -> memref<112x64xf32, #tpu.memory_space<hbm>>
    %dma_start3A_657 = arith.constant 0 : i32
    %dma_start3A_658 = arith.constant 0 : i32
    %dma_start3A_659 = tpu.memref_slice %arg8[%dma_start3A_645, %dma_start3A_657, %dma_start3A_658] : memref<11x112x64xf32, #tpu.memory_space<vmem>> -> memref<1x112x64xf32, #tpu.memory_space<vmem>>
    %dma_start3A_660 = tpu.memref_squeeze %dma_start3A_659 : memref<1x112x64xf32, #tpu.memory_space<vmem>> -> memref<112x64xf32, #tpu.memory_space<vmem>>
    tpu.enqueue_dma source(%dma_start3A_660 : memref<112x64xf32, #tpu.memory_space<vmem>>) target(%dma_start3A_656 : memref<112x64xf32, #tpu.memory_space<hbm>>) target_semaphore(%dma_start3A_654 : memref<!tpu.dma_semaphore, #tpu.memory_space<semaphore_mem>>)
    %dma_wait3A_661 = arith.constant 10 : i32
    %dma_wait3A_662 = arith.constant 10 : i32
    %dma_wait3A_663 = arith.constant 10 : i32
    %dma_wait3A_664 = arith.constant 0 : i32
    %dma_wait3A_665 = arith.constant 0 : i32
    %dma_wait3A_666 = tpu.memref_slice %arg8[%dma_wait3A_662, %dma_wait3A_664, %dma_wait3A_665] : memref<11x112x64xf32, #tpu.memory_space<vmem>> -> memref<1x112x64xf32, #tpu.memory_space<vmem>>
    %dma_wait3A_667 = tpu.memref_squeeze %dma_wait3A_666 : memref<1x112x64xf32, #tpu.memory_space<vmem>> -> memref<112x64xf32, #tpu.memory_space<vmem>>
    %dma_wait3A_668 = arith.constant 0 : i32
    %dma_wait3A_669 = tpu.memref_slice %arg7[%dma_wait3A_661, %dma_wait3A_668] : memref<88x112xi32, #tpu.memory_space<vmem>> -> memref<1x112xi32, #tpu.memory_space<vmem>>
    %dma_wait3A_670 = tpu.memref_squeeze %dma_wait3A_669 : memref<1x112xi32, #tpu.memory_space<vmem>> -> memref<112xi32, #tpu.memory_space<vmem>>
    %dma_wait3A_671 = arith.constant 0 : i32
    %dma_wait3A_672 = arith.constant 0 : i32
    %dma_wait3A_673 = tpu.memref_slice %arg5[%dma_wait3A_671, %dma_wait3A_672] : memref<1000000x64xf32, #tpu.memory_space<hbm>> -> memref<1000000x64xf32, #tpu.memory_space<hbm>>
    %dma_wait3A_674 = tpu.memref_slice %arg11[%dma_wait3A_663] : memref<11x!tpu.dma_semaphore, #tpu.memory_space<semaphore_mem>> -> memref<1x!tpu.dma_semaphore, #tpu.memory_space<semaphore_mem>>
    %dma_wait3A_675 = tpu.memref_squeeze %dma_wait3A_674 : memref<1x!tpu.dma_semaphore, #tpu.memory_space<semaphore_mem>> -> memref<!tpu.dma_semaphore, #tpu.memory_space<semaphore_mem>>
    tpu.wait_indirect_dma semaphore(%dma_wait3A_675 : memref<!tpu.dma_semaphore, #tpu.memory_space<semaphore_mem>>) src(%dma_wait3A_673 : memref<1000000x64xf32, #tpu.memory_space<hbm>>) dst(%dma_wait3A_667 : memref<112x64xf32, #tpu.memory_space<vmem>>)
    %add3A_676 = arith.constant 560 : i32
    %add3A_677 = arith.addi %mul3A_2, %add3A_676 : i32
    %dma_wait3A_678 = arith.constant 5 : i32
    %dma_wait3A_679 = arith.constant 5 : i32
    %dma_wait3A_680 = arith.constant 0 : i32
    %dma_wait3A_681 = arith.constant 0 : i32
    %dma_wait3A_682 = tpu.memref_slice %arg8[%dma_wait3A_678, %dma_wait3A_680, %dma_wait3A_681] : memref<11x112x64xf32, #tpu.memory_space<vmem>> -> memref<1x112x64xf32, #tpu.memory_space<vmem>>
    %dma_wait3A_683 = tpu.memref_squeeze %dma_wait3A_682 : memref<1x112x64xf32, #tpu.memory_space<vmem>> -> memref<112x64xf32, #tpu.memory_space<vmem>>
    %dma_wait3A_684 = arith.constant 0 : i32
    %dma_wait3A_685 = tpu.memref_slice %arg6[%add3A_677, %dma_wait3A_684] : memref<315392x64xf32, #tpu.memory_space<hbm>> -> memref<112x64xf32, #tpu.memory_space<hbm>>
    %dma_wait3A_686 = tpu.memref_slice %arg12[%dma_wait3A_679] : memref<11x!tpu.dma_semaphore, #tpu.memory_space<semaphore_mem>> -> memref<1x!tpu.dma_semaphore, #tpu.memory_space<semaphore_mem>>
    %dma_wait3A_687 = tpu.memref_squeeze %dma_wait3A_686 : memref<1x!tpu.dma_semaphore, #tpu.memory_space<semaphore_mem>> -> memref<!tpu.dma_semaphore, #tpu.memory_space<semaphore_mem>>
    %dma_wait3A_688 = arith.constant 0 : i32
    %dma_wait3A_689 = tpu.memref_slice %arg6[%add3A_677, %dma_wait3A_688] : memref<315392x64xf32, #tpu.memory_space<hbm>> -> memref<112x64xf32, #tpu.memory_space<hbm>>
    %dma_wait3A_690 = arith.constant 0 : i32
    %dma_wait3A_691 = arith.constant 0 : i32
    %dma_wait3A_692 = tpu.memref_slice %arg8[%dma_wait3A_678, %dma_wait3A_690, %dma_wait3A_691] : memref<11x112x64xf32, #tpu.memory_space<vmem>> -> memref<1x112x64xf32, #tpu.memory_space<vmem>>
    %dma_wait3A_693 = tpu.memref_squeeze %dma_wait3A_692 : memref<1x112x64xf32, #tpu.memory_space<vmem>> -> memref<112x64xf32, #tpu.memory_space<vmem>>
    tpu.wait_dma2 semaphore(%dma_wait3A_687 : memref<!tpu.dma_semaphore, #tpu.memory_space<semaphore_mem>>) src(%dma_wait3A_693 : memref<112x64xf32, #tpu.memory_space<vmem>>) dst(%dma_wait3A_689 : memref<112x64xf32, #tpu.memory_space<hbm>>)
    %dma_start3A_694 = arith.constant 16 : i32
    %dma_start3A_695 = arith.constant 5 : i32
    %dma_start3A_696 = arith.constant 5 : i32
    %dma_start3A_697 = arith.constant 0 : i32
    %dma_start3A_698 = arith.constant 0 : i32
    %dma_start3A_699 = tpu.memref_slice %arg8[%dma_start3A_695, %dma_start3A_697, %dma_start3A_698] : memref<11x112x64xf32, #tpu.memory_space<vmem>> -> memref<1x112x64xf32, #tpu.memory_space<vmem>>
    %dma_start3A_700 = tpu.memref_squeeze %dma_start3A_699 : memref<1x112x64xf32, #tpu.memory_space<vmem>> -> memref<112x64xf32, #tpu.memory_space<vmem>>
    %dma_start3A_701 = arith.constant 0 : i32
    %dma_start3A_702 = tpu.memref_slice %arg7[%dma_start3A_694, %dma_start3A_701] : memref<88x112xi32, #tpu.memory_space<vmem>> -> memref<1x112xi32, #tpu.memory_space<vmem>>
    %dma_start3A_703 = tpu.memref_squeeze %dma_start3A_702 : memref<1x112xi32, #tpu.memory_space<vmem>> -> memref<112xi32, #tpu.memory_space<vmem>>
    %dma_start3A_704 = arith.constant 0 : i32
    %dma_start3A_705 = arith.constant 0 : i32
    %dma_start3A_706 = tpu.memref_slice %arg5[%dma_start3A_704, %dma_start3A_705] : memref<1000000x64xf32, #tpu.memory_space<hbm>> -> memref<1000000x64xf32, #tpu.memory_space<hbm>>
    %dma_start3A_707 = tpu.memref_slice %arg11[%dma_start3A_696] : memref<11x!tpu.dma_semaphore, #tpu.memory_space<semaphore_mem>> -> memref<1x!tpu.dma_semaphore, #tpu.memory_space<semaphore_mem>>
    %dma_start3A_708 = tpu.memref_squeeze %dma_start3A_707 : memref<1x!tpu.dma_semaphore, #tpu.memory_space<semaphore_mem>> -> memref<!tpu.dma_semaphore, #tpu.memory_space<semaphore_mem>>
    tpu.enqueue_indirect_dma source(%dma_start3A_706 : memref<1000000x64xf32, #tpu.memory_space<hbm>>) target(%dma_start3A_700 : memref<112x64xf32, #tpu.memory_space<vmem>>) offsets(%dma_start3A_703 : memref<112xi32, #tpu.memory_space<vmem>>) semaphore(%dma_start3A_708 : memref<!tpu.dma_semaphore, #tpu.memory_space<semaphore_mem>>)
    %add3A_709 = arith.constant 1120 : i32
    %add3A_710 = arith.addi %mul3A_2, %add3A_709 : i32
    %dma_start3A_711 = arith.constant 10 : i32
    %dma_start3A_712 = arith.constant 10 : i32
    %dma_start3A_713 = arith.constant 0 : i32
    %dma_start3A_714 = arith.constant 0 : i32
    %dma_start3A_715 = tpu.memref_slice %arg8[%dma_start3A_711, %dma_start3A_713, %dma_start3A_714] : memref<11x112x64xf32, #tpu.memory_space<vmem>> -> memref<1x112x64xf32, #tpu.memory_space<vmem>>
    %dma_start3A_716 = tpu.memref_squeeze %dma_start3A_715 : memref<1x112x64xf32, #tpu.memory_space<vmem>> -> memref<112x64xf32, #tpu.memory_space<vmem>>
    %dma_start3A_717 = arith.constant 0 : i32
    %dma_start3A_718 = tpu.memref_slice %arg6[%add3A_710, %dma_start3A_717] : memref<315392x64xf32, #tpu.memory_space<hbm>> -> memref<112x64xf32, #tpu.memory_space<hbm>>
    %dma_start3A_719 = tpu.memref_slice %arg12[%dma_start3A_712] : memref<11x!tpu.dma_semaphore, #tpu.memory_space<semaphore_mem>> -> memref<1x!tpu.dma_semaphore, #tpu.memory_space<semaphore_mem>>
    %dma_start3A_720 = tpu.memref_squeeze %dma_start3A_719 : memref<1x!tpu.dma_semaphore, #tpu.memory_space<semaphore_mem>> -> memref<!tpu.dma_semaphore, #tpu.memory_space<semaphore_mem>>
    %dma_start3A_721 = arith.constant 0 : i32
    %dma_start3A_722 = tpu.memref_slice %arg6[%add3A_710, %dma_start3A_721] : memref<315392x64xf32, #tpu.memory_space<hbm>> -> memref<112x64xf32, #tpu.memory_space<hbm>>
    %dma_start3A_723 = arith.constant 0 : i32
    %dma_start3A_724 = arith.constant 0 : i32
    %dma_start3A_725 = tpu.memref_slice %arg8[%dma_start3A_711, %dma_start3A_723, %dma_start3A_724] : memref<11x112x64xf32, #tpu.memory_space<vmem>> -> memref<1x112x64xf32, #tpu.memory_space<vmem>>
    %dma_start3A_726 = tpu.memref_squeeze %dma_start3A_725 : memref<1x112x64xf32, #tpu.memory_space<vmem>> -> memref<112x64xf32, #tpu.memory_space<vmem>>
    tpu.enqueue_dma source(%dma_start3A_726 : memref<112x64xf32, #tpu.memory_space<vmem>>) target(%dma_start3A_722 : memref<112x64xf32, #tpu.memory_space<hbm>>) target_semaphore(%dma_start3A_720 : memref<!tpu.dma_semaphore, #tpu.memory_space<semaphore_mem>>)
    %scan3A = arith.constant 0 : i32
    %scan3A_727 = arith.constant 6 : i32
    %scan3A_728 = arith.addi %scan3A, %scan3A_727 : i32
    %scan3A_729 = arith.constant 1 : i32
    scf.for %scan3A_1569 = %scan3A to %scan3A_728 step %scan3A_729  : i32 {
      %mul3A_1570 = arith.constant 1 : i32
      %mul3A_1571 = arith.muli %scan3A_1569, %mul3A_1570 : i32
      %add3A_1572 = arith.constant 1 : i32
      %add3A_1573 = arith.addi %add3A_1572, %mul3A_1571 : i32
      %mul3A_1574 = arith.constant 11 : i32
      %mul3A_1575 = arith.muli %add3A_1573, %mul3A_1574 : i32
      %add3A_1576 = arith.constant 0 : i32
      %add3A_1577 = arith.addi %mul3A_1575, %add3A_1576 : i32
      %dma_wait3A_1578 = arith.constant 0 : i32
      %dma_wait3A_1579 = arith.constant 0 : i32
      %dma_wait3A_1580 = arith.constant 0 : i32
      %dma_wait3A_1581 = arith.constant 0 : i32
      %dma_wait3A_1582 = tpu.memref_slice %arg8[%dma_wait3A_1578, %dma_wait3A_1580, %dma_wait3A_1581] : memref<11x112x64xf32, #tpu.memory_space<vmem>> -> memref<1x112x64xf32, #tpu.memory_space<vmem>>
      %dma_wait3A_1583 = tpu.memref_squeeze %dma_wait3A_1582 : memref<1x112x64xf32, #tpu.memory_space<vmem>> -> memref<112x64xf32, #tpu.memory_space<vmem>>
      %dma_wait3A_1584 = arith.constant 0 : i32
      %dma_wait3A_1585 = tpu.memref_slice %arg7[%add3A_1577, %dma_wait3A_1584] : memref<88x112xi32, #tpu.memory_space<vmem>> -> memref<1x112xi32, #tpu.memory_space<vmem>>
      %dma_wait3A_1586 = tpu.memref_squeeze %dma_wait3A_1585 : memref<1x112xi32, #tpu.memory_space<vmem>> -> memref<112xi32, #tpu.memory_space<vmem>>
      %dma_wait3A_1587 = arith.constant 0 : i32
      %dma_wait3A_1588 = arith.constant 0 : i32
      %dma_wait3A_1589 = tpu.memref_slice %arg5[%dma_wait3A_1587, %dma_wait3A_1588] : memref<1000000x64xf32, #tpu.memory_space<hbm>> -> memref<1000000x64xf32, #tpu.memory_space<hbm>>
      %dma_wait3A_1590 = tpu.memref_slice %arg11[%dma_wait3A_1579] : memref<11x!tpu.dma_semaphore, #tpu.memory_space<semaphore_mem>> -> memref<1x!tpu.dma_semaphore, #tpu.memory_space<semaphore_mem>>
      %dma_wait3A_1591 = tpu.memref_squeeze %dma_wait3A_1590 : memref<1x!tpu.dma_semaphore, #tpu.memory_space<semaphore_mem>> -> memref<!tpu.dma_semaphore, #tpu.memory_space<semaphore_mem>>
      tpu.wait_indirect_dma semaphore(%dma_wait3A_1591 : memref<!tpu.dma_semaphore, #tpu.memory_space<semaphore_mem>>) src(%dma_wait3A_1589 : memref<1000000x64xf32, #tpu.memory_space<hbm>>) dst(%dma_wait3A_1583 : memref<112x64xf32, #tpu.memory_space<vmem>>)
      %sub3A = arith.constant 5 : i32
      %sub3A_1592 = arith.subi %add3A_1577, %sub3A : i32
      %mul3A_1593 = arith.constant 112 : i32
      %mul3A_1594 = arith.muli %sub3A_1592, %mul3A_1593 : i32
      %add3A_1595 = arith.addi %mul3A_2, %mul3A_1594 : i32
      %dma_wait3A_1596 = arith.constant 6 : i32
      %dma_wait3A_1597 = arith.constant 6 : i32
      %dma_wait3A_1598 = arith.constant 0 : i32
      %dma_wait3A_1599 = arith.constant 0 : i32
      %dma_wait3A_1600 = tpu.memref_slice %arg8[%dma_wait3A_1596, %dma_wait3A_1598, %dma_wait3A_1599] : memref<11x112x64xf32, #tpu.memory_space<vmem>> -> memref<1x112x64xf32, #tpu.memory_space<vmem>>
      %dma_wait3A_1601 = tpu.memref_squeeze %dma_wait3A_1600 : memref<1x112x64xf32, #tpu.memory_space<vmem>> -> memref<112x64xf32, #tpu.memory_space<vmem>>
      %dma_wait3A_1602 = arith.constant 0 : i32
      %dma_wait3A_1603 = tpu.memref_slice %arg6[%add3A_1595, %dma_wait3A_1602] : memref<315392x64xf32, #tpu.memory_space<hbm>> -> memref<112x64xf32, #tpu.memory_space<hbm>>
      %dma_wait3A_1604 = tpu.memref_slice %arg12[%dma_wait3A_1597] : memref<11x!tpu.dma_semaphore, #tpu.memory_space<semaphore_mem>> -> memref<1x!tpu.dma_semaphore, #tpu.memory_space<semaphore_mem>>
      %dma_wait3A_1605 = tpu.memref_squeeze %dma_wait3A_1604 : memref<1x!tpu.dma_semaphore, #tpu.memory_space<semaphore_mem>> -> memref<!tpu.dma_semaphore, #tpu.memory_space<semaphore_mem>>
      %dma_wait3A_1606 = arith.constant 0 : i32
      %dma_wait3A_1607 = tpu.memref_slice %arg6[%add3A_1595, %dma_wait3A_1606] : memref<315392x64xf32, #tpu.memory_space<hbm>> -> memref<112x64xf32, #tpu.memory_space<hbm>>
      %dma_wait3A_1608 = arith.constant 0 : i32
      %dma_wait3A_1609 = arith.constant 0 : i32
      %dma_wait3A_1610 = tpu.memref_slice %arg8[%dma_wait3A_1596, %dma_wait3A_1608, %dma_wait3A_1609] : memref<11x112x64xf32, #tpu.memory_space<vmem>> -> memref<1x112x64xf32, #tpu.memory_space<vmem>>
      %dma_wait3A_1611 = tpu.memref_squeeze %dma_wait3A_1610 : memref<1x112x64xf32, #tpu.memory_space<vmem>> -> memref<112x64xf32, #tpu.memory_space<vmem>>
      tpu.wait_dma2 semaphore(%dma_wait3A_1605 : memref<!tpu.dma_semaphore, #tpu.memory_space<semaphore_mem>>) src(%dma_wait3A_1611 : memref<112x64xf32, #tpu.memory_space<vmem>>) dst(%dma_wait3A_1607 : memref<112x64xf32, #tpu.memory_space<hbm>>)
      %add3A_1612 = arith.constant 6 : i32
      %add3A_1613 = arith.addi %add3A_1577, %add3A_1612 : i32
      %dma_start3A_1614 = arith.constant 6 : i32
      %dma_start3A_1615 = arith.constant 6 : i32
      %dma_start3A_1616 = arith.constant 0 : i32
      %dma_start3A_1617 = arith.constant 0 : i32
      %dma_start3A_1618 = tpu.memref_slice %arg8[%dma_start3A_1614, %dma_start3A_1616, %dma_start3A_1617] : memref<11x112x64xf32, #tpu.memory_space<vmem>> -> memref<1x112x64xf32, #tpu.memory_space<vmem>>
      %dma_start3A_1619 = tpu.memref_squeeze %dma_start3A_1618 : memref<1x112x64xf32, #tpu.memory_space<vmem>> -> memref<112x64xf32, #tpu.memory_space<vmem>>
      %dma_start3A_1620 = arith.constant 0 : i32
      %dma_start3A_1621 = tpu.memref_slice %arg7[%add3A_1613, %dma_start3A_1620] : memref<88x112xi32, #tpu.memory_space<vmem>> -> memref<1x112xi32, #tpu.memory_space<vmem>>
      %dma_start3A_1622 = tpu.memref_squeeze %dma_start3A_1621 : memref<1x112xi32, #tpu.memory_space<vmem>> -> memref<112xi32, #tpu.memory_space<vmem>>
      %dma_start3A_1623 = arith.constant 0 : i32
      %dma_start3A_1624 = arith.constant 0 : i32
      %dma_start3A_1625 = tpu.memref_slice %arg5[%dma_start3A_1623, %dma_start3A_1624] : memref<1000000x64xf32, #tpu.memory_space<hbm>> -> memref<1000000x64xf32, #tpu.memory_space<hbm>>
      %dma_start3A_1626 = tpu.memref_slice %arg11[%dma_start3A_1615] : memref<11x!tpu.dma_semaphore, #tpu.memory_space<semaphore_mem>> -> memref<1x!tpu.dma_semaphore, #tpu.memory_space<semaphore_mem>>
      %dma_start3A_1627 = tpu.memref_squeeze %dma_start3A_1626 : memref<1x!tpu.dma_semaphore, #tpu.memory_space<semaphore_mem>> -> memref<!tpu.dma_semaphore, #tpu.memory_space<semaphore_mem>>
      tpu.enqueue_indirect_dma source(%dma_start3A_1625 : memref<1000000x64xf32, #tpu.memory_space<hbm>>) target(%dma_start3A_1619 : memref<112x64xf32, #tpu.memory_space<vmem>>) offsets(%dma_start3A_1622 : memref<112xi32, #tpu.memory_space<vmem>>) semaphore(%dma_start3A_1627 : memref<!tpu.dma_semaphore, #tpu.memory_space<semaphore_mem>>)
      %mul3A_1628 = arith.constant 112 : i32
      %mul3A_1629 = arith.muli %add3A_1577, %mul3A_1628 : i32
      %add3A_1630 = arith.addi %mul3A_2, %mul3A_1629 : i32
      %dma_start3A_1631 = arith.constant 0 : i32
      %dma_start3A_1632 = arith.constant 0 : i32
      %dma_start3A_1633 = arith.constant 0 : i32
      %dma_start3A_1634 = arith.constant 0 : i32
      %dma_start3A_1635 = tpu.memref_slice %arg8[%dma_start3A_1631, %dma_start3A_1633, %dma_start3A_1634] : memref<11x112x64xf32, #tpu.memory_space<vmem>> -> memref<1x112x64xf32, #tpu.memory_space<vmem>>
      %dma_start3A_1636 = tpu.memref_squeeze %dma_start3A_1635 : memref<1x112x64xf32, #tpu.memory_space<vmem>> -> memref<112x64xf32, #tpu.memory_space<vmem>>
      %dma_start3A_1637 = arith.constant 0 : i32
      %dma_start3A_1638 = tpu.memref_slice %arg6[%add3A_1630, %dma_start3A_1637] : memref<315392x64xf32, #tpu.memory_space<hbm>> -> memref<112x64xf32, #tpu.memory_space<hbm>>
      %dma_start3A_1639 = tpu.memref_slice %arg12[%dma_start3A_1632] : memref<11x!tpu.dma_semaphore, #tpu.memory_space<semaphore_mem>> -> memref<1x!tpu.dma_semaphore, #tpu.memory_space<semaphore_mem>>
      %dma_start3A_1640 = tpu.memref_squeeze %dma_start3A_1639 : memref<1x!tpu.dma_semaphore, #tpu.memory_space<semaphore_mem>> -> memref<!tpu.dma_semaphore, #tpu.memory_space<semaphore_mem>>
      %dma_start3A_1641 = arith.constant 0 : i32
      %dma_start3A_1642 = tpu.memref_slice %arg6[%add3A_1630, %dma_start3A_1641] : memref<315392x64xf32, #tpu.memory_space<hbm>> -> memref<112x64xf32, #tpu.memory_space<hbm>>
      %dma_start3A_1643 = arith.constant 0 : i32
      %dma_start3A_1644 = arith.constant 0 : i32
      %dma_start3A_1645 = tpu.memref_slice %arg8[%dma_start3A_1631, %dma_start3A_1643, %dma_start3A_1644] : memref<11x112x64xf32, #tpu.memory_space<vmem>> -> memref<1x112x64xf32, #tpu.memory_space<vmem>>
      %dma_start3A_1646 = tpu.memref_squeeze %dma_start3A_1645 : memref<1x112x64xf32, #tpu.memory_space<vmem>> -> memref<112x64xf32, #tpu.memory_space<vmem>>
      tpu.enqueue_dma source(%dma_start3A_1646 : memref<112x64xf32, #tpu.memory_space<vmem>>) target(%dma_start3A_1642 : memref<112x64xf32, #tpu.memory_space<hbm>>) target_semaphore(%dma_start3A_1640 : memref<!tpu.dma_semaphore, #tpu.memory_space<semaphore_mem>>)
      %add3A_1647 = arith.constant 1 : i32
      %add3A_1648 = arith.addi %mul3A_1575, %add3A_1647 : i32
      %dma_wait3A_1649 = arith.constant 1 : i32
      %dma_wait3A_1650 = arith.constant 1 : i32
      %dma_wait3A_1651 = arith.constant 0 : i32
      %dma_wait3A_1652 = arith.constant 0 : i32
      %dma_wait3A_1653 = tpu.memref_slice %arg8[%dma_wait3A_1649, %dma_wait3A_1651, %dma_wait3A_1652] : memref<11x112x64xf32, #tpu.memory_space<vmem>> -> memref<1x112x64xf32, #tpu.memory_space<vmem>>
      %dma_wait3A_1654 = tpu.memref_squeeze %dma_wait3A_1653 : memref<1x112x64xf32, #tpu.memory_space<vmem>> -> memref<112x64xf32, #tpu.memory_space<vmem>>
      %dma_wait3A_1655 = arith.constant 0 : i32
      %dma_wait3A_1656 = tpu.memref_slice %arg7[%add3A_1648, %dma_wait3A_1655] : memref<88x112xi32, #tpu.memory_space<vmem>> -> memref<1x112xi32, #tpu.memory_space<vmem>>
      %dma_wait3A_1657 = tpu.memref_squeeze %dma_wait3A_1656 : memref<1x112xi32, #tpu.memory_space<vmem>> -> memref<112xi32, #tpu.memory_space<vmem>>
      %dma_wait3A_1658 = arith.constant 0 : i32
      %dma_wait3A_1659 = arith.constant 0 : i32
      %dma_wait3A_1660 = tpu.memref_slice %arg5[%dma_wait3A_1658, %dma_wait3A_1659] : memref<1000000x64xf32, #tpu.memory_space<hbm>> -> memref<1000000x64xf32, #tpu.memory_space<hbm>>
      %dma_wait3A_1661 = tpu.memref_slice %arg11[%dma_wait3A_1650] : memref<11x!tpu.dma_semaphore, #tpu.memory_space<semaphore_mem>> -> memref<1x!tpu.dma_semaphore, #tpu.memory_space<semaphore_mem>>
      %dma_wait3A_1662 = tpu.memref_squeeze %dma_wait3A_1661 : memref<1x!tpu.dma_semaphore, #tpu.memory_space<semaphore_mem>> -> memref<!tpu.dma_semaphore, #tpu.memory_space<semaphore_mem>>
      tpu.wait_indirect_dma semaphore(%dma_wait3A_1662 : memref<!tpu.dma_semaphore, #tpu.memory_space<semaphore_mem>>) src(%dma_wait3A_1660 : memref<1000000x64xf32, #tpu.memory_space<hbm>>) dst(%dma_wait3A_1654 : memref<112x64xf32, #tpu.memory_space<vmem>>)
      %sub3A_1663 = arith.constant 5 : i32
      %sub3A_1664 = arith.subi %add3A_1648, %sub3A_1663 : i32
      %mul3A_1665 = arith.constant 112 : i32
      %mul3A_1666 = arith.muli %sub3A_1664, %mul3A_1665 : i32
      %add3A_1667 = arith.addi %mul3A_2, %mul3A_1666 : i32
      %dma_wait3A_1668 = arith.constant 7 : i32
      %dma_wait3A_1669 = arith.constant 7 : i32
      %dma_wait3A_1670 = arith.constant 0 : i32
      %dma_wait3A_1671 = arith.constant 0 : i32
      %dma_wait3A_1672 = tpu.memref_slice %arg8[%dma_wait3A_1668, %dma_wait3A_1670, %dma_wait3A_1671] : memref<11x112x64xf32, #tpu.memory_space<vmem>> -> memref<1x112x64xf32, #tpu.memory_space<vmem>>
      %dma_wait3A_1673 = tpu.memref_squeeze %dma_wait3A_1672 : memref<1x112x64xf32, #tpu.memory_space<vmem>> -> memref<112x64xf32, #tpu.memory_space<vmem>>
      %dma_wait3A_1674 = arith.constant 0 : i32
      %dma_wait3A_1675 = tpu.memref_slice %arg6[%add3A_1667, %dma_wait3A_1674] : memref<315392x64xf32, #tpu.memory_space<hbm>> -> memref<112x64xf32, #tpu.memory_space<hbm>>
      %dma_wait3A_1676 = tpu.memref_slice %arg12[%dma_wait3A_1669] : memref<11x!tpu.dma_semaphore, #tpu.memory_space<semaphore_mem>> -> memref<1x!tpu.dma_semaphore, #tpu.memory_space<semaphore_mem>>
      %dma_wait3A_1677 = tpu.memref_squeeze %dma_wait3A_1676 : memref<1x!tpu.dma_semaphore, #tpu.memory_space<semaphore_mem>> -> memref<!tpu.dma_semaphore, #tpu.memory_space<semaphore_mem>>
      %dma_wait3A_1678 = arith.constant 0 : i32
      %dma_wait3A_1679 = tpu.memref_slice %arg6[%add3A_1667, %dma_wait3A_1678] : memref<315392x64xf32, #tpu.memory_space<hbm>> -> memref<112x64xf32, #tpu.memory_space<hbm>>
      %dma_wait3A_1680 = arith.constant 0 : i32
      %dma_wait3A_1681 = arith.constant 0 : i32
      %dma_wait3A_1682 = tpu.memref_slice %arg8[%dma_wait3A_1668, %dma_wait3A_1680, %dma_wait3A_1681] : memref<11x112x64xf32, #tpu.memory_space<vmem>> -> memref<1x112x64xf32, #tpu.memory_space<vmem>>
      %dma_wait3A_1683 = tpu.memref_squeeze %dma_wait3A_1682 : memref<1x112x64xf32, #tpu.memory_space<vmem>> -> memref<112x64xf32, #tpu.memory_space<vmem>>
      tpu.wait_dma2 semaphore(%dma_wait3A_1677 : memref<!tpu.dma_semaphore, #tpu.memory_space<semaphore_mem>>) src(%dma_wait3A_1683 : memref<112x64xf32, #tpu.memory_space<vmem>>) dst(%dma_wait3A_1679 : memref<112x64xf32, #tpu.memory_space<hbm>>)
      %add3A_1684 = arith.constant 6 : i32
      %add3A_1685 = arith.addi %add3A_1648, %add3A_1684 : i32
      %dma_start3A_1686 = arith.constant 7 : i32
      %dma_start3A_1687 = arith.constant 7 : i32
      %dma_start3A_1688 = arith.constant 0 : i32
      %dma_start3A_1689 = arith.constant 0 : i32
      %dma_start3A_1690 = tpu.memref_slice %arg8[%dma_start3A_1686, %dma_start3A_1688, %dma_start3A_1689] : memref<11x112x64xf32, #tpu.memory_space<vmem>> -> memref<1x112x64xf32, #tpu.memory_space<vmem>>
      %dma_start3A_1691 = tpu.memref_squeeze %dma_start3A_1690 : memref<1x112x64xf32, #tpu.memory_space<vmem>> -> memref<112x64xf32, #tpu.memory_space<vmem>>
      %dma_start3A_1692 = arith.constant 0 : i32
      %dma_start3A_1693 = tpu.memref_slice %arg7[%add3A_1685, %dma_start3A_1692] : memref<88x112xi32, #tpu.memory_space<vmem>> -> memref<1x112xi32, #tpu.memory_space<vmem>>
      %dma_start3A_1694 = tpu.memref_squeeze %dma_start3A_1693 : memref<1x112xi32, #tpu.memory_space<vmem>> -> memref<112xi32, #tpu.memory_space<vmem>>
      %dma_start3A_1695 = arith.constant 0 : i32
      %dma_start3A_1696 = arith.constant 0 : i32
      %dma_start3A_1697 = tpu.memref_slice %arg5[%dma_start3A_1695, %dma_start3A_1696] : memref<1000000x64xf32, #tpu.memory_space<hbm>> -> memref<1000000x64xf32, #tpu.memory_space<hbm>>
      %dma_start3A_1698 = tpu.memref_slice %arg11[%dma_start3A_1687] : memref<11x!tpu.dma_semaphore, #tpu.memory_space<semaphore_mem>> -> memref<1x!tpu.dma_semaphore, #tpu.memory_space<semaphore_mem>>
      %dma_start3A_1699 = tpu.memref_squeeze %dma_start3A_1698 : memref<1x!tpu.dma_semaphore, #tpu.memory_space<semaphore_mem>> -> memref<!tpu.dma_semaphore, #tpu.memory_space<semaphore_mem>>
      tpu.enqueue_indirect_dma source(%dma_start3A_1697 : memref<1000000x64xf32, #tpu.memory_space<hbm>>) target(%dma_start3A_1691 : memref<112x64xf32, #tpu.memory_space<vmem>>) offsets(%dma_start3A_1694 : memref<112xi32, #tpu.memory_space<vmem>>) semaphore(%dma_start3A_1699 : memref<!tpu.dma_semaphore, #tpu.memory_space<semaphore_mem>>)
      %mul3A_1700 = arith.constant 112 : i32
      %mul3A_1701 = arith.muli %add3A_1648, %mul3A_1700 : i32
      %add3A_1702 = arith.addi %mul3A_2, %mul3A_1701 : i32
      %dma_start3A_1703 = arith.constant 1 : i32
      %dma_start3A_1704 = arith.constant 1 : i32
      %dma_start3A_1705 = arith.constant 0 : i32
      %dma_start3A_1706 = arith.constant 0 : i32
      %dma_start3A_1707 = tpu.memref_slice %arg8[%dma_start3A_1703, %dma_start3A_1705, %dma_start3A_1706] : memref<11x112x64xf32, #tpu.memory_space<vmem>> -> memref<1x112x64xf32, #tpu.memory_space<vmem>>
      %dma_start3A_1708 = tpu.memref_squeeze %dma_start3A_1707 : memref<1x112x64xf32, #tpu.memory_space<vmem>> -> memref<112x64xf32, #tpu.memory_space<vmem>>
      %dma_start3A_1709 = arith.constant 0 : i32
      %dma_start3A_1710 = tpu.memref_slice %arg6[%add3A_1702, %dma_start3A_1709] : memref<315392x64xf32, #tpu.memory_space<hbm>> -> memref<112x64xf32, #tpu.memory_space<hbm>>
      %dma_start3A_1711 = tpu.memref_slice %arg12[%dma_start3A_1704] : memref<11x!tpu.dma_semaphore, #tpu.memory_space<semaphore_mem>> -> memref<1x!tpu.dma_semaphore, #tpu.memory_space<semaphore_mem>>
      %dma_start3A_1712 = tpu.memref_squeeze %dma_start3A_1711 : memref<1x!tpu.dma_semaphore, #tpu.memory_space<semaphore_mem>> -> memref<!tpu.dma_semaphore, #tpu.memory_space<semaphore_mem>>
      %dma_start3A_1713 = arith.constant 0 : i32
      %dma_start3A_1714 = tpu.memref_slice %arg6[%add3A_1702, %dma_start3A_1713] : memref<315392x64xf32, #tpu.memory_space<hbm>> -> memref<112x64xf32, #tpu.memory_space<hbm>>
      %dma_start3A_1715 = arith.constant 0 : i32
      %dma_start3A_1716 = arith.constant 0 : i32
      %dma_start3A_1717 = tpu.memref_slice %arg8[%dma_start3A_1703, %dma_start3A_1715, %dma_start3A_1716] : memref<11x112x64xf32, #tpu.memory_space<vmem>> -> memref<1x112x64xf32, #tpu.memory_space<vmem>>
      %dma_start3A_1718 = tpu.memref_squeeze %dma_start3A_1717 : memref<1x112x64xf32, #tpu.memory_space<vmem>> -> memref<112x64xf32, #tpu.memory_space<vmem>>
      tpu.enqueue_dma source(%dma_start3A_1718 : memref<112x64xf32, #tpu.memory_space<vmem>>) target(%dma_start3A_1714 : memref<112x64xf32, #tpu.memory_space<hbm>>) target_semaphore(%dma_start3A_1712 : memref<!tpu.dma_semaphore, #tpu.memory_space<semaphore_mem>>)
      %add3A_1719 = arith.constant 2 : i32
      %add3A_1720 = arith.addi %mul3A_1575, %add3A_1719 : i32
      %dma_wait3A_1721 = arith.constant 2 : i32
      %dma_wait3A_1722 = arith.constant 2 : i32
      %dma_wait3A_1723 = arith.constant 0 : i32
      %dma_wait3A_1724 = arith.constant 0 : i32
      %dma_wait3A_1725 = tpu.memref_slice %arg8[%dma_wait3A_1721, %dma_wait3A_1723, %dma_wait3A_1724] : memref<11x112x64xf32, #tpu.memory_space<vmem>> -> memref<1x112x64xf32, #tpu.memory_space<vmem>>
      %dma_wait3A_1726 = tpu.memref_squeeze %dma_wait3A_1725 : memref<1x112x64xf32, #tpu.memory_space<vmem>> -> memref<112x64xf32, #tpu.memory_space<vmem>>
      %dma_wait3A_1727 = arith.constant 0 : i32
      %dma_wait3A_1728 = tpu.memref_slice %arg7[%add3A_1720, %dma_wait3A_1727] : memref<88x112xi32, #tpu.memory_space<vmem>> -> memref<1x112xi32, #tpu.memory_space<vmem>>
      %dma_wait3A_1729 = tpu.memref_squeeze %dma_wait3A_1728 : memref<1x112xi32, #tpu.memory_space<vmem>> -> memref<112xi32, #tpu.memory_space<vmem>>
      %dma_wait3A_1730 = arith.constant 0 : i32
      %dma_wait3A_1731 = arith.constant 0 : i32
      %dma_wait3A_1732 = tpu.memref_slice %arg5[%dma_wait3A_1730, %dma_wait3A_1731] : memref<1000000x64xf32, #tpu.memory_space<hbm>> -> memref<1000000x64xf32, #tpu.memory_space<hbm>>
      %dma_wait3A_1733 = tpu.memref_slice %arg11[%dma_wait3A_1722] : memref<11x!tpu.dma_semaphore, #tpu.memory_space<semaphore_mem>> -> memref<1x!tpu.dma_semaphore, #tpu.memory_space<semaphore_mem>>
      %dma_wait3A_1734 = tpu.memref_squeeze %dma_wait3A_1733 : memref<1x!tpu.dma_semaphore, #tpu.memory_space<semaphore_mem>> -> memref<!tpu.dma_semaphore, #tpu.memory_space<semaphore_mem>>
      tpu.wait_indirect_dma semaphore(%dma_wait3A_1734 : memref<!tpu.dma_semaphore, #tpu.memory_space<semaphore_mem>>) src(%dma_wait3A_1732 : memref<1000000x64xf32, #tpu.memory_space<hbm>>) dst(%dma_wait3A_1726 : memref<112x64xf32, #tpu.memory_space<vmem>>)
      %sub3A_1735 = arith.constant 5 : i32
      %sub3A_1736 = arith.subi %add3A_1720, %sub3A_1735 : i32
      %mul3A_1737 = arith.constant 112 : i32
      %mul3A_1738 = arith.muli %sub3A_1736, %mul3A_1737 : i32
      %add3A_1739 = arith.addi %mul3A_2, %mul3A_1738 : i32
      %dma_wait3A_1740 = arith.constant 8 : i32
      %dma_wait3A_1741 = arith.constant 8 : i32
      %dma_wait3A_1742 = arith.constant 0 : i32
      %dma_wait3A_1743 = arith.constant 0 : i32
      %dma_wait3A_1744 = tpu.memref_slice %arg8[%dma_wait3A_1740, %dma_wait3A_1742, %dma_wait3A_1743] : memref<11x112x64xf32, #tpu.memory_space<vmem>> -> memref<1x112x64xf32, #tpu.memory_space<vmem>>
      %dma_wait3A_1745 = tpu.memref_squeeze %dma_wait3A_1744 : memref<1x112x64xf32, #tpu.memory_space<vmem>> -> memref<112x64xf32, #tpu.memory_space<vmem>>
      %dma_wait3A_1746 = arith.constant 0 : i32
      %dma_wait3A_1747 = tpu.memref_slice %arg6[%add3A_1739, %dma_wait3A_1746] : memref<315392x64xf32, #tpu.memory_space<hbm>> -> memref<112x64xf32, #tpu.memory_space<hbm>>
      %dma_wait3A_1748 = tpu.memref_slice %arg12[%dma_wait3A_1741] : memref<11x!tpu.dma_semaphore, #tpu.memory_space<semaphore_mem>> -> memref<1x!tpu.dma_semaphore, #tpu.memory_space<semaphore_mem>>
      %dma_wait3A_1749 = tpu.memref_squeeze %dma_wait3A_1748 : memref<1x!tpu.dma_semaphore, #tpu.memory_space<semaphore_mem>> -> memref<!tpu.dma_semaphore, #tpu.memory_space<semaphore_mem>>
      %dma_wait3A_1750 = arith.constant 0 : i32
      %dma_wait3A_1751 = tpu.memref_slice %arg6[%add3A_1739, %dma_wait3A_1750] : memref<315392x64xf32, #tpu.memory_space<hbm>> -> memref<112x64xf32, #tpu.memory_space<hbm>>
      %dma_wait3A_1752 = arith.constant 0 : i32
      %dma_wait3A_1753 = arith.constant 0 : i32
      %dma_wait3A_1754 = tpu.memref_slice %arg8[%dma_wait3A_1740, %dma_wait3A_1752, %dma_wait3A_1753] : memref<11x112x64xf32, #tpu.memory_space<vmem>> -> memref<1x112x64xf32, #tpu.memory_space<vmem>>
      %dma_wait3A_1755 = tpu.memref_squeeze %dma_wait3A_1754 : memref<1x112x64xf32, #tpu.memory_space<vmem>> -> memref<112x64xf32, #tpu.memory_space<vmem>>
      tpu.wait_dma2 semaphore(%dma_wait3A_1749 : memref<!tpu.dma_semaphore, #tpu.memory_space<semaphore_mem>>) src(%dma_wait3A_1755 : memref<112x64xf32, #tpu.memory_space<vmem>>) dst(%dma_wait3A_1751 : memref<112x64xf32, #tpu.memory_space<hbm>>)
      %add3A_1756 = arith.constant 6 : i32
      %add3A_1757 = arith.addi %add3A_1720, %add3A_1756 : i32
      %dma_start3A_1758 = arith.constant 8 : i32
      %dma_start3A_1759 = arith.constant 8 : i32
      %dma_start3A_1760 = arith.constant 0 : i32
      %dma_start3A_1761 = arith.constant 0 : i32
      %dma_start3A_1762 = tpu.memref_slice %arg8[%dma_start3A_1758, %dma_start3A_1760, %dma_start3A_1761] : memref<11x112x64xf32, #tpu.memory_space<vmem>> -> memref<1x112x64xf32, #tpu.memory_space<vmem>>
      %dma_start3A_1763 = tpu.memref_squeeze %dma_start3A_1762 : memref<1x112x64xf32, #tpu.memory_space<vmem>> -> memref<112x64xf32, #tpu.memory_space<vmem>>
      %dma_start3A_1764 = arith.constant 0 : i32
      %dma_start3A_1765 = tpu.memref_slice %arg7[%add3A_1757, %dma_start3A_1764] : memref<88x112xi32, #tpu.memory_space<vmem>> -> memref<1x112xi32, #tpu.memory_space<vmem>>
      %dma_start3A_1766 = tpu.memref_squeeze %dma_start3A_1765 : memref<1x112xi32, #tpu.memory_space<vmem>> -> memref<112xi32, #tpu.memory_space<vmem>>
      %dma_start3A_1767 = arith.constant 0 : i32
      %dma_start3A_1768 = arith.constant 0 : i32
      %dma_start3A_1769 = tpu.memref_slice %arg5[%dma_start3A_1767, %dma_start3A_1768] : memref<1000000x64xf32, #tpu.memory_space<hbm>> -> memref<1000000x64xf32, #tpu.memory_space<hbm>>
      %dma_start3A_1770 = tpu.memref_slice %arg11[%dma_start3A_1759] : memref<11x!tpu.dma_semaphore, #tpu.memory_space<semaphore_mem>> -> memref<1x!tpu.dma_semaphore, #tpu.memory_space<semaphore_mem>>
      %dma_start3A_1771 = tpu.memref_squeeze %dma_start3A_1770 : memref<1x!tpu.dma_semaphore, #tpu.memory_space<semaphore_mem>> -> memref<!tpu.dma_semaphore, #tpu.memory_space<semaphore_mem>>
      tpu.enqueue_indirect_dma source(%dma_start3A_1769 : memref<1000000x64xf32, #tpu.memory_space<hbm>>) target(%dma_start3A_1763 : memref<112x64xf32, #tpu.memory_space<vmem>>) offsets(%dma_start3A_1766 : memref<112xi32, #tpu.memory_space<vmem>>) semaphore(%dma_start3A_1771 : memref<!tpu.dma_semaphore, #tpu.memory_space<semaphore_mem>>)
      %mul3A_1772 = arith.constant 112 : i32
      %mul3A_1773 = arith.muli %add3A_1720, %mul3A_1772 : i32
      %add3A_1774 = arith.addi %mul3A_2, %mul3A_1773 : i32
      %dma_start3A_1775 = arith.constant 2 : i32
      %dma_start3A_1776 = arith.constant 2 : i32
      %dma_start3A_1777 = arith.constant 0 : i32
      %dma_start3A_1778 = arith.constant 0 : i32
      %dma_start3A_1779 = tpu.memref_slice %arg8[%dma_start3A_1775, %dma_start3A_1777, %dma_start3A_1778] : memref<11x112x64xf32, #tpu.memory_space<vmem>> -> memref<1x112x64xf32, #tpu.memory_space<vmem>>
      %dma_start3A_1780 = tpu.memref_squeeze %dma_start3A_1779 : memref<1x112x64xf32, #tpu.memory_space<vmem>> -> memref<112x64xf32, #tpu.memory_space<vmem>>
      %dma_start3A_1781 = arith.constant 0 : i32
      %dma_start3A_1782 = tpu.memref_slice %arg6[%add3A_1774, %dma_start3A_1781] : memref<315392x64xf32, #tpu.memory_space<hbm>> -> memref<112x64xf32, #tpu.memory_space<hbm>>
      %dma_start3A_1783 = tpu.memref_slice %arg12[%dma_start3A_1776] : memref<11x!tpu.dma_semaphore, #tpu.memory_space<semaphore_mem>> -> memref<1x!tpu.dma_semaphore, #tpu.memory_space<semaphore_mem>>
      %dma_start3A_1784 = tpu.memref_squeeze %dma_start3A_1783 : memref<1x!tpu.dma_semaphore, #tpu.memory_space<semaphore_mem>> -> memref<!tpu.dma_semaphore, #tpu.memory_space<semaphore_mem>>
      %dma_start3A_1785 = arith.constant 0 : i32
      %dma_start3A_1786 = tpu.memref_slice %arg6[%add3A_1774, %dma_start3A_1785] : memref<315392x64xf32, #tpu.memory_space<hbm>> -> memref<112x64xf32, #tpu.memory_space<hbm>>
      %dma_start3A_1787 = arith.constant 0 : i32
      %dma_start3A_1788 = arith.constant 0 : i32
      %dma_start3A_1789 = tpu.memref_slice %arg8[%dma_start3A_1775, %dma_start3A_1787, %dma_start3A_1788] : memref<11x112x64xf32, #tpu.memory_space<vmem>> -> memref<1x112x64xf32, #tpu.memory_space<vmem>>
      %dma_start3A_1790 = tpu.memref_squeeze %dma_start3A_1789 : memref<1x112x64xf32, #tpu.memory_space<vmem>> -> memref<112x64xf32, #tpu.memory_space<vmem>>
      tpu.enqueue_dma source(%dma_start3A_1790 : memref<112x64xf32, #tpu.memory_space<vmem>>) target(%dma_start3A_1786 : memref<112x64xf32, #tpu.memory_space<hbm>>) target_semaphore(%dma_start3A_1784 : memref<!tpu.dma_semaphore, #tpu.memory_space<semaphore_mem>>)
      %add3A_1791 = arith.constant 3 : i32
      %add3A_1792 = arith.addi %mul3A_1575, %add3A_1791 : i32
      %dma_wait3A_1793 = arith.constant 3 : i32
      %dma_wait3A_1794 = arith.constant 3 : i32
      %dma_wait3A_1795 = arith.constant 0 : i32
      %dma_wait3A_1796 = arith.constant 0 : i32
      %dma_wait3A_1797 = tpu.memref_slice %arg8[%dma_wait3A_1793, %dma_wait3A_1795, %dma_wait3A_1796] : memref<11x112x64xf32, #tpu.memory_space<vmem>> -> memref<1x112x64xf32, #tpu.memory_space<vmem>>
      %dma_wait3A_1798 = tpu.memref_squeeze %dma_wait3A_1797 : memref<1x112x64xf32, #tpu.memory_space<vmem>> -> memref<112x64xf32, #tpu.memory_space<vmem>>
      %dma_wait3A_1799 = arith.constant 0 : i32
      %dma_wait3A_1800 = tpu.memref_slice %arg7[%add3A_1792, %dma_wait3A_1799] : memref<88x112xi32, #tpu.memory_space<vmem>> -> memref<1x112xi32, #tpu.memory_space<vmem>>
      %dma_wait3A_1801 = tpu.memref_squeeze %dma_wait3A_1800 : memref<1x112xi32, #tpu.memory_space<vmem>> -> memref<112xi32, #tpu.memory_space<vmem>>
      %dma_wait3A_1802 = arith.constant 0 : i32
      %dma_wait3A_1803 = arith.constant 0 : i32
      %dma_wait3A_1804 = tpu.memref_slice %arg5[%dma_wait3A_1802, %dma_wait3A_1803] : memref<1000000x64xf32, #tpu.memory_space<hbm>> -> memref<1000000x64xf32, #tpu.memory_space<hbm>>
      %dma_wait3A_1805 = tpu.memref_slice %arg11[%dma_wait3A_1794] : memref<11x!tpu.dma_semaphore, #tpu.memory_space<semaphore_mem>> -> memref<1x!tpu.dma_semaphore, #tpu.memory_space<semaphore_mem>>
      %dma_wait3A_1806 = tpu.memref_squeeze %dma_wait3A_1805 : memref<1x!tpu.dma_semaphore, #tpu.memory_space<semaphore_mem>> -> memref<!tpu.dma_semaphore, #tpu.memory_space<semaphore_mem>>
      tpu.wait_indirect_dma semaphore(%dma_wait3A_1806 : memref<!tpu.dma_semaphore, #tpu.memory_space<semaphore_mem>>) src(%dma_wait3A_1804 : memref<1000000x64xf32, #tpu.memory_space<hbm>>) dst(%dma_wait3A_1798 : memref<112x64xf32, #tpu.memory_space<vmem>>)
      %sub3A_1807 = arith.constant 5 : i32
      %sub3A_1808 = arith.subi %add3A_1792, %sub3A_1807 : i32
      %mul3A_1809 = arith.constant 112 : i32
      %mul3A_1810 = arith.muli %sub3A_1808, %mul3A_1809 : i32
      %add3A_1811 = arith.addi %mul3A_2, %mul3A_1810 : i32
      %dma_wait3A_1812 = arith.constant 9 : i32
      %dma_wait3A_1813 = arith.constant 9 : i32
      %dma_wait3A_1814 = arith.constant 0 : i32
      %dma_wait3A_1815 = arith.constant 0 : i32
      %dma_wait3A_1816 = tpu.memref_slice %arg8[%dma_wait3A_1812, %dma_wait3A_1814, %dma_wait3A_1815] : memref<11x112x64xf32, #tpu.memory_space<vmem>> -> memref<1x112x64xf32, #tpu.memory_space<vmem>>
      %dma_wait3A_1817 = tpu.memref_squeeze %dma_wait3A_1816 : memref<1x112x64xf32, #tpu.memory_space<vmem>> -> memref<112x64xf32, #tpu.memory_space<vmem>>
      %dma_wait3A_1818 = arith.constant 0 : i32
      %dma_wait3A_1819 = tpu.memref_slice %arg6[%add3A_1811, %dma_wait3A_1818] : memref<315392x64xf32, #tpu.memory_space<hbm>> -> memref<112x64xf32, #tpu.memory_space<hbm>>
      %dma_wait3A_1820 = tpu.memref_slice %arg12[%dma_wait3A_1813] : memref<11x!tpu.dma_semaphore, #tpu.memory_space<semaphore_mem>> -> memref<1x!tpu.dma_semaphore, #tpu.memory_space<semaphore_mem>>
      %dma_wait3A_1821 = tpu.memref_squeeze %dma_wait3A_1820 : memref<1x!tpu.dma_semaphore, #tpu.memory_space<semaphore_mem>> -> memref<!tpu.dma_semaphore, #tpu.memory_space<semaphore_mem>>
      %dma_wait3A_1822 = arith.constant 0 : i32
      %dma_wait3A_1823 = tpu.memref_slice %arg6[%add3A_1811, %dma_wait3A_1822] : memref<315392x64xf32, #tpu.memory_space<hbm>> -> memref<112x64xf32, #tpu.memory_space<hbm>>
      %dma_wait3A_1824 = arith.constant 0 : i32
      %dma_wait3A_1825 = arith.constant 0 : i32
      %dma_wait3A_1826 = tpu.memref_slice %arg8[%dma_wait3A_1812, %dma_wait3A_1824, %dma_wait3A_1825] : memref<11x112x64xf32, #tpu.memory_space<vmem>> -> memref<1x112x64xf32, #tpu.memory_space<vmem>>
      %dma_wait3A_1827 = tpu.memref_squeeze %dma_wait3A_1826 : memref<1x112x64xf32, #tpu.memory_space<vmem>> -> memref<112x64xf32, #tpu.memory_space<vmem>>
      tpu.wait_dma2 semaphore(%dma_wait3A_1821 : memref<!tpu.dma_semaphore, #tpu.memory_space<semaphore_mem>>) src(%dma_wait3A_1827 : memref<112x64xf32, #tpu.memory_space<vmem>>) dst(%dma_wait3A_1823 : memref<112x64xf32, #tpu.memory_space<hbm>>)
      %add3A_1828 = arith.constant 6 : i32
      %add3A_1829 = arith.addi %add3A_1792, %add3A_1828 : i32
      %dma_start3A_1830 = arith.constant 9 : i32
      %dma_start3A_1831 = arith.constant 9 : i32
      %dma_start3A_1832 = arith.constant 0 : i32
      %dma_start3A_1833 = arith.constant 0 : i32
      %dma_start3A_1834 = tpu.memref_slice %arg8[%dma_start3A_1830, %dma_start3A_1832, %dma_start3A_1833] : memref<11x112x64xf32, #tpu.memory_space<vmem>> -> memref<1x112x64xf32, #tpu.memory_space<vmem>>
      %dma_start3A_1835 = tpu.memref_squeeze %dma_start3A_1834 : memref<1x112x64xf32, #tpu.memory_space<vmem>> -> memref<112x64xf32, #tpu.memory_space<vmem>>
      %dma_start3A_1836 = arith.constant 0 : i32
      %dma_start3A_1837 = tpu.memref_slice %arg7[%add3A_1829, %dma_start3A_1836] : memref<88x112xi32, #tpu.memory_space<vmem>> -> memref<1x112xi32, #tpu.memory_space<vmem>>
      %dma_start3A_1838 = tpu.memref_squeeze %dma_start3A_1837 : memref<1x112xi32, #tpu.memory_space<vmem>> -> memref<112xi32, #tpu.memory_space<vmem>>
      %dma_start3A_1839 = arith.constant 0 : i32
      %dma_start3A_1840 = arith.constant 0 : i32
      %dma_start3A_1841 = tpu.memref_slice %arg5[%dma_start3A_1839, %dma_start3A_1840] : memref<1000000x64xf32, #tpu.memory_space<hbm>> -> memref<1000000x64xf32, #tpu.memory_space<hbm>>
      %dma_start3A_1842 = tpu.memref_slice %arg11[%dma_start3A_1831] : memref<11x!tpu.dma_semaphore, #tpu.memory_space<semaphore_mem>> -> memref<1x!tpu.dma_semaphore, #tpu.memory_space<semaphore_mem>>
      %dma_start3A_1843 = tpu.memref_squeeze %dma_start3A_1842 : memref<1x!tpu.dma_semaphore, #tpu.memory_space<semaphore_mem>> -> memref<!tpu.dma_semaphore, #tpu.memory_space<semaphore_mem>>
      tpu.enqueue_indirect_dma source(%dma_start3A_1841 : memref<1000000x64xf32, #tpu.memory_space<hbm>>) target(%dma_start3A_1835 : memref<112x64xf32, #tpu.memory_space<vmem>>) offsets(%dma_start3A_1838 : memref<112xi32, #tpu.memory_space<vmem>>) semaphore(%dma_start3A_1843 : memref<!tpu.dma_semaphore, #tpu.memory_space<semaphore_mem>>)
      %mul3A_1844 = arith.constant 112 : i32
      %mul3A_1845 = arith.muli %add3A_1792, %mul3A_1844 : i32
      %add3A_1846 = arith.addi %mul3A_2, %mul3A_1845 : i32
      %dma_start3A_1847 = arith.constant 3 : i32
      %dma_start3A_1848 = arith.constant 3 : i32
      %dma_start3A_1849 = arith.constant 0 : i32
      %dma_start3A_1850 = arith.constant 0 : i32
      %dma_start3A_1851 = tpu.memref_slice %arg8[%dma_start3A_1847, %dma_start3A_1849, %dma_start3A_1850] : memref<11x112x64xf32, #tpu.memory_space<vmem>> -> memref<1x112x64xf32, #tpu.memory_space<vmem>>
      %dma_start3A_1852 = tpu.memref_squeeze %dma_start3A_1851 : memref<1x112x64xf32, #tpu.memory_space<vmem>> -> memref<112x64xf32, #tpu.memory_space<vmem>>
      %dma_start3A_1853 = arith.constant 0 : i32
      %dma_start3A_1854 = tpu.memref_slice %arg6[%add3A_1846, %dma_start3A_1853] : memref<315392x64xf32, #tpu.memory_space<hbm>> -> memref<112x64xf32, #tpu.memory_space<hbm>>
      %dma_start3A_1855 = tpu.memref_slice %arg12[%dma_start3A_1848] : memref<11x!tpu.dma_semaphore, #tpu.memory_space<semaphore_mem>> -> memref<1x!tpu.dma_semaphore, #tpu.memory_space<semaphore_mem>>
      %dma_start3A_1856 = tpu.memref_squeeze %dma_start3A_1855 : memref<1x!tpu.dma_semaphore, #tpu.memory_space<semaphore_mem>> -> memref<!tpu.dma_semaphore, #tpu.memory_space<semaphore_mem>>
      %dma_start3A_1857 = arith.constant 0 : i32
      %dma_start3A_1858 = tpu.memref_slice %arg6[%add3A_1846, %dma_start3A_1857] : memref<315392x64xf32, #tpu.memory_space<hbm>> -> memref<112x64xf32, #tpu.memory_space<hbm>>
      %dma_start3A_1859 = arith.constant 0 : i32
      %dma_start3A_1860 = arith.constant 0 : i32
      %dma_start3A_1861 = tpu.memref_slice %arg8[%dma_start3A_1847, %dma_start3A_1859, %dma_start3A_1860] : memref<11x112x64xf32, #tpu.memory_space<vmem>> -> memref<1x112x64xf32, #tpu.memory_space<vmem>>
      %dma_start3A_1862 = tpu.memref_squeeze %dma_start3A_1861 : memref<1x112x64xf32, #tpu.memory_space<vmem>> -> memref<112x64xf32, #tpu.memory_space<vmem>>
      tpu.enqueue_dma source(%dma_start3A_1862 : memref<112x64xf32, #tpu.memory_space<vmem>>) target(%dma_start3A_1858 : memref<112x64xf32, #tpu.memory_space<hbm>>) target_semaphore(%dma_start3A_1856 : memref<!tpu.dma_semaphore, #tpu.memory_space<semaphore_mem>>)
      %add3A_1863 = arith.constant 4 : i32
      %add3A_1864 = arith.addi %mul3A_1575, %add3A_1863 : i32
      %dma_wait3A_1865 = arith.constant 4 : i32
      %dma_wait3A_1866 = arith.constant 4 : i32
      %dma_wait3A_1867 = arith.constant 0 : i32
      %dma_wait3A_1868 = arith.constant 0 : i32
      %dma_wait3A_1869 = tpu.memref_slice %arg8[%dma_wait3A_1865, %dma_wait3A_1867, %dma_wait3A_1868] : memref<11x112x64xf32, #tpu.memory_space<vmem>> -> memref<1x112x64xf32, #tpu.memory_space<vmem>>
      %dma_wait3A_1870 = tpu.memref_squeeze %dma_wait3A_1869 : memref<1x112x64xf32, #tpu.memory_space<vmem>> -> memref<112x64xf32, #tpu.memory_space<vmem>>
      %dma_wait3A_1871 = arith.constant 0 : i32
      %dma_wait3A_1872 = tpu.memref_slice %arg7[%add3A_1864, %dma_wait3A_1871] : memref<88x112xi32, #tpu.memory_space<vmem>> -> memref<1x112xi32, #tpu.memory_space<vmem>>
      %dma_wait3A_1873 = tpu.memref_squeeze %dma_wait3A_1872 : memref<1x112xi32, #tpu.memory_space<vmem>> -> memref<112xi32, #tpu.memory_space<vmem>>
      %dma_wait3A_1874 = arith.constant 0 : i32
      %dma_wait3A_1875 = arith.constant 0 : i32
      %dma_wait3A_1876 = tpu.memref_slice %arg5[%dma_wait3A_1874, %dma_wait3A_1875] : memref<1000000x64xf32, #tpu.memory_space<hbm>> -> memref<1000000x64xf32, #tpu.memory_space<hbm>>
      %dma_wait3A_1877 = tpu.memref_slice %arg11[%dma_wait3A_1866] : memref<11x!tpu.dma_semaphore, #tpu.memory_space<semaphore_mem>> -> memref<1x!tpu.dma_semaphore, #tpu.memory_space<semaphore_mem>>
      %dma_wait3A_1878 = tpu.memref_squeeze %dma_wait3A_1877 : memref<1x!tpu.dma_semaphore, #tpu.memory_space<semaphore_mem>> -> memref<!tpu.dma_semaphore, #tpu.memory_space<semaphore_mem>>
      tpu.wait_indirect_dma semaphore(%dma_wait3A_1878 : memref<!tpu.dma_semaphore, #tpu.memory_space<semaphore_mem>>) src(%dma_wait3A_1876 : memref<1000000x64xf32, #tpu.memory_space<hbm>>) dst(%dma_wait3A_1870 : memref<112x64xf32, #tpu.memory_space<vmem>>)
      %sub3A_1879 = arith.constant 5 : i32
      %sub3A_1880 = arith.subi %add3A_1864, %sub3A_1879 : i32
      %mul3A_1881 = arith.constant 112 : i32
      %mul3A_1882 = arith.muli %sub3A_1880, %mul3A_1881 : i32
      %add3A_1883 = arith.addi %mul3A_2, %mul3A_1882 : i32
      %dma_wait3A_1884 = arith.constant 10 : i32
      %dma_wait3A_1885 = arith.constant 10 : i32
      %dma_wait3A_1886 = arith.constant 0 : i32
      %dma_wait3A_1887 = arith.constant 0 : i32
      %dma_wait3A_1888 = tpu.memref_slice %arg8[%dma_wait3A_1884, %dma_wait3A_1886, %dma_wait3A_1887] : memref<11x112x64xf32, #tpu.memory_space<vmem>> -> memref<1x112x64xf32, #tpu.memory_space<vmem>>
      %dma_wait3A_1889 = tpu.memref_squeeze %dma_wait3A_1888 : memref<1x112x64xf32, #tpu.memory_space<vmem>> -> memref<112x64xf32, #tpu.memory_space<vmem>>
      %dma_wait3A_1890 = arith.constant 0 : i32
      %dma_wait3A_1891 = tpu.memref_slice %arg6[%add3A_1883, %dma_wait3A_1890] : memref<315392x64xf32, #tpu.memory_space<hbm>> -> memref<112x64xf32, #tpu.memory_space<hbm>>
      %dma_wait3A_1892 = tpu.memref_slice %arg12[%dma_wait3A_1885] : memref<11x!tpu.dma_semaphore, #tpu.memory_space<semaphore_mem>> -> memref<1x!tpu.dma_semaphore, #tpu.memory_space<semaphore_mem>>
      %dma_wait3A_1893 = tpu.memref_squeeze %dma_wait3A_1892 : memref<1x!tpu.dma_semaphore, #tpu.memory_space<semaphore_mem>> -> memref<!tpu.dma_semaphore, #tpu.memory_space<semaphore_mem>>
      %dma_wait3A_1894 = arith.constant 0 : i32
      %dma_wait3A_1895 = tpu.memref_slice %arg6[%add3A_1883, %dma_wait3A_1894] : memref<315392x64xf32, #tpu.memory_space<hbm>> -> memref<112x64xf32, #tpu.memory_space<hbm>>
      %dma_wait3A_1896 = arith.constant 0 : i32
      %dma_wait3A_1897 = arith.constant 0 : i32
      %dma_wait3A_1898 = tpu.memref_slice %arg8[%dma_wait3A_1884, %dma_wait3A_1896, %dma_wait3A_1897] : memref<11x112x64xf32, #tpu.memory_space<vmem>> -> memref<1x112x64xf32, #tpu.memory_space<vmem>>
      %dma_wait3A_1899 = tpu.memref_squeeze %dma_wait3A_1898 : memref<1x112x64xf32, #tpu.memory_space<vmem>> -> memref<112x64xf32, #tpu.memory_space<vmem>>
      tpu.wait_dma2 semaphore(%dma_wait3A_1893 : memref<!tpu.dma_semaphore, #tpu.memory_space<semaphore_mem>>) src(%dma_wait3A_1899 : memref<112x64xf32, #tpu.memory_space<vmem>>) dst(%dma_wait3A_1895 : memref<112x64xf32, #tpu.memory_space<hbm>>)
      %add3A_1900 = arith.constant 6 : i32
      %add3A_1901 = arith.addi %add3A_1864, %add3A_1900 : i32
      %dma_start3A_1902 = arith.constant 10 : i32
      %dma_start3A_1903 = arith.constant 10 : i32
      %dma_start3A_1904 = arith.constant 0 : i32
      %dma_start3A_1905 = arith.constant 0 : i32
      %dma_start3A_1906 = tpu.memref_slice %arg8[%dma_start3A_1902, %dma_start3A_1904, %dma_start3A_1905] : memref<11x112x64xf32, #tpu.memory_space<vmem>> -> memref<1x112x64xf32, #tpu.memory_space<vmem>>
      %dma_start3A_1907 = tpu.memref_squeeze %dma_start3A_1906 : memref<1x112x64xf32, #tpu.memory_space<vmem>> -> memref<112x64xf32, #tpu.memory_space<vmem>>
      %dma_start3A_1908 = arith.constant 0 : i32
      %dma_start3A_1909 = tpu.memref_slice %arg7[%add3A_1901, %dma_start3A_1908] : memref<88x112xi32, #tpu.memory_space<vmem>> -> memref<1x112xi32, #tpu.memory_space<vmem>>
      %dma_start3A_1910 = tpu.memref_squeeze %dma_start3A_1909 : memref<1x112xi32, #tpu.memory_space<vmem>> -> memref<112xi32, #tpu.memory_space<vmem>>
      %dma_start3A_1911 = arith.constant 0 : i32
      %dma_start3A_1912 = arith.constant 0 : i32
      %dma_start3A_1913 = tpu.memref_slice %arg5[%dma_start3A_1911, %dma_start3A_1912] : memref<1000000x64xf32, #tpu.memory_space<hbm>> -> memref<1000000x64xf32, #tpu.memory_space<hbm>>
      %dma_start3A_1914 = tpu.memref_slice %arg11[%dma_start3A_1903] : memref<11x!tpu.dma_semaphore, #tpu.memory_space<semaphore_mem>> -> memref<1x!tpu.dma_semaphore, #tpu.memory_space<semaphore_mem>>
      %dma_start3A_1915 = tpu.memref_squeeze %dma_start3A_1914 : memref<1x!tpu.dma_semaphore, #tpu.memory_space<semaphore_mem>> -> memref<!tpu.dma_semaphore, #tpu.memory_space<semaphore_mem>>
      tpu.enqueue_indirect_dma source(%dma_start3A_1913 : memref<1000000x64xf32, #tpu.memory_space<hbm>>) target(%dma_start3A_1907 : memref<112x64xf32, #tpu.memory_space<vmem>>) offsets(%dma_start3A_1910 : memref<112xi32, #tpu.memory_space<vmem>>) semaphore(%dma_start3A_1915 : memref<!tpu.dma_semaphore, #tpu.memory_space<semaphore_mem>>)
      %mul3A_1916 = arith.constant 112 : i32
      %mul3A_1917 = arith.muli %add3A_1864, %mul3A_1916 : i32
      %add3A_1918 = arith.addi %mul3A_2, %mul3A_1917 : i32
      %dma_start3A_1919 = arith.constant 4 : i32
      %dma_start3A_1920 = arith.constant 4 : i32
      %dma_start3A_1921 = arith.constant 0 : i32
      %dma_start3A_1922 = arith.constant 0 : i32
      %dma_start3A_1923 = tpu.memref_slice %arg8[%dma_start3A_1919, %dma_start3A_1921, %dma_start3A_1922] : memref<11x112x64xf32, #tpu.memory_space<vmem>> -> memref<1x112x64xf32, #tpu.memory_space<vmem>>
      %dma_start3A_1924 = tpu.memref_squeeze %dma_start3A_1923 : memref<1x112x64xf32, #tpu.memory_space<vmem>> -> memref<112x64xf32, #tpu.memory_space<vmem>>
      %dma_start3A_1925 = arith.constant 0 : i32
      %dma_start3A_1926 = tpu.memref_slice %arg6[%add3A_1918, %dma_start3A_1925] : memref<315392x64xf32, #tpu.memory_space<hbm>> -> memref<112x64xf32, #tpu.memory_space<hbm>>
      %dma_start3A_1927 = tpu.memref_slice %arg12[%dma_start3A_1920] : memref<11x!tpu.dma_semaphore, #tpu.memory_space<semaphore_mem>> -> memref<1x!tpu.dma_semaphore, #tpu.memory_space<semaphore_mem>>
      %dma_start3A_1928 = tpu.memref_squeeze %dma_start3A_1927 : memref<1x!tpu.dma_semaphore, #tpu.memory_space<semaphore_mem>> -> memref<!tpu.dma_semaphore, #tpu.memory_space<semaphore_mem>>
      %dma_start3A_1929 = arith.constant 0 : i32
      %dma_start3A_1930 = tpu.memref_slice %arg6[%add3A_1918, %dma_start3A_1929] : memref<315392x64xf32, #tpu.memory_space<hbm>> -> memref<112x64xf32, #tpu.memory_space<hbm>>
      %dma_start3A_1931 = arith.constant 0 : i32
      %dma_start3A_1932 = arith.constant 0 : i32
      %dma_start3A_1933 = tpu.memref_slice %arg8[%dma_start3A_1919, %dma_start3A_1931, %dma_start3A_1932] : memref<11x112x64xf32, #tpu.memory_space<vmem>> -> memref<1x112x64xf32, #tpu.memory_space<vmem>>
      %dma_start3A_1934 = tpu.memref_squeeze %dma_start3A_1933 : memref<1x112x64xf32, #tpu.memory_space<vmem>> -> memref<112x64xf32, #tpu.memory_space<vmem>>
      tpu.enqueue_dma source(%dma_start3A_1934 : memref<112x64xf32, #tpu.memory_space<vmem>>) target(%dma_start3A_1930 : memref<112x64xf32, #tpu.memory_space<hbm>>) target_semaphore(%dma_start3A_1928 : memref<!tpu.dma_semaphore, #tpu.memory_space<semaphore_mem>>)
      %add3A_1935 = arith.constant 5 : i32
      %add3A_1936 = arith.addi %mul3A_1575, %add3A_1935 : i32
      %dma_wait3A_1937 = arith.constant 5 : i32
      %dma_wait3A_1938 = arith.constant 5 : i32
      %dma_wait3A_1939 = arith.constant 0 : i32
      %dma_wait3A_1940 = arith.constant 0 : i32
      %dma_wait3A_1941 = tpu.memref_slice %arg8[%dma_wait3A_1937, %dma_wait3A_1939, %dma_wait3A_1940] : memref<11x112x64xf32, #tpu.memory_space<vmem>> -> memref<1x112x64xf32, #tpu.memory_space<vmem>>
      %dma_wait3A_1942 = tpu.memref_squeeze %dma_wait3A_1941 : memref<1x112x64xf32, #tpu.memory_space<vmem>> -> memref<112x64xf32, #tpu.memory_space<vmem>>
      %dma_wait3A_1943 = arith.constant 0 : i32
      %dma_wait3A_1944 = tpu.memref_slice %arg7[%add3A_1936, %dma_wait3A_1943] : memref<88x112xi32, #tpu.memory_space<vmem>> -> memref<1x112xi32, #tpu.memory_space<vmem>>
      %dma_wait3A_1945 = tpu.memref_squeeze %dma_wait3A_1944 : memref<1x112xi32, #tpu.memory_space<vmem>> -> memref<112xi32, #tpu.memory_space<vmem>>
      %dma_wait3A_1946 = arith.constant 0 : i32
      %dma_wait3A_1947 = arith.constant 0 : i32
      %dma_wait3A_1948 = tpu.memref_slice %arg5[%dma_wait3A_1946, %dma_wait3A_1947] : memref<1000000x64xf32, #tpu.memory_space<hbm>> -> memref<1000000x64xf32, #tpu.memory_space<hbm>>
      %dma_wait3A_1949 = tpu.memref_slice %arg11[%dma_wait3A_1938] : memref<11x!tpu.dma_semaphore, #tpu.memory_space<semaphore_mem>> -> memref<1x!tpu.dma_semaphore, #tpu.memory_space<semaphore_mem>>
      %dma_wait3A_1950 = tpu.memref_squeeze %dma_wait3A_1949 : memref<1x!tpu.dma_semaphore, #tpu.memory_space<semaphore_mem>> -> memref<!tpu.dma_semaphore, #tpu.memory_space<semaphore_mem>>
      tpu.wait_indirect_dma semaphore(%dma_wait3A_1950 : memref<!tpu.dma_semaphore, #tpu.memory_space<semaphore_mem>>) src(%dma_wait3A_1948 : memref<1000000x64xf32, #tpu.memory_space<hbm>>) dst(%dma_wait3A_1942 : memref<112x64xf32, #tpu.memory_space<vmem>>)
      %sub3A_1951 = arith.constant 5 : i32
      %sub3A_1952 = arith.subi %add3A_1936, %sub3A_1951 : i32
      %mul3A_1953 = arith.constant 112 : i32
      %mul3A_1954 = arith.muli %sub3A_1952, %mul3A_1953 : i32
      %add3A_1955 = arith.addi %mul3A_2, %mul3A_1954 : i32
      %dma_wait3A_1956 = arith.constant 0 : i32
      %dma_wait3A_1957 = arith.constant 0 : i32
      %dma_wait3A_1958 = arith.constant 0 : i32
      %dma_wait3A_1959 = arith.constant 0 : i32
      %dma_wait3A_1960 = tpu.memref_slice %arg8[%dma_wait3A_1956, %dma_wait3A_1958, %dma_wait3A_1959] : memref<11x112x64xf32, #tpu.memory_space<vmem>> -> memref<1x112x64xf32, #tpu.memory_space<vmem>>
      %dma_wait3A_1961 = tpu.memref_squeeze %dma_wait3A_1960 : memref<1x112x64xf32, #tpu.memory_space<vmem>> -> memref<112x64xf32, #tpu.memory_space<vmem>>
      %dma_wait3A_1962 = arith.constant 0 : i32
      %dma_wait3A_1963 = tpu.memref_slice %arg6[%add3A_1955, %dma_wait3A_1962] : memref<315392x64xf32, #tpu.memory_space<hbm>> -> memref<112x64xf32, #tpu.memory_space<hbm>>
      %dma_wait3A_1964 = tpu.memref_slice %arg12[%dma_wait3A_1957] : memref<11x!tpu.dma_semaphore, #tpu.memory_space<semaphore_mem>> -> memref<1x!tpu.dma_semaphore, #tpu.memory_space<semaphore_mem>>
      %dma_wait3A_1965 = tpu.memref_squeeze %dma_wait3A_1964 : memref<1x!tpu.dma_semaphore, #tpu.memory_space<semaphore_mem>> -> memref<!tpu.dma_semaphore, #tpu.memory_space<semaphore_mem>>
      %dma_wait3A_1966 = arith.constant 0 : i32
      %dma_wait3A_1967 = tpu.memref_slice %arg6[%add3A_1955, %dma_wait3A_1966] : memref<315392x64xf32, #tpu.memory_space<hbm>> -> memref<112x64xf32, #tpu.memory_space<hbm>>
      %dma_wait3A_1968 = arith.constant 0 : i32
      %dma_wait3A_1969 = arith.constant 0 : i32
      %dma_wait3A_1970 = tpu.memref_slice %arg8[%dma_wait3A_1956, %dma_wait3A_1968, %dma_wait3A_1969] : memref<11x112x64xf32, #tpu.memory_space<vmem>> -> memref<1x112x64xf32, #tpu.memory_space<vmem>>
      %dma_wait3A_1971 = tpu.memref_squeeze %dma_wait3A_1970 : memref<1x112x64xf32, #tpu.memory_space<vmem>> -> memref<112x64xf32, #tpu.memory_space<vmem>>
      tpu.wait_dma2 semaphore(%dma_wait3A_1965 : memref<!tpu.dma_semaphore, #tpu.memory_space<semaphore_mem>>) src(%dma_wait3A_1971 : memref<112x64xf32, #tpu.memory_space<vmem>>) dst(%dma_wait3A_1967 : memref<112x64xf32, #tpu.memory_space<hbm>>)
      %add3A_1972 = arith.constant 6 : i32
      %add3A_1973 = arith.addi %add3A_1936, %add3A_1972 : i32
      %dma_start3A_1974 = arith.constant 0 : i32
      %dma_start3A_1975 = arith.constant 0 : i32
      %dma_start3A_1976 = arith.constant 0 : i32
      %dma_start3A_1977 = arith.constant 0 : i32
      %dma_start3A_1978 = tpu.memref_slice %arg8[%dma_start3A_1974, %dma_start3A_1976, %dma_start3A_1977] : memref<11x112x64xf32, #tpu.memory_space<vmem>> -> memref<1x112x64xf32, #tpu.memory_space<vmem>>
      %dma_start3A_1979 = tpu.memref_squeeze %dma_start3A_1978 : memref<1x112x64xf32, #tpu.memory_space<vmem>> -> memref<112x64xf32, #tpu.memory_space<vmem>>
      %dma_start3A_1980 = arith.constant 0 : i32
      %dma_start3A_1981 = tpu.memref_slice %arg7[%add3A_1973, %dma_start3A_1980] : memref<88x112xi32, #tpu.memory_space<vmem>> -> memref<1x112xi32, #tpu.memory_space<vmem>>
      %dma_start3A_1982 = tpu.memref_squeeze %dma_start3A_1981 : memref<1x112xi32, #tpu.memory_space<vmem>> -> memref<112xi32, #tpu.memory_space<vmem>>
      %dma_start3A_1983 = arith.constant 0 : i32
      %dma_start3A_1984 = arith.constant 0 : i32
      %dma_start3A_1985 = tpu.memref_slice %arg5[%dma_start3A_1983, %dma_start3A_1984] : memref<1000000x64xf32, #tpu.memory_space<hbm>> -> memref<1000000x64xf32, #tpu.memory_space<hbm>>
      %dma_start3A_1986 = tpu.memref_slice %arg11[%dma_start3A_1975] : memref<11x!tpu.dma_semaphore, #tpu.memory_space<semaphore_mem>> -> memref<1x!tpu.dma_semaphore, #tpu.memory_space<semaphore_mem>>
      %dma_start3A_1987 = tpu.memref_squeeze %dma_start3A_1986 : memref<1x!tpu.dma_semaphore, #tpu.memory_space<semaphore_mem>> -> memref<!tpu.dma_semaphore, #tpu.memory_space<semaphore_mem>>
      tpu.enqueue_indirect_dma source(%dma_start3A_1985 : memref<1000000x64xf32, #tpu.memory_space<hbm>>) target(%dma_start3A_1979 : memref<112x64xf32, #tpu.memory_space<vmem>>) offsets(%dma_start3A_1982 : memref<112xi32, #tpu.memory_space<vmem>>) semaphore(%dma_start3A_1987 : memref<!tpu.dma_semaphore, #tpu.memory_space<semaphore_mem>>)
      %mul3A_1988 = arith.constant 112 : i32
      %mul3A_1989 = arith.muli %add3A_1936, %mul3A_1988 : i32
      %add3A_1990 = arith.addi %mul3A_2, %mul3A_1989 : i32
      %dma_start3A_1991 = arith.constant 5 : i32
      %dma_start3A_1992 = arith.constant 5 : i32
      %dma_start3A_1993 = arith.constant 0 : i32
      %dma_start3A_1994 = arith.constant 0 : i32
      %dma_start3A_1995 = tpu.memref_slice %arg8[%dma_start3A_1991, %dma_start3A_1993, %dma_start3A_1994] : memref<11x112x64xf32, #tpu.memory_space<vmem>> -> memref<1x112x64xf32, #tpu.memory_space<vmem>>
      %dma_start3A_1996 = tpu.memref_squeeze %dma_start3A_1995 : memref<1x112x64xf32, #tpu.memory_space<vmem>> -> memref<112x64xf32, #tpu.memory_space<vmem>>
      %dma_start3A_1997 = arith.constant 0 : i32
      %dma_start3A_1998 = tpu.memref_slice %arg6[%add3A_1990, %dma_start3A_1997] : memref<315392x64xf32, #tpu.memory_space<hbm>> -> memref<112x64xf32, #tpu.memory_space<hbm>>
      %dma_start3A_1999 = tpu.memref_slice %arg12[%dma_start3A_1992] : memref<11x!tpu.dma_semaphore, #tpu.memory_space<semaphore_mem>> -> memref<1x!tpu.dma_semaphore, #tpu.memory_space<semaphore_mem>>
      %dma_start3A_2000 = tpu.memref_squeeze %dma_start3A_1999 : memref<1x!tpu.dma_semaphore, #tpu.memory_space<semaphore_mem>> -> memref<!tpu.dma_semaphore, #tpu.memory_space<semaphore_mem>>
      %dma_start3A_2001 = arith.constant 0 : i32
      %dma_start3A_2002 = tpu.memref_slice %arg6[%add3A_1990, %dma_start3A_2001] : memref<315392x64xf32, #tpu.memory_space<hbm>> -> memref<112x64xf32, #tpu.memory_space<hbm>>
      %dma_start3A_2003 = arith.constant 0 : i32
      %dma_start3A_2004 = arith.constant 0 : i32
      %dma_start3A_2005 = tpu.memref_slice %arg8[%dma_start3A_1991, %dma_start3A_2003, %dma_start3A_2004] : memref<11x112x64xf32, #tpu.memory_space<vmem>> -> memref<1x112x64xf32, #tpu.memory_space<vmem>>
      %dma_start3A_2006 = tpu.memref_squeeze %dma_start3A_2005 : memref<1x112x64xf32, #tpu.memory_space<vmem>> -> memref<112x64xf32, #tpu.memory_space<vmem>>
      tpu.enqueue_dma source(%dma_start3A_2006 : memref<112x64xf32, #tpu.memory_space<vmem>>) target(%dma_start3A_2002 : memref<112x64xf32, #tpu.memory_space<hbm>>) target_semaphore(%dma_start3A_2000 : memref<!tpu.dma_semaphore, #tpu.memory_space<semaphore_mem>>)
      %add3A_2007 = arith.constant 6 : i32
      %add3A_2008 = arith.addi %mul3A_1575, %add3A_2007 : i32
      %dma_wait3A_2009 = arith.constant 6 : i32
      %dma_wait3A_2010 = arith.constant 6 : i32
      %dma_wait3A_2011 = arith.constant 0 : i32
      %dma_wait3A_2012 = arith.constant 0 : i32
      %dma_wait3A_2013 = tpu.memref_slice %arg8[%dma_wait3A_2009, %dma_wait3A_2011, %dma_wait3A_2012] : memref<11x112x64xf32, #tpu.memory_space<vmem>> -> memref<1x112x64xf32, #tpu.memory_space<vmem>>
      %dma_wait3A_2014 = tpu.memref_squeeze %dma_wait3A_2013 : memref<1x112x64xf32, #tpu.memory_space<vmem>> -> memref<112x64xf32, #tpu.memory_space<vmem>>
      %dma_wait3A_2015 = arith.constant 0 : i32
      %dma_wait3A_2016 = tpu.memref_slice %arg7[%add3A_2008, %dma_wait3A_2015] : memref<88x112xi32, #tpu.memory_space<vmem>> -> memref<1x112xi32, #tpu.memory_space<vmem>>
      %dma_wait3A_2017 = tpu.memref_squeeze %dma_wait3A_2016 : memref<1x112xi32, #tpu.memory_space<vmem>> -> memref<112xi32, #tpu.memory_space<vmem>>
      %dma_wait3A_2018 = arith.constant 0 : i32
      %dma_wait3A_2019 = arith.constant 0 : i32
      %dma_wait3A_2020 = tpu.memref_slice %arg5[%dma_wait3A_2018, %dma_wait3A_2019] : memref<1000000x64xf32, #tpu.memory_space<hbm>> -> memref<1000000x64xf32, #tpu.memory_space<hbm>>
      %dma_wait3A_2021 = tpu.memref_slice %arg11[%dma_wait3A_2010] : memref<11x!tpu.dma_semaphore, #tpu.memory_space<semaphore_mem>> -> memref<1x!tpu.dma_semaphore, #tpu.memory_space<semaphore_mem>>
      %dma_wait3A_2022 = tpu.memref_squeeze %dma_wait3A_2021 : memref<1x!tpu.dma_semaphore, #tpu.memory_space<semaphore_mem>> -> memref<!tpu.dma_semaphore, #tpu.memory_space<semaphore_mem>>
      tpu.wait_indirect_dma semaphore(%dma_wait3A_2022 : memref<!tpu.dma_semaphore, #tpu.memory_space<semaphore_mem>>) src(%dma_wait3A_2020 : memref<1000000x64xf32, #tpu.memory_space<hbm>>) dst(%dma_wait3A_2014 : memref<112x64xf32, #tpu.memory_space<vmem>>)
      %sub3A_2023 = arith.constant 5 : i32
      %sub3A_2024 = arith.subi %add3A_2008, %sub3A_2023 : i32
      %mul3A_2025 = arith.constant 112 : i32
      %mul3A_2026 = arith.muli %sub3A_2024, %mul3A_2025 : i32
      %add3A_2027 = arith.addi %mul3A_2, %mul3A_2026 : i32
      %dma_wait3A_2028 = arith.constant 1 : i32
      %dma_wait3A_2029 = arith.constant 1 : i32
      %dma_wait3A_2030 = arith.constant 0 : i32
      %dma_wait3A_2031 = arith.constant 0 : i32
      %dma_wait3A_2032 = tpu.memref_slice %arg8[%dma_wait3A_2028, %dma_wait3A_2030, %dma_wait3A_2031] : memref<11x112x64xf32, #tpu.memory_space<vmem>> -> memref<1x112x64xf32, #tpu.memory_space<vmem>>
      %dma_wait3A_2033 = tpu.memref_squeeze %dma_wait3A_2032 : memref<1x112x64xf32, #tpu.memory_space<vmem>> -> memref<112x64xf32, #tpu.memory_space<vmem>>
      %dma_wait3A_2034 = arith.constant 0 : i32
      %dma_wait3A_2035 = tpu.memref_slice %arg6[%add3A_2027, %dma_wait3A_2034] : memref<315392x64xf32, #tpu.memory_space<hbm>> -> memref<112x64xf32, #tpu.memory_space<hbm>>
      %dma_wait3A_2036 = tpu.memref_slice %arg12[%dma_wait3A_2029] : memref<11x!tpu.dma_semaphore, #tpu.memory_space<semaphore_mem>> -> memref<1x!tpu.dma_semaphore, #tpu.memory_space<semaphore_mem>>
      %dma_wait3A_2037 = tpu.memref_squeeze %dma_wait3A_2036 : memref<1x!tpu.dma_semaphore, #tpu.memory_space<semaphore_mem>> -> memref<!tpu.dma_semaphore, #tpu.memory_space<semaphore_mem>>
      %dma_wait3A_2038 = arith.constant 0 : i32
      %dma_wait3A_2039 = tpu.memref_slice %arg6[%add3A_2027, %dma_wait3A_2038] : memref<315392x64xf32, #tpu.memory_space<hbm>> -> memref<112x64xf32, #tpu.memory_space<hbm>>
      %dma_wait3A_2040 = arith.constant 0 : i32
      %dma_wait3A_2041 = arith.constant 0 : i32
      %dma_wait3A_2042 = tpu.memref_slice %arg8[%dma_wait3A_2028, %dma_wait3A_2040, %dma_wait3A_2041] : memref<11x112x64xf32, #tpu.memory_space<vmem>> -> memref<1x112x64xf32, #tpu.memory_space<vmem>>
      %dma_wait3A_2043 = tpu.memref_squeeze %dma_wait3A_2042 : memref<1x112x64xf32, #tpu.memory_space<vmem>> -> memref<112x64xf32, #tpu.memory_space<vmem>>
      tpu.wait_dma2 semaphore(%dma_wait3A_2037 : memref<!tpu.dma_semaphore, #tpu.memory_space<semaphore_mem>>) src(%dma_wait3A_2043 : memref<112x64xf32, #tpu.memory_space<vmem>>) dst(%dma_wait3A_2039 : memref<112x64xf32, #tpu.memory_space<hbm>>)
      %add3A_2044 = arith.constant 6 : i32
      %add3A_2045 = arith.addi %add3A_2008, %add3A_2044 : i32
      %dma_start3A_2046 = arith.constant 1 : i32
      %dma_start3A_2047 = arith.constant 1 : i32
      %dma_start3A_2048 = arith.constant 0 : i32
      %dma_start3A_2049 = arith.constant 0 : i32
      %dma_start3A_2050 = tpu.memref_slice %arg8[%dma_start3A_2046, %dma_start3A_2048, %dma_start3A_2049] : memref<11x112x64xf32, #tpu.memory_space<vmem>> -> memref<1x112x64xf32, #tpu.memory_space<vmem>>
      %dma_start3A_2051 = tpu.memref_squeeze %dma_start3A_2050 : memref<1x112x64xf32, #tpu.memory_space<vmem>> -> memref<112x64xf32, #tpu.memory_space<vmem>>
      %dma_start3A_2052 = arith.constant 0 : i32
      %dma_start3A_2053 = tpu.memref_slice %arg7[%add3A_2045, %dma_start3A_2052] : memref<88x112xi32, #tpu.memory_space<vmem>> -> memref<1x112xi32, #tpu.memory_space<vmem>>
      %dma_start3A_2054 = tpu.memref_squeeze %dma_start3A_2053 : memref<1x112xi32, #tpu.memory_space<vmem>> -> memref<112xi32, #tpu.memory_space<vmem>>
      %dma_start3A_2055 = arith.constant 0 : i32
      %dma_start3A_2056 = arith.constant 0 : i32
      %dma_start3A_2057 = tpu.memref_slice %arg5[%dma_start3A_2055, %dma_start3A_2056] : memref<1000000x64xf32, #tpu.memory_space<hbm>> -> memref<1000000x64xf32, #tpu.memory_space<hbm>>
      %dma_start3A_2058 = tpu.memref_slice %arg11[%dma_start3A_2047] : memref<11x!tpu.dma_semaphore, #tpu.memory_space<semaphore_mem>> -> memref<1x!tpu.dma_semaphore, #tpu.memory_space<semaphore_mem>>
      %dma_start3A_2059 = tpu.memref_squeeze %dma_start3A_2058 : memref<1x!tpu.dma_semaphore, #tpu.memory_space<semaphore_mem>> -> memref<!tpu.dma_semaphore, #tpu.memory_space<semaphore_mem>>
      tpu.enqueue_indirect_dma source(%dma_start3A_2057 : memref<1000000x64xf32, #tpu.memory_space<hbm>>) target(%dma_start3A_2051 : memref<112x64xf32, #tpu.memory_space<vmem>>) offsets(%dma_start3A_2054 : memref<112xi32, #tpu.memory_space<vmem>>) semaphore(%dma_start3A_2059 : memref<!tpu.dma_semaphore, #tpu.memory_space<semaphore_mem>>)
      %mul3A_2060 = arith.constant 112 : i32
      %mul3A_2061 = arith.muli %add3A_2008, %mul3A_2060 : i32
      %add3A_2062 = arith.addi %mul3A_2, %mul3A_2061 : i32
      %dma_start3A_2063 = arith.constant 6 : i32
      %dma_start3A_2064 = arith.constant 6 : i32
      %dma_start3A_2065 = arith.constant 0 : i32
      %dma_start3A_2066 = arith.constant 0 : i32
      %dma_start3A_2067 = tpu.memref_slice %arg8[%dma_start3A_2063, %dma_start3A_2065, %dma_start3A_2066] : memref<11x112x64xf32, #tpu.memory_space<vmem>> -> memref<1x112x64xf32, #tpu.memory_space<vmem>>
      %dma_start3A_2068 = tpu.memref_squeeze %dma_start3A_2067 : memref<1x112x64xf32, #tpu.memory_space<vmem>> -> memref<112x64xf32, #tpu.memory_space<vmem>>
      %dma_start3A_2069 = arith.constant 0 : i32
      %dma_start3A_2070 = tpu.memref_slice %arg6[%add3A_2062, %dma_start3A_2069] : memref<315392x64xf32, #tpu.memory_space<hbm>> -> memref<112x64xf32, #tpu.memory_space<hbm>>
      %dma_start3A_2071 = tpu.memref_slice %arg12[%dma_start3A_2064] : memref<11x!tpu.dma_semaphore, #tpu.memory_space<semaphore_mem>> -> memref<1x!tpu.dma_semaphore, #tpu.memory_space<semaphore_mem>>
      %dma_start3A_2072 = tpu.memref_squeeze %dma_start3A_2071 : memref<1x!tpu.dma_semaphore, #tpu.memory_space<semaphore_mem>> -> memref<!tpu.dma_semaphore, #tpu.memory_space<semaphore_mem>>
      %dma_start3A_2073 = arith.constant 0 : i32
      %dma_start3A_2074 = tpu.memref_slice %arg6[%add3A_2062, %dma_start3A_2073] : memref<315392x64xf32, #tpu.memory_space<hbm>> -> memref<112x64xf32, #tpu.memory_space<hbm>>
      %dma_start3A_2075 = arith.constant 0 : i32
      %dma_start3A_2076 = arith.constant 0 : i32
      %dma_start3A_2077 = tpu.memref_slice %arg8[%dma_start3A_2063, %dma_start3A_2075, %dma_start3A_2076] : memref<11x112x64xf32, #tpu.memory_space<vmem>> -> memref<1x112x64xf32, #tpu.memory_space<vmem>>
      %dma_start3A_2078 = tpu.memref_squeeze %dma_start3A_2077 : memref<1x112x64xf32, #tpu.memory_space<vmem>> -> memref<112x64xf32, #tpu.memory_space<vmem>>
      tpu.enqueue_dma source(%dma_start3A_2078 : memref<112x64xf32, #tpu.memory_space<vmem>>) target(%dma_start3A_2074 : memref<112x64xf32, #tpu.memory_space<hbm>>) target_semaphore(%dma_start3A_2072 : memref<!tpu.dma_semaphore, #tpu.memory_space<semaphore_mem>>)
      %add3A_2079 = arith.constant 7 : i32
      %add3A_2080 = arith.addi %mul3A_1575, %add3A_2079 : i32
      %dma_wait3A_2081 = arith.constant 7 : i32
      %dma_wait3A_2082 = arith.constant 7 : i32
      %dma_wait3A_2083 = arith.constant 0 : i32
      %dma_wait3A_2084 = arith.constant 0 : i32
      %dma_wait3A_2085 = tpu.memref_slice %arg8[%dma_wait3A_2081, %dma_wait3A_2083, %dma_wait3A_2084] : memref<11x112x64xf32, #tpu.memory_space<vmem>> -> memref<1x112x64xf32, #tpu.memory_space<vmem>>
      %dma_wait3A_2086 = tpu.memref_squeeze %dma_wait3A_2085 : memref<1x112x64xf32, #tpu.memory_space<vmem>> -> memref<112x64xf32, #tpu.memory_space<vmem>>
      %dma_wait3A_2087 = arith.constant 0 : i32
      %dma_wait3A_2088 = tpu.memref_slice %arg7[%add3A_2080, %dma_wait3A_2087] : memref<88x112xi32, #tpu.memory_space<vmem>> -> memref<1x112xi32, #tpu.memory_space<vmem>>
      %dma_wait3A_2089 = tpu.memref_squeeze %dma_wait3A_2088 : memref<1x112xi32, #tpu.memory_space<vmem>> -> memref<112xi32, #tpu.memory_space<vmem>>
      %dma_wait3A_2090 = arith.constant 0 : i32
      %dma_wait3A_2091 = arith.constant 0 : i32
      %dma_wait3A_2092 = tpu.memref_slice %arg5[%dma_wait3A_2090, %dma_wait3A_2091] : memref<1000000x64xf32, #tpu.memory_space<hbm>> -> memref<1000000x64xf32, #tpu.memory_space<hbm>>
      %dma_wait3A_2093 = tpu.memref_slice %arg11[%dma_wait3A_2082] : memref<11x!tpu.dma_semaphore, #tpu.memory_space<semaphore_mem>> -> memref<1x!tpu.dma_semaphore, #tpu.memory_space<semaphore_mem>>
      %dma_wait3A_2094 = tpu.memref_squeeze %dma_wait3A_2093 : memref<1x!tpu.dma_semaphore, #tpu.memory_space<semaphore_mem>> -> memref<!tpu.dma_semaphore, #tpu.memory_space<semaphore_mem>>
      tpu.wait_indirect_dma semaphore(%dma_wait3A_2094 : memref<!tpu.dma_semaphore, #tpu.memory_space<semaphore_mem>>) src(%dma_wait3A_2092 : memref<1000000x64xf32, #tpu.memory_space<hbm>>) dst(%dma_wait3A_2086 : memref<112x64xf32, #tpu.memory_space<vmem>>)
      %sub3A_2095 = arith.constant 5 : i32
      %sub3A_2096 = arith.subi %add3A_2080, %sub3A_2095 : i32
      %mul3A_2097 = arith.constant 112 : i32
      %mul3A_2098 = arith.muli %sub3A_2096, %mul3A_2097 : i32
      %add3A_2099 = arith.addi %mul3A_2, %mul3A_2098 : i32
      %dma_wait3A_2100 = arith.constant 2 : i32
      %dma_wait3A_2101 = arith.constant 2 : i32
      %dma_wait3A_2102 = arith.constant 0 : i32
      %dma_wait3A_2103 = arith.constant 0 : i32
      %dma_wait3A_2104 = tpu.memref_slice %arg8[%dma_wait3A_2100, %dma_wait3A_2102, %dma_wait3A_2103] : memref<11x112x64xf32, #tpu.memory_space<vmem>> -> memref<1x112x64xf32, #tpu.memory_space<vmem>>
      %dma_wait3A_2105 = tpu.memref_squeeze %dma_wait3A_2104 : memref<1x112x64xf32, #tpu.memory_space<vmem>> -> memref<112x64xf32, #tpu.memory_space<vmem>>
      %dma_wait3A_2106 = arith.constant 0 : i32
      %dma_wait3A_2107 = tpu.memref_slice %arg6[%add3A_2099, %dma_wait3A_2106] : memref<315392x64xf32, #tpu.memory_space<hbm>> -> memref<112x64xf32, #tpu.memory_space<hbm>>
      %dma_wait3A_2108 = tpu.memref_slice %arg12[%dma_wait3A_2101] : memref<11x!tpu.dma_semaphore, #tpu.memory_space<semaphore_mem>> -> memref<1x!tpu.dma_semaphore, #tpu.memory_space<semaphore_mem>>
      %dma_wait3A_2109 = tpu.memref_squeeze %dma_wait3A_2108 : memref<1x!tpu.dma_semaphore, #tpu.memory_space<semaphore_mem>> -> memref<!tpu.dma_semaphore, #tpu.memory_space<semaphore_mem>>
      %dma_wait3A_2110 = arith.constant 0 : i32
      %dma_wait3A_2111 = tpu.memref_slice %arg6[%add3A_2099, %dma_wait3A_2110] : memref<315392x64xf32, #tpu.memory_space<hbm>> -> memref<112x64xf32, #tpu.memory_space<hbm>>
      %dma_wait3A_2112 = arith.constant 0 : i32
      %dma_wait3A_2113 = arith.constant 0 : i32
      %dma_wait3A_2114 = tpu.memref_slice %arg8[%dma_wait3A_2100, %dma_wait3A_2112, %dma_wait3A_2113] : memref<11x112x64xf32, #tpu.memory_space<vmem>> -> memref<1x112x64xf32, #tpu.memory_space<vmem>>
      %dma_wait3A_2115 = tpu.memref_squeeze %dma_wait3A_2114 : memref<1x112x64xf32, #tpu.memory_space<vmem>> -> memref<112x64xf32, #tpu.memory_space<vmem>>
      tpu.wait_dma2 semaphore(%dma_wait3A_2109 : memref<!tpu.dma_semaphore, #tpu.memory_space<semaphore_mem>>) src(%dma_wait3A_2115 : memref<112x64xf32, #tpu.memory_space<vmem>>) dst(%dma_wait3A_2111 : memref<112x64xf32, #tpu.memory_space<hbm>>)
      %add3A_2116 = arith.constant 6 : i32
      %add3A_2117 = arith.addi %add3A_2080, %add3A_2116 : i32
      %dma_start3A_2118 = arith.constant 2 : i32
      %dma_start3A_2119 = arith.constant 2 : i32
      %dma_start3A_2120 = arith.constant 0 : i32
      %dma_start3A_2121 = arith.constant 0 : i32
      %dma_start3A_2122 = tpu.memref_slice %arg8[%dma_start3A_2118, %dma_start3A_2120, %dma_start3A_2121] : memref<11x112x64xf32, #tpu.memory_space<vmem>> -> memref<1x112x64xf32, #tpu.memory_space<vmem>>
      %dma_start3A_2123 = tpu.memref_squeeze %dma_start3A_2122 : memref<1x112x64xf32, #tpu.memory_space<vmem>> -> memref<112x64xf32, #tpu.memory_space<vmem>>
      %dma_start3A_2124 = arith.constant 0 : i32
      %dma_start3A_2125 = tpu.memref_slice %arg7[%add3A_2117, %dma_start3A_2124] : memref<88x112xi32, #tpu.memory_space<vmem>> -> memref<1x112xi32, #tpu.memory_space<vmem>>
      %dma_start3A_2126 = tpu.memref_squeeze %dma_start3A_2125 : memref<1x112xi32, #tpu.memory_space<vmem>> -> memref<112xi32, #tpu.memory_space<vmem>>
      %dma_start3A_2127 = arith.constant 0 : i32
      %dma_start3A_2128 = arith.constant 0 : i32
      %dma_start3A_2129 = tpu.memref_slice %arg5[%dma_start3A_2127, %dma_start3A_2128] : memref<1000000x64xf32, #tpu.memory_space<hbm>> -> memref<1000000x64xf32, #tpu.memory_space<hbm>>
      %dma_start3A_2130 = tpu.memref_slice %arg11[%dma_start3A_2119] : memref<11x!tpu.dma_semaphore, #tpu.memory_space<semaphore_mem>> -> memref<1x!tpu.dma_semaphore, #tpu.memory_space<semaphore_mem>>
      %dma_start3A_2131 = tpu.memref_squeeze %dma_start3A_2130 : memref<1x!tpu.dma_semaphore, #tpu.memory_space<semaphore_mem>> -> memref<!tpu.dma_semaphore, #tpu.memory_space<semaphore_mem>>
      tpu.enqueue_indirect_dma source(%dma_start3A_2129 : memref<1000000x64xf32, #tpu.memory_space<hbm>>) target(%dma_start3A_2123 : memref<112x64xf32, #tpu.memory_space<vmem>>) offsets(%dma_start3A_2126 : memref<112xi32, #tpu.memory_space<vmem>>) semaphore(%dma_start3A_2131 : memref<!tpu.dma_semaphore, #tpu.memory_space<semaphore_mem>>)
      %mul3A_2132 = arith.constant 112 : i32
      %mul3A_2133 = arith.muli %add3A_2080, %mul3A_2132 : i32
      %add3A_2134 = arith.addi %mul3A_2, %mul3A_2133 : i32
      %dma_start3A_2135 = arith.constant 7 : i32
      %dma_start3A_2136 = arith.constant 7 : i32
      %dma_start3A_2137 = arith.constant 0 : i32
      %dma_start3A_2138 = arith.constant 0 : i32
      %dma_start3A_2139 = tpu.memref_slice %arg8[%dma_start3A_2135, %dma_start3A_2137, %dma_start3A_2138] : memref<11x112x64xf32, #tpu.memory_space<vmem>> -> memref<1x112x64xf32, #tpu.memory_space<vmem>>
      %dma_start3A_2140 = tpu.memref_squeeze %dma_start3A_2139 : memref<1x112x64xf32, #tpu.memory_space<vmem>> -> memref<112x64xf32, #tpu.memory_space<vmem>>
      %dma_start3A_2141 = arith.constant 0 : i32
      %dma_start3A_2142 = tpu.memref_slice %arg6[%add3A_2134, %dma_start3A_2141] : memref<315392x64xf32, #tpu.memory_space<hbm>> -> memref<112x64xf32, #tpu.memory_space<hbm>>
      %dma_start3A_2143 = tpu.memref_slice %arg12[%dma_start3A_2136] : memref<11x!tpu.dma_semaphore, #tpu.memory_space<semaphore_mem>> -> memref<1x!tpu.dma_semaphore, #tpu.memory_space<semaphore_mem>>
      %dma_start3A_2144 = tpu.memref_squeeze %dma_start3A_2143 : memref<1x!tpu.dma_semaphore, #tpu.memory_space<semaphore_mem>> -> memref<!tpu.dma_semaphore, #tpu.memory_space<semaphore_mem>>
      %dma_start3A_2145 = arith.constant 0 : i32
      %dma_start3A_2146 = tpu.memref_slice %arg6[%add3A_2134, %dma_start3A_2145] : memref<315392x64xf32, #tpu.memory_space<hbm>> -> memref<112x64xf32, #tpu.memory_space<hbm>>
      %dma_start3A_2147 = arith.constant 0 : i32
      %dma_start3A_2148 = arith.constant 0 : i32
      %dma_start3A_2149 = tpu.memref_slice %arg8[%dma_start3A_2135, %dma_start3A_2147, %dma_start3A_2148] : memref<11x112x64xf32, #tpu.memory_space<vmem>> -> memref<1x112x64xf32, #tpu.memory_space<vmem>>
      %dma_start3A_2150 = tpu.memref_squeeze %dma_start3A_2149 : memref<1x112x64xf32, #tpu.memory_space<vmem>> -> memref<112x64xf32, #tpu.memory_space<vmem>>
      tpu.enqueue_dma source(%dma_start3A_2150 : memref<112x64xf32, #tpu.memory_space<vmem>>) target(%dma_start3A_2146 : memref<112x64xf32, #tpu.memory_space<hbm>>) target_semaphore(%dma_start3A_2144 : memref<!tpu.dma_semaphore, #tpu.memory_space<semaphore_mem>>)
      %add3A_2151 = arith.constant 8 : i32
      %add3A_2152 = arith.addi %mul3A_1575, %add3A_2151 : i32
      %dma_wait3A_2153 = arith.constant 8 : i32
      %dma_wait3A_2154 = arith.constant 8 : i32
      %dma_wait3A_2155 = arith.constant 0 : i32
      %dma_wait3A_2156 = arith.constant 0 : i32
      %dma_wait3A_2157 = tpu.memref_slice %arg8[%dma_wait3A_2153, %dma_wait3A_2155, %dma_wait3A_2156] : memref<11x112x64xf32, #tpu.memory_space<vmem>> -> memref<1x112x64xf32, #tpu.memory_space<vmem>>
      %dma_wait3A_2158 = tpu.memref_squeeze %dma_wait3A_2157 : memref<1x112x64xf32, #tpu.memory_space<vmem>> -> memref<112x64xf32, #tpu.memory_space<vmem>>
      %dma_wait3A_2159 = arith.constant 0 : i32
      %dma_wait3A_2160 = tpu.memref_slice %arg7[%add3A_2152, %dma_wait3A_2159] : memref<88x112xi32, #tpu.memory_space<vmem>> -> memref<1x112xi32, #tpu.memory_space<vmem>>
      %dma_wait3A_2161 = tpu.memref_squeeze %dma_wait3A_2160 : memref<1x112xi32, #tpu.memory_space<vmem>> -> memref<112xi32, #tpu.memory_space<vmem>>
      %dma_wait3A_2162 = arith.constant 0 : i32
      %dma_wait3A_2163 = arith.constant 0 : i32
      %dma_wait3A_2164 = tpu.memref_slice %arg5[%dma_wait3A_2162, %dma_wait3A_2163] : memref<1000000x64xf32, #tpu.memory_space<hbm>> -> memref<1000000x64xf32, #tpu.memory_space<hbm>>
      %dma_wait3A_2165 = tpu.memref_slice %arg11[%dma_wait3A_2154] : memref<11x!tpu.dma_semaphore, #tpu.memory_space<semaphore_mem>> -> memref<1x!tpu.dma_semaphore, #tpu.memory_space<semaphore_mem>>
      %dma_wait3A_2166 = tpu.memref_squeeze %dma_wait3A_2165 : memref<1x!tpu.dma_semaphore, #tpu.memory_space<semaphore_mem>> -> memref<!tpu.dma_semaphore, #tpu.memory_space<semaphore_mem>>
      tpu.wait_indirect_dma semaphore(%dma_wait3A_2166 : memref<!tpu.dma_semaphore, #tpu.memory_space<semaphore_mem>>) src(%dma_wait3A_2164 : memref<1000000x64xf32, #tpu.memory_space<hbm>>) dst(%dma_wait3A_2158 : memref<112x64xf32, #tpu.memory_space<vmem>>)
      %sub3A_2167 = arith.constant 5 : i32
      %sub3A_2168 = arith.subi %add3A_2152, %sub3A_2167 : i32
      %mul3A_2169 = arith.constant 112 : i32
      %mul3A_2170 = arith.muli %sub3A_2168, %mul3A_2169 : i32
      %add3A_2171 = arith.addi %mul3A_2, %mul3A_2170 : i32
      %dma_wait3A_2172 = arith.constant 3 : i32
      %dma_wait3A_2173 = arith.constant 3 : i32
      %dma_wait3A_2174 = arith.constant 0 : i32
      %dma_wait3A_2175 = arith.constant 0 : i32
      %dma_wait3A_2176 = tpu.memref_slice %arg8[%dma_wait3A_2172, %dma_wait3A_2174, %dma_wait3A_2175] : memref<11x112x64xf32, #tpu.memory_space<vmem>> -> memref<1x112x64xf32, #tpu.memory_space<vmem>>
      %dma_wait3A_2177 = tpu.memref_squeeze %dma_wait3A_2176 : memref<1x112x64xf32, #tpu.memory_space<vmem>> -> memref<112x64xf32, #tpu.memory_space<vmem>>
      %dma_wait3A_2178 = arith.constant 0 : i32
      %dma_wait3A_2179 = tpu.memref_slice %arg6[%add3A_2171, %dma_wait3A_2178] : memref<315392x64xf32, #tpu.memory_space<hbm>> -> memref<112x64xf32, #tpu.memory_space<hbm>>
      %dma_wait3A_2180 = tpu.memref_slice %arg12[%dma_wait3A_2173] : memref<11x!tpu.dma_semaphore, #tpu.memory_space<semaphore_mem>> -> memref<1x!tpu.dma_semaphore, #tpu.memory_space<semaphore_mem>>
      %dma_wait3A_2181 = tpu.memref_squeeze %dma_wait3A_2180 : memref<1x!tpu.dma_semaphore, #tpu.memory_space<semaphore_mem>> -> memref<!tpu.dma_semaphore, #tpu.memory_space<semaphore_mem>>
      %dma_wait3A_2182 = arith.constant 0 : i32
      %dma_wait3A_2183 = tpu.memref_slice %arg6[%add3A_2171, %dma_wait3A_2182] : memref<315392x64xf32, #tpu.memory_space<hbm>> -> memref<112x64xf32, #tpu.memory_space<hbm>>
      %dma_wait3A_2184 = arith.constant 0 : i32
      %dma_wait3A_2185 = arith.constant 0 : i32
      %dma_wait3A_2186 = tpu.memref_slice %arg8[%dma_wait3A_2172, %dma_wait3A_2184, %dma_wait3A_2185] : memref<11x112x64xf32, #tpu.memory_space<vmem>> -> memref<1x112x64xf32, #tpu.memory_space<vmem>>
      %dma_wait3A_2187 = tpu.memref_squeeze %dma_wait3A_2186 : memref<1x112x64xf32, #tpu.memory_space<vmem>> -> memref<112x64xf32, #tpu.memory_space<vmem>>
      tpu.wait_dma2 semaphore(%dma_wait3A_2181 : memref<!tpu.dma_semaphore, #tpu.memory_space<semaphore_mem>>) src(%dma_wait3A_2187 : memref<112x64xf32, #tpu.memory_space<vmem>>) dst(%dma_wait3A_2183 : memref<112x64xf32, #tpu.memory_space<hbm>>)
      %add3A_2188 = arith.constant 6 : i32
      %add3A_2189 = arith.addi %add3A_2152, %add3A_2188 : i32
      %dma_start3A_2190 = arith.constant 3 : i32
      %dma_start3A_2191 = arith.constant 3 : i32
      %dma_start3A_2192 = arith.constant 0 : i32
      %dma_start3A_2193 = arith.constant 0 : i32
      %dma_start3A_2194 = tpu.memref_slice %arg8[%dma_start3A_2190, %dma_start3A_2192, %dma_start3A_2193] : memref<11x112x64xf32, #tpu.memory_space<vmem>> -> memref<1x112x64xf32, #tpu.memory_space<vmem>>
      %dma_start3A_2195 = tpu.memref_squeeze %dma_start3A_2194 : memref<1x112x64xf32, #tpu.memory_space<vmem>> -> memref<112x64xf32, #tpu.memory_space<vmem>>
      %dma_start3A_2196 = arith.constant 0 : i32
      %dma_start3A_2197 = tpu.memref_slice %arg7[%add3A_2189, %dma_start3A_2196] : memref<88x112xi32, #tpu.memory_space<vmem>> -> memref<1x112xi32, #tpu.memory_space<vmem>>
      %dma_start3A_2198 = tpu.memref_squeeze %dma_start3A_2197 : memref<1x112xi32, #tpu.memory_space<vmem>> -> memref<112xi32, #tpu.memory_space<vmem>>
      %dma_start3A_2199 = arith.constant 0 : i32
      %dma_start3A_2200 = arith.constant 0 : i32
      %dma_start3A_2201 = tpu.memref_slice %arg5[%dma_start3A_2199, %dma_start3A_2200] : memref<1000000x64xf32, #tpu.memory_space<hbm>> -> memref<1000000x64xf32, #tpu.memory_space<hbm>>
      %dma_start3A_2202 = tpu.memref_slice %arg11[%dma_start3A_2191] : memref<11x!tpu.dma_semaphore, #tpu.memory_space<semaphore_mem>> -> memref<1x!tpu.dma_semaphore, #tpu.memory_space<semaphore_mem>>
      %dma_start3A_2203 = tpu.memref_squeeze %dma_start3A_2202 : memref<1x!tpu.dma_semaphore, #tpu.memory_space<semaphore_mem>> -> memref<!tpu.dma_semaphore, #tpu.memory_space<semaphore_mem>>
      tpu.enqueue_indirect_dma source(%dma_start3A_2201 : memref<1000000x64xf32, #tpu.memory_space<hbm>>) target(%dma_start3A_2195 : memref<112x64xf32, #tpu.memory_space<vmem>>) offsets(%dma_start3A_2198 : memref<112xi32, #tpu.memory_space<vmem>>) semaphore(%dma_start3A_2203 : memref<!tpu.dma_semaphore, #tpu.memory_space<semaphore_mem>>)
      %mul3A_2204 = arith.constant 112 : i32
      %mul3A_2205 = arith.muli %add3A_2152, %mul3A_2204 : i32
      %add3A_2206 = arith.addi %mul3A_2, %mul3A_2205 : i32
      %dma_start3A_2207 = arith.constant 8 : i32
      %dma_start3A_2208 = arith.constant 8 : i32
      %dma_start3A_2209 = arith.constant 0 : i32
      %dma_start3A_2210 = arith.constant 0 : i32
      %dma_start3A_2211 = tpu.memref_slice %arg8[%dma_start3A_2207, %dma_start3A_2209, %dma_start3A_2210] : memref<11x112x64xf32, #tpu.memory_space<vmem>> -> memref<1x112x64xf32, #tpu.memory_space<vmem>>
      %dma_start3A_2212 = tpu.memref_squeeze %dma_start3A_2211 : memref<1x112x64xf32, #tpu.memory_space<vmem>> -> memref<112x64xf32, #tpu.memory_space<vmem>>
      %dma_start3A_2213 = arith.constant 0 : i32
      %dma_start3A_2214 = tpu.memref_slice %arg6[%add3A_2206, %dma_start3A_2213] : memref<315392x64xf32, #tpu.memory_space<hbm>> -> memref<112x64xf32, #tpu.memory_space<hbm>>
      %dma_start3A_2215 = tpu.memref_slice %arg12[%dma_start3A_2208] : memref<11x!tpu.dma_semaphore, #tpu.memory_space<semaphore_mem>> -> memref<1x!tpu.dma_semaphore, #tpu.memory_space<semaphore_mem>>
      %dma_start3A_2216 = tpu.memref_squeeze %dma_start3A_2215 : memref<1x!tpu.dma_semaphore, #tpu.memory_space<semaphore_mem>> -> memref<!tpu.dma_semaphore, #tpu.memory_space<semaphore_mem>>
      %dma_start3A_2217 = arith.constant 0 : i32
      %dma_start3A_2218 = tpu.memref_slice %arg6[%add3A_2206, %dma_start3A_2217] : memref<315392x64xf32, #tpu.memory_space<hbm>> -> memref<112x64xf32, #tpu.memory_space<hbm>>
      %dma_start3A_2219 = arith.constant 0 : i32
      %dma_start3A_2220 = arith.constant 0 : i32
      %dma_start3A_2221 = tpu.memref_slice %arg8[%dma_start3A_2207, %dma_start3A_2219, %dma_start3A_2220] : memref<11x112x64xf32, #tpu.memory_space<vmem>> -> memref<1x112x64xf32, #tpu.memory_space<vmem>>
      %dma_start3A_2222 = tpu.memref_squeeze %dma_start3A_2221 : memref<1x112x64xf32, #tpu.memory_space<vmem>> -> memref<112x64xf32, #tpu.memory_space<vmem>>
      tpu.enqueue_dma source(%dma_start3A_2222 : memref<112x64xf32, #tpu.memory_space<vmem>>) target(%dma_start3A_2218 : memref<112x64xf32, #tpu.memory_space<hbm>>) target_semaphore(%dma_start3A_2216 : memref<!tpu.dma_semaphore, #tpu.memory_space<semaphore_mem>>)
      %add3A_2223 = arith.constant 9 : i32
      %add3A_2224 = arith.addi %mul3A_1575, %add3A_2223 : i32
      %dma_wait3A_2225 = arith.constant 9 : i32
      %dma_wait3A_2226 = arith.constant 9 : i32
      %dma_wait3A_2227 = arith.constant 0 : i32
      %dma_wait3A_2228 = arith.constant 0 : i32
      %dma_wait3A_2229 = tpu.memref_slice %arg8[%dma_wait3A_2225, %dma_wait3A_2227, %dma_wait3A_2228] : memref<11x112x64xf32, #tpu.memory_space<vmem>> -> memref<1x112x64xf32, #tpu.memory_space<vmem>>
      %dma_wait3A_2230 = tpu.memref_squeeze %dma_wait3A_2229 : memref<1x112x64xf32, #tpu.memory_space<vmem>> -> memref<112x64xf32, #tpu.memory_space<vmem>>
      %dma_wait3A_2231 = arith.constant 0 : i32
      %dma_wait3A_2232 = tpu.memref_slice %arg7[%add3A_2224, %dma_wait3A_2231] : memref<88x112xi32, #tpu.memory_space<vmem>> -> memref<1x112xi32, #tpu.memory_space<vmem>>
      %dma_wait3A_2233 = tpu.memref_squeeze %dma_wait3A_2232 : memref<1x112xi32, #tpu.memory_space<vmem>> -> memref<112xi32, #tpu.memory_space<vmem>>
      %dma_wait3A_2234 = arith.constant 0 : i32
      %dma_wait3A_2235 = arith.constant 0 : i32
      %dma_wait3A_2236 = tpu.memref_slice %arg5[%dma_wait3A_2234, %dma_wait3A_2235] : memref<1000000x64xf32, #tpu.memory_space<hbm>> -> memref<1000000x64xf32, #tpu.memory_space<hbm>>
      %dma_wait3A_2237 = tpu.memref_slice %arg11[%dma_wait3A_2226] : memref<11x!tpu.dma_semaphore, #tpu.memory_space<semaphore_mem>> -> memref<1x!tpu.dma_semaphore, #tpu.memory_space<semaphore_mem>>
      %dma_wait3A_2238 = tpu.memref_squeeze %dma_wait3A_2237 : memref<1x!tpu.dma_semaphore, #tpu.memory_space<semaphore_mem>> -> memref<!tpu.dma_semaphore, #tpu.memory_space<semaphore_mem>>
      tpu.wait_indirect_dma semaphore(%dma_wait3A_2238 : memref<!tpu.dma_semaphore, #tpu.memory_space<semaphore_mem>>) src(%dma_wait3A_2236 : memref<1000000x64xf32, #tpu.memory_space<hbm>>) dst(%dma_wait3A_2230 : memref<112x64xf32, #tpu.memory_space<vmem>>)
      %sub3A_2239 = arith.constant 5 : i32
      %sub3A_2240 = arith.subi %add3A_2224, %sub3A_2239 : i32
      %mul3A_2241 = arith.constant 112 : i32
      %mul3A_2242 = arith.muli %sub3A_2240, %mul3A_2241 : i32
      %add3A_2243 = arith.addi %mul3A_2, %mul3A_2242 : i32
      %dma_wait3A_2244 = arith.constant 4 : i32
      %dma_wait3A_2245 = arith.constant 4 : i32
      %dma_wait3A_2246 = arith.constant 0 : i32
      %dma_wait3A_2247 = arith.constant 0 : i32
      %dma_wait3A_2248 = tpu.memref_slice %arg8[%dma_wait3A_2244, %dma_wait3A_2246, %dma_wait3A_2247] : memref<11x112x64xf32, #tpu.memory_space<vmem>> -> memref<1x112x64xf32, #tpu.memory_space<vmem>>
      %dma_wait3A_2249 = tpu.memref_squeeze %dma_wait3A_2248 : memref<1x112x64xf32, #tpu.memory_space<vmem>> -> memref<112x64xf32, #tpu.memory_space<vmem>>
      %dma_wait3A_2250 = arith.constant 0 : i32
      %dma_wait3A_2251 = tpu.memref_slice %arg6[%add3A_2243, %dma_wait3A_2250] : memref<315392x64xf32, #tpu.memory_space<hbm>> -> memref<112x64xf32, #tpu.memory_space<hbm>>
      %dma_wait3A_2252 = tpu.memref_slice %arg12[%dma_wait3A_2245] : memref<11x!tpu.dma_semaphore, #tpu.memory_space<semaphore_mem>> -> memref<1x!tpu.dma_semaphore, #tpu.memory_space<semaphore_mem>>
      %dma_wait3A_2253 = tpu.memref_squeeze %dma_wait3A_2252 : memref<1x!tpu.dma_semaphore, #tpu.memory_space<semaphore_mem>> -> memref<!tpu.dma_semaphore, #tpu.memory_space<semaphore_mem>>
      %dma_wait3A_2254 = arith.constant 0 : i32
      %dma_wait3A_2255 = tpu.memref_slice %arg6[%add3A_2243, %dma_wait3A_2254] : memref<315392x64xf32, #tpu.memory_space<hbm>> -> memref<112x64xf32, #tpu.memory_space<hbm>>
      %dma_wait3A_2256 = arith.constant 0 : i32
      %dma_wait3A_2257 = arith.constant 0 : i32
      %dma_wait3A_2258 = tpu.memref_slice %arg8[%dma_wait3A_2244, %dma_wait3A_2256, %dma_wait3A_2257] : memref<11x112x64xf32, #tpu.memory_space<vmem>> -> memref<1x112x64xf32, #tpu.memory_space<vmem>>
      %dma_wait3A_2259 = tpu.memref_squeeze %dma_wait3A_2258 : memref<1x112x64xf32, #tpu.memory_space<vmem>> -> memref<112x64xf32, #tpu.memory_space<vmem>>
      tpu.wait_dma2 semaphore(%dma_wait3A_2253 : memref<!tpu.dma_semaphore, #tpu.memory_space<semaphore_mem>>) src(%dma_wait3A_2259 : memref<112x64xf32, #tpu.memory_space<vmem>>) dst(%dma_wait3A_2255 : memref<112x64xf32, #tpu.memory_space<hbm>>)
      %add3A_2260 = arith.constant 6 : i32
      %add3A_2261 = arith.addi %add3A_2224, %add3A_2260 : i32
      %dma_start3A_2262 = arith.constant 4 : i32
      %dma_start3A_2263 = arith.constant 4 : i32
      %dma_start3A_2264 = arith.constant 0 : i32
      %dma_start3A_2265 = arith.constant 0 : i32
      %dma_start3A_2266 = tpu.memref_slice %arg8[%dma_start3A_2262, %dma_start3A_2264, %dma_start3A_2265] : memref<11x112x64xf32, #tpu.memory_space<vmem>> -> memref<1x112x64xf32, #tpu.memory_space<vmem>>
      %dma_start3A_2267 = tpu.memref_squeeze %dma_start3A_2266 : memref<1x112x64xf32, #tpu.memory_space<vmem>> -> memref<112x64xf32, #tpu.memory_space<vmem>>
      %dma_start3A_2268 = arith.constant 0 : i32
      %dma_start3A_2269 = tpu.memref_slice %arg7[%add3A_2261, %dma_start3A_2268] : memref<88x112xi32, #tpu.memory_space<vmem>> -> memref<1x112xi32, #tpu.memory_space<vmem>>
      %dma_start3A_2270 = tpu.memref_squeeze %dma_start3A_2269 : memref<1x112xi32, #tpu.memory_space<vmem>> -> memref<112xi32, #tpu.memory_space<vmem>>
      %dma_start3A_2271 = arith.constant 0 : i32
      %dma_start3A_2272 = arith.constant 0 : i32
      %dma_start3A_2273 = tpu.memref_slice %arg5[%dma_start3A_2271, %dma_start3A_2272] : memref<1000000x64xf32, #tpu.memory_space<hbm>> -> memref<1000000x64xf32, #tpu.memory_space<hbm>>
      %dma_start3A_2274 = tpu.memref_slice %arg11[%dma_start3A_2263] : memref<11x!tpu.dma_semaphore, #tpu.memory_space<semaphore_mem>> -> memref<1x!tpu.dma_semaphore, #tpu.memory_space<semaphore_mem>>
      %dma_start3A_2275 = tpu.memref_squeeze %dma_start3A_2274 : memref<1x!tpu.dma_semaphore, #tpu.memory_space<semaphore_mem>> -> memref<!tpu.dma_semaphore, #tpu.memory_space<semaphore_mem>>
      tpu.enqueue_indirect_dma source(%dma_start3A_2273 : memref<1000000x64xf32, #tpu.memory_space<hbm>>) target(%dma_start3A_2267 : memref<112x64xf32, #tpu.memory_space<vmem>>) offsets(%dma_start3A_2270 : memref<112xi32, #tpu.memory_space<vmem>>) semaphore(%dma_start3A_2275 : memref<!tpu.dma_semaphore, #tpu.memory_space<semaphore_mem>>)
      %mul3A_2276 = arith.constant 112 : i32
      %mul3A_2277 = arith.muli %add3A_2224, %mul3A_2276 : i32
      %add3A_2278 = arith.addi %mul3A_2, %mul3A_2277 : i32
      %dma_start3A_2279 = arith.constant 9 : i32
      %dma_start3A_2280 = arith.constant 9 : i32
      %dma_start3A_2281 = arith.constant 0 : i32
      %dma_start3A_2282 = arith.constant 0 : i32
      %dma_start3A_2283 = tpu.memref_slice %arg8[%dma_start3A_2279, %dma_start3A_2281, %dma_start3A_2282] : memref<11x112x64xf32, #tpu.memory_space<vmem>> -> memref<1x112x64xf32, #tpu.memory_space<vmem>>
      %dma_start3A_2284 = tpu.memref_squeeze %dma_start3A_2283 : memref<1x112x64xf32, #tpu.memory_space<vmem>> -> memref<112x64xf32, #tpu.memory_space<vmem>>
      %dma_start3A_2285 = arith.constant 0 : i32
      %dma_start3A_2286 = tpu.memref_slice %arg6[%add3A_2278, %dma_start3A_2285] : memref<315392x64xf32, #tpu.memory_space<hbm>> -> memref<112x64xf32, #tpu.memory_space<hbm>>
      %dma_start3A_2287 = tpu.memref_slice %arg12[%dma_start3A_2280] : memref<11x!tpu.dma_semaphore, #tpu.memory_space<semaphore_mem>> -> memref<1x!tpu.dma_semaphore, #tpu.memory_space<semaphore_mem>>
      %dma_start3A_2288 = tpu.memref_squeeze %dma_start3A_2287 : memref<1x!tpu.dma_semaphore, #tpu.memory_space<semaphore_mem>> -> memref<!tpu.dma_semaphore, #tpu.memory_space<semaphore_mem>>
      %dma_start3A_2289 = arith.constant 0 : i32
      %dma_start3A_2290 = tpu.memref_slice %arg6[%add3A_2278, %dma_start3A_2289] : memref<315392x64xf32, #tpu.memory_space<hbm>> -> memref<112x64xf32, #tpu.memory_space<hbm>>
      %dma_start3A_2291 = arith.constant 0 : i32
      %dma_start3A_2292 = arith.constant 0 : i32
      %dma_start3A_2293 = tpu.memref_slice %arg8[%dma_start3A_2279, %dma_start3A_2291, %dma_start3A_2292] : memref<11x112x64xf32, #tpu.memory_space<vmem>> -> memref<1x112x64xf32, #tpu.memory_space<vmem>>
      %dma_start3A_2294 = tpu.memref_squeeze %dma_start3A_2293 : memref<1x112x64xf32, #tpu.memory_space<vmem>> -> memref<112x64xf32, #tpu.memory_space<vmem>>
      tpu.enqueue_dma source(%dma_start3A_2294 : memref<112x64xf32, #tpu.memory_space<vmem>>) target(%dma_start3A_2290 : memref<112x64xf32, #tpu.memory_space<hbm>>) target_semaphore(%dma_start3A_2288 : memref<!tpu.dma_semaphore, #tpu.memory_space<semaphore_mem>>)
      %add3A_2295 = arith.constant 10 : i32
      %add3A_2296 = arith.addi %mul3A_1575, %add3A_2295 : i32
      %dma_wait3A_2297 = arith.constant 10 : i32
      %dma_wait3A_2298 = arith.constant 10 : i32
      %dma_wait3A_2299 = arith.constant 0 : i32
      %dma_wait3A_2300 = arith.constant 0 : i32
      %dma_wait3A_2301 = tpu.memref_slice %arg8[%dma_wait3A_2297, %dma_wait3A_2299, %dma_wait3A_2300] : memref<11x112x64xf32, #tpu.memory_space<vmem>> -> memref<1x112x64xf32, #tpu.memory_space<vmem>>
      %dma_wait3A_2302 = tpu.memref_squeeze %dma_wait3A_2301 : memref<1x112x64xf32, #tpu.memory_space<vmem>> -> memref<112x64xf32, #tpu.memory_space<vmem>>
      %dma_wait3A_2303 = arith.constant 0 : i32
      %dma_wait3A_2304 = tpu.memref_slice %arg7[%add3A_2296, %dma_wait3A_2303] : memref<88x112xi32, #tpu.memory_space<vmem>> -> memref<1x112xi32, #tpu.memory_space<vmem>>
      %dma_wait3A_2305 = tpu.memref_squeeze %dma_wait3A_2304 : memref<1x112xi32, #tpu.memory_space<vmem>> -> memref<112xi32, #tpu.memory_space<vmem>>
      %dma_wait3A_2306 = arith.constant 0 : i32
      %dma_wait3A_2307 = arith.constant 0 : i32
      %dma_wait3A_2308 = tpu.memref_slice %arg5[%dma_wait3A_2306, %dma_wait3A_2307] : memref<1000000x64xf32, #tpu.memory_space<hbm>> -> memref<1000000x64xf32, #tpu.memory_space<hbm>>
      %dma_wait3A_2309 = tpu.memref_slice %arg11[%dma_wait3A_2298] : memref<11x!tpu.dma_semaphore, #tpu.memory_space<semaphore_mem>> -> memref<1x!tpu.dma_semaphore, #tpu.memory_space<semaphore_mem>>
      %dma_wait3A_2310 = tpu.memref_squeeze %dma_wait3A_2309 : memref<1x!tpu.dma_semaphore, #tpu.memory_space<semaphore_mem>> -> memref<!tpu.dma_semaphore, #tpu.memory_space<semaphore_mem>>
      tpu.wait_indirect_dma semaphore(%dma_wait3A_2310 : memref<!tpu.dma_semaphore, #tpu.memory_space<semaphore_mem>>) src(%dma_wait3A_2308 : memref<1000000x64xf32, #tpu.memory_space<hbm>>) dst(%dma_wait3A_2302 : memref<112x64xf32, #tpu.memory_space<vmem>>)
      %sub3A_2311 = arith.constant 5 : i32
      %sub3A_2312 = arith.subi %add3A_2296, %sub3A_2311 : i32
      %mul3A_2313 = arith.constant 112 : i32
      %mul3A_2314 = arith.muli %sub3A_2312, %mul3A_2313 : i32
      %add3A_2315 = arith.addi %mul3A_2, %mul3A_2314 : i32
      %dma_wait3A_2316 = arith.constant 5 : i32
      %dma_wait3A_2317 = arith.constant 5 : i32
      %dma_wait3A_2318 = arith.constant 0 : i32
      %dma_wait3A_2319 = arith.constant 0 : i32
      %dma_wait3A_2320 = tpu.memref_slice %arg8[%dma_wait3A_2316, %dma_wait3A_2318, %dma_wait3A_2319] : memref<11x112x64xf32, #tpu.memory_space<vmem>> -> memref<1x112x64xf32, #tpu.memory_space<vmem>>
      %dma_wait3A_2321 = tpu.memref_squeeze %dma_wait3A_2320 : memref<1x112x64xf32, #tpu.memory_space<vmem>> -> memref<112x64xf32, #tpu.memory_space<vmem>>
      %dma_wait3A_2322 = arith.constant 0 : i32
      %dma_wait3A_2323 = tpu.memref_slice %arg6[%add3A_2315, %dma_wait3A_2322] : memref<315392x64xf32, #tpu.memory_space<hbm>> -> memref<112x64xf32, #tpu.memory_space<hbm>>
      %dma_wait3A_2324 = tpu.memref_slice %arg12[%dma_wait3A_2317] : memref<11x!tpu.dma_semaphore, #tpu.memory_space<semaphore_mem>> -> memref<1x!tpu.dma_semaphore, #tpu.memory_space<semaphore_mem>>
      %dma_wait3A_2325 = tpu.memref_squeeze %dma_wait3A_2324 : memref<1x!tpu.dma_semaphore, #tpu.memory_space<semaphore_mem>> -> memref<!tpu.dma_semaphore, #tpu.memory_space<semaphore_mem>>
      %dma_wait3A_2326 = arith.constant 0 : i32
      %dma_wait3A_2327 = tpu.memref_slice %arg6[%add3A_2315, %dma_wait3A_2326] : memref<315392x64xf32, #tpu.memory_space<hbm>> -> memref<112x64xf32, #tpu.memory_space<hbm>>
      %dma_wait3A_2328 = arith.constant 0 : i32
      %dma_wait3A_2329 = arith.constant 0 : i32
      %dma_wait3A_2330 = tpu.memref_slice %arg8[%dma_wait3A_2316, %dma_wait3A_2328, %dma_wait3A_2329] : memref<11x112x64xf32, #tpu.memory_space<vmem>> -> memref<1x112x64xf32, #tpu.memory_space<vmem>>
      %dma_wait3A_2331 = tpu.memref_squeeze %dma_wait3A_2330 : memref<1x112x64xf32, #tpu.memory_space<vmem>> -> memref<112x64xf32, #tpu.memory_space<vmem>>
      tpu.wait_dma2 semaphore(%dma_wait3A_2325 : memref<!tpu.dma_semaphore, #tpu.memory_space<semaphore_mem>>) src(%dma_wait3A_2331 : memref<112x64xf32, #tpu.memory_space<vmem>>) dst(%dma_wait3A_2327 : memref<112x64xf32, #tpu.memory_space<hbm>>)
      %add3A_2332 = arith.constant 6 : i32
      %add3A_2333 = arith.addi %add3A_2296, %add3A_2332 : i32
      %dma_start3A_2334 = arith.constant 5 : i32
      %dma_start3A_2335 = arith.constant 5 : i32
      %dma_start3A_2336 = arith.constant 0 : i32
      %dma_start3A_2337 = arith.constant 0 : i32
      %dma_start3A_2338 = tpu.memref_slice %arg8[%dma_start3A_2334, %dma_start3A_2336, %dma_start3A_2337] : memref<11x112x64xf32, #tpu.memory_space<vmem>> -> memref<1x112x64xf32, #tpu.memory_space<vmem>>
      %dma_start3A_2339 = tpu.memref_squeeze %dma_start3A_2338 : memref<1x112x64xf32, #tpu.memory_space<vmem>> -> memref<112x64xf32, #tpu.memory_space<vmem>>
      %dma_start3A_2340 = arith.constant 0 : i32
      %dma_start3A_2341 = tpu.memref_slice %arg7[%add3A_2333, %dma_start3A_2340] : memref<88x112xi32, #tpu.memory_space<vmem>> -> memref<1x112xi32, #tpu.memory_space<vmem>>
      %dma_start3A_2342 = tpu.memref_squeeze %dma_start3A_2341 : memref<1x112xi32, #tpu.memory_space<vmem>> -> memref<112xi32, #tpu.memory_space<vmem>>
      %dma_start3A_2343 = arith.constant 0 : i32
      %dma_start3A_2344 = arith.constant 0 : i32
      %dma_start3A_2345 = tpu.memref_slice %arg5[%dma_start3A_2343, %dma_start3A_2344] : memref<1000000x64xf32, #tpu.memory_space<hbm>> -> memref<1000000x64xf32, #tpu.memory_space<hbm>>
      %dma_start3A_2346 = tpu.memref_slice %arg11[%dma_start3A_2335] : memref<11x!tpu.dma_semaphore, #tpu.memory_space<semaphore_mem>> -> memref<1x!tpu.dma_semaphore, #tpu.memory_space<semaphore_mem>>
      %dma_start3A_2347 = tpu.memref_squeeze %dma_start3A_2346 : memref<1x!tpu.dma_semaphore, #tpu.memory_space<semaphore_mem>> -> memref<!tpu.dma_semaphore, #tpu.memory_space<semaphore_mem>>
      tpu.enqueue_indirect_dma source(%dma_start3A_2345 : memref<1000000x64xf32, #tpu.memory_space<hbm>>) target(%dma_start3A_2339 : memref<112x64xf32, #tpu.memory_space<vmem>>) offsets(%dma_start3A_2342 : memref<112xi32, #tpu.memory_space<vmem>>) semaphore(%dma_start3A_2347 : memref<!tpu.dma_semaphore, #tpu.memory_space<semaphore_mem>>)
      %mul3A_2348 = arith.constant 112 : i32
      %mul3A_2349 = arith.muli %add3A_2296, %mul3A_2348 : i32
      %add3A_2350 = arith.addi %mul3A_2, %mul3A_2349 : i32
      %dma_start3A_2351 = arith.constant 10 : i32
      %dma_start3A_2352 = arith.constant 10 : i32
      %dma_start3A_2353 = arith.constant 0 : i32
      %dma_start3A_2354 = arith.constant 0 : i32
      %dma_start3A_2355 = tpu.memref_slice %arg8[%dma_start3A_2351, %dma_start3A_2353, %dma_start3A_2354] : memref<11x112x64xf32, #tpu.memory_space<vmem>> -> memref<1x112x64xf32, #tpu.memory_space<vmem>>
      %dma_start3A_2356 = tpu.memref_squeeze %dma_start3A_2355 : memref<1x112x64xf32, #tpu.memory_space<vmem>> -> memref<112x64xf32, #tpu.memory_space<vmem>>
      %dma_start3A_2357 = arith.constant 0 : i32
      %dma_start3A_2358 = tpu.memref_slice %arg6[%add3A_2350, %dma_start3A_2357] : memref<315392x64xf32, #tpu.memory_space<hbm>> -> memref<112x64xf32, #tpu.memory_space<hbm>>
      %dma_start3A_2359 = tpu.memref_slice %arg12[%dma_start3A_2352] : memref<11x!tpu.dma_semaphore, #tpu.memory_space<semaphore_mem>> -> memref<1x!tpu.dma_semaphore, #tpu.memory_space<semaphore_mem>>
      %dma_start3A_2360 = tpu.memref_squeeze %dma_start3A_2359 : memref<1x!tpu.dma_semaphore, #tpu.memory_space<semaphore_mem>> -> memref<!tpu.dma_semaphore, #tpu.memory_space<semaphore_mem>>
      %dma_start3A_2361 = arith.constant 0 : i32
      %dma_start3A_2362 = tpu.memref_slice %arg6[%add3A_2350, %dma_start3A_2361] : memref<315392x64xf32, #tpu.memory_space<hbm>> -> memref<112x64xf32, #tpu.memory_space<hbm>>
      %dma_start3A_2363 = arith.constant 0 : i32
      %dma_start3A_2364 = arith.constant 0 : i32
      %dma_start3A_2365 = tpu.memref_slice %arg8[%dma_start3A_2351, %dma_start3A_2363, %dma_start3A_2364] : memref<11x112x64xf32, #tpu.memory_space<vmem>> -> memref<1x112x64xf32, #tpu.memory_space<vmem>>
      %dma_start3A_2366 = tpu.memref_squeeze %dma_start3A_2365 : memref<1x112x64xf32, #tpu.memory_space<vmem>> -> memref<112x64xf32, #tpu.memory_space<vmem>>
      tpu.enqueue_dma source(%dma_start3A_2366 : memref<112x64xf32, #tpu.memory_space<vmem>>) target(%dma_start3A_2362 : memref<112x64xf32, #tpu.memory_space<hbm>>) target_semaphore(%dma_start3A_2360 : memref<!tpu.dma_semaphore, #tpu.memory_space<semaphore_mem>>)
    }
    %scan3A_730 = arith.constant 6 : i32
    %dma_wait3A_731 = arith.constant 77 : i32
    %dma_wait3A_732 = arith.constant 0 : i32
    %dma_wait3A_733 = arith.constant 0 : i32
    %dma_wait3A_734 = arith.constant 0 : i32
    %dma_wait3A_735 = arith.constant 0 : i32
    %dma_wait3A_736 = tpu.memref_slice %arg8[%dma_wait3A_732, %dma_wait3A_734, %dma_wait3A_735] : memref<11x112x64xf32, #tpu.memory_space<vmem>> -> memref<1x112x64xf32, #tpu.memory_space<vmem>>
    %dma_wait3A_737 = tpu.memref_squeeze %dma_wait3A_736 : memref<1x112x64xf32, #tpu.memory_space<vmem>> -> memref<112x64xf32, #tpu.memory_space<vmem>>
    %dma_wait3A_738 = arith.constant 0 : i32
    %dma_wait3A_739 = tpu.memref_slice %arg7[%dma_wait3A_731, %dma_wait3A_738] : memref<88x112xi32, #tpu.memory_space<vmem>> -> memref<1x112xi32, #tpu.memory_space<vmem>>
    %dma_wait3A_740 = tpu.memref_squeeze %dma_wait3A_739 : memref<1x112xi32, #tpu.memory_space<vmem>> -> memref<112xi32, #tpu.memory_space<vmem>>
    %dma_wait3A_741 = arith.constant 0 : i32
    %dma_wait3A_742 = arith.constant 0 : i32
    %dma_wait3A_743 = tpu.memref_slice %arg5[%dma_wait3A_741, %dma_wait3A_742] : memref<1000000x64xf32, #tpu.memory_space<hbm>> -> memref<1000000x64xf32, #tpu.memory_space<hbm>>
    %dma_wait3A_744 = tpu.memref_slice %arg11[%dma_wait3A_733] : memref<11x!tpu.dma_semaphore, #tpu.memory_space<semaphore_mem>> -> memref<1x!tpu.dma_semaphore, #tpu.memory_space<semaphore_mem>>
    %dma_wait3A_745 = tpu.memref_squeeze %dma_wait3A_744 : memref<1x!tpu.dma_semaphore, #tpu.memory_space<semaphore_mem>> -> memref<!tpu.dma_semaphore, #tpu.memory_space<semaphore_mem>>
    tpu.wait_indirect_dma semaphore(%dma_wait3A_745 : memref<!tpu.dma_semaphore, #tpu.memory_space<semaphore_mem>>) src(%dma_wait3A_743 : memref<1000000x64xf32, #tpu.memory_space<hbm>>) dst(%dma_wait3A_737 : memref<112x64xf32, #tpu.memory_space<vmem>>)
    %add3A_746 = arith.constant 8064 : i32
    %add3A_747 = arith.addi %mul3A_2, %add3A_746 : i32
    %dma_wait3A_748 = arith.constant 6 : i32
    %dma_wait3A_749 = arith.constant 6 : i32
    %dma_wait3A_750 = arith.constant 0 : i32
    %dma_wait3A_751 = arith.constant 0 : i32
    %dma_wait3A_752 = tpu.memref_slice %arg8[%dma_wait3A_748, %dma_wait3A_750, %dma_wait3A_751] : memref<11x112x64xf32, #tpu.memory_space<vmem>> -> memref<1x112x64xf32, #tpu.memory_space<vmem>>
    %dma_wait3A_753 = tpu.memref_squeeze %dma_wait3A_752 : memref<1x112x64xf32, #tpu.memory_space<vmem>> -> memref<112x64xf32, #tpu.memory_space<vmem>>
    %dma_wait3A_754 = arith.constant 0 : i32
    %dma_wait3A_755 = tpu.memref_slice %arg6[%add3A_747, %dma_wait3A_754] : memref<315392x64xf32, #tpu.memory_space<hbm>> -> memref<112x64xf32, #tpu.memory_space<hbm>>
    %dma_wait3A_756 = tpu.memref_slice %arg12[%dma_wait3A_749] : memref<11x!tpu.dma_semaphore, #tpu.memory_space<semaphore_mem>> -> memref<1x!tpu.dma_semaphore, #tpu.memory_space<semaphore_mem>>
    %dma_wait3A_757 = tpu.memref_squeeze %dma_wait3A_756 : memref<1x!tpu.dma_semaphore, #tpu.memory_space<semaphore_mem>> -> memref<!tpu.dma_semaphore, #tpu.memory_space<semaphore_mem>>
    %dma_wait3A_758 = arith.constant 0 : i32
    %dma_wait3A_759 = tpu.memref_slice %arg6[%add3A_747, %dma_wait3A_758] : memref<315392x64xf32, #tpu.memory_space<hbm>> -> memref<112x64xf32, #tpu.memory_space<hbm>>
    %dma_wait3A_760 = arith.constant 0 : i32
    %dma_wait3A_761 = arith.constant 0 : i32
    %dma_wait3A_762 = tpu.memref_slice %arg8[%dma_wait3A_748, %dma_wait3A_760, %dma_wait3A_761] : memref<11x112x64xf32, #tpu.memory_space<vmem>> -> memref<1x112x64xf32, #tpu.memory_space<vmem>>
    %dma_wait3A_763 = tpu.memref_squeeze %dma_wait3A_762 : memref<1x112x64xf32, #tpu.memory_space<vmem>> -> memref<112x64xf32, #tpu.memory_space<vmem>>
    tpu.wait_dma2 semaphore(%dma_wait3A_757 : memref<!tpu.dma_semaphore, #tpu.memory_space<semaphore_mem>>) src(%dma_wait3A_763 : memref<112x64xf32, #tpu.memory_space<vmem>>) dst(%dma_wait3A_759 : memref<112x64xf32, #tpu.memory_space<hbm>>)
    %dma_start3A_764 = arith.constant 83 : i32
    %dma_start3A_765 = arith.constant 6 : i32
    %dma_start3A_766 = arith.constant 6 : i32
    %dma_start3A_767 = arith.constant 0 : i32
    %dma_start3A_768 = arith.constant 0 : i32
    %dma_start3A_769 = tpu.memref_slice %arg8[%dma_start3A_765, %dma_start3A_767, %dma_start3A_768] : memref<11x112x64xf32, #tpu.memory_space<vmem>> -> memref<1x112x64xf32, #tpu.memory_space<vmem>>
    %dma_start3A_770 = tpu.memref_squeeze %dma_start3A_769 : memref<1x112x64xf32, #tpu.memory_space<vmem>> -> memref<112x64xf32, #tpu.memory_space<vmem>>
    %dma_start3A_771 = arith.constant 0 : i32
    %dma_start3A_772 = tpu.memref_slice %arg7[%dma_start3A_764, %dma_start3A_771] : memref<88x112xi32, #tpu.memory_space<vmem>> -> memref<1x112xi32, #tpu.memory_space<vmem>>
    %dma_start3A_773 = tpu.memref_squeeze %dma_start3A_772 : memref<1x112xi32, #tpu.memory_space<vmem>> -> memref<112xi32, #tpu.memory_space<vmem>>
    %dma_start3A_774 = arith.constant 0 : i32
    %dma_start3A_775 = arith.constant 0 : i32
    %dma_start3A_776 = tpu.memref_slice %arg5[%dma_start3A_774, %dma_start3A_775] : memref<1000000x64xf32, #tpu.memory_space<hbm>> -> memref<1000000x64xf32, #tpu.memory_space<hbm>>
    %dma_start3A_777 = tpu.memref_slice %arg11[%dma_start3A_766] : memref<11x!tpu.dma_semaphore, #tpu.memory_space<semaphore_mem>> -> memref<1x!tpu.dma_semaphore, #tpu.memory_space<semaphore_mem>>
    %dma_start3A_778 = tpu.memref_squeeze %dma_start3A_777 : memref<1x!tpu.dma_semaphore, #tpu.memory_space<semaphore_mem>> -> memref<!tpu.dma_semaphore, #tpu.memory_space<semaphore_mem>>
    tpu.enqueue_indirect_dma source(%dma_start3A_776 : memref<1000000x64xf32, #tpu.memory_space<hbm>>) target(%dma_start3A_770 : memref<112x64xf32, #tpu.memory_space<vmem>>) offsets(%dma_start3A_773 : memref<112xi32, #tpu.memory_space<vmem>>) semaphore(%dma_start3A_778 : memref<!tpu.dma_semaphore, #tpu.memory_space<semaphore_mem>>)
    %add3A_779 = arith.constant 8624 : i32
    %add3A_780 = arith.addi %mul3A_2, %add3A_779 : i32
    %dma_start3A_781 = arith.constant 0 : i32
    %dma_start3A_782 = arith.constant 0 : i32
    %dma_start3A_783 = arith.constant 0 : i32
    %dma_start3A_784 = arith.constant 0 : i32
    %dma_start3A_785 = tpu.memref_slice %arg8[%dma_start3A_781, %dma_start3A_783, %dma_start3A_784] : memref<11x112x64xf32, #tpu.memory_space<vmem>> -> memref<1x112x64xf32, #tpu.memory_space<vmem>>
    %dma_start3A_786 = tpu.memref_squeeze %dma_start3A_785 : memref<1x112x64xf32, #tpu.memory_space<vmem>> -> memref<112x64xf32, #tpu.memory_space<vmem>>
    %dma_start3A_787 = arith.constant 0 : i32
    %dma_start3A_788 = tpu.memref_slice %arg6[%add3A_780, %dma_start3A_787] : memref<315392x64xf32, #tpu.memory_space<hbm>> -> memref<112x64xf32, #tpu.memory_space<hbm>>
    %dma_start3A_789 = tpu.memref_slice %arg12[%dma_start3A_782] : memref<11x!tpu.dma_semaphore, #tpu.memory_space<semaphore_mem>> -> memref<1x!tpu.dma_semaphore, #tpu.memory_space<semaphore_mem>>
    %dma_start3A_790 = tpu.memref_squeeze %dma_start3A_789 : memref<1x!tpu.dma_semaphore, #tpu.memory_space<semaphore_mem>> -> memref<!tpu.dma_semaphore, #tpu.memory_space<semaphore_mem>>
    %dma_start3A_791 = arith.constant 0 : i32
    %dma_start3A_792 = tpu.memref_slice %arg6[%add3A_780, %dma_start3A_791] : memref<315392x64xf32, #tpu.memory_space<hbm>> -> memref<112x64xf32, #tpu.memory_space<hbm>>
    %dma_start3A_793 = arith.constant 0 : i32
    %dma_start3A_794 = arith.constant 0 : i32
    %dma_start3A_795 = tpu.memref_slice %arg8[%dma_start3A_781, %dma_start3A_793, %dma_start3A_794] : memref<11x112x64xf32, #tpu.memory_space<vmem>> -> memref<1x112x64xf32, #tpu.memory_space<vmem>>
    %dma_start3A_796 = tpu.memref_squeeze %dma_start3A_795 : memref<1x112x64xf32, #tpu.memory_space<vmem>> -> memref<112x64xf32, #tpu.memory_space<vmem>>
    tpu.enqueue_dma source(%dma_start3A_796 : memref<112x64xf32, #tpu.memory_space<vmem>>) target(%dma_start3A_792 : memref<112x64xf32, #tpu.memory_space<hbm>>) target_semaphore(%dma_start3A_790 : memref<!tpu.dma_semaphore, #tpu.memory_space<semaphore_mem>>)
    %dma_wait3A_797 = arith.constant 78 : i32
    %dma_wait3A_798 = arith.constant 1 : i32
    %dma_wait3A_799 = arith.constant 1 : i32
    %dma_wait3A_800 = arith.constant 0 : i32
    %dma_wait3A_801 = arith.constant 0 : i32
    %dma_wait3A_802 = tpu.memref_slice %arg8[%dma_wait3A_798, %dma_wait3A_800, %dma_wait3A_801] : memref<11x112x64xf32, #tpu.memory_space<vmem>> -> memref<1x112x64xf32, #tpu.memory_space<vmem>>
    %dma_wait3A_803 = tpu.memref_squeeze %dma_wait3A_802 : memref<1x112x64xf32, #tpu.memory_space<vmem>> -> memref<112x64xf32, #tpu.memory_space<vmem>>
    %dma_wait3A_804 = arith.constant 0 : i32
    %dma_wait3A_805 = tpu.memref_slice %arg7[%dma_wait3A_797, %dma_wait3A_804] : memref<88x112xi32, #tpu.memory_space<vmem>> -> memref<1x112xi32, #tpu.memory_space<vmem>>
    %dma_wait3A_806 = tpu.memref_squeeze %dma_wait3A_805 : memref<1x112xi32, #tpu.memory_space<vmem>> -> memref<112xi32, #tpu.memory_space<vmem>>
    %dma_wait3A_807 = arith.constant 0 : i32
    %dma_wait3A_808 = arith.constant 0 : i32
    %dma_wait3A_809 = tpu.memref_slice %arg5[%dma_wait3A_807, %dma_wait3A_808] : memref<1000000x64xf32, #tpu.memory_space<hbm>> -> memref<1000000x64xf32, #tpu.memory_space<hbm>>
    %dma_wait3A_810 = tpu.memref_slice %arg11[%dma_wait3A_799] : memref<11x!tpu.dma_semaphore, #tpu.memory_space<semaphore_mem>> -> memref<1x!tpu.dma_semaphore, #tpu.memory_space<semaphore_mem>>
    %dma_wait3A_811 = tpu.memref_squeeze %dma_wait3A_810 : memref<1x!tpu.dma_semaphore, #tpu.memory_space<semaphore_mem>> -> memref<!tpu.dma_semaphore, #tpu.memory_space<semaphore_mem>>
    tpu.wait_indirect_dma semaphore(%dma_wait3A_811 : memref<!tpu.dma_semaphore, #tpu.memory_space<semaphore_mem>>) src(%dma_wait3A_809 : memref<1000000x64xf32, #tpu.memory_space<hbm>>) dst(%dma_wait3A_803 : memref<112x64xf32, #tpu.memory_space<vmem>>)
    %add3A_812 = arith.constant 8176 : i32
    %add3A_813 = arith.addi %mul3A_2, %add3A_812 : i32
    %dma_wait3A_814 = arith.constant 7 : i32
    %dma_wait3A_815 = arith.constant 7 : i32
    %dma_wait3A_816 = arith.constant 0 : i32
    %dma_wait3A_817 = arith.constant 0 : i32
    %dma_wait3A_818 = tpu.memref_slice %arg8[%dma_wait3A_814, %dma_wait3A_816, %dma_wait3A_817] : memref<11x112x64xf32, #tpu.memory_space<vmem>> -> memref<1x112x64xf32, #tpu.memory_space<vmem>>
    %dma_wait3A_819 = tpu.memref_squeeze %dma_wait3A_818 : memref<1x112x64xf32, #tpu.memory_space<vmem>> -> memref<112x64xf32, #tpu.memory_space<vmem>>
    %dma_wait3A_820 = arith.constant 0 : i32
    %dma_wait3A_821 = tpu.memref_slice %arg6[%add3A_813, %dma_wait3A_820] : memref<315392x64xf32, #tpu.memory_space<hbm>> -> memref<112x64xf32, #tpu.memory_space<hbm>>
    %dma_wait3A_822 = tpu.memref_slice %arg12[%dma_wait3A_815] : memref<11x!tpu.dma_semaphore, #tpu.memory_space<semaphore_mem>> -> memref<1x!tpu.dma_semaphore, #tpu.memory_space<semaphore_mem>>
    %dma_wait3A_823 = tpu.memref_squeeze %dma_wait3A_822 : memref<1x!tpu.dma_semaphore, #tpu.memory_space<semaphore_mem>> -> memref<!tpu.dma_semaphore, #tpu.memory_space<semaphore_mem>>
    %dma_wait3A_824 = arith.constant 0 : i32
    %dma_wait3A_825 = tpu.memref_slice %arg6[%add3A_813, %dma_wait3A_824] : memref<315392x64xf32, #tpu.memory_space<hbm>> -> memref<112x64xf32, #tpu.memory_space<hbm>>
    %dma_wait3A_826 = arith.constant 0 : i32
    %dma_wait3A_827 = arith.constant 0 : i32
    %dma_wait3A_828 = tpu.memref_slice %arg8[%dma_wait3A_814, %dma_wait3A_826, %dma_wait3A_827] : memref<11x112x64xf32, #tpu.memory_space<vmem>> -> memref<1x112x64xf32, #tpu.memory_space<vmem>>
    %dma_wait3A_829 = tpu.memref_squeeze %dma_wait3A_828 : memref<1x112x64xf32, #tpu.memory_space<vmem>> -> memref<112x64xf32, #tpu.memory_space<vmem>>
    tpu.wait_dma2 semaphore(%dma_wait3A_823 : memref<!tpu.dma_semaphore, #tpu.memory_space<semaphore_mem>>) src(%dma_wait3A_829 : memref<112x64xf32, #tpu.memory_space<vmem>>) dst(%dma_wait3A_825 : memref<112x64xf32, #tpu.memory_space<hbm>>)
    %dma_start3A_830 = arith.constant 84 : i32
    %dma_start3A_831 = arith.constant 7 : i32
    %dma_start3A_832 = arith.constant 7 : i32
    %dma_start3A_833 = arith.constant 0 : i32
    %dma_start3A_834 = arith.constant 0 : i32
    %dma_start3A_835 = tpu.memref_slice %arg8[%dma_start3A_831, %dma_start3A_833, %dma_start3A_834] : memref<11x112x64xf32, #tpu.memory_space<vmem>> -> memref<1x112x64xf32, #tpu.memory_space<vmem>>
    %dma_start3A_836 = tpu.memref_squeeze %dma_start3A_835 : memref<1x112x64xf32, #tpu.memory_space<vmem>> -> memref<112x64xf32, #tpu.memory_space<vmem>>
    %dma_start3A_837 = arith.constant 0 : i32
    %dma_start3A_838 = tpu.memref_slice %arg7[%dma_start3A_830, %dma_start3A_837] : memref<88x112xi32, #tpu.memory_space<vmem>> -> memref<1x112xi32, #tpu.memory_space<vmem>>
    %dma_start3A_839 = tpu.memref_squeeze %dma_start3A_838 : memref<1x112xi32, #tpu.memory_space<vmem>> -> memref<112xi32, #tpu.memory_space<vmem>>
    %dma_start3A_840 = arith.constant 0 : i32
    %dma_start3A_841 = arith.constant 0 : i32
    %dma_start3A_842 = tpu.memref_slice %arg5[%dma_start3A_840, %dma_start3A_841] : memref<1000000x64xf32, #tpu.memory_space<hbm>> -> memref<1000000x64xf32, #tpu.memory_space<hbm>>
    %dma_start3A_843 = tpu.memref_slice %arg11[%dma_start3A_832] : memref<11x!tpu.dma_semaphore, #tpu.memory_space<semaphore_mem>> -> memref<1x!tpu.dma_semaphore, #tpu.memory_space<semaphore_mem>>
    %dma_start3A_844 = tpu.memref_squeeze %dma_start3A_843 : memref<1x!tpu.dma_semaphore, #tpu.memory_space<semaphore_mem>> -> memref<!tpu.dma_semaphore, #tpu.memory_space<semaphore_mem>>
    tpu.enqueue_indirect_dma source(%dma_start3A_842 : memref<1000000x64xf32, #tpu.memory_space<hbm>>) target(%dma_start3A_836 : memref<112x64xf32, #tpu.memory_space<vmem>>) offsets(%dma_start3A_839 : memref<112xi32, #tpu.memory_space<vmem>>) semaphore(%dma_start3A_844 : memref<!tpu.dma_semaphore, #tpu.memory_space<semaphore_mem>>)
    %add3A_845 = arith.constant 8736 : i32
    %add3A_846 = arith.addi %mul3A_2, %add3A_845 : i32
    %dma_start3A_847 = arith.constant 1 : i32
    %dma_start3A_848 = arith.constant 1 : i32
    %dma_start3A_849 = arith.constant 0 : i32
    %dma_start3A_850 = arith.constant 0 : i32
    %dma_start3A_851 = tpu.memref_slice %arg8[%dma_start3A_847, %dma_start3A_849, %dma_start3A_850] : memref<11x112x64xf32, #tpu.memory_space<vmem>> -> memref<1x112x64xf32, #tpu.memory_space<vmem>>
    %dma_start3A_852 = tpu.memref_squeeze %dma_start3A_851 : memref<1x112x64xf32, #tpu.memory_space<vmem>> -> memref<112x64xf32, #tpu.memory_space<vmem>>
    %dma_start3A_853 = arith.constant 0 : i32
    %dma_start3A_854 = tpu.memref_slice %arg6[%add3A_846, %dma_start3A_853] : memref<315392x64xf32, #tpu.memory_space<hbm>> -> memref<112x64xf32, #tpu.memory_space<hbm>>
    %dma_start3A_855 = tpu.memref_slice %arg12[%dma_start3A_848] : memref<11x!tpu.dma_semaphore, #tpu.memory_space<semaphore_mem>> -> memref<1x!tpu.dma_semaphore, #tpu.memory_space<semaphore_mem>>
    %dma_start3A_856 = tpu.memref_squeeze %dma_start3A_855 : memref<1x!tpu.dma_semaphore, #tpu.memory_space<semaphore_mem>> -> memref<!tpu.dma_semaphore, #tpu.memory_space<semaphore_mem>>
    %dma_start3A_857 = arith.constant 0 : i32
    %dma_start3A_858 = tpu.memref_slice %arg6[%add3A_846, %dma_start3A_857] : memref<315392x64xf32, #tpu.memory_space<hbm>> -> memref<112x64xf32, #tpu.memory_space<hbm>>
    %dma_start3A_859 = arith.constant 0 : i32
    %dma_start3A_860 = arith.constant 0 : i32
    %dma_start3A_861 = tpu.memref_slice %arg8[%dma_start3A_847, %dma_start3A_859, %dma_start3A_860] : memref<11x112x64xf32, #tpu.memory_space<vmem>> -> memref<1x112x64xf32, #tpu.memory_space<vmem>>
    %dma_start3A_862 = tpu.memref_squeeze %dma_start3A_861 : memref<1x112x64xf32, #tpu.memory_space<vmem>> -> memref<112x64xf32, #tpu.memory_space<vmem>>
    tpu.enqueue_dma source(%dma_start3A_862 : memref<112x64xf32, #tpu.memory_space<vmem>>) target(%dma_start3A_858 : memref<112x64xf32, #tpu.memory_space<hbm>>) target_semaphore(%dma_start3A_856 : memref<!tpu.dma_semaphore, #tpu.memory_space<semaphore_mem>>)
    %dma_wait3A_863 = arith.constant 79 : i32
    %dma_wait3A_864 = arith.constant 2 : i32
    %dma_wait3A_865 = arith.constant 2 : i32
    %dma_wait3A_866 = arith.constant 0 : i32
    %dma_wait3A_867 = arith.constant 0 : i32
    %dma_wait3A_868 = tpu.memref_slice %arg8[%dma_wait3A_864, %dma_wait3A_866, %dma_wait3A_867] : memref<11x112x64xf32, #tpu.memory_space<vmem>> -> memref<1x112x64xf32, #tpu.memory_space<vmem>>
    %dma_wait3A_869 = tpu.memref_squeeze %dma_wait3A_868 : memref<1x112x64xf32, #tpu.memory_space<vmem>> -> memref<112x64xf32, #tpu.memory_space<vmem>>
    %dma_wait3A_870 = arith.constant 0 : i32
    %dma_wait3A_871 = tpu.memref_slice %arg7[%dma_wait3A_863, %dma_wait3A_870] : memref<88x112xi32, #tpu.memory_space<vmem>> -> memref<1x112xi32, #tpu.memory_space<vmem>>
    %dma_wait3A_872 = tpu.memref_squeeze %dma_wait3A_871 : memref<1x112xi32, #tpu.memory_space<vmem>> -> memref<112xi32, #tpu.memory_space<vmem>>
    %dma_wait3A_873 = arith.constant 0 : i32
    %dma_wait3A_874 = arith.constant 0 : i32
    %dma_wait3A_875 = tpu.memref_slice %arg5[%dma_wait3A_873, %dma_wait3A_874] : memref<1000000x64xf32, #tpu.memory_space<hbm>> -> memref<1000000x64xf32, #tpu.memory_space<hbm>>
    %dma_wait3A_876 = tpu.memref_slice %arg11[%dma_wait3A_865] : memref<11x!tpu.dma_semaphore, #tpu.memory_space<semaphore_mem>> -> memref<1x!tpu.dma_semaphore, #tpu.memory_space<semaphore_mem>>
    %dma_wait3A_877 = tpu.memref_squeeze %dma_wait3A_876 : memref<1x!tpu.dma_semaphore, #tpu.memory_space<semaphore_mem>> -> memref<!tpu.dma_semaphore, #tpu.memory_space<semaphore_mem>>
    tpu.wait_indirect_dma semaphore(%dma_wait3A_877 : memref<!tpu.dma_semaphore, #tpu.memory_space<semaphore_mem>>) src(%dma_wait3A_875 : memref<1000000x64xf32, #tpu.memory_space<hbm>>) dst(%dma_wait3A_869 : memref<112x64xf32, #tpu.memory_space<vmem>>)
    %add3A_878 = arith.constant 8288 : i32
    %add3A_879 = arith.addi %mul3A_2, %add3A_878 : i32
    %dma_wait3A_880 = arith.constant 8 : i32
    %dma_wait3A_881 = arith.constant 8 : i32
    %dma_wait3A_882 = arith.constant 0 : i32
    %dma_wait3A_883 = arith.constant 0 : i32
    %dma_wait3A_884 = tpu.memref_slice %arg8[%dma_wait3A_880, %dma_wait3A_882, %dma_wait3A_883] : memref<11x112x64xf32, #tpu.memory_space<vmem>> -> memref<1x112x64xf32, #tpu.memory_space<vmem>>
    %dma_wait3A_885 = tpu.memref_squeeze %dma_wait3A_884 : memref<1x112x64xf32, #tpu.memory_space<vmem>> -> memref<112x64xf32, #tpu.memory_space<vmem>>
    %dma_wait3A_886 = arith.constant 0 : i32
    %dma_wait3A_887 = tpu.memref_slice %arg6[%add3A_879, %dma_wait3A_886] : memref<315392x64xf32, #tpu.memory_space<hbm>> -> memref<112x64xf32, #tpu.memory_space<hbm>>
    %dma_wait3A_888 = tpu.memref_slice %arg12[%dma_wait3A_881] : memref<11x!tpu.dma_semaphore, #tpu.memory_space<semaphore_mem>> -> memref<1x!tpu.dma_semaphore, #tpu.memory_space<semaphore_mem>>
    %dma_wait3A_889 = tpu.memref_squeeze %dma_wait3A_888 : memref<1x!tpu.dma_semaphore, #tpu.memory_space<semaphore_mem>> -> memref<!tpu.dma_semaphore, #tpu.memory_space<semaphore_mem>>
    %dma_wait3A_890 = arith.constant 0 : i32
    %dma_wait3A_891 = tpu.memref_slice %arg6[%add3A_879, %dma_wait3A_890] : memref<315392x64xf32, #tpu.memory_space<hbm>> -> memref<112x64xf32, #tpu.memory_space<hbm>>
    %dma_wait3A_892 = arith.constant 0 : i32
    %dma_wait3A_893 = arith.constant 0 : i32
    %dma_wait3A_894 = tpu.memref_slice %arg8[%dma_wait3A_880, %dma_wait3A_892, %dma_wait3A_893] : memref<11x112x64xf32, #tpu.memory_space<vmem>> -> memref<1x112x64xf32, #tpu.memory_space<vmem>>
    %dma_wait3A_895 = tpu.memref_squeeze %dma_wait3A_894 : memref<1x112x64xf32, #tpu.memory_space<vmem>> -> memref<112x64xf32, #tpu.memory_space<vmem>>
    tpu.wait_dma2 semaphore(%dma_wait3A_889 : memref<!tpu.dma_semaphore, #tpu.memory_space<semaphore_mem>>) src(%dma_wait3A_895 : memref<112x64xf32, #tpu.memory_space<vmem>>) dst(%dma_wait3A_891 : memref<112x64xf32, #tpu.memory_space<hbm>>)
    %dma_start3A_896 = arith.constant 85 : i32
    %dma_start3A_897 = arith.constant 8 : i32
    %dma_start3A_898 = arith.constant 8 : i32
    %dma_start3A_899 = arith.constant 0 : i32
    %dma_start3A_900 = arith.constant 0 : i32
    %dma_start3A_901 = tpu.memref_slice %arg8[%dma_start3A_897, %dma_start3A_899, %dma_start3A_900] : memref<11x112x64xf32, #tpu.memory_space<vmem>> -> memref<1x112x64xf32, #tpu.memory_space<vmem>>
    %dma_start3A_902 = tpu.memref_squeeze %dma_start3A_901 : memref<1x112x64xf32, #tpu.memory_space<vmem>> -> memref<112x64xf32, #tpu.memory_space<vmem>>
    %dma_start3A_903 = arith.constant 0 : i32
    %dma_start3A_904 = tpu.memref_slice %arg7[%dma_start3A_896, %dma_start3A_903] : memref<88x112xi32, #tpu.memory_space<vmem>> -> memref<1x112xi32, #tpu.memory_space<vmem>>
    %dma_start3A_905 = tpu.memref_squeeze %dma_start3A_904 : memref<1x112xi32, #tpu.memory_space<vmem>> -> memref<112xi32, #tpu.memory_space<vmem>>
    %dma_start3A_906 = arith.constant 0 : i32
    %dma_start3A_907 = arith.constant 0 : i32
    %dma_start3A_908 = tpu.memref_slice %arg5[%dma_start3A_906, %dma_start3A_907] : memref<1000000x64xf32, #tpu.memory_space<hbm>> -> memref<1000000x64xf32, #tpu.memory_space<hbm>>
    %dma_start3A_909 = tpu.memref_slice %arg11[%dma_start3A_898] : memref<11x!tpu.dma_semaphore, #tpu.memory_space<semaphore_mem>> -> memref<1x!tpu.dma_semaphore, #tpu.memory_space<semaphore_mem>>
    %dma_start3A_910 = tpu.memref_squeeze %dma_start3A_909 : memref<1x!tpu.dma_semaphore, #tpu.memory_space<semaphore_mem>> -> memref<!tpu.dma_semaphore, #tpu.memory_space<semaphore_mem>>
    tpu.enqueue_indirect_dma source(%dma_start3A_908 : memref<1000000x64xf32, #tpu.memory_space<hbm>>) target(%dma_start3A_902 : memref<112x64xf32, #tpu.memory_space<vmem>>) offsets(%dma_start3A_905 : memref<112xi32, #tpu.memory_space<vmem>>) semaphore(%dma_start3A_910 : memref<!tpu.dma_semaphore, #tpu.memory_space<semaphore_mem>>)
    %add3A_911 = arith.constant 8848 : i32
    %add3A_912 = arith.addi %mul3A_2, %add3A_911 : i32
    %dma_start3A_913 = arith.constant 2 : i32
    %dma_start3A_914 = arith.constant 2 : i32
    %dma_start3A_915 = arith.constant 0 : i32
    %dma_start3A_916 = arith.constant 0 : i32
    %dma_start3A_917 = tpu.memref_slice %arg8[%dma_start3A_913, %dma_start3A_915, %dma_start3A_916] : memref<11x112x64xf32, #tpu.memory_space<vmem>> -> memref<1x112x64xf32, #tpu.memory_space<vmem>>
    %dma_start3A_918 = tpu.memref_squeeze %dma_start3A_917 : memref<1x112x64xf32, #tpu.memory_space<vmem>> -> memref<112x64xf32, #tpu.memory_space<vmem>>
    %dma_start3A_919 = arith.constant 0 : i32
    %dma_start3A_920 = tpu.memref_slice %arg6[%add3A_912, %dma_start3A_919] : memref<315392x64xf32, #tpu.memory_space<hbm>> -> memref<112x64xf32, #tpu.memory_space<hbm>>
    %dma_start3A_921 = tpu.memref_slice %arg12[%dma_start3A_914] : memref<11x!tpu.dma_semaphore, #tpu.memory_space<semaphore_mem>> -> memref<1x!tpu.dma_semaphore, #tpu.memory_space<semaphore_mem>>
    %dma_start3A_922 = tpu.memref_squeeze %dma_start3A_921 : memref<1x!tpu.dma_semaphore, #tpu.memory_space<semaphore_mem>> -> memref<!tpu.dma_semaphore, #tpu.memory_space<semaphore_mem>>
    %dma_start3A_923 = arith.constant 0 : i32
    %dma_start3A_924 = tpu.memref_slice %arg6[%add3A_912, %dma_start3A_923] : memref<315392x64xf32, #tpu.memory_space<hbm>> -> memref<112x64xf32, #tpu.memory_space<hbm>>
    %dma_start3A_925 = arith.constant 0 : i32
    %dma_start3A_926 = arith.constant 0 : i32
    %dma_start3A_927 = tpu.memref_slice %arg8[%dma_start3A_913, %dma_start3A_925, %dma_start3A_926] : memref<11x112x64xf32, #tpu.memory_space<vmem>> -> memref<1x112x64xf32, #tpu.memory_space<vmem>>
    %dma_start3A_928 = tpu.memref_squeeze %dma_start3A_927 : memref<1x112x64xf32, #tpu.memory_space<vmem>> -> memref<112x64xf32, #tpu.memory_space<vmem>>
    tpu.enqueue_dma source(%dma_start3A_928 : memref<112x64xf32, #tpu.memory_space<vmem>>) target(%dma_start3A_924 : memref<112x64xf32, #tpu.memory_space<hbm>>) target_semaphore(%dma_start3A_922 : memref<!tpu.dma_semaphore, #tpu.memory_space<semaphore_mem>>)
    %dma_wait3A_929 = arith.constant 80 : i32
    %dma_wait3A_930 = arith.constant 3 : i32
    %dma_wait3A_931 = arith.constant 3 : i32
    %dma_wait3A_932 = arith.constant 0 : i32
    %dma_wait3A_933 = arith.constant 0 : i32
    %dma_wait3A_934 = tpu.memref_slice %arg8[%dma_wait3A_930, %dma_wait3A_932, %dma_wait3A_933] : memref<11x112x64xf32, #tpu.memory_space<vmem>> -> memref<1x112x64xf32, #tpu.memory_space<vmem>>
    %dma_wait3A_935 = tpu.memref_squeeze %dma_wait3A_934 : memref<1x112x64xf32, #tpu.memory_space<vmem>> -> memref<112x64xf32, #tpu.memory_space<vmem>>
    %dma_wait3A_936 = arith.constant 0 : i32
    %dma_wait3A_937 = tpu.memref_slice %arg7[%dma_wait3A_929, %dma_wait3A_936] : memref<88x112xi32, #tpu.memory_space<vmem>> -> memref<1x112xi32, #tpu.memory_space<vmem>>
    %dma_wait3A_938 = tpu.memref_squeeze %dma_wait3A_937 : memref<1x112xi32, #tpu.memory_space<vmem>> -> memref<112xi32, #tpu.memory_space<vmem>>
    %dma_wait3A_939 = arith.constant 0 : i32
    %dma_wait3A_940 = arith.constant 0 : i32
    %dma_wait3A_941 = tpu.memref_slice %arg5[%dma_wait3A_939, %dma_wait3A_940] : memref<1000000x64xf32, #tpu.memory_space<hbm>> -> memref<1000000x64xf32, #tpu.memory_space<hbm>>
    %dma_wait3A_942 = tpu.memref_slice %arg11[%dma_wait3A_931] : memref<11x!tpu.dma_semaphore, #tpu.memory_space<semaphore_mem>> -> memref<1x!tpu.dma_semaphore, #tpu.memory_space<semaphore_mem>>
    %dma_wait3A_943 = tpu.memref_squeeze %dma_wait3A_942 : memref<1x!tpu.dma_semaphore, #tpu.memory_space<semaphore_mem>> -> memref<!tpu.dma_semaphore, #tpu.memory_space<semaphore_mem>>
    tpu.wait_indirect_dma semaphore(%dma_wait3A_943 : memref<!tpu.dma_semaphore, #tpu.memory_space<semaphore_mem>>) src(%dma_wait3A_941 : memref<1000000x64xf32, #tpu.memory_space<hbm>>) dst(%dma_wait3A_935 : memref<112x64xf32, #tpu.memory_space<vmem>>)
    %add3A_944 = arith.constant 8400 : i32
    %add3A_945 = arith.addi %mul3A_2, %add3A_944 : i32
    %dma_wait3A_946 = arith.constant 9 : i32
    %dma_wait3A_947 = arith.constant 9 : i32
    %dma_wait3A_948 = arith.constant 0 : i32
    %dma_wait3A_949 = arith.constant 0 : i32
    %dma_wait3A_950 = tpu.memref_slice %arg8[%dma_wait3A_946, %dma_wait3A_948, %dma_wait3A_949] : memref<11x112x64xf32, #tpu.memory_space<vmem>> -> memref<1x112x64xf32, #tpu.memory_space<vmem>>
    %dma_wait3A_951 = tpu.memref_squeeze %dma_wait3A_950 : memref<1x112x64xf32, #tpu.memory_space<vmem>> -> memref<112x64xf32, #tpu.memory_space<vmem>>
    %dma_wait3A_952 = arith.constant 0 : i32
    %dma_wait3A_953 = tpu.memref_slice %arg6[%add3A_945, %dma_wait3A_952] : memref<315392x64xf32, #tpu.memory_space<hbm>> -> memref<112x64xf32, #tpu.memory_space<hbm>>
    %dma_wait3A_954 = tpu.memref_slice %arg12[%dma_wait3A_947] : memref<11x!tpu.dma_semaphore, #tpu.memory_space<semaphore_mem>> -> memref<1x!tpu.dma_semaphore, #tpu.memory_space<semaphore_mem>>
    %dma_wait3A_955 = tpu.memref_squeeze %dma_wait3A_954 : memref<1x!tpu.dma_semaphore, #tpu.memory_space<semaphore_mem>> -> memref<!tpu.dma_semaphore, #tpu.memory_space<semaphore_mem>>
    %dma_wait3A_956 = arith.constant 0 : i32
    %dma_wait3A_957 = tpu.memref_slice %arg6[%add3A_945, %dma_wait3A_956] : memref<315392x64xf32, #tpu.memory_space<hbm>> -> memref<112x64xf32, #tpu.memory_space<hbm>>
    %dma_wait3A_958 = arith.constant 0 : i32
    %dma_wait3A_959 = arith.constant 0 : i32
    %dma_wait3A_960 = tpu.memref_slice %arg8[%dma_wait3A_946, %dma_wait3A_958, %dma_wait3A_959] : memref<11x112x64xf32, #tpu.memory_space<vmem>> -> memref<1x112x64xf32, #tpu.memory_space<vmem>>
    %dma_wait3A_961 = tpu.memref_squeeze %dma_wait3A_960 : memref<1x112x64xf32, #tpu.memory_space<vmem>> -> memref<112x64xf32, #tpu.memory_space<vmem>>
    tpu.wait_dma2 semaphore(%dma_wait3A_955 : memref<!tpu.dma_semaphore, #tpu.memory_space<semaphore_mem>>) src(%dma_wait3A_961 : memref<112x64xf32, #tpu.memory_space<vmem>>) dst(%dma_wait3A_957 : memref<112x64xf32, #tpu.memory_space<hbm>>)
    %dma_start3A_962 = arith.constant 86 : i32
    %dma_start3A_963 = arith.constant 9 : i32
    %dma_start3A_964 = arith.constant 9 : i32
    %dma_start3A_965 = arith.constant 0 : i32
    %dma_start3A_966 = arith.constant 0 : i32
    %dma_start3A_967 = tpu.memref_slice %arg8[%dma_start3A_963, %dma_start3A_965, %dma_start3A_966] : memref<11x112x64xf32, #tpu.memory_space<vmem>> -> memref<1x112x64xf32, #tpu.memory_space<vmem>>
    %dma_start3A_968 = tpu.memref_squeeze %dma_start3A_967 : memref<1x112x64xf32, #tpu.memory_space<vmem>> -> memref<112x64xf32, #tpu.memory_space<vmem>>
    %dma_start3A_969 = arith.constant 0 : i32
    %dma_start3A_970 = tpu.memref_slice %arg7[%dma_start3A_962, %dma_start3A_969] : memref<88x112xi32, #tpu.memory_space<vmem>> -> memref<1x112xi32, #tpu.memory_space<vmem>>
    %dma_start3A_971 = tpu.memref_squeeze %dma_start3A_970 : memref<1x112xi32, #tpu.memory_space<vmem>> -> memref<112xi32, #tpu.memory_space<vmem>>
    %dma_start3A_972 = arith.constant 0 : i32
    %dma_start3A_973 = arith.constant 0 : i32
    %dma_start3A_974 = tpu.memref_slice %arg5[%dma_start3A_972, %dma_start3A_973] : memref<1000000x64xf32, #tpu.memory_space<hbm>> -> memref<1000000x64xf32, #tpu.memory_space<hbm>>
    %dma_start3A_975 = tpu.memref_slice %arg11[%dma_start3A_964] : memref<11x!tpu.dma_semaphore, #tpu.memory_space<semaphore_mem>> -> memref<1x!tpu.dma_semaphore, #tpu.memory_space<semaphore_mem>>
    %dma_start3A_976 = tpu.memref_squeeze %dma_start3A_975 : memref<1x!tpu.dma_semaphore, #tpu.memory_space<semaphore_mem>> -> memref<!tpu.dma_semaphore, #tpu.memory_space<semaphore_mem>>
    tpu.enqueue_indirect_dma source(%dma_start3A_974 : memref<1000000x64xf32, #tpu.memory_space<hbm>>) target(%dma_start3A_968 : memref<112x64xf32, #tpu.memory_space<vmem>>) offsets(%dma_start3A_971 : memref<112xi32, #tpu.memory_space<vmem>>) semaphore(%dma_start3A_976 : memref<!tpu.dma_semaphore, #tpu.memory_space<semaphore_mem>>)
    %add3A_977 = arith.constant 8960 : i32
    %add3A_978 = arith.addi %mul3A_2, %add3A_977 : i32
    %dma_start3A_979 = arith.constant 3 : i32
    %dma_start3A_980 = arith.constant 3 : i32
    %dma_start3A_981 = arith.constant 0 : i32
    %dma_start3A_982 = arith.constant 0 : i32
    %dma_start3A_983 = tpu.memref_slice %arg8[%dma_start3A_979, %dma_start3A_981, %dma_start3A_982] : memref<11x112x64xf32, #tpu.memory_space<vmem>> -> memref<1x112x64xf32, #tpu.memory_space<vmem>>
    %dma_start3A_984 = tpu.memref_squeeze %dma_start3A_983 : memref<1x112x64xf32, #tpu.memory_space<vmem>> -> memref<112x64xf32, #tpu.memory_space<vmem>>
    %dma_start3A_985 = arith.constant 0 : i32
    %dma_start3A_986 = tpu.memref_slice %arg6[%add3A_978, %dma_start3A_985] : memref<315392x64xf32, #tpu.memory_space<hbm>> -> memref<112x64xf32, #tpu.memory_space<hbm>>
    %dma_start3A_987 = tpu.memref_slice %arg12[%dma_start3A_980] : memref<11x!tpu.dma_semaphore, #tpu.memory_space<semaphore_mem>> -> memref<1x!tpu.dma_semaphore, #tpu.memory_space<semaphore_mem>>
    %dma_start3A_988 = tpu.memref_squeeze %dma_start3A_987 : memref<1x!tpu.dma_semaphore, #tpu.memory_space<semaphore_mem>> -> memref<!tpu.dma_semaphore, #tpu.memory_space<semaphore_mem>>
    %dma_start3A_989 = arith.constant 0 : i32
    %dma_start3A_990 = tpu.memref_slice %arg6[%add3A_978, %dma_start3A_989] : memref<315392x64xf32, #tpu.memory_space<hbm>> -> memref<112x64xf32, #tpu.memory_space<hbm>>
    %dma_start3A_991 = arith.constant 0 : i32
    %dma_start3A_992 = arith.constant 0 : i32
    %dma_start3A_993 = tpu.memref_slice %arg8[%dma_start3A_979, %dma_start3A_991, %dma_start3A_992] : memref<11x112x64xf32, #tpu.memory_space<vmem>> -> memref<1x112x64xf32, #tpu.memory_space<vmem>>
    %dma_start3A_994 = tpu.memref_squeeze %dma_start3A_993 : memref<1x112x64xf32, #tpu.memory_space<vmem>> -> memref<112x64xf32, #tpu.memory_space<vmem>>
    tpu.enqueue_dma source(%dma_start3A_994 : memref<112x64xf32, #tpu.memory_space<vmem>>) target(%dma_start3A_990 : memref<112x64xf32, #tpu.memory_space<hbm>>) target_semaphore(%dma_start3A_988 : memref<!tpu.dma_semaphore, #tpu.memory_space<semaphore_mem>>)
    %dma_wait3A_995 = arith.constant 81 : i32
    %dma_wait3A_996 = arith.constant 4 : i32
    %dma_wait3A_997 = arith.constant 4 : i32
    %dma_wait3A_998 = arith.constant 0 : i32
    %dma_wait3A_999 = arith.constant 0 : i32
    %dma_wait3A_1000 = tpu.memref_slice %arg8[%dma_wait3A_996, %dma_wait3A_998, %dma_wait3A_999] : memref<11x112x64xf32, #tpu.memory_space<vmem>> -> memref<1x112x64xf32, #tpu.memory_space<vmem>>
    %dma_wait3A_1001 = tpu.memref_squeeze %dma_wait3A_1000 : memref<1x112x64xf32, #tpu.memory_space<vmem>> -> memref<112x64xf32, #tpu.memory_space<vmem>>
    %dma_wait3A_1002 = arith.constant 0 : i32
    %dma_wait3A_1003 = tpu.memref_slice %arg7[%dma_wait3A_995, %dma_wait3A_1002] : memref<88x112xi32, #tpu.memory_space<vmem>> -> memref<1x112xi32, #tpu.memory_space<vmem>>
    %dma_wait3A_1004 = tpu.memref_squeeze %dma_wait3A_1003 : memref<1x112xi32, #tpu.memory_space<vmem>> -> memref<112xi32, #tpu.memory_space<vmem>>
    %dma_wait3A_1005 = arith.constant 0 : i32
    %dma_wait3A_1006 = arith.constant 0 : i32
    %dma_wait3A_1007 = tpu.memref_slice %arg5[%dma_wait3A_1005, %dma_wait3A_1006] : memref<1000000x64xf32, #tpu.memory_space<hbm>> -> memref<1000000x64xf32, #tpu.memory_space<hbm>>
    %dma_wait3A_1008 = tpu.memref_slice %arg11[%dma_wait3A_997] : memref<11x!tpu.dma_semaphore, #tpu.memory_space<semaphore_mem>> -> memref<1x!tpu.dma_semaphore, #tpu.memory_space<semaphore_mem>>
    %dma_wait3A_1009 = tpu.memref_squeeze %dma_wait3A_1008 : memref<1x!tpu.dma_semaphore, #tpu.memory_space<semaphore_mem>> -> memref<!tpu.dma_semaphore, #tpu.memory_space<semaphore_mem>>
    tpu.wait_indirect_dma semaphore(%dma_wait3A_1009 : memref<!tpu.dma_semaphore, #tpu.memory_space<semaphore_mem>>) src(%dma_wait3A_1007 : memref<1000000x64xf32, #tpu.memory_space<hbm>>) dst(%dma_wait3A_1001 : memref<112x64xf32, #tpu.memory_space<vmem>>)
    %add3A_1010 = arith.constant 8512 : i32
    %add3A_1011 = arith.addi %mul3A_2, %add3A_1010 : i32
    %dma_wait3A_1012 = arith.constant 10 : i32
    %dma_wait3A_1013 = arith.constant 10 : i32
    %dma_wait3A_1014 = arith.constant 0 : i32
    %dma_wait3A_1015 = arith.constant 0 : i32
    %dma_wait3A_1016 = tpu.memref_slice %arg8[%dma_wait3A_1012, %dma_wait3A_1014, %dma_wait3A_1015] : memref<11x112x64xf32, #tpu.memory_space<vmem>> -> memref<1x112x64xf32, #tpu.memory_space<vmem>>
    %dma_wait3A_1017 = tpu.memref_squeeze %dma_wait3A_1016 : memref<1x112x64xf32, #tpu.memory_space<vmem>> -> memref<112x64xf32, #tpu.memory_space<vmem>>
    %dma_wait3A_1018 = arith.constant 0 : i32
    %dma_wait3A_1019 = tpu.memref_slice %arg6[%add3A_1011, %dma_wait3A_1018] : memref<315392x64xf32, #tpu.memory_space<hbm>> -> memref<112x64xf32, #tpu.memory_space<hbm>>
    %dma_wait3A_1020 = tpu.memref_slice %arg12[%dma_wait3A_1013] : memref<11x!tpu.dma_semaphore, #tpu.memory_space<semaphore_mem>> -> memref<1x!tpu.dma_semaphore, #tpu.memory_space<semaphore_mem>>
    %dma_wait3A_1021 = tpu.memref_squeeze %dma_wait3A_1020 : memref<1x!tpu.dma_semaphore, #tpu.memory_space<semaphore_mem>> -> memref<!tpu.dma_semaphore, #tpu.memory_space<semaphore_mem>>
    %dma_wait3A_1022 = arith.constant 0 : i32
    %dma_wait3A_1023 = tpu.memref_slice %arg6[%add3A_1011, %dma_wait3A_1022] : memref<315392x64xf32, #tpu.memory_space<hbm>> -> memref<112x64xf32, #tpu.memory_space<hbm>>
    %dma_wait3A_1024 = arith.constant 0 : i32
    %dma_wait3A_1025 = arith.constant 0 : i32
    %dma_wait3A_1026 = tpu.memref_slice %arg8[%dma_wait3A_1012, %dma_wait3A_1024, %dma_wait3A_1025] : memref<11x112x64xf32, #tpu.memory_space<vmem>> -> memref<1x112x64xf32, #tpu.memory_space<vmem>>
    %dma_wait3A_1027 = tpu.memref_squeeze %dma_wait3A_1026 : memref<1x112x64xf32, #tpu.memory_space<vmem>> -> memref<112x64xf32, #tpu.memory_space<vmem>>
    tpu.wait_dma2 semaphore(%dma_wait3A_1021 : memref<!tpu.dma_semaphore, #tpu.memory_space<semaphore_mem>>) src(%dma_wait3A_1027 : memref<112x64xf32, #tpu.memory_space<vmem>>) dst(%dma_wait3A_1023 : memref<112x64xf32, #tpu.memory_space<hbm>>)
    %dma_start3A_1028 = arith.constant 87 : i32
    %dma_start3A_1029 = arith.constant 10 : i32
    %dma_start3A_1030 = arith.constant 10 : i32
    %dma_start3A_1031 = arith.constant 0 : i32
    %dma_start3A_1032 = arith.constant 0 : i32
    %dma_start3A_1033 = tpu.memref_slice %arg8[%dma_start3A_1029, %dma_start3A_1031, %dma_start3A_1032] : memref<11x112x64xf32, #tpu.memory_space<vmem>> -> memref<1x112x64xf32, #tpu.memory_space<vmem>>
    %dma_start3A_1034 = tpu.memref_squeeze %dma_start3A_1033 : memref<1x112x64xf32, #tpu.memory_space<vmem>> -> memref<112x64xf32, #tpu.memory_space<vmem>>
    %dma_start3A_1035 = arith.constant 0 : i32
    %dma_start3A_1036 = tpu.memref_slice %arg7[%dma_start3A_1028, %dma_start3A_1035] : memref<88x112xi32, #tpu.memory_space<vmem>> -> memref<1x112xi32, #tpu.memory_space<vmem>>
    %dma_start3A_1037 = tpu.memref_squeeze %dma_start3A_1036 : memref<1x112xi32, #tpu.memory_space<vmem>> -> memref<112xi32, #tpu.memory_space<vmem>>
    %dma_start3A_1038 = arith.constant 0 : i32
    %dma_start3A_1039 = arith.constant 0 : i32
    %dma_start3A_1040 = tpu.memref_slice %arg5[%dma_start3A_1038, %dma_start3A_1039] : memref<1000000x64xf32, #tpu.memory_space<hbm>> -> memref<1000000x64xf32, #tpu.memory_space<hbm>>
    %dma_start3A_1041 = tpu.memref_slice %arg11[%dma_start3A_1030] : memref<11x!tpu.dma_semaphore, #tpu.memory_space<semaphore_mem>> -> memref<1x!tpu.dma_semaphore, #tpu.memory_space<semaphore_mem>>
    %dma_start3A_1042 = tpu.memref_squeeze %dma_start3A_1041 : memref<1x!tpu.dma_semaphore, #tpu.memory_space<semaphore_mem>> -> memref<!tpu.dma_semaphore, #tpu.memory_space<semaphore_mem>>
    tpu.enqueue_indirect_dma source(%dma_start3A_1040 : memref<1000000x64xf32, #tpu.memory_space<hbm>>) target(%dma_start3A_1034 : memref<112x64xf32, #tpu.memory_space<vmem>>) offsets(%dma_start3A_1037 : memref<112xi32, #tpu.memory_space<vmem>>) semaphore(%dma_start3A_1042 : memref<!tpu.dma_semaphore, #tpu.memory_space<semaphore_mem>>)
    %add3A_1043 = arith.constant 9072 : i32
    %add3A_1044 = arith.addi %mul3A_2, %add3A_1043 : i32
    %dma_start3A_1045 = arith.constant 4 : i32
    %dma_start3A_1046 = arith.constant 4 : i32
    %dma_start3A_1047 = arith.constant 0 : i32
    %dma_start3A_1048 = arith.constant 0 : i32
    %dma_start3A_1049 = tpu.memref_slice %arg8[%dma_start3A_1045, %dma_start3A_1047, %dma_start3A_1048] : memref<11x112x64xf32, #tpu.memory_space<vmem>> -> memref<1x112x64xf32, #tpu.memory_space<vmem>>
    %dma_start3A_1050 = tpu.memref_squeeze %dma_start3A_1049 : memref<1x112x64xf32, #tpu.memory_space<vmem>> -> memref<112x64xf32, #tpu.memory_space<vmem>>
    %dma_start3A_1051 = arith.constant 0 : i32
    %dma_start3A_1052 = tpu.memref_slice %arg6[%add3A_1044, %dma_start3A_1051] : memref<315392x64xf32, #tpu.memory_space<hbm>> -> memref<112x64xf32, #tpu.memory_space<hbm>>
    %dma_start3A_1053 = tpu.memref_slice %arg12[%dma_start3A_1046] : memref<11x!tpu.dma_semaphore, #tpu.memory_space<semaphore_mem>> -> memref<1x!tpu.dma_semaphore, #tpu.memory_space<semaphore_mem>>
    %dma_start3A_1054 = tpu.memref_squeeze %dma_start3A_1053 : memref<1x!tpu.dma_semaphore, #tpu.memory_space<semaphore_mem>> -> memref<!tpu.dma_semaphore, #tpu.memory_space<semaphore_mem>>
    %dma_start3A_1055 = arith.constant 0 : i32
    %dma_start3A_1056 = tpu.memref_slice %arg6[%add3A_1044, %dma_start3A_1055] : memref<315392x64xf32, #tpu.memory_space<hbm>> -> memref<112x64xf32, #tpu.memory_space<hbm>>
    %dma_start3A_1057 = arith.constant 0 : i32
    %dma_start3A_1058 = arith.constant 0 : i32
    %dma_start3A_1059 = tpu.memref_slice %arg8[%dma_start3A_1045, %dma_start3A_1057, %dma_start3A_1058] : memref<11x112x64xf32, #tpu.memory_space<vmem>> -> memref<1x112x64xf32, #tpu.memory_space<vmem>>
    %dma_start3A_1060 = tpu.memref_squeeze %dma_start3A_1059 : memref<1x112x64xf32, #tpu.memory_space<vmem>> -> memref<112x64xf32, #tpu.memory_space<vmem>>
    tpu.enqueue_dma source(%dma_start3A_1060 : memref<112x64xf32, #tpu.memory_space<vmem>>) target(%dma_start3A_1056 : memref<112x64xf32, #tpu.memory_space<hbm>>) target_semaphore(%dma_start3A_1054 : memref<!tpu.dma_semaphore, #tpu.memory_space<semaphore_mem>>)
    %dma_wait3A_1061 = arith.constant 82 : i32
    %dma_wait3A_1062 = arith.constant 5 : i32
    %dma_wait3A_1063 = arith.constant 5 : i32
    %dma_wait3A_1064 = arith.constant 0 : i32
    %dma_wait3A_1065 = arith.constant 0 : i32
    %dma_wait3A_1066 = tpu.memref_slice %arg8[%dma_wait3A_1062, %dma_wait3A_1064, %dma_wait3A_1065] : memref<11x112x64xf32, #tpu.memory_space<vmem>> -> memref<1x112x64xf32, #tpu.memory_space<vmem>>
    %dma_wait3A_1067 = tpu.memref_squeeze %dma_wait3A_1066 : memref<1x112x64xf32, #tpu.memory_space<vmem>> -> memref<112x64xf32, #tpu.memory_space<vmem>>
    %dma_wait3A_1068 = arith.constant 0 : i32
    %dma_wait3A_1069 = tpu.memref_slice %arg7[%dma_wait3A_1061, %dma_wait3A_1068] : memref<88x112xi32, #tpu.memory_space<vmem>> -> memref<1x112xi32, #tpu.memory_space<vmem>>
    %dma_wait3A_1070 = tpu.memref_squeeze %dma_wait3A_1069 : memref<1x112xi32, #tpu.memory_space<vmem>> -> memref<112xi32, #tpu.memory_space<vmem>>
    %dma_wait3A_1071 = arith.constant 0 : i32
    %dma_wait3A_1072 = arith.constant 0 : i32
    %dma_wait3A_1073 = tpu.memref_slice %arg5[%dma_wait3A_1071, %dma_wait3A_1072] : memref<1000000x64xf32, #tpu.memory_space<hbm>> -> memref<1000000x64xf32, #tpu.memory_space<hbm>>
    %dma_wait3A_1074 = tpu.memref_slice %arg11[%dma_wait3A_1063] : memref<11x!tpu.dma_semaphore, #tpu.memory_space<semaphore_mem>> -> memref<1x!tpu.dma_semaphore, #tpu.memory_space<semaphore_mem>>
    %dma_wait3A_1075 = tpu.memref_squeeze %dma_wait3A_1074 : memref<1x!tpu.dma_semaphore, #tpu.memory_space<semaphore_mem>> -> memref<!tpu.dma_semaphore, #tpu.memory_space<semaphore_mem>>
    tpu.wait_indirect_dma semaphore(%dma_wait3A_1075 : memref<!tpu.dma_semaphore, #tpu.memory_space<semaphore_mem>>) src(%dma_wait3A_1073 : memref<1000000x64xf32, #tpu.memory_space<hbm>>) dst(%dma_wait3A_1067 : memref<112x64xf32, #tpu.memory_space<vmem>>)
    %add3A_1076 = arith.constant 9184 : i32
    %add3A_1077 = arith.addi %mul3A_2, %add3A_1076 : i32
    %dma_start3A_1078 = arith.constant 5 : i32
    %dma_start3A_1079 = arith.constant 5 : i32
    %dma_start3A_1080 = arith.constant 0 : i32
    %dma_start3A_1081 = arith.constant 0 : i32
    %dma_start3A_1082 = tpu.memref_slice %arg8[%dma_start3A_1078, %dma_start3A_1080, %dma_start3A_1081] : memref<11x112x64xf32, #tpu.memory_space<vmem>> -> memref<1x112x64xf32, #tpu.memory_space<vmem>>
    %dma_start3A_1083 = tpu.memref_squeeze %dma_start3A_1082 : memref<1x112x64xf32, #tpu.memory_space<vmem>> -> memref<112x64xf32, #tpu.memory_space<vmem>>
    %dma_start3A_1084 = arith.constant 0 : i32
    %dma_start3A_1085 = tpu.memref_slice %arg6[%add3A_1077, %dma_start3A_1084] : memref<315392x64xf32, #tpu.memory_space<hbm>> -> memref<112x64xf32, #tpu.memory_space<hbm>>
    %dma_start3A_1086 = tpu.memref_slice %arg12[%dma_start3A_1079] : memref<11x!tpu.dma_semaphore, #tpu.memory_space<semaphore_mem>> -> memref<1x!tpu.dma_semaphore, #tpu.memory_space<semaphore_mem>>
    %dma_start3A_1087 = tpu.memref_squeeze %dma_start3A_1086 : memref<1x!tpu.dma_semaphore, #tpu.memory_space<semaphore_mem>> -> memref<!tpu.dma_semaphore, #tpu.memory_space<semaphore_mem>>
    %dma_start3A_1088 = arith.constant 0 : i32
    %dma_start3A_1089 = tpu.memref_slice %arg6[%add3A_1077, %dma_start3A_1088] : memref<315392x64xf32, #tpu.memory_space<hbm>> -> memref<112x64xf32, #tpu.memory_space<hbm>>
    %dma_start3A_1090 = arith.constant 0 : i32
    %dma_start3A_1091 = arith.constant 0 : i32
    %dma_start3A_1092 = tpu.memref_slice %arg8[%dma_start3A_1078, %dma_start3A_1090, %dma_start3A_1091] : memref<11x112x64xf32, #tpu.memory_space<vmem>> -> memref<1x112x64xf32, #tpu.memory_space<vmem>>
    %dma_start3A_1093 = tpu.memref_squeeze %dma_start3A_1092 : memref<1x112x64xf32, #tpu.memory_space<vmem>> -> memref<112x64xf32, #tpu.memory_space<vmem>>
    tpu.enqueue_dma source(%dma_start3A_1093 : memref<112x64xf32, #tpu.memory_space<vmem>>) target(%dma_start3A_1089 : memref<112x64xf32, #tpu.memory_space<hbm>>) target_semaphore(%dma_start3A_1087 : memref<!tpu.dma_semaphore, #tpu.memory_space<semaphore_mem>>)
    %dma_wait3A_1094 = arith.constant 83 : i32
    %dma_wait3A_1095 = arith.constant 6 : i32
    %dma_wait3A_1096 = arith.constant 6 : i32
    %dma_wait3A_1097 = arith.constant 0 : i32
    %dma_wait3A_1098 = arith.constant 0 : i32
    %dma_wait3A_1099 = tpu.memref_slice %arg8[%dma_wait3A_1095, %dma_wait3A_1097, %dma_wait3A_1098] : memref<11x112x64xf32, #tpu.memory_space<vmem>> -> memref<1x112x64xf32, #tpu.memory_space<vmem>>
    %dma_wait3A_1100 = tpu.memref_squeeze %dma_wait3A_1099 : memref<1x112x64xf32, #tpu.memory_space<vmem>> -> memref<112x64xf32, #tpu.memory_space<vmem>>
    %dma_wait3A_1101 = arith.constant 0 : i32
    %dma_wait3A_1102 = tpu.memref_slice %arg7[%dma_wait3A_1094, %dma_wait3A_1101] : memref<88x112xi32, #tpu.memory_space<vmem>> -> memref<1x112xi32, #tpu.memory_space<vmem>>
    %dma_wait3A_1103 = tpu.memref_squeeze %dma_wait3A_1102 : memref<1x112xi32, #tpu.memory_space<vmem>> -> memref<112xi32, #tpu.memory_space<vmem>>
    %dma_wait3A_1104 = arith.constant 0 : i32
    %dma_wait3A_1105 = arith.constant 0 : i32
    %dma_wait3A_1106 = tpu.memref_slice %arg5[%dma_wait3A_1104, %dma_wait3A_1105] : memref<1000000x64xf32, #tpu.memory_space<hbm>> -> memref<1000000x64xf32, #tpu.memory_space<hbm>>
    %dma_wait3A_1107 = tpu.memref_slice %arg11[%dma_wait3A_1096] : memref<11x!tpu.dma_semaphore, #tpu.memory_space<semaphore_mem>> -> memref<1x!tpu.dma_semaphore, #tpu.memory_space<semaphore_mem>>
    %dma_wait3A_1108 = tpu.memref_squeeze %dma_wait3A_1107 : memref<1x!tpu.dma_semaphore, #tpu.memory_space<semaphore_mem>> -> memref<!tpu.dma_semaphore, #tpu.memory_space<semaphore_mem>>
    tpu.wait_indirect_dma semaphore(%dma_wait3A_1108 : memref<!tpu.dma_semaphore, #tpu.memory_space<semaphore_mem>>) src(%dma_wait3A_1106 : memref<1000000x64xf32, #tpu.memory_space<hbm>>) dst(%dma_wait3A_1100 : memref<112x64xf32, #tpu.memory_space<vmem>>)
    %add3A_1109 = arith.constant 9296 : i32
    %add3A_1110 = arith.addi %mul3A_2, %add3A_1109 : i32
    %dma_start3A_1111 = arith.constant 6 : i32
    %dma_start3A_1112 = arith.constant 6 : i32
    %dma_start3A_1113 = arith.constant 0 : i32
    %dma_start3A_1114 = arith.constant 0 : i32
    %dma_start3A_1115 = tpu.memref_slice %arg8[%dma_start3A_1111, %dma_start3A_1113, %dma_start3A_1114] : memref<11x112x64xf32, #tpu.memory_space<vmem>> -> memref<1x112x64xf32, #tpu.memory_space<vmem>>
    %dma_start3A_1116 = tpu.memref_squeeze %dma_start3A_1115 : memref<1x112x64xf32, #tpu.memory_space<vmem>> -> memref<112x64xf32, #tpu.memory_space<vmem>>
    %dma_start3A_1117 = arith.constant 0 : i32
    %dma_start3A_1118 = tpu.memref_slice %arg6[%add3A_1110, %dma_start3A_1117] : memref<315392x64xf32, #tpu.memory_space<hbm>> -> memref<112x64xf32, #tpu.memory_space<hbm>>
    %dma_start3A_1119 = tpu.memref_slice %arg12[%dma_start3A_1112] : memref<11x!tpu.dma_semaphore, #tpu.memory_space<semaphore_mem>> -> memref<1x!tpu.dma_semaphore, #tpu.memory_space<semaphore_mem>>
    %dma_start3A_1120 = tpu.memref_squeeze %dma_start3A_1119 : memref<1x!tpu.dma_semaphore, #tpu.memory_space<semaphore_mem>> -> memref<!tpu.dma_semaphore, #tpu.memory_space<semaphore_mem>>
    %dma_start3A_1121 = arith.constant 0 : i32
    %dma_start3A_1122 = tpu.memref_slice %arg6[%add3A_1110, %dma_start3A_1121] : memref<315392x64xf32, #tpu.memory_space<hbm>> -> memref<112x64xf32, #tpu.memory_space<hbm>>
    %dma_start3A_1123 = arith.constant 0 : i32
    %dma_start3A_1124 = arith.constant 0 : i32
    %dma_start3A_1125 = tpu.memref_slice %arg8[%dma_start3A_1111, %dma_start3A_1123, %dma_start3A_1124] : memref<11x112x64xf32, #tpu.memory_space<vmem>> -> memref<1x112x64xf32, #tpu.memory_space<vmem>>
    %dma_start3A_1126 = tpu.memref_squeeze %dma_start3A_1125 : memref<1x112x64xf32, #tpu.memory_space<vmem>> -> memref<112x64xf32, #tpu.memory_space<vmem>>
    tpu.enqueue_dma source(%dma_start3A_1126 : memref<112x64xf32, #tpu.memory_space<vmem>>) target(%dma_start3A_1122 : memref<112x64xf32, #tpu.memory_space<hbm>>) target_semaphore(%dma_start3A_1120 : memref<!tpu.dma_semaphore, #tpu.memory_space<semaphore_mem>>)
    %dma_wait3A_1127 = arith.constant 84 : i32
    %dma_wait3A_1128 = arith.constant 7 : i32
    %dma_wait3A_1129 = arith.constant 7 : i32
    %dma_wait3A_1130 = arith.constant 0 : i32
    %dma_wait3A_1131 = arith.constant 0 : i32
    %dma_wait3A_1132 = tpu.memref_slice %arg8[%dma_wait3A_1128, %dma_wait3A_1130, %dma_wait3A_1131] : memref<11x112x64xf32, #tpu.memory_space<vmem>> -> memref<1x112x64xf32, #tpu.memory_space<vmem>>
    %dma_wait3A_1133 = tpu.memref_squeeze %dma_wait3A_1132 : memref<1x112x64xf32, #tpu.memory_space<vmem>> -> memref<112x64xf32, #tpu.memory_space<vmem>>
    %dma_wait3A_1134 = arith.constant 0 : i32
    %dma_wait3A_1135 = tpu.memref_slice %arg7[%dma_wait3A_1127, %dma_wait3A_1134] : memref<88x112xi32, #tpu.memory_space<vmem>> -> memref<1x112xi32, #tpu.memory_space<vmem>>
    %dma_wait3A_1136 = tpu.memref_squeeze %dma_wait3A_1135 : memref<1x112xi32, #tpu.memory_space<vmem>> -> memref<112xi32, #tpu.memory_space<vmem>>
    %dma_wait3A_1137 = arith.constant 0 : i32
    %dma_wait3A_1138 = arith.constant 0 : i32
    %dma_wait3A_1139 = tpu.memref_slice %arg5[%dma_wait3A_1137, %dma_wait3A_1138] : memref<1000000x64xf32, #tpu.memory_space<hbm>> -> memref<1000000x64xf32, #tpu.memory_space<hbm>>
    %dma_wait3A_1140 = tpu.memref_slice %arg11[%dma_wait3A_1129] : memref<11x!tpu.dma_semaphore, #tpu.memory_space<semaphore_mem>> -> memref<1x!tpu.dma_semaphore, #tpu.memory_space<semaphore_mem>>
    %dma_wait3A_1141 = tpu.memref_squeeze %dma_wait3A_1140 : memref<1x!tpu.dma_semaphore, #tpu.memory_space<semaphore_mem>> -> memref<!tpu.dma_semaphore, #tpu.memory_space<semaphore_mem>>
    tpu.wait_indirect_dma semaphore(%dma_wait3A_1141 : memref<!tpu.dma_semaphore, #tpu.memory_space<semaphore_mem>>) src(%dma_wait3A_1139 : memref<1000000x64xf32, #tpu.memory_space<hbm>>) dst(%dma_wait3A_1133 : memref<112x64xf32, #tpu.memory_space<vmem>>)
    %add3A_1142 = arith.constant 9408 : i32
    %add3A_1143 = arith.addi %mul3A_2, %add3A_1142 : i32
    %dma_start3A_1144 = arith.constant 7 : i32
    %dma_start3A_1145 = arith.constant 7 : i32
    %dma_start3A_1146 = arith.constant 0 : i32
    %dma_start3A_1147 = arith.constant 0 : i32
    %dma_start3A_1148 = tpu.memref_slice %arg8[%dma_start3A_1144, %dma_start3A_1146, %dma_start3A_1147] : memref<11x112x64xf32, #tpu.memory_space<vmem>> -> memref<1x112x64xf32, #tpu.memory_space<vmem>>
    %dma_start3A_1149 = tpu.memref_squeeze %dma_start3A_1148 : memref<1x112x64xf32, #tpu.memory_space<vmem>> -> memref<112x64xf32, #tpu.memory_space<vmem>>
    %dma_start3A_1150 = arith.constant 0 : i32
    %dma_start3A_1151 = tpu.memref_slice %arg6[%add3A_1143, %dma_start3A_1150] : memref<315392x64xf32, #tpu.memory_space<hbm>> -> memref<112x64xf32, #tpu.memory_space<hbm>>
    %dma_start3A_1152 = tpu.memref_slice %arg12[%dma_start3A_1145] : memref<11x!tpu.dma_semaphore, #tpu.memory_space<semaphore_mem>> -> memref<1x!tpu.dma_semaphore, #tpu.memory_space<semaphore_mem>>
    %dma_start3A_1153 = tpu.memref_squeeze %dma_start3A_1152 : memref<1x!tpu.dma_semaphore, #tpu.memory_space<semaphore_mem>> -> memref<!tpu.dma_semaphore, #tpu.memory_space<semaphore_mem>>
    %dma_start3A_1154 = arith.constant 0 : i32
    %dma_start3A_1155 = tpu.memref_slice %arg6[%add3A_1143, %dma_start3A_1154] : memref<315392x64xf32, #tpu.memory_space<hbm>> -> memref<112x64xf32, #tpu.memory_space<hbm>>
    %dma_start3A_1156 = arith.constant 0 : i32
    %dma_start3A_1157 = arith.constant 0 : i32
    %dma_start3A_1158 = tpu.memref_slice %arg8[%dma_start3A_1144, %dma_start3A_1156, %dma_start3A_1157] : memref<11x112x64xf32, #tpu.memory_space<vmem>> -> memref<1x112x64xf32, #tpu.memory_space<vmem>>
    %dma_start3A_1159 = tpu.memref_squeeze %dma_start3A_1158 : memref<1x112x64xf32, #tpu.memory_space<vmem>> -> memref<112x64xf32, #tpu.memory_space<vmem>>
    tpu.enqueue_dma source(%dma_start3A_1159 : memref<112x64xf32, #tpu.memory_space<vmem>>) target(%dma_start3A_1155 : memref<112x64xf32, #tpu.memory_space<hbm>>) target_semaphore(%dma_start3A_1153 : memref<!tpu.dma_semaphore, #tpu.memory_space<semaphore_mem>>)
    %dma_wait3A_1160 = arith.constant 85 : i32
    %dma_wait3A_1161 = arith.constant 8 : i32
    %dma_wait3A_1162 = arith.constant 8 : i32
    %dma_wait3A_1163 = arith.constant 0 : i32
    %dma_wait3A_1164 = arith.constant 0 : i32
    %dma_wait3A_1165 = tpu.memref_slice %arg8[%dma_wait3A_1161, %dma_wait3A_1163, %dma_wait3A_1164] : memref<11x112x64xf32, #tpu.memory_space<vmem>> -> memref<1x112x64xf32, #tpu.memory_space<vmem>>
    %dma_wait3A_1166 = tpu.memref_squeeze %dma_wait3A_1165 : memref<1x112x64xf32, #tpu.memory_space<vmem>> -> memref<112x64xf32, #tpu.memory_space<vmem>>
    %dma_wait3A_1167 = arith.constant 0 : i32
    %dma_wait3A_1168 = tpu.memref_slice %arg7[%dma_wait3A_1160, %dma_wait3A_1167] : memref<88x112xi32, #tpu.memory_space<vmem>> -> memref<1x112xi32, #tpu.memory_space<vmem>>
    %dma_wait3A_1169 = tpu.memref_squeeze %dma_wait3A_1168 : memref<1x112xi32, #tpu.memory_space<vmem>> -> memref<112xi32, #tpu.memory_space<vmem>>
    %dma_wait3A_1170 = arith.constant 0 : i32
    %dma_wait3A_1171 = arith.constant 0 : i32
    %dma_wait3A_1172 = tpu.memref_slice %arg5[%dma_wait3A_1170, %dma_wait3A_1171] : memref<1000000x64xf32, #tpu.memory_space<hbm>> -> memref<1000000x64xf32, #tpu.memory_space<hbm>>
    %dma_wait3A_1173 = tpu.memref_slice %arg11[%dma_wait3A_1162] : memref<11x!tpu.dma_semaphore, #tpu.memory_space<semaphore_mem>> -> memref<1x!tpu.dma_semaphore, #tpu.memory_space<semaphore_mem>>
    %dma_wait3A_1174 = tpu.memref_squeeze %dma_wait3A_1173 : memref<1x!tpu.dma_semaphore, #tpu.memory_space<semaphore_mem>> -> memref<!tpu.dma_semaphore, #tpu.memory_space<semaphore_mem>>
    tpu.wait_indirect_dma semaphore(%dma_wait3A_1174 : memref<!tpu.dma_semaphore, #tpu.memory_space<semaphore_mem>>) src(%dma_wait3A_1172 : memref<1000000x64xf32, #tpu.memory_space<hbm>>) dst(%dma_wait3A_1166 : memref<112x64xf32, #tpu.memory_space<vmem>>)
    %add3A_1175 = arith.constant 9520 : i32
    %add3A_1176 = arith.addi %mul3A_2, %add3A_1175 : i32
    %dma_start3A_1177 = arith.constant 8 : i32
    %dma_start3A_1178 = arith.constant 8 : i32
    %dma_start3A_1179 = arith.constant 0 : i32
    %dma_start3A_1180 = arith.constant 0 : i32
    %dma_start3A_1181 = tpu.memref_slice %arg8[%dma_start3A_1177, %dma_start3A_1179, %dma_start3A_1180] : memref<11x112x64xf32, #tpu.memory_space<vmem>> -> memref<1x112x64xf32, #tpu.memory_space<vmem>>
    %dma_start3A_1182 = tpu.memref_squeeze %dma_start3A_1181 : memref<1x112x64xf32, #tpu.memory_space<vmem>> -> memref<112x64xf32, #tpu.memory_space<vmem>>
    %dma_start3A_1183 = arith.constant 0 : i32
    %dma_start3A_1184 = tpu.memref_slice %arg6[%add3A_1176, %dma_start3A_1183] : memref<315392x64xf32, #tpu.memory_space<hbm>> -> memref<112x64xf32, #tpu.memory_space<hbm>>
    %dma_start3A_1185 = tpu.memref_slice %arg12[%dma_start3A_1178] : memref<11x!tpu.dma_semaphore, #tpu.memory_space<semaphore_mem>> -> memref<1x!tpu.dma_semaphore, #tpu.memory_space<semaphore_mem>>
    %dma_start3A_1186 = tpu.memref_squeeze %dma_start3A_1185 : memref<1x!tpu.dma_semaphore, #tpu.memory_space<semaphore_mem>> -> memref<!tpu.dma_semaphore, #tpu.memory_space<semaphore_mem>>
    %dma_start3A_1187 = arith.constant 0 : i32
    %dma_start3A_1188 = tpu.memref_slice %arg6[%add3A_1176, %dma_start3A_1187] : memref<315392x64xf32, #tpu.memory_space<hbm>> -> memref<112x64xf32, #tpu.memory_space<hbm>>
    %dma_start3A_1189 = arith.constant 0 : i32
    %dma_start3A_1190 = arith.constant 0 : i32
    %dma_start3A_1191 = tpu.memref_slice %arg8[%dma_start3A_1177, %dma_start3A_1189, %dma_start3A_1190] : memref<11x112x64xf32, #tpu.memory_space<vmem>> -> memref<1x112x64xf32, #tpu.memory_space<vmem>>
    %dma_start3A_1192 = tpu.memref_squeeze %dma_start3A_1191 : memref<1x112x64xf32, #tpu.memory_space<vmem>> -> memref<112x64xf32, #tpu.memory_space<vmem>>
    tpu.enqueue_dma source(%dma_start3A_1192 : memref<112x64xf32, #tpu.memory_space<vmem>>) target(%dma_start3A_1188 : memref<112x64xf32, #tpu.memory_space<hbm>>) target_semaphore(%dma_start3A_1186 : memref<!tpu.dma_semaphore, #tpu.memory_space<semaphore_mem>>)
    %dma_wait3A_1193 = arith.constant 86 : i32
    %dma_wait3A_1194 = arith.constant 9 : i32
    %dma_wait3A_1195 = arith.constant 9 : i32
    %dma_wait3A_1196 = arith.constant 0 : i32
    %dma_wait3A_1197 = arith.constant 0 : i32
    %dma_wait3A_1198 = tpu.memref_slice %arg8[%dma_wait3A_1194, %dma_wait3A_1196, %dma_wait3A_1197] : memref<11x112x64xf32, #tpu.memory_space<vmem>> -> memref<1x112x64xf32, #tpu.memory_space<vmem>>
    %dma_wait3A_1199 = tpu.memref_squeeze %dma_wait3A_1198 : memref<1x112x64xf32, #tpu.memory_space<vmem>> -> memref<112x64xf32, #tpu.memory_space<vmem>>
    %dma_wait3A_1200 = arith.constant 0 : i32
    %dma_wait3A_1201 = tpu.memref_slice %arg7[%dma_wait3A_1193, %dma_wait3A_1200] : memref<88x112xi32, #tpu.memory_space<vmem>> -> memref<1x112xi32, #tpu.memory_space<vmem>>
    %dma_wait3A_1202 = tpu.memref_squeeze %dma_wait3A_1201 : memref<1x112xi32, #tpu.memory_space<vmem>> -> memref<112xi32, #tpu.memory_space<vmem>>
    %dma_wait3A_1203 = arith.constant 0 : i32
    %dma_wait3A_1204 = arith.constant 0 : i32
    %dma_wait3A_1205 = tpu.memref_slice %arg5[%dma_wait3A_1203, %dma_wait3A_1204] : memref<1000000x64xf32, #tpu.memory_space<hbm>> -> memref<1000000x64xf32, #tpu.memory_space<hbm>>
    %dma_wait3A_1206 = tpu.memref_slice %arg11[%dma_wait3A_1195] : memref<11x!tpu.dma_semaphore, #tpu.memory_space<semaphore_mem>> -> memref<1x!tpu.dma_semaphore, #tpu.memory_space<semaphore_mem>>
    %dma_wait3A_1207 = tpu.memref_squeeze %dma_wait3A_1206 : memref<1x!tpu.dma_semaphore, #tpu.memory_space<semaphore_mem>> -> memref<!tpu.dma_semaphore, #tpu.memory_space<semaphore_mem>>
    tpu.wait_indirect_dma semaphore(%dma_wait3A_1207 : memref<!tpu.dma_semaphore, #tpu.memory_space<semaphore_mem>>) src(%dma_wait3A_1205 : memref<1000000x64xf32, #tpu.memory_space<hbm>>) dst(%dma_wait3A_1199 : memref<112x64xf32, #tpu.memory_space<vmem>>)
    %add3A_1208 = arith.constant 9632 : i32
    %add3A_1209 = arith.addi %mul3A_2, %add3A_1208 : i32
    %dma_start3A_1210 = arith.constant 9 : i32
    %dma_start3A_1211 = arith.constant 9 : i32
    %dma_start3A_1212 = arith.constant 0 : i32
    %dma_start3A_1213 = arith.constant 0 : i32
    %dma_start3A_1214 = tpu.memref_slice %arg8[%dma_start3A_1210, %dma_start3A_1212, %dma_start3A_1213] : memref<11x112x64xf32, #tpu.memory_space<vmem>> -> memref<1x112x64xf32, #tpu.memory_space<vmem>>
    %dma_start3A_1215 = tpu.memref_squeeze %dma_start3A_1214 : memref<1x112x64xf32, #tpu.memory_space<vmem>> -> memref<112x64xf32, #tpu.memory_space<vmem>>
    %dma_start3A_1216 = arith.constant 0 : i32
    %dma_start3A_1217 = tpu.memref_slice %arg6[%add3A_1209, %dma_start3A_1216] : memref<315392x64xf32, #tpu.memory_space<hbm>> -> memref<112x64xf32, #tpu.memory_space<hbm>>
    %dma_start3A_1218 = tpu.memref_slice %arg12[%dma_start3A_1211] : memref<11x!tpu.dma_semaphore, #tpu.memory_space<semaphore_mem>> -> memref<1x!tpu.dma_semaphore, #tpu.memory_space<semaphore_mem>>
    %dma_start3A_1219 = tpu.memref_squeeze %dma_start3A_1218 : memref<1x!tpu.dma_semaphore, #tpu.memory_space<semaphore_mem>> -> memref<!tpu.dma_semaphore, #tpu.memory_space<semaphore_mem>>
    %dma_start3A_1220 = arith.constant 0 : i32
    %dma_start3A_1221 = tpu.memref_slice %arg6[%add3A_1209, %dma_start3A_1220] : memref<315392x64xf32, #tpu.memory_space<hbm>> -> memref<112x64xf32, #tpu.memory_space<hbm>>
    %dma_start3A_1222 = arith.constant 0 : i32
    %dma_start3A_1223 = arith.constant 0 : i32
    %dma_start3A_1224 = tpu.memref_slice %arg8[%dma_start3A_1210, %dma_start3A_1222, %dma_start3A_1223] : memref<11x112x64xf32, #tpu.memory_space<vmem>> -> memref<1x112x64xf32, #tpu.memory_space<vmem>>
    %dma_start3A_1225 = tpu.memref_squeeze %dma_start3A_1224 : memref<1x112x64xf32, #tpu.memory_space<vmem>> -> memref<112x64xf32, #tpu.memory_space<vmem>>
    tpu.enqueue_dma source(%dma_start3A_1225 : memref<112x64xf32, #tpu.memory_space<vmem>>) target(%dma_start3A_1221 : memref<112x64xf32, #tpu.memory_space<hbm>>) target_semaphore(%dma_start3A_1219 : memref<!tpu.dma_semaphore, #tpu.memory_space<semaphore_mem>>)
    %dma_wait3A_1226 = arith.constant 87 : i32
    %dma_wait3A_1227 = arith.constant 10 : i32
    %dma_wait3A_1228 = arith.constant 10 : i32
    %dma_wait3A_1229 = arith.constant 0 : i32
    %dma_wait3A_1230 = arith.constant 0 : i32
    %dma_wait3A_1231 = tpu.memref_slice %arg8[%dma_wait3A_1227, %dma_wait3A_1229, %dma_wait3A_1230] : memref<11x112x64xf32, #tpu.memory_space<vmem>> -> memref<1x112x64xf32, #tpu.memory_space<vmem>>
    %dma_wait3A_1232 = tpu.memref_squeeze %dma_wait3A_1231 : memref<1x112x64xf32, #tpu.memory_space<vmem>> -> memref<112x64xf32, #tpu.memory_space<vmem>>
    %dma_wait3A_1233 = arith.constant 0 : i32
    %dma_wait3A_1234 = tpu.memref_slice %arg7[%dma_wait3A_1226, %dma_wait3A_1233] : memref<88x112xi32, #tpu.memory_space<vmem>> -> memref<1x112xi32, #tpu.memory_space<vmem>>
    %dma_wait3A_1235 = tpu.memref_squeeze %dma_wait3A_1234 : memref<1x112xi32, #tpu.memory_space<vmem>> -> memref<112xi32, #tpu.memory_space<vmem>>
    %dma_wait3A_1236 = arith.constant 0 : i32
    %dma_wait3A_1237 = arith.constant 0 : i32
    %dma_wait3A_1238 = tpu.memref_slice %arg5[%dma_wait3A_1236, %dma_wait3A_1237] : memref<1000000x64xf32, #tpu.memory_space<hbm>> -> memref<1000000x64xf32, #tpu.memory_space<hbm>>
    %dma_wait3A_1239 = tpu.memref_slice %arg11[%dma_wait3A_1228] : memref<11x!tpu.dma_semaphore, #tpu.memory_space<semaphore_mem>> -> memref<1x!tpu.dma_semaphore, #tpu.memory_space<semaphore_mem>>
    %dma_wait3A_1240 = tpu.memref_squeeze %dma_wait3A_1239 : memref<1x!tpu.dma_semaphore, #tpu.memory_space<semaphore_mem>> -> memref<!tpu.dma_semaphore, #tpu.memory_space<semaphore_mem>>
    tpu.wait_indirect_dma semaphore(%dma_wait3A_1240 : memref<!tpu.dma_semaphore, #tpu.memory_space<semaphore_mem>>) src(%dma_wait3A_1238 : memref<1000000x64xf32, #tpu.memory_space<hbm>>) dst(%dma_wait3A_1232 : memref<112x64xf32, #tpu.memory_space<vmem>>)
    %add3A_1241 = arith.constant 9744 : i32
    %add3A_1242 = arith.addi %mul3A_2, %add3A_1241 : i32
    %dma_start3A_1243 = arith.constant 10 : i32
    %dma_start3A_1244 = arith.constant 10 : i32
    %dma_start3A_1245 = arith.constant 0 : i32
    %dma_start3A_1246 = arith.constant 0 : i32
    %dma_start3A_1247 = tpu.memref_slice %arg8[%dma_start3A_1243, %dma_start3A_1245, %dma_start3A_1246] : memref<11x112x64xf32, #tpu.memory_space<vmem>> -> memref<1x112x64xf32, #tpu.memory_space<vmem>>
    %dma_start3A_1248 = tpu.memref_squeeze %dma_start3A_1247 : memref<1x112x64xf32, #tpu.memory_space<vmem>> -> memref<112x64xf32, #tpu.memory_space<vmem>>
    %dma_start3A_1249 = arith.constant 0 : i32
    %dma_start3A_1250 = tpu.memref_slice %arg6[%add3A_1242, %dma_start3A_1249] : memref<315392x64xf32, #tpu.memory_space<hbm>> -> memref<112x64xf32, #tpu.memory_space<hbm>>
    %dma_start3A_1251 = tpu.memref_slice %arg12[%dma_start3A_1244] : memref<11x!tpu.dma_semaphore, #tpu.memory_space<semaphore_mem>> -> memref<1x!tpu.dma_semaphore, #tpu.memory_space<semaphore_mem>>
    %dma_start3A_1252 = tpu.memref_squeeze %dma_start3A_1251 : memref<1x!tpu.dma_semaphore, #tpu.memory_space<semaphore_mem>> -> memref<!tpu.dma_semaphore, #tpu.memory_space<semaphore_mem>>
    %dma_start3A_1253 = arith.constant 0 : i32
    %dma_start3A_1254 = tpu.memref_slice %arg6[%add3A_1242, %dma_start3A_1253] : memref<315392x64xf32, #tpu.memory_space<hbm>> -> memref<112x64xf32, #tpu.memory_space<hbm>>
    %dma_start3A_1255 = arith.constant 0 : i32
    %dma_start3A_1256 = arith.constant 0 : i32
    %dma_start3A_1257 = tpu.memref_slice %arg8[%dma_start3A_1243, %dma_start3A_1255, %dma_start3A_1256] : memref<11x112x64xf32, #tpu.memory_space<vmem>> -> memref<1x112x64xf32, #tpu.memory_space<vmem>>
    %dma_start3A_1258 = tpu.memref_squeeze %dma_start3A_1257 : memref<1x112x64xf32, #tpu.memory_space<vmem>> -> memref<112x64xf32, #tpu.memory_space<vmem>>
    tpu.enqueue_dma source(%dma_start3A_1258 : memref<112x64xf32, #tpu.memory_space<vmem>>) target(%dma_start3A_1254 : memref<112x64xf32, #tpu.memory_space<hbm>>) target_semaphore(%dma_start3A_1252 : memref<!tpu.dma_semaphore, #tpu.memory_space<semaphore_mem>>)
    %add3A_1259 = arith.constant 8624 : i32
    %add3A_1260 = arith.addi %mul3A_2, %add3A_1259 : i32
    %dma_wait3A_1261 = arith.constant 0 : i32
    %dma_wait3A_1262 = arith.constant 0 : i32
    %dma_wait3A_1263 = arith.constant 0 : i32
    %dma_wait3A_1264 = arith.constant 0 : i32
    %dma_wait3A_1265 = tpu.memref_slice %arg8[%dma_wait3A_1261, %dma_wait3A_1263, %dma_wait3A_1264] : memref<11x112x64xf32, #tpu.memory_space<vmem>> -> memref<1x112x64xf32, #tpu.memory_space<vmem>>
    %dma_wait3A_1266 = tpu.memref_squeeze %dma_wait3A_1265 : memref<1x112x64xf32, #tpu.memory_space<vmem>> -> memref<112x64xf32, #tpu.memory_space<vmem>>
    %dma_wait3A_1267 = arith.constant 0 : i32
    %dma_wait3A_1268 = tpu.memref_slice %arg6[%add3A_1260, %dma_wait3A_1267] : memref<315392x64xf32, #tpu.memory_space<hbm>> -> memref<112x64xf32, #tpu.memory_space<hbm>>
    %dma_wait3A_1269 = tpu.memref_slice %arg12[%dma_wait3A_1262] : memref<11x!tpu.dma_semaphore, #tpu.memory_space<semaphore_mem>> -> memref<1x!tpu.dma_semaphore, #tpu.memory_space<semaphore_mem>>
    %dma_wait3A_1270 = tpu.memref_squeeze %dma_wait3A_1269 : memref<1x!tpu.dma_semaphore, #tpu.memory_space<semaphore_mem>> -> memref<!tpu.dma_semaphore, #tpu.memory_space<semaphore_mem>>
    %dma_wait3A_1271 = arith.constant 0 : i32
    %dma_wait3A_1272 = tpu.memref_slice %arg6[%add3A_1260, %dma_wait3A_1271] : memref<315392x64xf32, #tpu.memory_space<hbm>> -> memref<112x64xf32, #tpu.memory_space<hbm>>
    %dma_wait3A_1273 = arith.constant 0 : i32
    %dma_wait3A_1274 = arith.constant 0 : i32
    %dma_wait3A_1275 = tpu.memref_slice %arg8[%dma_wait3A_1261, %dma_wait3A_1273, %dma_wait3A_1274] : memref<11x112x64xf32, #tpu.memory_space<vmem>> -> memref<1x112x64xf32, #tpu.memory_space<vmem>>
    %dma_wait3A_1276 = tpu.memref_squeeze %dma_wait3A_1275 : memref<1x112x64xf32, #tpu.memory_space<vmem>> -> memref<112x64xf32, #tpu.memory_space<vmem>>
    tpu.wait_dma2 semaphore(%dma_wait3A_1270 : memref<!tpu.dma_semaphore, #tpu.memory_space<semaphore_mem>>) src(%dma_wait3A_1276 : memref<112x64xf32, #tpu.memory_space<vmem>>) dst(%dma_wait3A_1272 : memref<112x64xf32, #tpu.memory_space<hbm>>)
    %add3A_1277 = arith.constant 8736 : i32
    %add3A_1278 = arith.addi %mul3A_2, %add3A_1277 : i32
    %dma_wait3A_1279 = arith.constant 1 : i32
    %dma_wait3A_1280 = arith.constant 1 : i32
    %dma_wait3A_1281 = arith.constant 0 : i32
    %dma_wait3A_1282 = arith.constant 0 : i32
    %dma_wait3A_1283 = tpu.memref_slice %arg8[%dma_wait3A_1279, %dma_wait3A_1281, %dma_wait3A_1282] : memref<11x112x64xf32, #tpu.memory_space<vmem>> -> memref<1x112x64xf32, #tpu.memory_space<vmem>>
    %dma_wait3A_1284 = tpu.memref_squeeze %dma_wait3A_1283 : memref<1x112x64xf32, #tpu.memory_space<vmem>> -> memref<112x64xf32, #tpu.memory_space<vmem>>
    %dma_wait3A_1285 = arith.constant 0 : i32
    %dma_wait3A_1286 = tpu.memref_slice %arg6[%add3A_1278, %dma_wait3A_1285] : memref<315392x64xf32, #tpu.memory_space<hbm>> -> memref<112x64xf32, #tpu.memory_space<hbm>>
    %dma_wait3A_1287 = tpu.memref_slice %arg12[%dma_wait3A_1280] : memref<11x!tpu.dma_semaphore, #tpu.memory_space<semaphore_mem>> -> memref<1x!tpu.dma_semaphore, #tpu.memory_space<semaphore_mem>>
    %dma_wait3A_1288 = tpu.memref_squeeze %dma_wait3A_1287 : memref<1x!tpu.dma_semaphore, #tpu.memory_space<semaphore_mem>> -> memref<!tpu.dma_semaphore, #tpu.memory_space<semaphore_mem>>
    %dma_wait3A_1289 = arith.constant 0 : i32
    %dma_wait3A_1290 = tpu.memref_slice %arg6[%add3A_1278, %dma_wait3A_1289] : memref<315392x64xf32, #tpu.memory_space<hbm>> -> memref<112x64xf32, #tpu.memory_space<hbm>>
    %dma_wait3A_1291 = arith.constant 0 : i32
    %dma_wait3A_1292 = arith.constant 0 : i32
    %dma_wait3A_1293 = tpu.memref_slice %arg8[%dma_wait3A_1279, %dma_wait3A_1291, %dma_wait3A_1292] : memref<11x112x64xf32, #tpu.memory_space<vmem>> -> memref<1x112x64xf32, #tpu.memory_space<vmem>>
    %dma_wait3A_1294 = tpu.memref_squeeze %dma_wait3A_1293 : memref<1x112x64xf32, #tpu.memory_space<vmem>> -> memref<112x64xf32, #tpu.memory_space<vmem>>
    tpu.wait_dma2 semaphore(%dma_wait3A_1288 : memref<!tpu.dma_semaphore, #tpu.memory_space<semaphore_mem>>) src(%dma_wait3A_1294 : memref<112x64xf32, #tpu.memory_space<vmem>>) dst(%dma_wait3A_1290 : memref<112x64xf32, #tpu.memory_space<hbm>>)
    %add3A_1295 = arith.constant 8848 : i32
    %add3A_1296 = arith.addi %mul3A_2, %add3A_1295 : i32
    %dma_wait3A_1297 = arith.constant 2 : i32
    %dma_wait3A_1298 = arith.constant 2 : i32
    %dma_wait3A_1299 = arith.constant 0 : i32
    %dma_wait3A_1300 = arith.constant 0 : i32
    %dma_wait3A_1301 = tpu.memref_slice %arg8[%dma_wait3A_1297, %dma_wait3A_1299, %dma_wait3A_1300] : memref<11x112x64xf32, #tpu.memory_space<vmem>> -> memref<1x112x64xf32, #tpu.memory_space<vmem>>
    %dma_wait3A_1302 = tpu.memref_squeeze %dma_wait3A_1301 : memref<1x112x64xf32, #tpu.memory_space<vmem>> -> memref<112x64xf32, #tpu.memory_space<vmem>>
    %dma_wait3A_1303 = arith.constant 0 : i32
    %dma_wait3A_1304 = tpu.memref_slice %arg6[%add3A_1296, %dma_wait3A_1303] : memref<315392x64xf32, #tpu.memory_space<hbm>> -> memref<112x64xf32, #tpu.memory_space<hbm>>
    %dma_wait3A_1305 = tpu.memref_slice %arg12[%dma_wait3A_1298] : memref<11x!tpu.dma_semaphore, #tpu.memory_space<semaphore_mem>> -> memref<1x!tpu.dma_semaphore, #tpu.memory_space<semaphore_mem>>
    %dma_wait3A_1306 = tpu.memref_squeeze %dma_wait3A_1305 : memref<1x!tpu.dma_semaphore, #tpu.memory_space<semaphore_mem>> -> memref<!tpu.dma_semaphore, #tpu.memory_space<semaphore_mem>>
    %dma_wait3A_1307 = arith.constant 0 : i32
    %dma_wait3A_1308 = tpu.memref_slice %arg6[%add3A_1296, %dma_wait3A_1307] : memref<315392x64xf32, #tpu.memory_space<hbm>> -> memref<112x64xf32, #tpu.memory_space<hbm>>
    %dma_wait3A_1309 = arith.constant 0 : i32
    %dma_wait3A_1310 = arith.constant 0 : i32
    %dma_wait3A_1311 = tpu.memref_slice %arg8[%dma_wait3A_1297, %dma_wait3A_1309, %dma_wait3A_1310] : memref<11x112x64xf32, #tpu.memory_space<vmem>> -> memref<1x112x64xf32, #tpu.memory_space<vmem>>
    %dma_wait3A_1312 = tpu.memref_squeeze %dma_wait3A_1311 : memref<1x112x64xf32, #tpu.memory_space<vmem>> -> memref<112x64xf32, #tpu.memory_space<vmem>>
    tpu.wait_dma2 semaphore(%dma_wait3A_1306 : memref<!tpu.dma_semaphore, #tpu.memory_space<semaphore_mem>>) src(%dma_wait3A_1312 : memref<112x64xf32, #tpu.memory_space<vmem>>) dst(%dma_wait3A_1308 : memref<112x64xf32, #tpu.memory_space<hbm>>)
    %add3A_1313 = arith.constant 8960 : i32
    %add3A_1314 = arith.addi %mul3A_2, %add3A_1313 : i32
    %dma_wait3A_1315 = arith.constant 3 : i32
    %dma_wait3A_1316 = arith.constant 3 : i32
    %dma_wait3A_1317 = arith.constant 0 : i32
    %dma_wait3A_1318 = arith.constant 0 : i32
    %dma_wait3A_1319 = tpu.memref_slice %arg8[%dma_wait3A_1315, %dma_wait3A_1317, %dma_wait3A_1318] : memref<11x112x64xf32, #tpu.memory_space<vmem>> -> memref<1x112x64xf32, #tpu.memory_space<vmem>>
    %dma_wait3A_1320 = tpu.memref_squeeze %dma_wait3A_1319 : memref<1x112x64xf32, #tpu.memory_space<vmem>> -> memref<112x64xf32, #tpu.memory_space<vmem>>
    %dma_wait3A_1321 = arith.constant 0 : i32
    %dma_wait3A_1322 = tpu.memref_slice %arg6[%add3A_1314, %dma_wait3A_1321] : memref<315392x64xf32, #tpu.memory_space<hbm>> -> memref<112x64xf32, #tpu.memory_space<hbm>>
    %dma_wait3A_1323 = tpu.memref_slice %arg12[%dma_wait3A_1316] : memref<11x!tpu.dma_semaphore, #tpu.memory_space<semaphore_mem>> -> memref<1x!tpu.dma_semaphore, #tpu.memory_space<semaphore_mem>>
    %dma_wait3A_1324 = tpu.memref_squeeze %dma_wait3A_1323 : memref<1x!tpu.dma_semaphore, #tpu.memory_space<semaphore_mem>> -> memref<!tpu.dma_semaphore, #tpu.memory_space<semaphore_mem>>
    %dma_wait3A_1325 = arith.constant 0 : i32
    %dma_wait3A_1326 = tpu.memref_slice %arg6[%add3A_1314, %dma_wait3A_1325] : memref<315392x64xf32, #tpu.memory_space<hbm>> -> memref<112x64xf32, #tpu.memory_space<hbm>>
    %dma_wait3A_1327 = arith.constant 0 : i32
    %dma_wait3A_1328 = arith.constant 0 : i32
    %dma_wait3A_1329 = tpu.memref_slice %arg8[%dma_wait3A_1315, %dma_wait3A_1327, %dma_wait3A_1328] : memref<11x112x64xf32, #tpu.memory_space<vmem>> -> memref<1x112x64xf32, #tpu.memory_space<vmem>>
    %dma_wait3A_1330 = tpu.memref_squeeze %dma_wait3A_1329 : memref<1x112x64xf32, #tpu.memory_space<vmem>> -> memref<112x64xf32, #tpu.memory_space<vmem>>
    tpu.wait_dma2 semaphore(%dma_wait3A_1324 : memref<!tpu.dma_semaphore, #tpu.memory_space<semaphore_mem>>) src(%dma_wait3A_1330 : memref<112x64xf32, #tpu.memory_space<vmem>>) dst(%dma_wait3A_1326 : memref<112x64xf32, #tpu.memory_space<hbm>>)
    %add3A_1331 = arith.constant 9072 : i32
    %add3A_1332 = arith.addi %mul3A_2, %add3A_1331 : i32
    %dma_wait3A_1333 = arith.constant 4 : i32
    %dma_wait3A_1334 = arith.constant 4 : i32
    %dma_wait3A_1335 = arith.constant 0 : i32
    %dma_wait3A_1336 = arith.constant 0 : i32
    %dma_wait3A_1337 = tpu.memref_slice %arg8[%dma_wait3A_1333, %dma_wait3A_1335, %dma_wait3A_1336] : memref<11x112x64xf32, #tpu.memory_space<vmem>> -> memref<1x112x64xf32, #tpu.memory_space<vmem>>
    %dma_wait3A_1338 = tpu.memref_squeeze %dma_wait3A_1337 : memref<1x112x64xf32, #tpu.memory_space<vmem>> -> memref<112x64xf32, #tpu.memory_space<vmem>>
    %dma_wait3A_1339 = arith.constant 0 : i32
    %dma_wait3A_1340 = tpu.memref_slice %arg6[%add3A_1332, %dma_wait3A_1339] : memref<315392x64xf32, #tpu.memory_space<hbm>> -> memref<112x64xf32, #tpu.memory_space<hbm>>
    %dma_wait3A_1341 = tpu.memref_slice %arg12[%dma_wait3A_1334] : memref<11x!tpu.dma_semaphore, #tpu.memory_space<semaphore_mem>> -> memref<1x!tpu.dma_semaphore, #tpu.memory_space<semaphore_mem>>
    %dma_wait3A_1342 = tpu.memref_squeeze %dma_wait3A_1341 : memref<1x!tpu.dma_semaphore, #tpu.memory_space<semaphore_mem>> -> memref<!tpu.dma_semaphore, #tpu.memory_space<semaphore_mem>>
    %dma_wait3A_1343 = arith.constant 0 : i32
    %dma_wait3A_1344 = tpu.memref_slice %arg6[%add3A_1332, %dma_wait3A_1343] : memref<315392x64xf32, #tpu.memory_space<hbm>> -> memref<112x64xf32, #tpu.memory_space<hbm>>
    %dma_wait3A_1345 = arith.constant 0 : i32
    %dma_wait3A_1346 = arith.constant 0 : i32
    %dma_wait3A_1347 = tpu.memref_slice %arg8[%dma_wait3A_1333, %dma_wait3A_1345, %dma_wait3A_1346] : memref<11x112x64xf32, #tpu.memory_space<vmem>> -> memref<1x112x64xf32, #tpu.memory_space<vmem>>
    %dma_wait3A_1348 = tpu.memref_squeeze %dma_wait3A_1347 : memref<1x112x64xf32, #tpu.memory_space<vmem>> -> memref<112x64xf32, #tpu.memory_space<vmem>>
    tpu.wait_dma2 semaphore(%dma_wait3A_1342 : memref<!tpu.dma_semaphore, #tpu.memory_space<semaphore_mem>>) src(%dma_wait3A_1348 : memref<112x64xf32, #tpu.memory_space<vmem>>) dst(%dma_wait3A_1344 : memref<112x64xf32, #tpu.memory_space<hbm>>)
    %add3A_1349 = arith.constant 9184 : i32
    %add3A_1350 = arith.addi %mul3A_2, %add3A_1349 : i32
    %dma_wait3A_1351 = arith.constant 5 : i32
    %dma_wait3A_1352 = arith.constant 5 : i32
    %dma_wait3A_1353 = arith.constant 0 : i32
    %dma_wait3A_1354 = arith.constant 0 : i32
    %dma_wait3A_1355 = tpu.memref_slice %arg8[%dma_wait3A_1351, %dma_wait3A_1353, %dma_wait3A_1354] : memref<11x112x64xf32, #tpu.memory_space<vmem>> -> memref<1x112x64xf32, #tpu.memory_space<vmem>>
    %dma_wait3A_1356 = tpu.memref_squeeze %dma_wait3A_1355 : memref<1x112x64xf32, #tpu.memory_space<vmem>> -> memref<112x64xf32, #tpu.memory_space<vmem>>
    %dma_wait3A_1357 = arith.constant 0 : i32
    %dma_wait3A_1358 = tpu.memref_slice %arg6[%add3A_1350, %dma_wait3A_1357] : memref<315392x64xf32, #tpu.memory_space<hbm>> -> memref<112x64xf32, #tpu.memory_space<hbm>>
    %dma_wait3A_1359 = tpu.memref_slice %arg12[%dma_wait3A_1352] : memref<11x!tpu.dma_semaphore, #tpu.memory_space<semaphore_mem>> -> memref<1x!tpu.dma_semaphore, #tpu.memory_space<semaphore_mem>>
    %dma_wait3A_1360 = tpu.memref_squeeze %dma_wait3A_1359 : memref<1x!tpu.dma_semaphore, #tpu.memory_space<semaphore_mem>> -> memref<!tpu.dma_semaphore, #tpu.memory_space<semaphore_mem>>
    %dma_wait3A_1361 = arith.constant 0 : i32
    %dma_wait3A_1362 = tpu.memref_slice %arg6[%add3A_1350, %dma_wait3A_1361] : memref<315392x64xf32, #tpu.memory_space<hbm>> -> memref<112x64xf32, #tpu.memory_space<hbm>>
    %dma_wait3A_1363 = arith.constant 0 : i32
    %dma_wait3A_1364 = arith.constant 0 : i32
    %dma_wait3A_1365 = tpu.memref_slice %arg8[%dma_wait3A_1351, %dma_wait3A_1363, %dma_wait3A_1364] : memref<11x112x64xf32, #tpu.memory_space<vmem>> -> memref<1x112x64xf32, #tpu.memory_space<vmem>>
    %dma_wait3A_1366 = tpu.memref_squeeze %dma_wait3A_1365 : memref<1x112x64xf32, #tpu.memory_space<vmem>> -> memref<112x64xf32, #tpu.memory_space<vmem>>
    tpu.wait_dma2 semaphore(%dma_wait3A_1360 : memref<!tpu.dma_semaphore, #tpu.memory_space<semaphore_mem>>) src(%dma_wait3A_1366 : memref<112x64xf32, #tpu.memory_space<vmem>>) dst(%dma_wait3A_1362 : memref<112x64xf32, #tpu.memory_space<hbm>>)
    %add3A_1367 = arith.constant 9296 : i32
    %add3A_1368 = arith.addi %mul3A_2, %add3A_1367 : i32
    %dma_wait3A_1369 = arith.constant 6 : i32
    %dma_wait3A_1370 = arith.constant 6 : i32
    %dma_wait3A_1371 = arith.constant 0 : i32
    %dma_wait3A_1372 = arith.constant 0 : i32
    %dma_wait3A_1373 = tpu.memref_slice %arg8[%dma_wait3A_1369, %dma_wait3A_1371, %dma_wait3A_1372] : memref<11x112x64xf32, #tpu.memory_space<vmem>> -> memref<1x112x64xf32, #tpu.memory_space<vmem>>
    %dma_wait3A_1374 = tpu.memref_squeeze %dma_wait3A_1373 : memref<1x112x64xf32, #tpu.memory_space<vmem>> -> memref<112x64xf32, #tpu.memory_space<vmem>>
    %dma_wait3A_1375 = arith.constant 0 : i32
    %dma_wait3A_1376 = tpu.memref_slice %arg6[%add3A_1368, %dma_wait3A_1375] : memref<315392x64xf32, #tpu.memory_space<hbm>> -> memref<112x64xf32, #tpu.memory_space<hbm>>
    %dma_wait3A_1377 = tpu.memref_slice %arg12[%dma_wait3A_1370] : memref<11x!tpu.dma_semaphore, #tpu.memory_space<semaphore_mem>> -> memref<1x!tpu.dma_semaphore, #tpu.memory_space<semaphore_mem>>
    %dma_wait3A_1378 = tpu.memref_squeeze %dma_wait3A_1377 : memref<1x!tpu.dma_semaphore, #tpu.memory_space<semaphore_mem>> -> memref<!tpu.dma_semaphore, #tpu.memory_space<semaphore_mem>>
    %dma_wait3A_1379 = arith.constant 0 : i32
    %dma_wait3A_1380 = tpu.memref_slice %arg6[%add3A_1368, %dma_wait3A_1379] : memref<315392x64xf32, #tpu.memory_space<hbm>> -> memref<112x64xf32, #tpu.memory_space<hbm>>
    %dma_wait3A_1381 = arith.constant 0 : i32
    %dma_wait3A_1382 = arith.constant 0 : i32
    %dma_wait3A_1383 = tpu.memref_slice %arg8[%dma_wait3A_1369, %dma_wait3A_1381, %dma_wait3A_1382] : memref<11x112x64xf32, #tpu.memory_space<vmem>> -> memref<1x112x64xf32, #tpu.memory_space<vmem>>
    %dma_wait3A_1384 = tpu.memref_squeeze %dma_wait3A_1383 : memref<1x112x64xf32, #tpu.memory_space<vmem>> -> memref<112x64xf32, #tpu.memory_space<vmem>>
    tpu.wait_dma2 semaphore(%dma_wait3A_1378 : memref<!tpu.dma_semaphore, #tpu.memory_space<semaphore_mem>>) src(%dma_wait3A_1384 : memref<112x64xf32, #tpu.memory_space<vmem>>) dst(%dma_wait3A_1380 : memref<112x64xf32, #tpu.memory_space<hbm>>)
    %add3A_1385 = arith.constant 9408 : i32
    %add3A_1386 = arith.addi %mul3A_2, %add3A_1385 : i32
    %dma_wait3A_1387 = arith.constant 7 : i32
    %dma_wait3A_1388 = arith.constant 7 : i32
    %dma_wait3A_1389 = arith.constant 0 : i32
    %dma_wait3A_1390 = arith.constant 0 : i32
    %dma_wait3A_1391 = tpu.memref_slice %arg8[%dma_wait3A_1387, %dma_wait3A_1389, %dma_wait3A_1390] : memref<11x112x64xf32, #tpu.memory_space<vmem>> -> memref<1x112x64xf32, #tpu.memory_space<vmem>>
    %dma_wait3A_1392 = tpu.memref_squeeze %dma_wait3A_1391 : memref<1x112x64xf32, #tpu.memory_space<vmem>> -> memref<112x64xf32, #tpu.memory_space<vmem>>
    %dma_wait3A_1393 = arith.constant 0 : i32
    %dma_wait3A_1394 = tpu.memref_slice %arg6[%add3A_1386, %dma_wait3A_1393] : memref<315392x64xf32, #tpu.memory_space<hbm>> -> memref<112x64xf32, #tpu.memory_space<hbm>>
    %dma_wait3A_1395 = tpu.memref_slice %arg12[%dma_wait3A_1388] : memref<11x!tpu.dma_semaphore, #tpu.memory_space<semaphore_mem>> -> memref<1x!tpu.dma_semaphore, #tpu.memory_space<semaphore_mem>>
    %dma_wait3A_1396 = tpu.memref_squeeze %dma_wait3A_1395 : memref<1x!tpu.dma_semaphore, #tpu.memory_space<semaphore_mem>> -> memref<!tpu.dma_semaphore, #tpu.memory_space<semaphore_mem>>
    %dma_wait3A_1397 = arith.constant 0 : i32
    %dma_wait3A_1398 = tpu.memref_slice %arg6[%add3A_1386, %dma_wait3A_1397] : memref<315392x64xf32, #tpu.memory_space<hbm>> -> memref<112x64xf32, #tpu.memory_space<hbm>>
    %dma_wait3A_1399 = arith.constant 0 : i32
    %dma_wait3A_1400 = arith.constant 0 : i32
    %dma_wait3A_1401 = tpu.memref_slice %arg8[%dma_wait3A_1387, %dma_wait3A_1399, %dma_wait3A_1400] : memref<11x112x64xf32, #tpu.memory_space<vmem>> -> memref<1x112x64xf32, #tpu.memory_space<vmem>>
    %dma_wait3A_1402 = tpu.memref_squeeze %dma_wait3A_1401 : memref<1x112x64xf32, #tpu.memory_space<vmem>> -> memref<112x64xf32, #tpu.memory_space<vmem>>
    tpu.wait_dma2 semaphore(%dma_wait3A_1396 : memref<!tpu.dma_semaphore, #tpu.memory_space<semaphore_mem>>) src(%dma_wait3A_1402 : memref<112x64xf32, #tpu.memory_space<vmem>>) dst(%dma_wait3A_1398 : memref<112x64xf32, #tpu.memory_space<hbm>>)
    %add3A_1403 = arith.constant 9520 : i32
    %add3A_1404 = arith.addi %mul3A_2, %add3A_1403 : i32
    %dma_wait3A_1405 = arith.constant 8 : i32
    %dma_wait3A_1406 = arith.constant 8 : i32
    %dma_wait3A_1407 = arith.constant 0 : i32
    %dma_wait3A_1408 = arith.constant 0 : i32
    %dma_wait3A_1409 = tpu.memref_slice %arg8[%dma_wait3A_1405, %dma_wait3A_1407, %dma_wait3A_1408] : memref<11x112x64xf32, #tpu.memory_space<vmem>> -> memref<1x112x64xf32, #tpu.memory_space<vmem>>
    %dma_wait3A_1410 = tpu.memref_squeeze %dma_wait3A_1409 : memref<1x112x64xf32, #tpu.memory_space<vmem>> -> memref<112x64xf32, #tpu.memory_space<vmem>>
    %dma_wait3A_1411 = arith.constant 0 : i32
    %dma_wait3A_1412 = tpu.memref_slice %arg6[%add3A_1404, %dma_wait3A_1411] : memref<315392x64xf32, #tpu.memory_space<hbm>> -> memref<112x64xf32, #tpu.memory_space<hbm>>
    %dma_wait3A_1413 = tpu.memref_slice %arg12[%dma_wait3A_1406] : memref<11x!tpu.dma_semaphore, #tpu.memory_space<semaphore_mem>> -> memref<1x!tpu.dma_semaphore, #tpu.memory_space<semaphore_mem>>
    %dma_wait3A_1414 = tpu.memref_squeeze %dma_wait3A_1413 : memref<1x!tpu.dma_semaphore, #tpu.memory_space<semaphore_mem>> -> memref<!tpu.dma_semaphore, #tpu.memory_space<semaphore_mem>>
    %dma_wait3A_1415 = arith.constant 0 : i32
    %dma_wait3A_1416 = tpu.memref_slice %arg6[%add3A_1404, %dma_wait3A_1415] : memref<315392x64xf32, #tpu.memory_space<hbm>> -> memref<112x64xf32, #tpu.memory_space<hbm>>
    %dma_wait3A_1417 = arith.constant 0 : i32
    %dma_wait3A_1418 = arith.constant 0 : i32
    %dma_wait3A_1419 = tpu.memref_slice %arg8[%dma_wait3A_1405, %dma_wait3A_1417, %dma_wait3A_1418] : memref<11x112x64xf32, #tpu.memory_space<vmem>> -> memref<1x112x64xf32, #tpu.memory_space<vmem>>
    %dma_wait3A_1420 = tpu.memref_squeeze %dma_wait3A_1419 : memref<1x112x64xf32, #tpu.memory_space<vmem>> -> memref<112x64xf32, #tpu.memory_space<vmem>>
    tpu.wait_dma2 semaphore(%dma_wait3A_1414 : memref<!tpu.dma_semaphore, #tpu.memory_space<semaphore_mem>>) src(%dma_wait3A_1420 : memref<112x64xf32, #tpu.memory_space<vmem>>) dst(%dma_wait3A_1416 : memref<112x64xf32, #tpu.memory_space<hbm>>)
    %add3A_1421 = arith.constant 9632 : i32
    %add3A_1422 = arith.addi %mul3A_2, %add3A_1421 : i32
    %dma_wait3A_1423 = arith.constant 9 : i32
    %dma_wait3A_1424 = arith.constant 9 : i32
    %dma_wait3A_1425 = arith.constant 0 : i32
    %dma_wait3A_1426 = arith.constant 0 : i32
    %dma_wait3A_1427 = tpu.memref_slice %arg8[%dma_wait3A_1423, %dma_wait3A_1425, %dma_wait3A_1426] : memref<11x112x64xf32, #tpu.memory_space<vmem>> -> memref<1x112x64xf32, #tpu.memory_space<vmem>>
    %dma_wait3A_1428 = tpu.memref_squeeze %dma_wait3A_1427 : memref<1x112x64xf32, #tpu.memory_space<vmem>> -> memref<112x64xf32, #tpu.memory_space<vmem>>
    %dma_wait3A_1429 = arith.constant 0 : i32
    %dma_wait3A_1430 = tpu.memref_slice %arg6[%add3A_1422, %dma_wait3A_1429] : memref<315392x64xf32, #tpu.memory_space<hbm>> -> memref<112x64xf32, #tpu.memory_space<hbm>>
    %dma_wait3A_1431 = tpu.memref_slice %arg12[%dma_wait3A_1424] : memref<11x!tpu.dma_semaphore, #tpu.memory_space<semaphore_mem>> -> memref<1x!tpu.dma_semaphore, #tpu.memory_space<semaphore_mem>>
    %dma_wait3A_1432 = tpu.memref_squeeze %dma_wait3A_1431 : memref<1x!tpu.dma_semaphore, #tpu.memory_space<semaphore_mem>> -> memref<!tpu.dma_semaphore, #tpu.memory_space<semaphore_mem>>
    %dma_wait3A_1433 = arith.constant 0 : i32
    %dma_wait3A_1434 = tpu.memref_slice %arg6[%add3A_1422, %dma_wait3A_1433] : memref<315392x64xf32, #tpu.memory_space<hbm>> -> memref<112x64xf32, #tpu.memory_space<hbm>>
    %dma_wait3A_1435 = arith.constant 0 : i32
    %dma_wait3A_1436 = arith.constant 0 : i32
    %dma_wait3A_1437 = tpu.memref_slice %arg8[%dma_wait3A_1423, %dma_wait3A_1435, %dma_wait3A_1436] : memref<11x112x64xf32, #tpu.memory_space<vmem>> -> memref<1x112x64xf32, #tpu.memory_space<vmem>>
    %dma_wait3A_1438 = tpu.memref_squeeze %dma_wait3A_1437 : memref<1x112x64xf32, #tpu.memory_space<vmem>> -> memref<112x64xf32, #tpu.memory_space<vmem>>
    tpu.wait_dma2 semaphore(%dma_wait3A_1432 : memref<!tpu.dma_semaphore, #tpu.memory_space<semaphore_mem>>) src(%dma_wait3A_1438 : memref<112x64xf32, #tpu.memory_space<vmem>>) dst(%dma_wait3A_1434 : memref<112x64xf32, #tpu.memory_space<hbm>>)
    %add3A_1439 = arith.constant 9744 : i32
    %add3A_1440 = arith.addi %mul3A_2, %add3A_1439 : i32
    %dma_wait3A_1441 = arith.constant 10 : i32
    %dma_wait3A_1442 = arith.constant 10 : i32
    %dma_wait3A_1443 = arith.constant 0 : i32
    %dma_wait3A_1444 = arith.constant 0 : i32
    %dma_wait3A_1445 = tpu.memref_slice %arg8[%dma_wait3A_1441, %dma_wait3A_1443, %dma_wait3A_1444] : memref<11x112x64xf32, #tpu.memory_space<vmem>> -> memref<1x112x64xf32, #tpu.memory_space<vmem>>
    %dma_wait3A_1446 = tpu.memref_squeeze %dma_wait3A_1445 : memref<1x112x64xf32, #tpu.memory_space<vmem>> -> memref<112x64xf32, #tpu.memory_space<vmem>>
    %dma_wait3A_1447 = arith.constant 0 : i32
    %dma_wait3A_1448 = tpu.memref_slice %arg6[%add3A_1440, %dma_wait3A_1447] : memref<315392x64xf32, #tpu.memory_space<hbm>> -> memref<112x64xf32, #tpu.memory_space<hbm>>
    %dma_wait3A_1449 = tpu.memref_slice %arg12[%dma_wait3A_1442] : memref<11x!tpu.dma_semaphore, #tpu.memory_space<semaphore_mem>> -> memref<1x!tpu.dma_semaphore, #tpu.memory_space<semaphore_mem>>
    %dma_wait3A_1450 = tpu.memref_squeeze %dma_wait3A_1449 : memref<1x!tpu.dma_semaphore, #tpu.memory_space<semaphore_mem>> -> memref<!tpu.dma_semaphore, #tpu.memory_space<semaphore_mem>>
    %dma_wait3A_1451 = arith.constant 0 : i32
    %dma_wait3A_1452 = tpu.memref_slice %arg6[%add3A_1440, %dma_wait3A_1451] : memref<315392x64xf32, #tpu.memory_space<hbm>> -> memref<112x64xf32, #tpu.memory_space<hbm>>
    %dma_wait3A_1453 = arith.constant 0 : i32
    %dma_wait3A_1454 = arith.constant 0 : i32
    %dma_wait3A_1455 = tpu.memref_slice %arg8[%dma_wait3A_1441, %dma_wait3A_1453, %dma_wait3A_1454] : memref<11x112x64xf32, #tpu.memory_space<vmem>> -> memref<1x112x64xf32, #tpu.memory_space<vmem>>
    %dma_wait3A_1456 = tpu.memref_squeeze %dma_wait3A_1455 : memref<1x112x64xf32, #tpu.memory_space<vmem>> -> memref<112x64xf32, #tpu.memory_space<vmem>>
    tpu.wait_dma2 semaphore(%dma_wait3A_1450 : memref<!tpu.dma_semaphore, #tpu.memory_space<semaphore_mem>>) src(%dma_wait3A_1456 : memref<112x64xf32, #tpu.memory_space<vmem>>) dst(%dma_wait3A_1452 : memref<112x64xf32, #tpu.memory_space<hbm>>)
    "tpu.region"() ({
      %run_scoped3A = tpu.sem_alloc : memref<!tpu.dma_semaphore, #tpu.memory_space<semaphore_mem>>
      %dma_start3A_1569 = arith.constant 0 : i32
      %dma_start3A_1570 = arith.constant 0 : i32
      %dma_start3A_1571 = tpu.memref_slice %arg3[%add3A, %dma_start3A_1569, %dma_start3A_1570] : memref<32x8x128xi32, #tpu.memory_space<hbm>> -> memref<1x8x128xi32, #tpu.memory_space<hbm>>
      %dma_start3A_1572 = tpu.memref_squeeze %dma_start3A_1571 : memref<1x8x128xi32, #tpu.memory_space<hbm>> -> memref<8x128xi32, #tpu.memory_space<hbm>>
      %dma_start3A_1573 = arith.constant 0 : i32
      %dma_start3A_1574 = arith.constant 0 : i32
      %dma_start3A_1575 = tpu.memref_slice %arg3[%add3A, %dma_start3A_1573, %dma_start3A_1574] : memref<32x8x128xi32, #tpu.memory_space<hbm>> -> memref<1x8x128xi32, #tpu.memory_space<hbm>>
      %dma_start3A_1576 = tpu.memref_squeeze %dma_start3A_1575 : memref<1x8x128xi32, #tpu.memory_space<hbm>> -> memref<8x128xi32, #tpu.memory_space<hbm>>
      tpu.enqueue_dma source(%dma_start3A_1576 : memref<8x128xi32, #tpu.memory_space<hbm>>) target(%arg9 : memref<8x128xi32, #tpu.memory_space<vmem>>) target_semaphore(%run_scoped3A : memref<!tpu.dma_semaphore, #tpu.memory_space<semaphore_mem>>)
      %dma_wait3A_1577 = arith.constant 0 : i32
      %dma_wait3A_1578 = arith.constant 0 : i32
      %dma_wait3A_1579 = tpu.memref_slice %arg3[%add3A, %dma_wait3A_1577, %dma_wait3A_1578] : memref<32x8x128xi32, #tpu.memory_space<hbm>> -> memref<1x8x128xi32, #tpu.memory_space<hbm>>
      %dma_wait3A_1580 = tpu.memref_squeeze %dma_wait3A_1579 : memref<1x8x128xi32, #tpu.memory_space<hbm>> -> memref<8x128xi32, #tpu.memory_space<hbm>>
      %dma_wait3A_1581 = arith.constant 0 : i32
      %dma_wait3A_1582 = arith.constant 0 : i32
      %dma_wait3A_1583 = tpu.memref_slice %arg3[%add3A, %dma_wait3A_1581, %dma_wait3A_1582] : memref<32x8x128xi32, #tpu.memory_space<hbm>> -> memref<1x8x128xi32, #tpu.memory_space<hbm>>
      %dma_wait3A_1584 = tpu.memref_squeeze %dma_wait3A_1583 : memref<1x8x128xi32, #tpu.memory_space<hbm>> -> memref<8x128xi32, #tpu.memory_space<hbm>>
      tpu.wait_dma2 semaphore(%run_scoped3A : memref<!tpu.dma_semaphore, #tpu.memory_space<semaphore_mem>>) src(%dma_wait3A_1584 : memref<8x128xi32, #tpu.memory_space<hbm>>) dst(%arg9 : memref<8x128xi32, #tpu.memory_space<vmem>>)
      tpu.yield
    }) : () -> ()
    "tpu.region"() ({
      %run_scoped3A = tpu.sem_alloc : memref<!tpu.dma_semaphore, #tpu.memory_space<semaphore_mem>>
      tpu.enqueue_dma source(%arg4 : memref<128x64xf32, #tpu.memory_space<hbm>>) target(%arg10 : memref<128x64xf32, #tpu.memory_space<vmem>>) target_semaphore(%run_scoped3A : memref<!tpu.dma_semaphore, #tpu.memory_space<semaphore_mem>>)
      tpu.wait_dma2 semaphore(%run_scoped3A : memref<!tpu.dma_semaphore, #tpu.memory_space<semaphore_mem>>) src(%arg4 : memref<128x64xf32, #tpu.memory_space<hbm>>) dst(%arg10 : memref<128x64xf32, #tpu.memory_space<vmem>>)
      tpu.yield
    }) : () -> ()
    %dma_start3A_1457 = arith.constant 0 : i32
    %dma_start3A_1458 = arith.constant 0 : i32
    %dma_start3A_1459 = tpu.memref_slice %arg9[%dma_start3A_1457, %dma_start3A_1458] : memref<8x128xi32, #tpu.memory_space<vmem>> -> memref<1x128xi32, #tpu.memory_space<vmem>>
    %dma_start3A_1460 = tpu.memref_squeeze %dma_start3A_1459 : memref<1x128xi32, #tpu.memory_space<vmem>> -> memref<128xi32, #tpu.memory_space<vmem>>
    %dma_start3A_1461 = arith.constant 0 : i32
    %dma_start3A_1462 = arith.constant 0 : i32
    %dma_start3A_1463 = tpu.memref_slice %arg6[%dma_start3A_1461, %dma_start3A_1462] : memref<315392x64xf32, #tpu.memory_space<hbm>> -> memref<315392x64xf32, #tpu.memory_space<hbm>>
    tpu.enqueue_indirect_dma source(%arg10 : memref<128x64xf32, #tpu.memory_space<vmem>>) target(%dma_start3A_1463 : memref<315392x64xf32, #tpu.memory_space<hbm>>) offsets(%dma_start3A_1460 : memref<128xi32, #tpu.memory_space<vmem>>) semaphore(%arg13 : memref<!tpu.dma_semaphore, #tpu.memory_space<semaphore_mem>>)
    %dma_start3A_1464 = arith.constant 1 : i32
    %dma_start3A_1465 = arith.constant 0 : i32
    %dma_start3A_1466 = tpu.memref_slice %arg9[%dma_start3A_1464, %dma_start3A_1465] : memref<8x128xi32, #tpu.memory_space<vmem>> -> memref<1x128xi32, #tpu.memory_space<vmem>>
    %dma_start3A_1467 = tpu.memref_squeeze %dma_start3A_1466 : memref<1x128xi32, #tpu.memory_space<vmem>> -> memref<128xi32, #tpu.memory_space<vmem>>
    %dma_start3A_1468 = arith.constant 0 : i32
    %dma_start3A_1469 = arith.constant 0 : i32
    %dma_start3A_1470 = tpu.memref_slice %arg6[%dma_start3A_1468, %dma_start3A_1469] : memref<315392x64xf32, #tpu.memory_space<hbm>> -> memref<315392x64xf32, #tpu.memory_space<hbm>>
    tpu.enqueue_indirect_dma source(%arg10 : memref<128x64xf32, #tpu.memory_space<vmem>>) target(%dma_start3A_1470 : memref<315392x64xf32, #tpu.memory_space<hbm>>) offsets(%dma_start3A_1467 : memref<128xi32, #tpu.memory_space<vmem>>) semaphore(%arg13 : memref<!tpu.dma_semaphore, #tpu.memory_space<semaphore_mem>>)
    %dma_start3A_1471 = arith.constant 2 : i32
    %dma_start3A_1472 = arith.constant 0 : i32
    %dma_start3A_1473 = tpu.memref_slice %arg9[%dma_start3A_1471, %dma_start3A_1472] : memref<8x128xi32, #tpu.memory_space<vmem>> -> memref<1x128xi32, #tpu.memory_space<vmem>>
    %dma_start3A_1474 = tpu.memref_squeeze %dma_start3A_1473 : memref<1x128xi32, #tpu.memory_space<vmem>> -> memref<128xi32, #tpu.memory_space<vmem>>
    %dma_start3A_1475 = arith.constant 0 : i32
    %dma_start3A_1476 = arith.constant 0 : i32
    %dma_start3A_1477 = tpu.memref_slice %arg6[%dma_start3A_1475, %dma_start3A_1476] : memref<315392x64xf32, #tpu.memory_space<hbm>> -> memref<315392x64xf32, #tpu.memory_space<hbm>>
    tpu.enqueue_indirect_dma source(%arg10 : memref<128x64xf32, #tpu.memory_space<vmem>>) target(%dma_start3A_1477 : memref<315392x64xf32, #tpu.memory_space<hbm>>) offsets(%dma_start3A_1474 : memref<128xi32, #tpu.memory_space<vmem>>) semaphore(%arg13 : memref<!tpu.dma_semaphore, #tpu.memory_space<semaphore_mem>>)
    %dma_start3A_1478 = arith.constant 3 : i32
    %dma_start3A_1479 = arith.constant 0 : i32
    %dma_start3A_1480 = tpu.memref_slice %arg9[%dma_start3A_1478, %dma_start3A_1479] : memref<8x128xi32, #tpu.memory_space<vmem>> -> memref<1x128xi32, #tpu.memory_space<vmem>>
    %dma_start3A_1481 = tpu.memref_squeeze %dma_start3A_1480 : memref<1x128xi32, #tpu.memory_space<vmem>> -> memref<128xi32, #tpu.memory_space<vmem>>
    %dma_start3A_1482 = arith.constant 0 : i32
    %dma_start3A_1483 = arith.constant 0 : i32
    %dma_start3A_1484 = tpu.memref_slice %arg6[%dma_start3A_1482, %dma_start3A_1483] : memref<315392x64xf32, #tpu.memory_space<hbm>> -> memref<315392x64xf32, #tpu.memory_space<hbm>>
    tpu.enqueue_indirect_dma source(%arg10 : memref<128x64xf32, #tpu.memory_space<vmem>>) target(%dma_start3A_1484 : memref<315392x64xf32, #tpu.memory_space<hbm>>) offsets(%dma_start3A_1481 : memref<128xi32, #tpu.memory_space<vmem>>) semaphore(%arg13 : memref<!tpu.dma_semaphore, #tpu.memory_space<semaphore_mem>>)
    %dma_start3A_1485 = arith.constant 4 : i32
    %dma_start3A_1486 = arith.constant 0 : i32
    %dma_start3A_1487 = tpu.memref_slice %arg9[%dma_start3A_1485, %dma_start3A_1486] : memref<8x128xi32, #tpu.memory_space<vmem>> -> memref<1x128xi32, #tpu.memory_space<vmem>>
    %dma_start3A_1488 = tpu.memref_squeeze %dma_start3A_1487 : memref<1x128xi32, #tpu.memory_space<vmem>> -> memref<128xi32, #tpu.memory_space<vmem>>
    %dma_start3A_1489 = arith.constant 0 : i32
    %dma_start3A_1490 = arith.constant 0 : i32
    %dma_start3A_1491 = tpu.memref_slice %arg6[%dma_start3A_1489, %dma_start3A_1490] : memref<315392x64xf32, #tpu.memory_space<hbm>> -> memref<315392x64xf32, #tpu.memory_space<hbm>>
    tpu.enqueue_indirect_dma source(%arg10 : memref<128x64xf32, #tpu.memory_space<vmem>>) target(%dma_start3A_1491 : memref<315392x64xf32, #tpu.memory_space<hbm>>) offsets(%dma_start3A_1488 : memref<128xi32, #tpu.memory_space<vmem>>) semaphore(%arg13 : memref<!tpu.dma_semaphore, #tpu.memory_space<semaphore_mem>>)
    %dma_start3A_1492 = arith.constant 5 : i32
    %dma_start3A_1493 = arith.constant 0 : i32
    %dma_start3A_1494 = tpu.memref_slice %arg9[%dma_start3A_1492, %dma_start3A_1493] : memref<8x128xi32, #tpu.memory_space<vmem>> -> memref<1x128xi32, #tpu.memory_space<vmem>>
    %dma_start3A_1495 = tpu.memref_squeeze %dma_start3A_1494 : memref<1x128xi32, #tpu.memory_space<vmem>> -> memref<128xi32, #tpu.memory_space<vmem>>
    %dma_start3A_1496 = arith.constant 0 : i32
    %dma_start3A_1497 = arith.constant 0 : i32
    %dma_start3A_1498 = tpu.memref_slice %arg6[%dma_start3A_1496, %dma_start3A_1497] : memref<315392x64xf32, #tpu.memory_space<hbm>> -> memref<315392x64xf32, #tpu.memory_space<hbm>>
    tpu.enqueue_indirect_dma source(%arg10 : memref<128x64xf32, #tpu.memory_space<vmem>>) target(%dma_start3A_1498 : memref<315392x64xf32, #tpu.memory_space<hbm>>) offsets(%dma_start3A_1495 : memref<128xi32, #tpu.memory_space<vmem>>) semaphore(%arg13 : memref<!tpu.dma_semaphore, #tpu.memory_space<semaphore_mem>>)
    %dma_start3A_1499 = arith.constant 6 : i32
    %dma_start3A_1500 = arith.constant 0 : i32
    %dma_start3A_1501 = tpu.memref_slice %arg9[%dma_start3A_1499, %dma_start3A_1500] : memref<8x128xi32, #tpu.memory_space<vmem>> -> memref<1x128xi32, #tpu.memory_space<vmem>>
    %dma_start3A_1502 = tpu.memref_squeeze %dma_start3A_1501 : memref<1x128xi32, #tpu.memory_space<vmem>> -> memref<128xi32, #tpu.memory_space<vmem>>
    %dma_start3A_1503 = arith.constant 0 : i32
    %dma_start3A_1504 = arith.constant 0 : i32
    %dma_start3A_1505 = tpu.memref_slice %arg6[%dma_start3A_1503, %dma_start3A_1504] : memref<315392x64xf32, #tpu.memory_space<hbm>> -> memref<315392x64xf32, #tpu.memory_space<hbm>>
    tpu.enqueue_indirect_dma source(%arg10 : memref<128x64xf32, #tpu.memory_space<vmem>>) target(%dma_start3A_1505 : memref<315392x64xf32, #tpu.memory_space<hbm>>) offsets(%dma_start3A_1502 : memref<128xi32, #tpu.memory_space<vmem>>) semaphore(%arg13 : memref<!tpu.dma_semaphore, #tpu.memory_space<semaphore_mem>>)
    %dma_start3A_1506 = arith.constant 7 : i32
    %dma_start3A_1507 = arith.constant 0 : i32
    %dma_start3A_1508 = tpu.memref_slice %arg9[%dma_start3A_1506, %dma_start3A_1507] : memref<8x128xi32, #tpu.memory_space<vmem>> -> memref<1x128xi32, #tpu.memory_space<vmem>>
    %dma_start3A_1509 = tpu.memref_squeeze %dma_start3A_1508 : memref<1x128xi32, #tpu.memory_space<vmem>> -> memref<128xi32, #tpu.memory_space<vmem>>
    %dma_start3A_1510 = arith.constant 0 : i32
    %dma_start3A_1511 = arith.constant 0 : i32
    %dma_start3A_1512 = tpu.memref_slice %arg6[%dma_start3A_1510, %dma_start3A_1511] : memref<315392x64xf32, #tpu.memory_space<hbm>> -> memref<315392x64xf32, #tpu.memory_space<hbm>>
    tpu.enqueue_indirect_dma source(%arg10 : memref<128x64xf32, #tpu.memory_space<vmem>>) target(%dma_start3A_1512 : memref<315392x64xf32, #tpu.memory_space<hbm>>) offsets(%dma_start3A_1509 : memref<128xi32, #tpu.memory_space<vmem>>) semaphore(%arg13 : memref<!tpu.dma_semaphore, #tpu.memory_space<semaphore_mem>>)
    %dma_wait3A_1513 = arith.constant 0 : i32
    %dma_wait3A_1514 = arith.constant 0 : i32
    %dma_wait3A_1515 = tpu.memref_slice %arg9[%dma_wait3A_1513, %dma_wait3A_1514] : memref<8x128xi32, #tpu.memory_space<vmem>> -> memref<1x128xi32, #tpu.memory_space<vmem>>
    %dma_wait3A_1516 = tpu.memref_squeeze %dma_wait3A_1515 : memref<1x128xi32, #tpu.memory_space<vmem>> -> memref<128xi32, #tpu.memory_space<vmem>>
    %dma_wait3A_1517 = arith.constant 0 : i32
    %dma_wait3A_1518 = arith.constant 0 : i32
    %dma_wait3A_1519 = tpu.memref_slice %arg6[%dma_wait3A_1517, %dma_wait3A_1518] : memref<315392x64xf32, #tpu.memory_space<hbm>> -> memref<315392x64xf32, #tpu.memory_space<hbm>>
    tpu.wait_indirect_dma semaphore(%arg13 : memref<!tpu.dma_semaphore, #tpu.memory_space<semaphore_mem>>) src(%arg10 : memref<128x64xf32, #tpu.memory_space<vmem>>) dst(%dma_wait3A_1519 : memref<315392x64xf32, #tpu.memory_space<hbm>>)
    %dma_wait3A_1520 = arith.constant 1 : i32
    %dma_wait3A_1521 = arith.constant 0 : i32
    %dma_wait3A_1522 = tpu.memref_slice %arg9[%dma_wait3A_1520, %dma_wait3A_1521] : memref<8x128xi32, #tpu.memory_space<vmem>> -> memref<1x128xi32, #tpu.memory_space<vmem>>
    %dma_wait3A_1523 = tpu.memref_squeeze %dma_wait3A_1522 : memref<1x128xi32, #tpu.memory_space<vmem>> -> memref<128xi32, #tpu.memory_space<vmem>>
    %dma_wait3A_1524 = arith.constant 0 : i32
    %dma_wait3A_1525 = arith.constant 0 : i32
    %dma_wait3A_1526 = tpu.memref_slice %arg6[%dma_wait3A_1524, %dma_wait3A_1525] : memref<315392x64xf32, #tpu.memory_space<hbm>> -> memref<315392x64xf32, #tpu.memory_space<hbm>>
    tpu.wait_indirect_dma semaphore(%arg13 : memref<!tpu.dma_semaphore, #tpu.memory_space<semaphore_mem>>) src(%arg10 : memref<128x64xf32, #tpu.memory_space<vmem>>) dst(%dma_wait3A_1526 : memref<315392x64xf32, #tpu.memory_space<hbm>>)
    %dma_wait3A_1527 = arith.constant 2 : i32
    %dma_wait3A_1528 = arith.constant 0 : i32
    %dma_wait3A_1529 = tpu.memref_slice %arg9[%dma_wait3A_1527, %dma_wait3A_1528] : memref<8x128xi32, #tpu.memory_space<vmem>> -> memref<1x128xi32, #tpu.memory_space<vmem>>
    %dma_wait3A_1530 = tpu.memref_squeeze %dma_wait3A_1529 : memref<1x128xi32, #tpu.memory_space<vmem>> -> memref<128xi32, #tpu.memory_space<vmem>>
    %dma_wait3A_1531 = arith.constant 0 : i32
    %dma_wait3A_1532 = arith.constant 0 : i32
    %dma_wait3A_1533 = tpu.memref_slice %arg6[%dma_wait3A_1531, %dma_wait3A_1532] : memref<315392x64xf32, #tpu.memory_space<hbm>> -> memref<315392x64xf32, #tpu.memory_space<hbm>>
    tpu.wait_indirect_dma semaphore(%arg13 : memref<!tpu.dma_semaphore, #tpu.memory_space<semaphore_mem>>) src(%arg10 : memref<128x64xf32, #tpu.memory_space<vmem>>) dst(%dma_wait3A_1533 : memref<315392x64xf32, #tpu.memory_space<hbm>>)
    %dma_wait3A_1534 = arith.constant 3 : i32
    %dma_wait3A_1535 = arith.constant 0 : i32
    %dma_wait3A_1536 = tpu.memref_slice %arg9[%dma_wait3A_1534, %dma_wait3A_1535] : memref<8x128xi32, #tpu.memory_space<vmem>> -> memref<1x128xi32, #tpu.memory_space<vmem>>
    %dma_wait3A_1537 = tpu.memref_squeeze %dma_wait3A_1536 : memref<1x128xi32, #tpu.memory_space<vmem>> -> memref<128xi32, #tpu.memory_space<vmem>>
    %dma_wait3A_1538 = arith.constant 0 : i32
    %dma_wait3A_1539 = arith.constant 0 : i32
    %dma_wait3A_1540 = tpu.memref_slice %arg6[%dma_wait3A_1538, %dma_wait3A_1539] : memref<315392x64xf32, #tpu.memory_space<hbm>> -> memref<315392x64xf32, #tpu.memory_space<hbm>>
    tpu.wait_indirect_dma semaphore(%arg13 : memref<!tpu.dma_semaphore, #tpu.memory_space<semaphore_mem>>) src(%arg10 : memref<128x64xf32, #tpu.memory_space<vmem>>) dst(%dma_wait3A_1540 : memref<315392x64xf32, #tpu.memory_space<hbm>>)
    %dma_wait3A_1541 = arith.constant 4 : i32
    %dma_wait3A_1542 = arith.constant 0 : i32
    %dma_wait3A_1543 = tpu.memref_slice %arg9[%dma_wait3A_1541, %dma_wait3A_1542] : memref<8x128xi32, #tpu.memory_space<vmem>> -> memref<1x128xi32, #tpu.memory_space<vmem>>
    %dma_wait3A_1544 = tpu.memref_squeeze %dma_wait3A_1543 : memref<1x128xi32, #tpu.memory_space<vmem>> -> memref<128xi32, #tpu.memory_space<vmem>>
    %dma_wait3A_1545 = arith.constant 0 : i32
    %dma_wait3A_1546 = arith.constant 0 : i32
    %dma_wait3A_1547 = tpu.memref_slice %arg6[%dma_wait3A_1545, %dma_wait3A_1546] : memref<315392x64xf32, #tpu.memory_space<hbm>> -> memref<315392x64xf32, #tpu.memory_space<hbm>>
    tpu.wait_indirect_dma semaphore(%arg13 : memref<!tpu.dma_semaphore, #tpu.memory_space<semaphore_mem>>) src(%arg10 : memref<128x64xf32, #tpu.memory_space<vmem>>) dst(%dma_wait3A_1547 : memref<315392x64xf32, #tpu.memory_space<hbm>>)
    %dma_wait3A_1548 = arith.constant 5 : i32
    %dma_wait3A_1549 = arith.constant 0 : i32
    %dma_wait3A_1550 = tpu.memref_slice %arg9[%dma_wait3A_1548, %dma_wait3A_1549] : memref<8x128xi32, #tpu.memory_space<vmem>> -> memref<1x128xi32, #tpu.memory_space<vmem>>
    %dma_wait3A_1551 = tpu.memref_squeeze %dma_wait3A_1550 : memref<1x128xi32, #tpu.memory_space<vmem>> -> memref<128xi32, #tpu.memory_space<vmem>>
    %dma_wait3A_1552 = arith.constant 0 : i32
    %dma_wait3A_1553 = arith.constant 0 : i32
    %dma_wait3A_1554 = tpu.memref_slice %arg6[%dma_wait3A_1552, %dma_wait3A_1553] : memref<315392x64xf32, #tpu.memory_space<hbm>> -> memref<315392x64xf32, #tpu.memory_space<hbm>>
    tpu.wait_indirect_dma semaphore(%arg13 : memref<!tpu.dma_semaphore, #tpu.memory_space<semaphore_mem>>) src(%arg10 : memref<128x64xf32, #tpu.memory_space<vmem>>) dst(%dma_wait3A_1554 : memref<315392x64xf32, #tpu.memory_space<hbm>>)
    %dma_wait3A_1555 = arith.constant 6 : i32
    %dma_wait3A_1556 = arith.constant 0 : i32
    %dma_wait3A_1557 = tpu.memref_slice %arg9[%dma_wait3A_1555, %dma_wait3A_1556] : memref<8x128xi32, #tpu.memory_space<vmem>> -> memref<1x128xi32, #tpu.memory_space<vmem>>
    %dma_wait3A_1558 = tpu.memref_squeeze %dma_wait3A_1557 : memref<1x128xi32, #tpu.memory_space<vmem>> -> memref<128xi32, #tpu.memory_space<vmem>>
    %dma_wait3A_1559 = arith.constant 0 : i32
    %dma_wait3A_1560 = arith.constant 0 : i32
    %dma_wait3A_1561 = tpu.memref_slice %arg6[%dma_wait3A_1559, %dma_wait3A_1560] : memref<315392x64xf32, #tpu.memory_space<hbm>> -> memref<315392x64xf32, #tpu.memory_space<hbm>>
    tpu.wait_indirect_dma semaphore(%arg13 : memref<!tpu.dma_semaphore, #tpu.memory_space<semaphore_mem>>) src(%arg10 : memref<128x64xf32, #tpu.memory_space<vmem>>) dst(%dma_wait3A_1561 : memref<315392x64xf32, #tpu.memory_space<hbm>>)
    %dma_wait3A_1562 = arith.constant 7 : i32
    %dma_wait3A_1563 = arith.constant 0 : i32
    %dma_wait3A_1564 = tpu.memref_slice %arg9[%dma_wait3A_1562, %dma_wait3A_1563] : memref<8x128xi32, #tpu.memory_space<vmem>> -> memref<1x128xi32, #tpu.memory_space<vmem>>
    %dma_wait3A_1565 = tpu.memref_squeeze %dma_wait3A_1564 : memref<1x128xi32, #tpu.memory_space<vmem>> -> memref<128xi32, #tpu.memory_space<vmem>>
    %dma_wait3A_1566 = arith.constant 0 : i32
    %dma_wait3A_1567 = arith.constant 0 : i32
    %dma_wait3A_1568 = tpu.memref_slice %arg6[%dma_wait3A_1566, %dma_wait3A_1567] : memref<315392x64xf32, #tpu.memory_space<hbm>> -> memref<315392x64xf32, #tpu.memory_space<hbm>>
    tpu.wait_indirect_dma semaphore(%arg13 : memref<!tpu.dma_semaphore, #tpu.memory_space<semaphore_mem>>) src(%arg10 : memref<128x64xf32, #tpu.memory_space<vmem>>) dst(%dma_wait3A_1568 : memref<315392x64xf32, #tpu.memory_space<hbm>>)
    return
  }
}

</mosaic_0001>

<sc_bundles>
// kernel: kernel.3.cloned.1.call-start
scs
__scs_entry_jumppad:
0x0: {  	(pc) =	sbr.rel $0x88, $3  }
0x1: {  	(tag) =	ssettag $0x0;
	lr =	simm.s32 $0x1  }
0x2: {  	[smem:$0x3F9D] =	sst lr;
	_ =	strace $0xD0000000  }
0x3: {  	_ = 	snop  }
0x4: {  	_ = 	snop  }
0x5: {  	_ = 	snop  }
0x6: {  	_ = 	snop  }
0x7: {  	_ = 	snop  }
__scs_overlays_trampoline_lowered:
0x8: {  	[smem:$0x3FAC] =	sst s0  }
0x9: {  	[smem:$0x3FAD] =	sst s1  }
0xa: {  	[smem:$0x3FAE] =	sst s2  }
0xb: {  	[smem:$0x3FAF] =	sst s3  }
0xc: {  	[smem:$0x3FB0] =	sst s4  }
0xd: {  	[smem:$0x3FB1] =	sst s5  }
0xe: {  	[smem:$0x3FB2] =	sst s6  }
0xf: {  	[smem:$0x3FB3] =	sst s7  }
0x10: {  	[smem:$0x3FB4] =	sst s8  }
0x11: {  	[smem:$0x3FB5] =	sst s9;
	s0 =	simm.s32 @!p0 $0x0  }
0x12: {  	s1 =	sld [smem:$0x3F9B];
	s0 =	simm.s32 @p0 $0x1  }
0x13: {  	[smem:$0x3FB6] =	sst s0;
	s0 =	simm.s32 @!p1 $0x0  }
0x14: {  	s2 =	sld [smem:$0x3F9A];
	s0 =	simm.s32 @p1 $0x1  }
0x15: {  	[smem:$0x3FB7] =	sst s0;
	s0 =	simm.s32 @!p2 $0x0  }
0x16: {  	s3 =	sld [smem:$0x3FDB];
	s0 =	simm.s32 @p2 $0x1  }
0x17: {  	s4 =	simm.s32 $0x1BF5;
	[smem:$0x3FB9] =	sst s0  }
0x18: {  	s0 =	sld [smem:$0x3F9C];
	_ =	swait.ge [sflag:s4], $0x0  }
0x19: {  	s7 =	sld [smem:$0x3F9D]  }
0x1a: {  	s8 =	sadd.s32 $0xFFFFE003, lr  }
0x1b: {  	s9 =	sadd.s32 $0xFFFFFEF7, lr;
	s5 =	simm.s32 $0xFFFFFFFF;
	p2 =	slt.u32 s8, $0xFFFFF086  }
0x1c: {  	p1 =	slt.u32 s9, $0xF7A;
	s5 =	simm.s32 @!p2 $0x0  }
0x1d: {  	s5 =	simm.s32 @p1 $0x1;
	p0 =	seq.s32 s7, s2  }
0x1e: {  	s7 =	smul.u32 @!p0 $0xF7A, s2;
	p2 =	seq.s32 @!p0 s5, $0x0  }
0x1f: {  	s9 =	smul.u32 $0xF7A, s1;
	s8 =	simm.s32 @!p0 $0x1BF5;
	p2 =	por !p2, p0  }
0x20: {  	[sflag:s8] =	ssyncset.s32 @!p0 $0xFFFFF086;
	s6 =	sadd.s32 @!p0 s3, s7;
	s7 =	simm.s32 @!p0 $0x108  }
0x21: {  	s3 =	sadd.s32 s3, s9;
	s6 =	sadd.s32 @!p0 $0x88, s6;
	s7 =	simm.s32 @p2 $0x1082  }
0x22: {  	[simem:s7], [sflag:s8] =	dma.local @!p0 [hbm:s6], $0xF7A  }
0x23: {  	s9 =	sor.u32 $0xD0000000, s2;
	s6 =	simm.s32 $0x108;
	_ =	swait.ge @!p0 [sflag:s8], $0x0  }
0x24: {  	s3 =	sadd.s32 $0x88, s3;
	s6 =	simm.s32 @!p1 $0x1082;
	[sflag:s4] =	ssyncset.s32 $0xFFFFF086  }
0x25: {  	[simem:s6], [sflag:s4] =	dma.local [hbm:s3], $0xF7A  }
0x26: {  	[smem:$0x3F9D] =	sst s1;
	(tag) =	ssettag s2;
	_ =	strace s9  }
0x27: {  	s1 =	sld [smem:$0x3FAD]  }
0x28: {  	s2 =	sld [smem:$0x3FAE]  }
0x29: {  	s4 =	sld [smem:$0x3FB0]  }
0x2a: {  	p0 =	seq.s32 s5, $0x0;
	s5 =	sld [smem:$0x3FB1]  }
0x2b: {  	s6 =	sld [smem:$0x3FB2]  }
0x2c: {  	s7 =	sld [smem:$0x3FB3]  }
0x2d: {  	s3 =	simm.s32 $0x108;
	s8 =	sld [smem:$0x3FB4]  }
0x2e: {  	s3 =	simm.s32 @!p0 $0x1082;
	s9 =	sld [smem:$0x3FB5]  }
0x2f: {  	lr =	sadd.s32 s0, s3;
	s0 =	sld [smem:$0x3FAC]  }
0x30: {  	s3 =	sld [smem:$0x3FAF]  }
0x31: {  	[smem:$0x3FB8] =	sst s10  }
0x32: {  	s10 =	sld [smem:$0x3FB6];
	_ =	sdelay $0x3  }
0x33: {  	p0 =	seq.s32 s10, $0x1;
	s10 =	sld [smem:$0x3FB8];
	_ =	sdelay $0x3  }
0x34: {  	[smem:$0x3FB8] =	sst s10  }
0x35: {  	s10 =	sld [smem:$0x3FB7];
	_ =	sdelay $0x3  }
0x36: {  	p1 =	seq.s32 s10, $0x1;
	s10 =	sld [smem:$0x3FB8];
	_ =	sdelay $0x3  }
0x37: {  	[smem:$0x3FB8] =	sst s10  }
0x38: {  	s10 =	sld [smem:$0x3FB9]  }
0x39: {  	_ = 	snop;
	(pc) =	sbr.ind lr, $3  }
0x3a: {  	_ = 	snop  }
0x3b: {  	_ = 	snop  }
0x3c: {  	p2 =	seq.s32 s10, $0x1;
	s10 =	sld [smem:$0x3FB8]  }
0x3d: {  	_ =	shalt  }
0x3e: {  	_ =	shalt  }
0x3f: {  	_ =	shalt  }
0x40: {  	_ =	shalt  }
0x41: {  	_ =	shalt  }
0x42: {  	_ =	shalt  }
0x43: {  	_ =	shalt  }
0x44: {  	_ =	shalt  }
0x45: {  	_ =	shalt  }
0x46: {  	_ =	shalt  }
0x47: {  	_ =	shalt  }
0x48: {  	_ =	shalt  }
0x49: {  	_ =	shalt  }
0x4a: {  	_ =	shalt  }
0x4b: {  	_ =	shalt  }
0x4c: {  	_ =	shalt  }
0x4d: {  	_ =	shalt  }
0x4e: {  	_ =	shalt  }
0x4f: {  	_ =	shalt  }
0x50: {  	_ =	shalt  }
0x51: {  	_ =	shalt  }
0x52: {  	_ =	shalt  }
0x53: {  	_ =	shalt  }
0x54: {  	_ =	shalt  }
0x55: {  	_ =	shalt  }
0x56: {  	_ =	shalt  }
0x57: {  	_ =	shalt  }
0x58: {  	_ =	shalt  }
0x59: {  	_ =	shalt  }
0x5a: {  	_ =	shalt  }
0x5b: {  	_ =	shalt  }
0x5c: {  	_ =	shalt  }
0x5d: {  	_ =	shalt  }
0x5e: {  	_ =	shalt  }
0x5f: {  	_ =	shalt  }
0x60: {  	_ =	shalt  }
0x61: {  	_ =	shalt  }
0x62: {  	_ =	shalt  }
0x63: {  	_ =	shalt  }
0x64: {  	_ =	shalt  }
0x65: {  	_ =	shalt  }
0x66: {  	_ =	shalt  }
0x67: {  	_ =	shalt  }
0x68: {  	_ =	shalt  }
0x69: {  	_ =	shalt  }
0x6a: {  	_ =	shalt  }
0x6b: {  	_ =	shalt  }
0x6c: {  	_ =	shalt  }
0x6d: {  	_ =	shalt  }
0x6e: {  	_ =	shalt  }
0x6f: {  	_ =	shalt  }
0x70: {  	_ =	shalt  }
0x71: {  	_ =	shalt  }
0x72: {  	_ =	shalt  }
0x73: {  	_ =	shalt  }
0x74: {  	_ =	shalt  }
0x75: {  	_ =	shalt  }
0x76: {  	_ =	shalt  }
0x77: {  	_ =	shalt  }
0x78: {  	_ =	shalt  }
0x79: {  	_ =	shalt  }
0x7a: {  	_ =	shalt  }
0x7b: {  	_ =	shalt  }
0x7c: {  	_ =	shalt  }
0x7d: {  	_ =	shalt  }
0x7e: {  	_ =	shalt  }
0x7f: {  	_ =	shalt  }
0x80: {  	_ =	shalt  }
0x81: {  	_ =	shalt  }
0x82: {  	_ =	shalt  }
0x83: {  	_ =	shalt  }
0x84: {  	_ =	shalt  }
0x85: {  	_ =	shalt  }
0x86: {  	_ =	shalt  }
0x87: {  	_ =	shalt  }
.Lfunc_end0:
.L_simem_size_0:
called_computation.1_lowered:
.L_overlay_start_0:
0x88: {  	s2 =	sld [smem:$0x3FD9]  }
0x89: {  	s3 =	sld [smem:$0x3FFE];
	_ =	sdelay $0x1  }
0x8a: {  	s1 =	srdreg.scid  }
0x8b: {  	s0 =	sand.u32 $0x1, s1  }
0x8c: {  	s17 =	sshll.u32 s0, $0xA;
	s2 =	sadd.s32 s3, s2  }
0x8d: {  	s2 =	sadd.s32 s2, s17  }
0x8e: {  	[smem:$0x3FC4] =	sst s2  }
0x8f: {  	_ = 	snop  }
0x90: {  	s2 =	sld [smem:$0x3FD0];
	(tm) =	ssettm $0x1  }
0x91: {  	s18 =	sld [smem:$0x3FFB];
	_ =	sdelay $0x3  }
0x92: {  	_ =	strace s18  }
0x93: {  	s3 =	sld [smem:$0x3FFC];
	_ =	sdelay $0x3  }
0x94: {  	_ =	strace s3  }
0x95: {  	s3 =	sld [smem:$0x3FFD];
	_ =	sdelay $0x3  }
0x96: {  	_ =	strace s3  }
0x97: {  	_ =	strace $0x8FFFFFFF  }
0x98: {  	s19 =	sld [smem:$0x3FDB];
	_ =	sdelay $0x1  }
0x99: {  	s4 =	simm.s32 $_scs_section_size  }
0x9a: {  	s5 =	simm.s32 $_size__tile_overlayer_lowered;
	s6 =	simm.s32 $_tile_overlayer_lowered  }
0x9b: {  	s22 =	simm.s32 $0x1BFF;
	s21 =	sshll.u32 s6, $0x1;
	s3 =	sadd.s32 s4, s19  }
0x9c: {  	s7 =	simm.s32 $0x0;
	s20 =	sshll.u32 s5, $0x1;
	s5 =	sadd.s32 s21, s3  }
0x9d: {  	[timem:s7], [sflag:s22] =	dma.local [hbm:s5], s20  }
0x9e: {  	_ =	swait.ge [sflag:s22], s20  }
0x9f: {  	s4 =	ssub.s32 $0x0, s20;
	[sflag:s22] =	ssyncset.done $0x0  }
0xa0: {  	[sflag:s22] =	ssyncadd.s32 s4;
	_ =	sdelay $0x1  }
0xa1: {  	s23 =	simm.s32 $0x1B8B  }
0xa2: {  	_ =	swait.ge [sflag:s23], $0x1  }
0xa3: {  	[sflag:s23] =	ssyncset.done $0x0  }
0xa4: {  	s25 =	simm.s32 $0x1B8E;
	s24 =	sld [smem:$0x3FFE];
	[sflag:s23] =	ssyncadd.s32 $0xFFFFFFFF  }
0xa5: {  	s26 =	simm.s32 $execute0_lowered;
	[smem:$0x3FD2] =	sst s25  }
0xa6: {  	s5 =	sshll.u32 s26, $0x1;
	_ =	strace $0x80000046;
	[dreg:$0x1] =	wrdreg $0xFFFFFFFF  }
0xa7: {  	s28 =	simm.s32 $_size_execute0_lowered;
	s3 =	sadd.s32 s3, s5;
	[dreg:$0x0] =	wrdreg $0x0  }
0xa8: {  	s5 =	sshll.u32 s28, $0x1;
	[dreg:$0x2] =	wrdreg s3  }
0xa9: {  	[dreg:$0x3] =	wrdreg s5  }
0xaa: {  	[dreg:$0x4] =	wrdreg $0xC0  }
0xab: {  	_ =	task [dreg:s7], $0x5FFFF  }
0xac: {  	[dreg:$0x1] =	wrdreg $0xFFFFFFFF  }
0xad: {  	[dreg:$0x0] =	wrdreg $0x60  }
0xae: {  	[dreg:$0x2] =	wrdreg s24  }
0xaf: {  	[dreg:$0x3] =	wrdreg s2  }
0xb0: {  	[dreg:$0x4] =	wrdreg $0x9  }
0xb1: {  	_ =	task.clear_ibuf [dreg:s7], $0x5FFFF;
	_ =	strace $0x90000046  }
0xb2: {  	s29 =	simm.s32 $0x9;
	_ =	strace $0x80000048  }
0xb3: {  	_ =	swait.ge [sflag:s29], $0x1  }
0xb4: {  	[sflag:s29] =	ssyncadd.s32 $0xFFFFFFFF  }
0xb5: {  	_ =	strace $0x90000048  }
0xb6: {  	_ =	sfence  }
0xb7: {  	s30 =	sld [smem:$0x0];
	_ =	sdelay $0x2  }
0xb8: {  	s31 =	sshll.u32 s1, $0xD;
	s1 =	sshrl.u32 s1, $0x2  }
0xb9: {  	s3 =	sand.u32 $0x4000, s31;
	s1 =	sadd.s32 s1, s30  }
0xba: {  	s0 =	sor.u32 s3, s0;
	s1 =	sshll.u32 s1, $0x11  }
0xbb: {  	s0 =	sor.u32 s1, s0  }
0xbc: {  	s0 =	sadd.s32 $0x8F2B, s0  }
0xbd: {  	[sflag:s0] =	ssyncadd.remote.s32 $0x1  }
0xbe: {  	_ =	sfence.sel $0xFFFF  }
0xbf: {  	[dreg:$0x0] =	wrdreg $0xFFFFFFFF;
	(pc) =	sbr.abs _section_cstart, $3  }
0xc0: {  	[dreg:$0x1] =	wrdreg $0xFFFFFFFF  }
0xc1: {  	_ =	task.clear_ibuf [dreg:s7], $0x2FFFF;
	_ =	strace $0x9FFFFFFF  }
0xc2: {  	(tm) =	ssettm $0x7FFFFFFF  }
0xc3: {  	_ =	shalt  }
tec
execute0_lowered:
.L_overlay_start_1:
0x0: {  	(tag) =	ssettag $0x1  }
0x1: {  	s0 =	srdreg.scid  }
0x2: {  	s11 =	stileid.u32;
	s1 =	rddreg [dreg:$0x0]  }
0x3: {  	s16 =	rddreg [dreg:$0x1];
	s3 =	simm.s32 $0x0;
	s8 =	smul.u32 $0x26800, s11  }
0x4: {  	s0 =	sand.u32 $0x1, s0;
	s2 =	sshll.u32 s11, $0x1;
	s11 =	smul.u32 $0x4D00, s11  }
0x5: {  	[smem:$0x7FF] =	sst s3;
	s24 =	sadd.s32 $0xA800, s1;
	s9 =	smul.u32 $0x13400, s0  }
0x6: {  	s2 =	sor.u32 s0, s2;
	s25 =	ssub.s32 $0x2, s0;
	s0 =	smul.u32 $0x2680, s0  }
0x7: {  	_ =	strace $0x80000047;
	[dreg:$0xe] =	wrdreg s24;
	s6 =	smul.u32 $0x13400, s2  }
0x8: {  	s4 =	smul.u32 $0x2680, s2;
	s5 =	sshll.u32 s2, $0x7;
	s0 =	sadd.s32 s0, s11  }
0x9: {  	s2 =	smul.u32 $0x9A000, s2;
	s6 =	sadd.s32 s16, s6;
	s0 =	sshll.u32 s0, $0x3  }
0xa: {  	s10 =	sshrl.u32 s25, $0x1;
	s15 =	sadd.s32 $0x3480, s0;
	[dreg:$0x10] =	wrdreg s6  }
0xb: {  	s7 =	sadd.s32 s5, s1;
	s18 =	sadd.s32 $0x3100, s0;
	[dreg:$0x4] =	wrdreg s15  }
0xc: {  	s4 =	sshrl.u32 s4, $0x3;
	s20 =	sadd.s32 $0x2D80, s0;
	[dreg:$0x5] =	wrdreg s18  }
0xd: {  	s2 =	sshrl.u32 s2, $0x3;
	s22 =	sadd.s32 $0x2A00, s0;
	[dreg:$0x6] =	wrdreg s20  }
0xe: {  	s4 =	sadd.s32 s4, s1;
	s24 =	sadd.s32 $0x4980, s0;
	[dreg:$0x7] =	wrdreg s22  }
0xf: {  	s2 =	sadd.s32 s16, s2;
	s4 =	sadd.s32 $0xE00, s4;
	[dreg:$0x8] =	wrdreg s24  }
0x10: {  	s5 =	sadd.s32 $0xF43200, s1;
	s26 =	sadd.s32 $0x700, s2;
	[dreg:$0xf] =	wrdreg s4  }
0x11: {  	s1 =	ssub.s32 s25, s10;
	s10 =	sadd.s32 $0xA80, s2;
	[dreg:$0x11] =	wrdreg s26  }
0x12: {  	s13 =	sadd.s32 $0xE00, s2;
	[dreg:$0x12] =	wrdreg s10  }
0x13: {  	s14 =	sadd.s32 $0x1180, s2;
	[dreg:$0x13] =	wrdreg s13  }
0x14: {  	s17 =	sadd.s32 $0x1500, s2;
	[dreg:$0x14] =	wrdreg s14  }
0x15: {  	s19 =	sadd.s32 $0x1880, s2;
	[dreg:$0x15] =	wrdreg s17  }
0x16: {  	s21 =	sadd.s32 $0x1C00, s2;
	[dreg:$0x16] =	wrdreg s19  }
0x17: {  	s23 =	sadd.s32 $0x1F80, s2;
	[dreg:$0x17] =	wrdreg s21  }
0x18: {  	s25 =	sadd.s32 $0x2300, s2;
	[dreg:$0x18] =	wrdreg s23  }
0x19: {  	s12 =	sadd.s32 s9, s8;
	s9 =	sadd.s32 $0x10D80, s2;
	[dreg:$0x19] =	wrdreg s25  }
0x1a: {  	s11 =	sadd.s32 $0x11100, s2;
	[dreg:$0x1a] =	wrdreg s9  }
0x1b: {  	s15 =	sadd.s32 $0x11800, s2;
	[dreg:$0x1b] =	wrdreg s11  }
0x1c: {  	s18 =	sadd.s32 $0x11F00, s2;
	[dreg:$0x1d] =	wrdreg s15  }
0x1d: {  	s20 =	sadd.s32 $0x12600, s2;
	[dreg:$0x1f] =	wrdreg s18  }
0x1e: {  	s22 =	sadd.s32 $0x12D00, s2;
	[smem:$0x7F7] =	sst s20  }
0x1f: {  	s24 =	sadd.s32 $0xAC00, s7;
	[smem:$0x7F9] =	sst s22  }
0x20: {  	s4 =	sadd.s32 $0x3800, s12;
	[smem:$0x7FB] =	sst s24  }
0x21: {  	s26 =	sadd.s32 $0x4600, s0;
	[dreg:$0x3] =	wrdreg s4  }
0x22: {  	s10 =	sadd.s32 $0x4280, s0;
	[dreg:$0x9] =	wrdreg s26  }
0x23: {  	s13 =	sadd.s32 $0x11480, s2;
	[dreg:$0xa] =	wrdreg s10  }
0x24: {  	s12 =	sadd.s32 $0x3F00, s0;
	[dreg:$0x1c] =	wrdreg s13  }
0x25: {  	s14 =	sadd.s32 $0x2680, s0;
	[dreg:$0xb] =	wrdreg s12  }
0x26: {  	s28 =	simm.s32 $0x9;
	s17 =	sadd.s32 $0x11B80, s2;
	[dreg:$0xc] =	wrdreg s14  }
0x27: {  	s29 =	simm.s32 $0xF;
	s0 =	sadd.s32 $0x3B80, s0;
	[dreg:$0x1e] =	wrdreg s17  }
0x28: {  	s30 =	simm.s32 $0xA;
	s19 =	sadd.s32 $0x12280, s2;
	[dreg:$0xd] =	wrdreg s0  }
0x29: {  	s31 =	simm.s32 $0x10;
	s21 =	sadd.s32 $0x12980, s2;
	[smem:$0x7F6] =	sst s19  }
0x2a: {  	s8 =	simm.s32 $0x14;
	s23 =	sadd.s32 $0x13080, s2;
	[smem:$0x7F8] =	sst s21  }
0x2b: {  	s25 =	smax.u32 s1, $0x1;
	s1 =	simm.s32 $0xB;
	[smem:$0x7FA] =	sst s23  }
0x2c: {  	s2 =	simm.s32 $0x11;
	s9 =	simm.s32 $0x15;
	[smem:$0x7FC] =	sst s25  }
0x2d: {  	s26 =	sadd.s32 $0x380, s6;
	s13 =	simm.s32 $0x18;
	s0 =	simm.s32 $0x70  }
0x2e: {  	s4 =	simm.s32 $0x12;
	s6 =	simm.s32 $0x13;
	s10 =	simm.s32 $0x16  }
0x2f: {  	s12 =	simm.s32 $0x0;
	[smem:$0x7FD] =	sst s26;
	s26 =	simm.s32 $0xE  }
.LBB2_1:
0x30: {  	[smem:$0x7F5] =	sst s12  }
0x31: {  	s11 =	rddreg [dreg:$0xf]  }
0x32: {  	[tilespmem:s3], [sflag:$0x18] =	stream.linear.gather [hbm4b:s11+s3], $0x2680, $0x38;
	[tilespmem:$0x17E80] =	vst v63  }
0x33: {  	_ =	swait.ge [sflag:s13], $0x2680  }
0x34: {  	[sflag:s13] =	ssyncset.done $0x0  }
0x35: {  	s19 =	simm.s32 $0x2680;
	[sflag:s13] =	ssyncadd.s32 $0xFFFFD980  }
0x36: {  	[tilespmem:s19], [sflag:$0x1] =	stream.indirect.gather [hbm4b:s5+s0], $0x40, s3, s0, $0xb8;
	[tilespmem:$0x17E80] =	vst v63  }
0x37: {  	s22 =	simm.s32 $0x4280  }
0x38: {  	[tilespmem:s22], [sflag:$0x2] =	stream.indirect.gather [hbm4b:s5+s0], $0x40, s0, s0, $0xb8;
	[tilespmem:$0x17E80] =	vst v63  }
0x39: {  	s25 =	simm.s32 $0xE0;
	s7 =	simm.s32 $0x5E80  }
0x3a: {  	[tilespmem:s7], [sflag:$0x3] =	stream.indirect.gather [hbm4b:s5+s0], $0x40, s25, s0, $0xb8;
	[tilespmem:$0x17E80] =	vst v63  }
0x3b: {  	s12 =	simm.s32 $0x7A80;
	s11 =	simm.s32 $0x150  }
0x3c: {  	[tilespmem:s12], [sflag:$0x4] =	stream.indirect.gather [hbm4b:s5+s0], $0x40, s11, s0, $0xb8;
	[tilespmem:$0x17E80] =	vst v63  }
0x3d: {  	s15 =	simm.s32 $0x9680;
	s13 =	simm.s32 $0x1C0  }
0x3e: {  	[tilespmem:s15], [sflag:$0x5] =	stream.indirect.gather [hbm4b:s5+s0], $0x40, s13, s0, $0xb8;
	[tilespmem:$0x17E80] =	vst v63  }
0x3f: {  	s18 =	simm.s32 $0x230;
	s20 =	simm.s32 $0xB280;
	s7 =	simm.s32 $0x1  }
0x40: {  	[tilespmem:s20], [sflag:$0x6] =	stream.indirect.gather [hbm4b:s5+s0], $0x40, s18, s0, $0xb8;
	[tilespmem:$0x17E80] =	vst v63  }
0x41: {  	_ =	swait.ge [sflag:s7], $0x1C00  }
0x42: {  	[sflag:s7] =	ssyncset.done $0x0  }
0x43: {  	s21 =	simm.s32 $0x2A0;
	s15 =	simm.s32 $0xCE80;
	[sflag:s7] =	ssyncadd.s32 $0xFFFFE400  }
0x44: {  	[tilespmem:s15], [sflag:$0x7] =	stream.indirect.gather [hbm4b:s5+s0], $0x40, s21, s0, $0xb8;
	[tilespmem:$0x17E80] =	vst v63  }
0x45: {  	s23 =	rddreg [dreg:$0x10];
	s21 =	simm.s32 $0x2  }
0x46: {  	[hbm4b:s23+s3] =	stream.linear.scatter [tilespmem:s19], [sflag:$0xC], $0x1C00, $0x38;
	[tilespmem:$0x17E80] =	vst v63  }
0x47: {  	_ =	swait.ge [sflag:s21], $0x1C00  }
0x48: {  	s24 =	simm.s32 $0x310;
	[sflag:s21] =	ssyncset.done $0x0  }
0x49: {  	s25 =	simm.s32 $0xEA80;
	s15 =	sld [smem:$0x7FD];
	[sflag:s21] =	ssyncadd.s32 $0xFFFFE400  }
0x4a: {  	[tilespmem:s25], [sflag:$0x8] =	stream.indirect.gather [hbm4b:s5+s0], $0x40, s24, s0, $0xb8;
	[tilespmem:$0x17E80] =	vst v63  }
0x4b: {  	s23 =	simm.s32 $0x3  }
0x4c: {  	[hbm4b:s15+s3] =	stream.linear.scatter [tilespmem:s22], [sflag:$0xD], $0x1C00, $0x38;
	[tilespmem:$0x17E80] =	vst v63  }
0x4d: {  	_ =	swait.ge [sflag:s23], $0x1C00  }
0x4e: {  	[sflag:s23] =	ssyncset.done $0x0  }
0x4f: {  	s20 =	simm.s32 $0x380;
	s24 =	simm.s32 $0x10680;
	[sflag:s23] =	ssyncadd.s32 $0xFFFFE400  }
0x50: {  	[tilespmem:s24], [sflag:$0x9] =	stream.indirect.gather [hbm4b:s5+s0], $0x40, s20, s0, $0xb8;
	[tilespmem:$0x17E80] =	vst v63  }
0x51: {  	s17 =	simm.s32 $0x5E80;
	s25 =	rddreg [dreg:$0x11];
	s24 =	simm.s32 $0x4  }
0x52: {  	[hbm4b:s25+s3] =	stream.linear.scatter [tilespmem:s17], [sflag:$0xE], $0x1C00, $0x38;
	[tilespmem:$0x17E80] =	vst v63  }
0x53: {  	_ =	swait.ge [sflag:s24], $0x1C00  }
0x54: {  	[sflag:s24] =	ssyncset.done $0x0  }
0x55: {  	s15 =	simm.s32 $0x3F0;
	s17 =	simm.s32 $0x12280;
	[sflag:s24] =	ssyncadd.s32 $0xFFFFE400  }
0x56: {  	[tilespmem:s17], [sflag:$0xA] =	stream.indirect.gather [hbm4b:s5+s0], $0x40, s15, s0, $0xb8;
	[tilespmem:$0x17E80] =	vst v63  }
0x57: {  	s14 =	simm.s32 $0x7A80;
	s25 =	rddreg [dreg:$0x12]  }
0x58: {  	[hbm4b:s25+s3] =	stream.linear.scatter [tilespmem:s14], [sflag:$0xF], $0x1C00, $0x38;
	[tilespmem:$0x17E80] =	vst v63  }
0x59: {  	s25 =	simm.s32 $0x5  }
0x5a: {  	_ =	swait.ge [sflag:s25], $0x1C00  }
0x5b: {  	[sflag:s25] =	ssyncset.done $0x0  }
0x5c: {  	s15 =	simm.s32 $0x460;
	s17 =	simm.s32 $0x13E80;
	[sflag:s25] =	ssyncadd.s32 $0xFFFFE400  }
0x5d: {  	[tilespmem:s17], [sflag:$0xB] =	stream.indirect.gather [hbm4b:s5+s0], $0x40, s15, s0, $0xb8;
	[tilespmem:$0x17E80] =	vst v63  }
0x5e: {  	s12 =	simm.s32 $0x9680;
	s14 =	rddreg [dreg:$0x13]  }
0x5f: {  	[hbm4b:s14+s3] =	stream.linear.scatter [tilespmem:s12], [sflag:$0x10], $0x1C00, $0x38;
	[tilespmem:$0x17E80] =	vst v63  }
0x60: {  	s12 =	simm.s32 $0x6  }
0x61: {  	_ =	swait.ge [sflag:s12], $0x1C00  }
0x62: {  	[sflag:s12] =	ssyncset.done $0x0  }
0x63: {  	s14 =	simm.s32 $0xC;
	[sflag:s12] =	ssyncadd.s32 $0xFFFFE400  }
0x64: {  	_ =	swait.ge [sflag:s14], $0x1C00  }
0x65: {  	[sflag:s14] =	ssyncset.done $0x0  }
0x66: {  	s15 =	simm.s32 $0x4D0;
	[sflag:s14] =	ssyncadd.s32 $0xFFFFE400  }
0x67: {  	[tilespmem:s19], [sflag:$0x1] =	stream.indirect.gather [hbm4b:s5+s0], $0x40, s15, s0, $0xb8;
	[tilespmem:$0x17E80] =	vst v63  }
0x68: {  	s13 =	simm.s32 $0xB280;
	s17 =	rddreg [dreg:$0x14];
	s15 =	simm.s32 $0x7  }
0x69: {  	[hbm4b:s17+s3] =	stream.linear.scatter [tilespmem:s13], [sflag:$0x11], $0x1C00, $0x38;
	[tilespmem:$0x17E80] =	vst v63  }
0x6a: {  	_ =	swait.ge [sflag:s15], $0x1C00  }
0x6b: {  	[sflag:s15] =	ssyncset.done $0x0  }
0x6c: {  	s17 =	simm.s32 $0xD;
	[sflag:s15] =	ssyncadd.s32 $0xFFFFE400  }
0x6d: {  	_ =	swait.ge [sflag:s17], $0x1C00  }
0x6e: {  	[sflag:s17] =	ssyncset.done $0x0  }
0x6f: {  	s11 =	simm.s32 $0x540;
	[sflag:s17] =	ssyncadd.s32 $0xFFFFE400  }
0x70: {  	[tilespmem:s22], [sflag:$0x2] =	stream.indirect.gather [hbm4b:s5+s0], $0x40, s11, s0, $0xb8;
	[tilespmem:$0x17E80] =	vst v63  }
0x71: {  	s18 =	simm.s32 $0xCE80;
	s11 =	rddreg [dreg:$0x15]  }
0x72: {  	[hbm4b:s11+s3] =	stream.linear.scatter [tilespmem:s18], [sflag:$0x12], $0x1C00, $0x38;
	[tilespmem:$0x17E80] =	vst v63  }
0x73: {  	s18 =	simm.s32 $0x8  }
0x74: {  	_ =	swait.ge [sflag:s18], $0x1C00  }
0x75: {  	[sflag:s18] =	ssyncset.done $0x0  }
0x76: {  	[sflag:s18] =	ssyncadd.s32 $0xFFFFE400  }
0x77: {  	_ =	swait.ge [sflag:s26], $0x1C00  }
0x78: {  	[sflag:s26] =	ssyncset.done $0x0  }
0x79: {  	s20 =	simm.s32 $0x5E80;
	s11 =	simm.s32 $0x5B0;
	[sflag:s26] =	ssyncadd.s32 $0xFFFFE400  }
0x7a: {  	[tilespmem:s20], [sflag:$0x3] =	stream.indirect.gather [hbm4b:s5+s0], $0x40, s11, s0, $0xb8;
	[tilespmem:$0x17E80] =	vst v63  }
0x7b: {  	s11 =	rddreg [dreg:$0x16];
	s20 =	simm.s32 $0xEA80  }
0x7c: {  	[hbm4b:s11+s3] =	stream.linear.scatter [tilespmem:s20], [sflag:$0x13], $0x1C00, $0x38;
	[tilespmem:$0x17E80] =	vst v63  }
0x7d: {  	_ =	swait.ge [sflag:s28], $0x1C00  }
0x7e: {  	[sflag:s28] =	ssyncset.done $0x0  }
0x7f: {  	[sflag:s28] =	ssyncadd.s32 $0xFFFFE400  }
0x80: {  	_ =	swait.ge [sflag:s29], $0x1C00  }
0x81: {  	[sflag:s29] =	ssyncset.done $0x0  }
0x82: {  	s11 =	simm.s32 $0x620;
	s20 =	simm.s32 $0x7A80;
	[sflag:s29] =	ssyncadd.s32 $0xFFFFE400  }
0x83: {  	[tilespmem:s20], [sflag:$0x4] =	stream.indirect.gather [hbm4b:s5+s0], $0x40, s11, s0, $0xb8;
	[tilespmem:$0x17E80] =	vst v63  }
0x84: {  	s11 =	rddreg [dreg:$0x17];
	s20 =	simm.s32 $0x10680  }
0x85: {  	[hbm4b:s11+s3] =	stream.linear.scatter [tilespmem:s20], [sflag:$0x14], $0x1C00, $0x38;
	[tilespmem:$0x17E80] =	vst v63  }
0x86: {  	_ =	swait.ge [sflag:s30], $0x1C00  }
0x87: {  	[sflag:s30] =	ssyncset.done $0x0  }
0x88: {  	[sflag:s30] =	ssyncadd.s32 $0xFFFFE400  }
0x89: {  	_ =	swait.ge [sflag:s31], $0x1C00  }
0x8a: {  	[sflag:s31] =	ssyncset.done $0x0  }
0x8b: {  	s11 =	simm.s32 $0x690;
	s20 =	simm.s32 $0x9680;
	[sflag:s31] =	ssyncadd.s32 $0xFFFFE400  }
0x8c: {  	[tilespmem:s20], [sflag:$0x5] =	stream.indirect.gather [hbm4b:s5+s0], $0x40, s11, s0, $0xb8;
	[tilespmem:$0x17E80] =	vst v63  }
0x8d: {  	s11 =	rddreg [dreg:$0x18];
	s20 =	simm.s32 $0x12280  }
0x8e: {  	[hbm4b:s11+s3] =	stream.linear.scatter [tilespmem:s20], [sflag:$0x15], $0x1C00, $0x38;
	[tilespmem:$0x17E80] =	vst v63  }
0x8f: {  	_ =	swait.ge [sflag:s1], $0x1C00  }
0x90: {  	[sflag:s1] =	ssyncset.done $0x0  }
0x91: {  	[sflag:s1] =	ssyncadd.s32 $0xFFFFE400  }
0x92: {  	_ =	swait.ge [sflag:s2], $0x1C00  }
0x93: {  	[sflag:s2] =	ssyncset.done $0x0  }
0x94: {  	s13 =	simm.s32 $0xB280;
	s20 =	simm.s32 $0x700;
	[sflag:s2] =	ssyncadd.s32 $0xFFFFE400  }
0x95: {  	[tilespmem:s13], [sflag:$0x6] =	stream.indirect.gather [hbm4b:s5+s0], $0x40, s20, s0, $0xb8;
	[tilespmem:$0x17E80] =	vst v63  }
0x96: {  	s13 =	rddreg [dreg:$0x19];
	s20 =	simm.s32 $0x13E80  }
0x97: {  	[hbm4b:s13+s3] =	stream.linear.scatter [tilespmem:s20], [sflag:$0x16], $0x1C00, $0x38;
	[tilespmem:$0x17E80] =	vst v63  }
0x98: {  	_ =	swait.ge [sflag:s7], $0x1C00  }
0x99: {  	[sflag:s7] =	ssyncset.done $0x0  }
0x9a: {  	[sflag:s7] =	ssyncadd.s32 $0xFFFFE400  }
0x9b: {  	_ =	swait.ge [sflag:s4], $0x1C00  }
0x9c: {  	s20 =	simm.s32 $0xCE80;
	[sflag:s4] =	ssyncset.done $0x0  }
0x9d: {  	s7 =	simm.s32 $0x770;
	s11 =	rddreg [dreg:$0xc];
	[sflag:s4] =	ssyncadd.s32 $0xFFFFE400  }
0x9e: {  	[tilespmem:s20], [sflag:$0x7] =	stream.indirect.gather [hbm4b:s5+s0], $0x40, s7, s0, $0xb8;
	[tilespmem:$0x17E80] =	vst v63  }
0x9f: {  	s11 =	sadd.s32 s16, s11  }
0xa0: {  	[hbm4b:s11+s3] =	stream.linear.scatter [tilespmem:s19], [sflag:$0xC], $0x1C00, $0x38;
	[tilespmem:$0x17E80] =	vst v63  }
0xa1: {  	_ =	swait.ge [sflag:s21], $0x1C00  }
0xa2: {  	[sflag:s21] =	ssyncset.done $0x0  }
0xa3: {  	[sflag:s21] =	ssyncadd.s32 $0xFFFFE400  }
0xa4: {  	_ =	swait.ge [sflag:s6], $0x1C00  }
0xa5: {  	s7 =	simm.s32 $0x7E0;
	[sflag:s6] =	ssyncset.done $0x0  }
0xa6: {  	s20 =	simm.s32 $0xEA80;
	s21 =	rddreg [dreg:$0x7];
	[sflag:s6] =	ssyncadd.s32 $0xFFFFE400  }
0xa7: {  	[tilespmem:s20], [sflag:$0x8] =	stream.indirect.gather [hbm4b:s5+s0], $0x40, s7, s0, $0xb8;
	[tilespmem:$0x17E80] =	vst v63  }
0xa8: {  	s11 =	sadd.s32 s16, s21  }
0xa9: {  	[hbm4b:s11+s3] =	stream.linear.scatter [tilespmem:s22], [sflag:$0xD], $0x1C00, $0x38;
	[tilespmem:$0x17E80] =	vst v63  }
0xaa: {  	_ =	swait.ge [sflag:s23], $0x1C00  }
0xab: {  	[sflag:s23] =	ssyncset.done $0x0  }
0xac: {  	[sflag:s23] =	ssyncadd.s32 $0xFFFFE400  }
0xad: {  	_ =	swait.ge [sflag:s8], $0x1C00  }
0xae: {  	s7 =	simm.s32 $0x850;
	[sflag:s8] =	ssyncset.done $0x0  }
0xaf: {  	s20 =	simm.s32 $0x10680;
	s21 =	rddreg [dreg:$0x6];
	[sflag:s8] =	ssyncadd.s32 $0xFFFFE400  }
0xb0: {  	[tilespmem:s20], [sflag:$0x9] =	stream.indirect.gather [hbm4b:s5+s0], $0x40, s7, s0, $0xb8;
	[tilespmem:$0x17E80] =	vst v63  }
0xb1: {  	s11 =	sadd.s32 s16, s21;
	s7 =	simm.s32 $0x5E80  }
0xb2: {  	[hbm4b:s11+s3] =	stream.linear.scatter [tilespmem:s7], [sflag:$0xE], $0x1C00, $0x38;
	[tilespmem:$0x17E80] =	vst v63  }
0xb3: {  	_ =	swait.ge [sflag:s24], $0x1C00  }
0xb4: {  	[sflag:s24] =	ssyncset.done $0x0  }
0xb5: {  	[sflag:s24] =	ssyncadd.s32 $0xFFFFE400  }
0xb6: {  	_ =	swait.ge [sflag:s9], $0x1C00  }
0xb7: {  	s20 =	simm.s32 $0x8C0;
	[sflag:s9] =	ssyncset.done $0x0  }
0xb8: {  	s24 =	simm.s32 $0x12280;
	s21 =	rddreg [dreg:$0x5];
	[sflag:s9] =	ssyncadd.s32 $0xFFFFE400  }
0xb9: {  	[tilespmem:s24], [sflag:$0xA] =	stream.indirect.gather [hbm4b:s5+s0], $0x40, s20, s0, $0xb8;
	[tilespmem:$0x17E80] =	vst v63  }
0xba: {  	s11 =	sadd.s32 s16, s21;
	s20 =	simm.s32 $0x7A80  }
0xbb: {  	[hbm4b:s11+s3] =	stream.linear.scatter [tilespmem:s20], [sflag:$0xF], $0x1C00, $0x38;
	[tilespmem:$0x17E80] =	vst v63  }
0xbc: {  	_ =	swait.ge [sflag:s25], $0x1C00  }
0xbd: {  	[sflag:s25] =	ssyncset.done $0x0  }
0xbe: {  	[sflag:s25] =	ssyncadd.s32 $0xFFFFE400  }
0xbf: {  	_ =	swait.ge [sflag:s10], $0x1C00  }
0xc0: {  	s21 =	simm.s32 $0x930;
	[sflag:s10] =	ssyncset.done $0x0  }
0xc1: {  	s25 =	simm.s32 $0x13E80;
	s11 =	rddreg [dreg:$0x4];
	[sflag:s10] =	ssyncadd.s32 $0xFFFFE400  }
0xc2: {  	[tilespmem:s25], [sflag:$0xB] =	stream.indirect.gather [hbm4b:s5+s0], $0x40, s21, s0, $0xb8;
	[tilespmem:$0x17E80] =	vst v63  }
0xc3: {  	s11 =	sadd.s32 s16, s11;
	s21 =	simm.s32 $0x9680  }
0xc4: {  	[hbm4b:s11+s3] =	stream.linear.scatter [tilespmem:s21], [sflag:$0x10], $0x1C00, $0x38;
	[tilespmem:$0x17E80] =	vst v63  }
0xc5: {  	_ =	swait.ge [sflag:s12], $0x1C00  }
0xc6: {  	[sflag:s12] =	ssyncset.done $0x0  }
0xc7: {  	[sflag:s12] =	ssyncadd.s32 $0xFFFFE400  }
0xc8: {  	_ =	swait.ge [sflag:s14], $0x1C00  }
0xc9: {  	[sflag:s14] =	ssyncset.done $0x0  }
0xca: {  	s12 =	rddreg [dreg:$0x3];
	[sflag:s14] =	ssyncadd.s32 $0xFFFFE400;
	s14 =	simm.s32 $0x9A0  }
0xcb: {  	[tilespmem:s19], [sflag:$0x1] =	stream.indirect.gather [hbm4b:s5+s0], $0x40, s14, s0, $0xb8;
	[tilespmem:$0x17E80] =	vst v63  }
0xcc: {  	s11 =	sadd.s32 s16, s12;
	s12 =	simm.s32 $0xB280  }
0xcd: {  	[hbm4b:s11+s3] =	stream.linear.scatter [tilespmem:s12], [sflag:$0x11], $0x1C00, $0x38;
	[tilespmem:$0x17E80] =	vst v63  }
0xce: {  	_ =	swait.ge [sflag:s15], $0x1C00  }
0xcf: {  	[sflag:s15] =	ssyncset.done $0x0  }
0xd0: {  	[sflag:s15] =	ssyncadd.s32 $0xFFFFE400  }
0xd1: {  	_ =	swait.ge [sflag:s17], $0x1C00  }
0xd2: {  	[sflag:s17] =	ssyncset.done $0x0  }
0xd3: {  	s19 =	simm.s32 $0xA10;
	s15 =	rddreg [dreg:$0xd];
	[sflag:s17] =	ssyncadd.s32 $0xFFFFE400  }
0xd4: {  	[tilespmem:s22], [sflag:$0x2] =	stream.indirect.gather [hbm4b:s5+s0], $0x40, s19, s0, $0xb8;
	[tilespmem:$0x17E80] =	vst v63  }
0xd5: {  	s25 =	simm.s32 $0xCE80;
	s11 =	sadd.s32 s16, s15  }
0xd6: {  	[hbm4b:s11+s3] =	stream.linear.scatter [tilespmem:s25], [sflag:$0x12], $0x1C00, $0x38;
	[tilespmem:$0x17E80] =	vst v63  }
0xd7: {  	_ =	swait.ge [sflag:s18], $0x1C00  }
0xd8: {  	[sflag:s18] =	ssyncset.done $0x0  }
0xd9: {  	[sflag:s18] =	ssyncadd.s32 $0xFFFFE400  }
0xda: {  	_ =	swait.ge [sflag:s26], $0x1C00  }
0xdb: {  	[sflag:s26] =	ssyncset.done $0x0  }
0xdc: {  	s15 =	simm.s32 $0xA80;
	s14 =	rddreg [dreg:$0xb];
	[sflag:s26] =	ssyncadd.s32 $0xFFFFE400  }
0xdd: {  	[tilespmem:s7], [sflag:$0x3] =	stream.indirect.gather [hbm4b:s5+s0], $0x40, s15, s0, $0xb8;
	[tilespmem:$0x17E80] =	vst v63  }
0xde: {  	s17 =	simm.s32 $0xEA80;
	s11 =	sadd.s32 s16, s14  }
0xdf: {  	[hbm4b:s11+s3] =	stream.linear.scatter [tilespmem:s17], [sflag:$0x13], $0x1C00, $0x38;
	[tilespmem:$0x17E80] =	vst v63  }
0xe0: {  	_ =	swait.ge [sflag:s28], $0x1C00  }
0xe1: {  	[sflag:s28] =	ssyncset.done $0x0  }
0xe2: {  	[sflag:s28] =	ssyncadd.s32 $0xFFFFE400  }
0xe3: {  	_ =	swait.ge [sflag:s29], $0x1C00  }
0xe4: {  	[sflag:s29] =	ssyncset.done $0x0  }
0xe5: {  	s19 =	simm.s32 $0xAF0;
	s18 =	rddreg [dreg:$0xa];
	[sflag:s29] =	ssyncadd.s32 $0xFFFFE400  }
0xe6: {  	[tilespmem:s20], [sflag:$0x4] =	stream.indirect.gather [hbm4b:s5+s0], $0x40, s19, s0, $0xb8;
	[tilespmem:$0x17E80] =	vst v63  }
0xe7: {  	s23 =	simm.s32 $0x10680;
	s11 =	sadd.s32 s16, s18  }
0xe8: {  	[hbm4b:s11+s3] =	stream.linear.scatter [tilespmem:s23], [sflag:$0x14], $0x1C00, $0x38;
	[tilespmem:$0x17E80] =	vst v63  }
0xe9: {  	_ =	swait.ge [sflag:s30], $0x1C00  }
0xea: {  	[sflag:s30] =	ssyncset.done $0x0  }
0xeb: {  	[sflag:s30] =	ssyncadd.s32 $0xFFFFE400  }
0xec: {  	_ =	swait.ge [sflag:s31], $0x1C00  }
0xed: {  	[sflag:s31] =	ssyncset.done $0x0  }
0xee: {  	s23 =	simm.s32 $0xB60;
	s22 =	rddreg [dreg:$0x9];
	[sflag:s31] =	ssyncadd.s32 $0xFFFFE400  }
0xef: {  	[tilespmem:s21], [sflag:$0x5] =	stream.indirect.gather [hbm4b:s5+s0], $0x40, s23, s0, $0xb8;
	[tilespmem:$0x17E80] =	vst v63  }
0xf0: {  	s11 =	sadd.s32 s16, s22  }
0xf1: {  	[hbm4b:s11+s3] =	stream.linear.scatter [tilespmem:s24], [sflag:$0x15], $0x1C00, $0x38;
	[tilespmem:$0x17E80] =	vst v63  }
0xf2: {  	_ =	swait.ge [sflag:s1], $0x1C00  }
0xf3: {  	[sflag:s1] =	ssyncset.done $0x0  }
0xf4: {  	[sflag:s1] =	ssyncadd.s32 $0xFFFFE400  }
0xf5: {  	s13 =	sadd.s32 $0x2680, s16;
	_ =	swait.ge [sflag:s2], $0x1C00  }
0xf6: {  	s25 =	simm.s32 $0xBD0;
	[sflag:s2] =	ssyncset.done $0x0;
	s24 =	rddreg [dreg:$0x8]  }
0xf7: {  	s11 =	simm.s32 $0x1340;
	[sflag:s2] =	ssyncadd.s32 $0xFFFFE400;
	s15 =	sadd.s32 s16, s24  }
0xf8: {  	[tilespmem:s12], [sflag:$0x6] =	stream.indirect.gather [hbm4b:s5+s0], $0x40, s25, s0, $0xb8;
	[tilespmem:$0x17E80] =	vst v63  }
.LBB2_2:
0xf9: {  	s19 =	simm.s32 $0x13E80;
	s7 =	simm.s32 $0x1  }
0xfa: {  	[hbm4b:s15+s3] =	stream.linear.scatter [tilespmem:s19], [sflag:$0x16], $0x1C00, $0x38;
	[tilespmem:$0x17E80] =	vst v63  }
0xfb: {  	_ =	swait.ge [sflag:s7], $0x1C00  }
0xfc: {  	[sflag:s7] =	ssyncset.done $0x0  }
0xfd: {  	[sflag:s7] =	ssyncadd.s32 $0xFFFFE400  }
0xfe: {  	s18 =	smov.u32 s11;
	_ =	swait.ge [sflag:s4], $0x1C00  }
0xff: {  	s22 =	simm.s32 $0xCE80;
	s15 =	sshra.s32 s18, $0x2;
	[sflag:s4] =	ssyncset.done $0x0  }
0x100: {  	s18 =	sadd.s32 $0x770, s15;
	s16 =	rddreg [dreg:$0xc];
	[sflag:s4] =	ssyncadd.s32 $0xFFFFE400  }
0x101: {  	[tilespmem:s22], [sflag:$0x7] =	stream.indirect.gather [hbm4b:s5+s0], $0x40, s18, s0, $0xb8;
	[tilespmem:$0x17E80] =	vst v63  }
0x102: {  	s12 =	simm.s32 $0x2680;
	s20 =	simm.s32 $0x2;
	s16 =	sadd.s32 s13, s16  }
0x103: {  	[hbm4b:s16+s3] =	stream.linear.scatter [tilespmem:s12], [sflag:$0xC], $0x1C00, $0x38;
	[tilespmem:$0x17E80] =	vst v63  }
0x104: {  	_ =	swait.ge [sflag:s20], $0x1C00  }
0x105: {  	[sflag:s20] =	ssyncset.done $0x0  }
0x106: {  	[sflag:s20] =	ssyncadd.s32 $0xFFFFE400  }
0x107: {  	_ =	swait.ge [sflag:s6], $0x1C00  }
0x108: {  	s23 =	simm.s32 $0xEA80;
	[sflag:s6] =	ssyncset.done $0x0  }
0x109: {  	s24 =	sadd.s32 $0x7E0, s15;
	s21 =	rddreg [dreg:$0x7];
	[sflag:s6] =	ssyncadd.s32 $0xFFFFE400  }
0x10a: {  	[tilespmem:s23], [sflag:$0x8] =	stream.indirect.gather [hbm4b:s5+s0], $0x40, s24, s0, $0xb8;
	[tilespmem:$0x17E80] =	vst v63  }
0x10b: {  	s14 =	simm.s32 $0x4280;
	s25 =	simm.s32 $0x3;
	s16 =	sadd.s32 s13, s21  }
0x10c: {  	[hbm4b:s16+s3] =	stream.linear.scatter [tilespmem:s14], [sflag:$0xD], $0x1C00, $0x38;
	[tilespmem:$0x17E80] =	vst v63  }
0x10d: {  	_ =	swait.ge [sflag:s25], $0x1C00  }
0x10e: {  	[sflag:s25] =	ssyncset.done $0x0  }
0x10f: {  	[sflag:s25] =	ssyncadd.s32 $0xFFFFE400  }
0x110: {  	_ =	swait.ge [sflag:s8], $0x1C00  }
0x111: {  	s17 =	sadd.s32 $0x850, s15;
	[sflag:s8] =	ssyncset.done $0x0  }
0x112: {  	s24 =	simm.s32 $0x10680;
	s7 =	rddreg [dreg:$0x6];
	[sflag:s8] =	ssyncadd.s32 $0xFFFFE400  }
0x113: {  	[tilespmem:s24], [sflag:$0x9] =	stream.indirect.gather [hbm4b:s5+s0], $0x40, s17, s0, $0xb8;
	[tilespmem:$0x17E80] =	vst v63  }
0x114: {  	s20 =	simm.s32 $0x4;
	s16 =	sadd.s32 s13, s7;
	s7 =	simm.s32 $0x5E80  }
0x115: {  	[hbm4b:s16+s3] =	stream.linear.scatter [tilespmem:s7], [sflag:$0xE], $0x1C00, $0x38;
	[tilespmem:$0x17E80] =	vst v63  }
0x116: {  	_ =	swait.ge [sflag:s20], $0x1C00  }
0x117: {  	[sflag:s20] =	ssyncset.done $0x0  }
0x118: {  	[sflag:s20] =	ssyncadd.s32 $0xFFFFE400  }
0x119: {  	_ =	swait.ge [sflag:s9], $0x1C00  }
0x11a: {  	s25 =	simm.s32 $0x12280;
	[sflag:s9] =	ssyncset.done $0x0  }
0x11b: {  	s17 =	sadd.s32 $0x8C0, s15;
	s21 =	rddreg [dreg:$0x5];
	[sflag:s9] =	ssyncadd.s32 $0xFFFFE400  }
0x11c: {  	[tilespmem:s25], [sflag:$0xA] =	stream.indirect.gather [hbm4b:s5+s0], $0x40, s17, s0, $0xb8;
	[tilespmem:$0x17E80] =	vst v63  }
0x11d: {  	s18 =	simm.s32 $0x5;
	s16 =	sadd.s32 s13, s21;
	s17 =	simm.s32 $0x7A80  }
0x11e: {  	[hbm4b:s16+s3] =	stream.linear.scatter [tilespmem:s17], [sflag:$0xF], $0x1C00, $0x38;
	[tilespmem:$0x17E80] =	vst v63  }
0x11f: {  	_ =	swait.ge [sflag:s18], $0x1C00  }
0x120: {  	[sflag:s18] =	ssyncset.done $0x0  }
0x121: {  	[sflag:s18] =	ssyncadd.s32 $0xFFFFE400  }
0x122: {  	_ =	swait.ge [sflag:s10], $0x1C00  }
0x123: {  	[sflag:s10] =	ssyncset.done $0x0  }
0x124: {  	s21 =	sadd.s32 $0x930, s15;
	s20 =	rddreg [dreg:$0x4];
	[sflag:s10] =	ssyncadd.s32 $0xFFFFE400  }
0x125: {  	[tilespmem:s19], [sflag:$0xB] =	stream.indirect.gather [hbm4b:s5+s0], $0x40, s21, s0, $0xb8;
	[tilespmem:$0x17E80] =	vst v63  }
0x126: {  	s18 =	simm.s32 $0x6;
	s16 =	sadd.s32 s13, s20;
	s19 =	simm.s32 $0x9680  }
0x127: {  	[hbm4b:s16+s3] =	stream.linear.scatter [tilespmem:s19], [sflag:$0x10], $0x1C00, $0x38;
	[tilespmem:$0x17E80] =	vst v63  }
0x128: {  	_ =	swait.ge [sflag:s18], $0x1C00  }
0x129: {  	[sflag:s18] =	ssyncset.done $0x0  }
0x12a: {  	s20 =	simm.s32 $0xC;
	[sflag:s18] =	ssyncadd.s32 $0xFFFFE400  }
0x12b: {  	_ =	swait.ge [sflag:s20], $0x1C00  }
0x12c: {  	[sflag:s20] =	ssyncset.done $0x0  }
0x12d: {  	s21 =	sadd.s32 $0x9A0, s15;
	s16 =	rddreg [dreg:$0x3];
	[sflag:s20] =	ssyncadd.s32 $0xFFFFE400  }
0x12e: {  	[tilespmem:s12], [sflag:$0x1] =	stream.indirect.gather [hbm4b:s5+s0], $0x40, s21, s0, $0xb8;
	[tilespmem:$0x17E80] =	vst v63  }
0x12f: {  	s16 =	sadd.s32 s13, s16;
	s21 =	simm.s32 $0xB280  }
0x130: {  	[hbm4b:s16+s3] =	stream.linear.scatter [tilespmem:s21], [sflag:$0x11], $0x1C00, $0x38;
	[tilespmem:$0x17E80] =	vst v63  }
0x131: {  	s16 =	simm.s32 $0x7  }
0x132: {  	_ =	swait.ge [sflag:s16], $0x1C00  }
0x133: {  	[sflag:s16] =	ssyncset.done $0x0  }
0x134: {  	s18 =	simm.s32 $0xD;
	[sflag:s16] =	ssyncadd.s32 $0xFFFFE400  }
0x135: {  	_ =	swait.ge [sflag:s18], $0x1C00  }
0x136: {  	[sflag:s18] =	ssyncset.done $0x0  }
0x137: {  	s16 =	rddreg [dreg:$0xd];
	[sflag:s18] =	ssyncadd.s32 $0xFFFFE400;
	s18 =	sadd.s32 $0xA10, s15  }
0x138: {  	[tilespmem:s14], [sflag:$0x2] =	stream.indirect.gather [hbm4b:s5+s0], $0x40, s18, s0, $0xb8;
	[tilespmem:$0x17E80] =	vst v63  }
0x139: {  	s16 =	sadd.s32 s13, s16;
	s18 =	simm.s32 $0x8  }
0x13a: {  	[hbm4b:s16+s3] =	stream.linear.scatter [tilespmem:s22], [sflag:$0x12], $0x1C00, $0x38;
	[tilespmem:$0x17E80] =	vst v63  }
0x13b: {  	_ =	swait.ge [sflag:s18], $0x1C00  }
0x13c: {  	[sflag:s18] =	ssyncset.done $0x0  }
0x13d: {  	[sflag:s18] =	ssyncadd.s32 $0xFFFFE400  }
0x13e: {  	_ =	swait.ge [sflag:s26], $0x1C00  }
0x13f: {  	[sflag:s26] =	ssyncset.done $0x0  }
0x140: {  	s22 =	sadd.s32 $0xA80, s15;
	s16 =	rddreg [dreg:$0xb];
	[sflag:s26] =	ssyncadd.s32 $0xFFFFE400  }
0x141: {  	[tilespmem:s7], [sflag:$0x3] =	stream.indirect.gather [hbm4b:s5+s0], $0x40, s22, s0, $0xb8;
	[tilespmem:$0x17E80] =	vst v63  }
0x142: {  	s16 =	sadd.s32 s13, s16  }
0x143: {  	[hbm4b:s16+s3] =	stream.linear.scatter [tilespmem:s23], [sflag:$0x13], $0x1C00, $0x38;
	[tilespmem:$0x17E80] =	vst v63  }
0x144: {  	_ =	swait.ge [sflag:s28], $0x1C00  }
0x145: {  	[sflag:s28] =	ssyncset.done $0x0  }
0x146: {  	[sflag:s28] =	ssyncadd.s32 $0xFFFFE400  }
0x147: {  	_ =	swait.ge [sflag:s29], $0x1C00  }
0x148: {  	[sflag:s29] =	ssyncset.done $0x0  }
0x149: {  	s22 =	sadd.s32 $0xAF0, s15;
	s23 =	rddreg [dreg:$0xa];
	[sflag:s29] =	ssyncadd.s32 $0xFFFFE400  }
0x14a: {  	[tilespmem:s17], [sflag:$0x4] =	stream.indirect.gather [hbm4b:s5+s0], $0x40, s22, s0, $0xb8;
	[tilespmem:$0x17E80] =	vst v63  }
0x14b: {  	s16 =	sadd.s32 s13, s23  }
0x14c: {  	[hbm4b:s16+s3] =	stream.linear.scatter [tilespmem:s24], [sflag:$0x14], $0x1C00, $0x38;
	[tilespmem:$0x17E80] =	vst v63  }
0x14d: {  	_ =	swait.ge [sflag:s30], $0x1C00  }
0x14e: {  	[sflag:s30] =	ssyncset.done $0x0  }
0x14f: {  	[sflag:s30] =	ssyncadd.s32 $0xFFFFE400  }
0x150: {  	_ =	swait.ge [sflag:s31], $0x1C00  }
0x151: {  	[sflag:s31] =	ssyncset.done $0x0  }
0x152: {  	s24 =	sadd.s32 $0xB60, s15;
	s23 =	rddreg [dreg:$0x9];
	[sflag:s31] =	ssyncadd.s32 $0xFFFFE400  }
0x153: {  	[tilespmem:s19], [sflag:$0x5] =	stream.indirect.gather [hbm4b:s5+s0], $0x40, s24, s0, $0xb8;
	[tilespmem:$0x17E80] =	vst v63  }
0x154: {  	s16 =	sadd.s32 s13, s23  }
0x155: {  	[hbm4b:s16+s3] =	stream.linear.scatter [tilespmem:s25], [sflag:$0x15], $0x1C00, $0x38;
	[tilespmem:$0x17E80] =	vst v63  }
0x156: {  	_ =	swait.ge [sflag:s1], $0x1C00  }
0x157: {  	p0 =	sne.s32 s11, $0x6040;
	s11 =	sadd.s32 $0x1340, s11;
	[sflag:s1] =	ssyncset.done $0x0  }
0x158: {  	s20 =	simm.s32 $0x2680;
	s12 =	simm.s32 $0x4280;
	[sflag:s1] =	ssyncadd.s32 $0xFFFFE400  }
.Ltmp0:
0x159: {  	s14 =	simm.s32 $0x5E80;
	_ =	swait.ge [sflag:s2], $0x1C00;
	(pc) =	sbr.rel @p0 .LBB2_2-.Ltmp0, $4  }
0x15a: {  	s18 =	simm.s32 $0xB280;
	s7 =	simm.s32 $0x7A80;
	[sflag:s2] =	ssyncset.done $0x0  }
0x15b: {  	s15 =	sadd.s32 $0xBD0, s15;
	s25 =	rddreg [dreg:$0x8];
	[sflag:s2] =	ssyncadd.s32 $0xFFFFE400  }
0x15c: {  	[tilespmem:s21], [sflag:$0x6] =	stream.indirect.gather [hbm4b:s5+s0], $0x40, s15, s0, $0xb8;
	[tilespmem:$0x17E80] =	vst v63  }
0x15d: {  	s17 =	simm.s32 $0x9680;
	s15 =	sadd.s32 s13, s25;
	s13 =	sadd.s32 $0x2680, s13  }
0x15e: {  	s16 =	simm.s32 $0x13E80;
	s11 =	simm.s32 $0x1  }
0x15f: {  	[hbm4b:s15+s3] =	stream.linear.scatter [tilespmem:s16], [sflag:$0x16], $0x1C00, $0x38;
	[tilespmem:$0x17E80] =	vst v63  }
0x160: {  	_ =	swait.ge [sflag:s11], $0x1C00  }
0x161: {  	[sflag:s11] =	ssyncset.done $0x0  }
0x162: {  	[sflag:s11] =	ssyncadd.s32 $0xFFFFE400  }
0x163: {  	_ =	swait.ge [sflag:s4], $0x1C00  }
0x164: {  	[sflag:s4] =	ssyncset.done $0x0  }
0x165: {  	s13 =	simm.s32 $0xCE80;
	s24 =	simm.s32 $0x2450;
	[sflag:s4] =	ssyncadd.s32 $0xFFFFE400  }
0x166: {  	[tilespmem:s13], [sflag:$0x7] =	stream.indirect.gather [hbm4b:s5+s0], $0x40, s24, s0, $0xb8;
	[tilespmem:$0x17E80] =	vst v63  }
0x167: {  	s15 =	simm.s32 $0x2;
	s25 =	rddreg [dreg:$0x1a]  }
0x168: {  	[hbm4b:s25+s3] =	stream.linear.scatter [tilespmem:s20], [sflag:$0xC], $0x1C00, $0x38;
	[tilespmem:$0x17E80] =	vst v63  }
0x169: {  	_ =	swait.ge [sflag:s15], $0x1C00  }
0x16a: {  	[sflag:s15] =	ssyncset.done $0x0  }
0x16b: {  	[sflag:s15] =	ssyncadd.s32 $0xFFFFE400  }
0x16c: {  	_ =	swait.ge [sflag:s6], $0x1C00  }
0x16d: {  	[sflag:s6] =	ssyncset.done $0x0  }
0x16e: {  	s19 =	simm.s32 $0x24C0;
	s15 =	simm.s32 $0xEA80;
	[sflag:s6] =	ssyncadd.s32 $0xFFFFE400  }
0x16f: {  	[tilespmem:s15], [sflag:$0x8] =	stream.indirect.gather [hbm4b:s5+s0], $0x40, s19, s0, $0xb8;
	[tilespmem:$0x17E80] =	vst v63  }
0x170: {  	s21 =	simm.s32 $0x3;
	s20 =	rddreg [dreg:$0x1b]  }
0x171: {  	[hbm4b:s20+s3] =	stream.linear.scatter [tilespmem:s12], [sflag:$0xD], $0x1C00, $0x38;
	[tilespmem:$0x17E80] =	vst v63  }
0x172: {  	_ =	swait.ge [sflag:s21], $0x1C00  }
0x173: {  	[sflag:s21] =	ssyncset.done $0x0  }
0x174: {  	[sflag:s21] =	ssyncadd.s32 $0xFFFFE400  }
0x175: {  	_ =	swait.ge [sflag:s8], $0x1C00  }
0x176: {  	[sflag:s8] =	ssyncset.done $0x0  }
0x177: {  	s22 =	simm.s32 $0x2530;
	s12 =	simm.s32 $0x10680;
	[sflag:s8] =	ssyncadd.s32 $0xFFFFE400  }
0x178: {  	[tilespmem:s12], [sflag:$0x9] =	stream.indirect.gather [hbm4b:s5+s0], $0x40, s22, s0, $0xb8;
	[tilespmem:$0x17E80] =	vst v63  }
0x179: {  	s24 =	simm.s32 $0x4;
	s23 =	rddreg [dreg:$0x1c]  }
0x17a: {  	[hbm4b:s23+s3] =	stream.linear.scatter [tilespmem:s14], [sflag:$0xE], $0x1C00, $0x38;
	[tilespmem:$0x17E80] =	vst v63  }
0x17b: {  	_ =	swait.ge [sflag:s24], $0x1C00  }
0x17c: {  	[sflag:s24] =	ssyncset.done $0x0  }
0x17d: {  	[sflag:s24] =	ssyncadd.s32 $0xFFFFE400  }
0x17e: {  	_ =	swait.ge [sflag:s9], $0x1C00  }
0x17f: {  	[sflag:s9] =	ssyncset.done $0x0  }
0x180: {  	s25 =	simm.s32 $0x25A0;
	s14 =	simm.s32 $0x12280;
	[sflag:s9] =	ssyncadd.s32 $0xFFFFE400  }
0x181: {  	[tilespmem:s14], [sflag:$0xA] =	stream.indirect.gather [hbm4b:s5+s0], $0x40, s25, s0, $0xb8;
	[tilespmem:$0x17E80] =	vst v63  }
0x182: {  	s20 =	simm.s32 $0x5;
	s19 =	rddreg [dreg:$0x1d]  }
0x183: {  	[hbm4b:s19+s3] =	stream.linear.scatter [tilespmem:s7], [sflag:$0xF], $0x1C00, $0x38;
	[tilespmem:$0x17E80] =	vst v63  }
0x184: {  	_ =	swait.ge [sflag:s20], $0x1C00  }
0x185: {  	[sflag:s20] =	ssyncset.done $0x0  }
0x186: {  	[sflag:s20] =	ssyncadd.s32 $0xFFFFE400  }
0x187: {  	_ =	swait.ge [sflag:s10], $0x1C00  }
0x188: {  	[sflag:s10] =	ssyncset.done $0x0  }
0x189: {  	s21 =	simm.s32 $0x2610;
	[sflag:s10] =	ssyncadd.s32 $0xFFFFE400  }
0x18a: {  	[tilespmem:s16], [sflag:$0xB] =	stream.indirect.gather [hbm4b:s5+s0], $0x40, s21, s0, $0xb8;
	[tilespmem:$0x17E80] =	vst v63  }
0x18b: {  	s23 =	simm.s32 $0x6;
	s22 =	rddreg [dreg:$0x1e]  }
0x18c: {  	[hbm4b:s22+s3] =	stream.linear.scatter [tilespmem:s17], [sflag:$0x10], $0x1C00, $0x38;
	[tilespmem:$0x17E80] =	vst v63  }
0x18d: {  	_ =	swait.ge [sflag:s23], $0x1C00  }
0x18e: {  	[sflag:s23] =	ssyncset.done $0x0  }
0x18f: {  	s25 =	simm.s32 $0x7;
	s24 =	rddreg [dreg:$0x1f];
	[sflag:s23] =	ssyncadd.s32 $0xFFFFE400  }
0x190: {  	[hbm4b:s24+s3] =	stream.linear.scatter [tilespmem:s18], [sflag:$0x11], $0x1C00, $0x38;
	[tilespmem:$0x17E80] =	vst v63  }
0x191: {  	_ =	swait.ge [sflag:s25], $0x1C00  }
0x192: {  	s7 =	sld [smem:$0x7F6]  }
0x193: {  	[sflag:s25] =	ssyncset.done $0x0  }
0x194: {  	s11 =	simm.s32 $0x8;
	[sflag:s25] =	ssyncadd.s32 $0xFFFFE400  }
0x195: {  	[hbm4b:s7+s3] =	stream.linear.scatter [tilespmem:s13], [sflag:$0x12], $0x1C00, $0x38;
	[tilespmem:$0x17E80] =	vst v63  }
0x196: {  	_ =	swait.ge [sflag:s11], $0x1C00  }
0x197: {  	s13 =	sld [smem:$0x7F7]  }
0x198: {  	[sflag:s11] =	ssyncset.done $0x0  }
0x199: {  	[sflag:s11] =	ssyncadd.s32 $0xFFFFE400  }
0x19a: {  	[hbm4b:s13+s3] =	stream.linear.scatter [tilespmem:s15], [sflag:$0x13], $0x1C00, $0x38;
	[tilespmem:$0x17E80] =	vst v63  }
0x19b: {  	_ =	swait.ge [sflag:s28], $0x1C00  }
0x19c: {  	s17 =	sld [smem:$0x7F8]  }
0x19d: {  	[sflag:s28] =	ssyncset.done $0x0  }
0x19e: {  	[sflag:s28] =	ssyncadd.s32 $0xFFFFE400  }
0x19f: {  	[hbm4b:s17+s3] =	stream.linear.scatter [tilespmem:s12], [sflag:$0x14], $0x1C00, $0x38;
	[tilespmem:$0x17E80] =	vst v63  }
0x1a0: {  	_ =	swait.ge [sflag:s30], $0x1C00  }
0x1a1: {  	s18 =	sld [smem:$0x7F9]  }
0x1a2: {  	[sflag:s30] =	ssyncset.done $0x0  }
0x1a3: {  	[sflag:s30] =	ssyncadd.s32 $0xFFFFE400  }
0x1a4: {  	[hbm4b:s18+s3] =	stream.linear.scatter [tilespmem:s14], [sflag:$0x15], $0x1C00, $0x38;
	[tilespmem:$0x17E80] =	vst v63  }
0x1a5: {  	_ =	swait.ge [sflag:s1], $0x1C00  }
0x1a6: {  	s19 =	sld [smem:$0x7FA]  }
0x1a7: {  	[sflag:s1] =	ssyncset.done $0x0  }
0x1a8: {  	s20 =	simm.s32 $0xC;
	[sflag:s1] =	ssyncadd.s32 $0xFFFFE400  }
0x1a9: {  	[hbm4b:s19+s3] =	stream.linear.scatter [tilespmem:s16], [sflag:$0x16], $0x1C00, $0x38;
	[tilespmem:$0x17E80] =	vst v63  }
0x1aa: {  	_ =	swait.ge [sflag:s20], $0x1C00  }
0x1ab: {  	[sflag:s20] =	ssyncset.done $0x0  }
0x1ac: {  	s21 =	simm.s32 $0xD;
	[sflag:s20] =	ssyncadd.s32 $0xFFFFE400  }
0x1ad: {  	_ =	swait.ge [sflag:s21], $0x1C00  }
0x1ae: {  	[sflag:s21] =	ssyncset.done $0x0  }
0x1af: {  	[sflag:s21] =	ssyncadd.s32 $0xFFFFE400  }
0x1b0: {  	_ =	swait.ge [sflag:s26], $0x1C00  }
0x1b1: {  	[sflag:s26] =	ssyncset.done $0x0  }
0x1b2: {  	[sflag:s26] =	ssyncadd.s32 $0xFFFFE400  }
0x1b3: {  	_ =	swait.ge [sflag:s29], $0x1C00  }
0x1b4: {  	[sflag:s29] =	ssyncset.done $0x0  }
0x1b5: {  	[sflag:s29] =	ssyncadd.s32 $0xFFFFE400  }
0x1b6: {  	_ =	swait.ge [sflag:s31], $0x1C00  }
0x1b7: {  	[sflag:s31] =	ssyncset.done $0x0  }
0x1b8: {  	[sflag:s31] =	ssyncadd.s32 $0xFFFFE400  }
0x1b9: {  	_ =	swait.ge [sflag:s2], $0x1C00  }
0x1ba: {  	[sflag:s2] =	ssyncset.done $0x0  }
0x1bb: {  	[sflag:s2] =	ssyncadd.s32 $0xFFFFE400  }
0x1bc: {  	_ =	swait.ge [sflag:s4], $0x1C00  }
0x1bd: {  	[sflag:s4] =	ssyncset.done $0x0  }
0x1be: {  	[sflag:s4] =	ssyncadd.s32 $0xFFFFE400  }
0x1bf: {  	_ =	swait.ge [sflag:s6], $0x1C00  }
0x1c0: {  	[sflag:s6] =	ssyncset.done $0x0  }
0x1c1: {  	[sflag:s6] =	ssyncadd.s32 $0xFFFFE400  }
0x1c2: {  	_ =	swait.ge [sflag:s8], $0x1C00  }
0x1c3: {  	[sflag:s8] =	ssyncset.done $0x0  }
0x1c4: {  	[sflag:s8] =	ssyncadd.s32 $0xFFFFE400  }
0x1c5: {  	_ =	swait.ge [sflag:s9], $0x1C00  }
0x1c6: {  	[sflag:s9] =	ssyncset.done $0x0  }
0x1c7: {  	[sflag:s9] =	ssyncadd.s32 $0xFFFFE400  }
0x1c8: {  	_ =	swait.ge [sflag:s10], $0x1C00  }
0x1c9: {  	s22 =	sld [smem:$0x7FB]  }
0x1ca: {  	[sflag:s10] =	ssyncset.done $0x0  }
0x1cb: {  	s23 =	simm.s32 $0x15A80;
	s13 =	simm.s32 $0x18;
	[sflag:s10] =	ssyncadd.s32 $0xFFFFE400  }
0x1cc: {  	[tilespmem:s23], [sflag:$0x18] =	stream.linear.gather [hbm4b:s22+s3], $0x400, $0x38;
	[tilespmem:$0x17E80] =	vst v63  }
0x1cd: {  	_ =	swait.ge [sflag:s13], $0x400  }
0x1ce: {  	[sflag:s13] =	ssyncset.done $0x0  }
0x1cf: {  	s25 =	simm.s32 $0x15E80;
	s24 =	rddreg [dreg:$0xe];
	[sflag:s13] =	ssyncadd.s32 $0xFFFFFC00  }
0x1d0: {  	[tilespmem:s25], [sflag:$0x18] =	stream.linear.gather [hbm4b:s24+s3], $0x2000, $0x38;
	[tilespmem:$0x17E80] =	vst v63  }
0x1d1: {  	_ =	swait.ge [sflag:s13], $0x2000  }
0x1d2: {  	[sflag:s13] =	ssyncset.done $0x0  }
0x1d3: {  	[sflag:s13] =	ssyncadd.s32 $0xFFFFE000  }
0x1d4: {  	s14 =	simm.s32 $0x80;
	s16 =	rddreg [dreg:$0x1]  }
0x1d5: {  	[hbm4b:s16+s14] =	stream.indirect.scatter [tilespmem:s25], [sflag:$0x17], $0x40, s23, s14, $0xb8;
	[tilespmem:$0x17E80] =	vst v63  }
0x1d6: {  	s15 =	simm.s32 $0x15B00  }
0x1d7: {  	[hbm4b:s16+s14] =	stream.indirect.scatter [tilespmem:s25], [sflag:$0x17], $0x40, s15, s14, $0xb8;
	[tilespmem:$0x17E80] =	vst v63  }
0x1d8: {  	s17 =	simm.s32 $0x15B80  }
0x1d9: {  	[hbm4b:s16+s14] =	stream.indirect.scatter [tilespmem:s25], [sflag:$0x17], $0x40, s17, s14, $0xb8;
	[tilespmem:$0x17E80] =	vst v63  }
0x1da: {  	s18 =	simm.s32 $0x15C00  }
0x1db: {  	[hbm4b:s16+s14] =	stream.indirect.scatter [tilespmem:s25], [sflag:$0x17], $0x40, s18, s14, $0xb8;
	[tilespmem:$0x17E80] =	vst v63  }
0x1dc: {  	s19 =	simm.s32 $0x15C80  }
0x1dd: {  	[hbm4b:s16+s14] =	stream.indirect.scatter [tilespmem:s25], [sflag:$0x17], $0x40, s19, s14, $0xb8;
	[tilespmem:$0x17E80] =	vst v63  }
0x1de: {  	s20 =	simm.s32 $0x15D00  }
0x1df: {  	[hbm4b:s16+s14] =	stream.indirect.scatter [tilespmem:s25], [sflag:$0x17], $0x40, s20, s14, $0xb8;
	[tilespmem:$0x17E80] =	vst v63  }
0x1e0: {  	s21 =	simm.s32 $0x15D80  }
0x1e1: {  	[hbm4b:s16+s14] =	stream.indirect.scatter [tilespmem:s25], [sflag:$0x17], $0x40, s21, s14, $0xb8;
	[tilespmem:$0x17E80] =	vst v63  }
0x1e2: {  	s22 =	simm.s32 $0x15E00;
	s23 =	simm.s32 $0x17  }
0x1e3: {  	[hbm4b:s16+s14] =	stream.indirect.scatter [tilespmem:s25], [sflag:$0x17], $0x40, s22, s14, $0xb8;
	[tilespmem:$0x17E80] =	vst v63  }
0x1e4: {  	_ =	swait.ge [sflag:s23], $0x2000  }
0x1e5: {  	[sflag:s23] =	ssyncset.done $0x0  }
0x1e6: {  	[sflag:s23] =	ssyncadd.s32 $0xFFFFE000  }
0x1e7: {  	_ =	swait.ge [sflag:s23], $0x2000  }
0x1e8: {  	[sflag:s23] =	ssyncset.done $0x0  }
0x1e9: {  	[sflag:s23] =	ssyncadd.s32 $0xFFFFE000  }
0x1ea: {  	_ =	swait.ge [sflag:s23], $0x2000  }
0x1eb: {  	[sflag:s23] =	ssyncset.done $0x0  }
0x1ec: {  	[sflag:s23] =	ssyncadd.s32 $0xFFFFE000  }
0x1ed: {  	_ =	swait.ge [sflag:s23], $0x2000  }
0x1ee: {  	[sflag:s23] =	ssyncset.done $0x0  }
0x1ef: {  	[sflag:s23] =	ssyncadd.s32 $0xFFFFE000  }
0x1f0: {  	_ =	swait.ge [sflag:s23], $0x2000  }
0x1f1: {  	[sflag:s23] =	ssyncset.done $0x0  }
0x1f2: {  	[sflag:s23] =	ssyncadd.s32 $0xFFFFE000  }
0x1f3: {  	_ =	swait.ge [sflag:s23], $0x2000  }
0x1f4: {  	[sflag:s23] =	ssyncset.done $0x0  }
0x1f5: {  	[sflag:s23] =	ssyncadd.s32 $0xFFFFE000  }
0x1f6: {  	_ =	swait.ge [sflag:s23], $0x2000  }
0x1f7: {  	[sflag:s23] =	ssyncset.done $0x0  }
0x1f8: {  	[sflag:s23] =	ssyncadd.s32 $0xFFFFE000  }
0x1f9: {  	_ =	swait.ge [sflag:s23], $0x2000  }
0x1fa: {  	s24 =	sld [smem:$0x7F5]  }
0x1fb: {  	s25 =	sld [smem:$0x7FC];
	_ =	sdelay $0x1  }
0x1fc: {  	s12 =	sadd.s32 $0x1, s24  }
0x1fd: {  	p0 =	sne.s32 s12, s25  }
.Ltmp1:
0x1fe: {  	_ = 	snop;
	(pc) =	sbr.rel @p0 .LBB2_1-.Ltmp1, $3  }
0x1ff: {  	_ =	sdelay $0x1  }
0x200: {  	[sflag:s23] =	ssyncset.done $0x0  }
0x201: {  	[sflag:s23] =	ssyncadd.s32 $0xFFFFE000  }
0x202: {  	_ =	sfence.sel $0x180000  }
0x203: {  	[bflag:$0x0] =	sbarrier.arrive $0xFFFF  }
0x204: {  	_ =	strace $0x90000047  }
0x205: {  	s0 =	stileid.u32;
	[bflag:$0x2] =	sbarrier.arrive $0xFFFF  }
0x206: {  	p0 =	sne.s32 s0, $0x0;
	s0 =	rddreg [dreg:$0x2]  }
0x207: {  	s0 =	sadd.s32 @!p0 $0x100000, s0  }
0x208: {  	[sflag:s0] =	ssyncadd.tile.s32 @!p0 $0x1;
	_ =	shalt  }
.Lfunc_end2:
_tile_overlayer_lowered:
.L_overlay_start_2:
0x209: {  	(tag) =	ssettag $0x2  }
0x20a: {  	s0 =	rddreg [dreg:$0x0];
	s2 =	stileid.u32  }
0x20b: {  	s1 =	rddreg [dreg:$0x1];
	p0 =	sne.s32 s2, $0x0  }
0x20c: {  	s3 =	rddreg [dreg:$0x2];
	[bflag:$0x3] =	sbarrier.arrive $0xFFFF;
	s2 =	simm.s32 @!p0 $0x1C18  }
0x20d: {  	[timem:s3], [sflag:s2] =	dma.local @!p0 [hbm:s0], s1  }
0x20e: {  	s0 =	simm.s32 @!p0 $0x18  }
0x20f: {  	_ =	swait.ge @!p0 [sflag:s0], s1  }
0x210: {  	s1 =	ssub.s32 @!p0 $0x0, s1;
	[sflag:s0] =	ssyncset.done @!p0 $0x0  }
0x211: {  	[sflag:s0] =	ssyncadd.s32 @!p0 s1  }
0x212: {  	[bflag:$0x3] =	sbarrier.arrive $0xFFFF  }
0x213: {  	_ =	shalt  }

// kernel: sparse-core-data-format-call.cloned.1.call-start
scs
called_computation_lowered:
.L_overlay_start_0:
0x0: {  	s2 =	sld [smem:$0x3FD9]  }
0x1: {  	s3 =	sld [smem:$0x3FFE];
	_ =	sdelay $0x1  }
0x2: {  	s1 =	srdreg.scid  }
0x3: {  	s0 =	sand.u32 $0x1, s1  }
0x4: {  	s18 =	sshll.u32 s0, $0xA;
	s2 =	sadd.s32 s3, s2  }
0x5: {  	s2 =	sadd.s32 s2, s18  }
0x6: {  	[smem:$0x3FC4] =	sst s2  }
0x7: {  	_ = 	snop  }
0x8: {  	s2 =	sld [smem:$0x3FD0];
	(tm) =	ssettm $0x1  }
0x9: {  	s19 =	sld [smem:$0x3FFB];
	_ =	sdelay $0x3  }
0xa: {  	_ =	strace s19  }
0xb: {  	s3 =	sld [smem:$0x3FFC];
	_ =	sdelay $0x3  }
0xc: {  	_ =	strace s3  }
0xd: {  	s3 =	sld [smem:$0x3FFD];
	_ =	sdelay $0x3  }
0xe: {  	_ =	strace s3  }
0xf: {  	_ =	strace $0x8FFFFFFF  }
0x10: {  	s20 =	sld [smem:$0x3FDB];
	_ =	sdelay $0x1  }
0x11: {  	s4 =	simm.s32 $_scs_section_size  }
0x12: {  	s5 =	simm.s32 $_size__tile_overlayer_lowered;
	s6 =	simm.s32 $_tile_overlayer_lowered  }
0x13: {  	s23 =	simm.s32 $0x1BFF;
	s22 =	sshll.u32 s6, $0x1;
	s3 =	sadd.s32 s4, s20  }
0x14: {  	s7 =	simm.s32 $0x0;
	s21 =	sshll.u32 s5, $0x1;
	s5 =	sadd.s32 s22, s3  }
0x15: {  	[timem:s7], [sflag:s23] =	dma.local [hbm:s5], s21  }
0x16: {  	_ =	swait.ge [sflag:s23], s21  }
0x17: {  	s4 =	ssub.s32 $0x0, s21;
	[sflag:s23] =	ssyncset.done $0x0  }
0x18: {  	[sflag:s23] =	ssyncadd.s32 s4;
	_ =	sdelay $0x1  }
0x19: {  	s24 =	simm.s32 $0x1B8B  }
0x1a: {  	_ =	swait.ge [sflag:s24], $0x1  }
0x1b: {  	[sflag:s24] =	ssyncset.done $0x0  }
0x1c: {  	s26 =	simm.s32 $0x1B8E;
	s25 =	sld [smem:$0x3FFE];
	[sflag:s24] =	ssyncadd.s32 $0xFFFFFFFF  }
0x1d: {  	s27 =	simm.s32 $execute0_lowered;
	[smem:$0x3FD2] =	sst s26  }
0x1e: {  	s5 =	sshll.u32 s27, $0x1;
	_ =	strace $0x80000049;
	[dreg:$0x1] =	wrdreg $0xFFFFFFFF  }
0x1f: {  	s28 =	simm.s32 $_size_execute0_lowered;
	s3 =	sadd.s32 s3, s5;
	[dreg:$0x0] =	wrdreg $0x0  }
0x20: {  	s5 =	sshll.u32 s28, $0x1;
	[dreg:$0x2] =	wrdreg s3  }
0x21: {  	[dreg:$0x3] =	wrdreg s5  }
0x22: {  	[dreg:$0x4] =	wrdreg $0xC0  }
0x23: {  	_ =	task [dreg:s7], $0x5FFFF  }
0x24: {  	[dreg:$0x1] =	wrdreg $0xFFFFFFFF  }
0x25: {  	[dreg:$0x0] =	wrdreg $0x60  }
0x26: {  	[dreg:$0x2] =	wrdreg s25  }
0x27: {  	[dreg:$0x3] =	wrdreg s2  }
0x28: {  	[dreg:$0x4] =	wrdreg $0x9  }
0x29: {  	_ =	task.clear_ibuf [dreg:s7], $0x5FFFF;
	_ =	strace $0x90000049  }
0x2a: {  	s29 =	simm.s32 $0x9;
	_ =	strace $0x8000004B  }
0x2b: {  	_ =	swait.ge [sflag:s29], $0x1  }
0x2c: {  	[sflag:s29] =	ssyncadd.s32 $0xFFFFFFFF  }
0x2d: {  	_ =	strace $0x9000004B  }
0x2e: {  	_ =	sfence  }
0x2f: {  	s30 =	sld [smem:$0x0];
	_ =	sdelay $0x2  }
0x30: {  	s31 =	sshll.u32 s1, $0xD;
	s1 =	sshrl.u32 s1, $0x2  }
0x31: {  	s3 =	sand.u32 $0x4000, s31;
	s1 =	sadd.s32 s1, s30  }
0x32: {  	s0 =	sor.u32 s3, s0;
	s1 =	sshll.u32 s1, $0x11  }
0x33: {  	s0 =	sor.u32 s1, s0  }
0x34: {  	s0 =	sadd.s32 $0x8F2B, s0  }
0x35: {  	[sflag:s0] =	ssyncadd.remote.s32 $0x1  }
0x36: {  	_ =	sfence.sel $0xFFFF  }
0x37: {  	[dreg:$0x0] =	wrdreg $0xFFFFFFFF;
	(pc) =	sbr.abs _section_cstart, $3  }
0x38: {  	[dreg:$0x1] =	wrdreg $0xFFFFFFFF  }
0x39: {  	_ =	task.clear_ibuf [dreg:s7], $0x2FFFF;
	_ =	strace $0x9FFFFFFF  }
0x3a: {  	(tm) =	ssettm $0x7FFFFFFF  }
0x3b: {  	_ =	shalt  }
tec
execute0_lowered:
.L_overlay_start_1:
0x0: {  	(tag) =	ssettag $0x1  }
0x1: {  	s0 =	srdreg.scid  }
0x2: {  	s1 =	sshll.u32 s0, $0x4  }
0x3: {  	s0 =	stileid.u32;
	s1 =	sand.u32 $0x10, s1  }
0x4: {  	s1 =	sor.u32 s0, s1  }
0x5: {  	s6 =	rddreg [dreg:$0x0];
	s4 =	simm.s32 $0x1;
	s2 =	sshll.u32 s1, $0x7  }
0x6: {  	s7 =	simm.s32 $0x2;
	s12 =	simm.s32 $0x0;
	s1 =	ssub.s32 $0x1000, s2  }
0x7: {  	s8 =	simm.s32 $0x8000;
	s13 =	simm.s32 $0x0;
	s3 =	sand.u32 $0xF80, s1  }
0x8: {  	s9 =	simm.s32 $0x0;
	s5 =	sshrl.u32 s1, $0xC;
	p0 =	sne.s32 s3, $0x0  }
.Ltmp0:
0x9: {  	s1 =	rddreg [dreg:$0x2];
	s4 =	simm.s32 @!p0 $0x0;
	(pc) =	sbr.rel .LBB1_1-.Ltmp0, $4  }
0xa: {  	s11 =	simm.s32 $0x0;
	s3 =	rddreg [dreg:$0x1];
	s5 =	sadd.s32 s4, s5  }
0xb: {  	_ =	strace $0x8000004A;
	s4 =	simm.s32 $0x1;
	s5 =	smul.u32 $0x4D, s5  }
0xc: {  	s6 =	sadd.s32 $0xE00, s6;
	s10 =	smov.u32 s2;
	[sflag:s4] =	ssyncpa.u1 $0x0  }
0xd: {  	p0 =	por $0x0, $0x0;
	[sflag:s7] =	ssyncpa.u1 $0x0;
	s7 =	sadd.s32 $0x1, s5  }
.LBB1_4:
0xe: {  	s16 =	sshll.u32 s13, $0x3;
	s17 =	sand.u32 $0x78, s13  }
0xf: {  	s30 =	sand.u32 $0x7E00, s13;
	s12 =	sshll.u32 s12, $0xF;
	s16 =	sand.u32 $0xC00, s16  }
0x10: {  	[tilespmem:s15+$0x810 ss:$0x81] =	vst.msk $0xffff, v2;
	s31 =	sand.u32 $0x7, s13;
	s16 =	sor.u32 s17, s16;
	s17 =	sadd.s32 s3, s30  }
0x11: {  	[tilespmem:s15+$0x1020 ss:$0x81] =	vst.msk $0xffff, v0;
	s13 =	sshll.u32 s31, $0x12;
	s12 =	sadd.s32 s12, s17;
	s16 =	sshrl.u32 s16, $0x3  }
0x12: {  	[tilespmem:s15+$0x0 ss:$0x81] =	vst.msk $0xffff, v1;
	s13 =	sor.u32 $0x400, s13;
	s12 =	sadd.s32 s16, s12  }
0x13: {  	[hbm4b:s12+s13] =	stream.strided.scatter [tilespmem:s14], [sflag:$0x2], $0x2000, s8, s13, $0x20;
	[tilespmem:$0x8080] =	vst v63  }
.LBB1_5:
0x14: {  	s14 =	sadd.s32 $0x1, s9  }
0x15: {  	s12 =	sadd.s32 $0x1000, s10;
	s16 =	smov.u32 s10;
	p2 =	sgt.s32 s14, $0x4C  }
0x16: {  	s16 =	smov.u32 @p2 s12  }
0x17: {  	s14 =	simm.s32 @p2 $0x0;
	p2 =	sgt.s32 s16, $0xFFF  }
0x18: {  	s16 =	smov.u32 @p2 s2;
	p2 =	sne.s32 s11, s7  }
.Ltmp1:
0x19: {  	p1 =	slt.u32 s11, $0x2;
	(pc) =	sbr.rel @!p2 .LBB1_6-.Ltmp1, $4  }
0x1a: {  	s15 =	simm.s32 @!p1 $0x2  }
0x1b: {  	s13 =	smov.u32 s10;
	p0 =	por !p0, !p0;
	_ =	swait.ge @!p1 [sflag:s15], $0x2000  }
0x1c: {  	s12 =	smov.u32 s9;
	[sflag:s15] =	ssyncset.done @!p1 $0x0;
	s9 =	smov.u32 s14  }
0x1d: {  	s11 =	sadd.s32 $0x1, s11;
	[sflag:s15] =	ssyncadd.s32 @!p1 $0xFFFFE000;
	s10 =	smov.u32 s16  }
.LBB1_1:
0x1e: {  	p1 =	sge.u32 s11, s5  }
0x1f: {  	s14 =	sand.u32 @!p1 $0x1FFFFFF, s9  }
0x20: {  	s15 =	smulhi.u32 @!p1 $0x3333334, s14;
	_ =	sdelay $0x1  }
0x21: {  	s15 =	smul.u32 @!p1 $0x50, s15  }
0x22: {  	s16 =	sxor.u32 @!p1 $0xFFFFFFFF, s11;
	s17 =	smul.u32 @!p1 $0x500, s10  }
0x23: {  	s31 =	sadd.s32 $0xFFFFFFFF, s11;
	s16 =	sshll.u32 @!p1 s16, $0xD;
	s14 =	ssub.s32 @!p1 s14, s15  }
0x24: {  	s15 =	sand.u32 @!p1 $0x2000, s16;
	s16 =	sadd.s32 @!p1 s6, s17;
	s14 =	sshll.u32 @!p1 s14, $0x4  }
0x25: {  	s17 =	simm.s32 @!p1 $0x2800;
	s14 =	sadd.s32 @!p1 s14, s16;
	s16 =	simm.s32 @!p1 $0x40  }
0x26: {  	[tilespmem:s15], [sflag:$0x1] =	stream.strided.gather @!p1 [hbm4b:s14+s16], $0x2000, s17, s16, $0x38;
	[tilespmem:$0x8080] =	vst v63  }
0x27: {  	p1 =	sge.u32 s31, s5  }
.Ltmp2:
0x28: {  	_ = 	snop;
	(pc) =	sbr.rel @p1 .LBB1_5-.Ltmp2, $1  }
0x29: {  	_ =	sdelay $0x3  }
0x2a: {  	s14 =	simm.s32 $0x1  }
0x2b: {  	_ =	swait.ge [sflag:s4], $0x2000;
	s14 =	simm.s32 @!p0 $0x0  }
0x2c: {  	[sflag:s4] =	ssyncset.done $0x0;
	s15 =	sshll.u32 s14, $0xD  }
0x2d: {  	[sflag:s4] =	ssyncadd.s32 $0xFFFFE000;
	s18 =	sor.u32 $0x20, s15  }
0x2e: {  	s14 =	smul.u32 $0x8100, s14;
	v3 =	vld [tilespmem:s18+$0x10]  }
0x2f: {  	s30 =	sand.u32 $0x1, s11;
	v2 =	vld [tilespmem:s18+$0xFFFFFFF0]  }
0x30: {  	s15 =	smul.u32 $0x8100, s30;
	s14 =	sshrl.u32 s14, $0x2;
	v0 =	vld [tilespmem:s18+$0x0]  }
0x31: {  	v1 =	vld [tilespmem:s18+$0xFFFFFFE0];
	s16 =	sor.u32 $0x4000, s14  }
0x32: {  	s31 =	sshrl.u32 s15, $0x2;
	s15 =	sadd.s32 $0x0, s16  }
0x33: {  	s17 =	simm.s32 $0x4;
	s18 =	sadd.s32 $0x40, s18;
	s14 =	sor.u32 $0x4000, s31;
	[tilespmem:s15+$0x1830 ss:$0x81] =	vst.msk $0xffff, v3  }
.LBB1_3:
0x34: {  	v3 =	vld [tilespmem:s18+$0x10];
	p1 =	sne.s32 s17, $0x1FC;
	[tilespmem:s15+$0x810 ss:$0x81] =	vst.msk $0xffff, v2;
	s19 =	smov.u32 s17;
	s17 =	sadd.s32 $0x4, s17  }
.Ltmp3:
0x35: {  	v2 =	vld [tilespmem:s18+$0xFFFFFFF0];
	[tilespmem:s15+$0x1020 ss:$0x81] =	vst.msk $0xffff, v0;
	(pc) =	sbr.rel @p1 .LBB1_3-.Ltmp3, $4  }
0x36: {  	v0 =	vld [tilespmem:s18+$0x0];
	[tilespmem:s15+$0x0 ss:$0x81] =	vst.msk $0xffff, v1  }
0x37: {  	s15 =	sshra.s32 s19, $0x2;
	v1 =	vld [tilespmem:s18+$0xFFFFFFE0]  }
0x38: {  	s15 =	sadd.s32 s15, s16  }
0x39: {  	s18 =	sadd.s32 $0x40, s18;
	[tilespmem:s15+$0x1830 ss:$0x81] =	vst.msk $0xffff, v3  }
.Ltmp4:
0x3a: {  	_ = 	snop;
	(pc) =	sbr.rel .LBB1_4-.Ltmp4, $1  }
0x3b: {  	_ =	sdelay $0x3  }
.LBB1_6:
0x3c: {  	_ =	sfence.sel $0x180000  }
0x3d: {  	s2 =	simm.s32 $0x1;
	[bflag:$0x0] =	sbarrier.arrive $0xFFFF  }
0x3e: {  	s31 =	simm.s32 $0x2;
	[sflag:s2] =	ssyncpa.u1 $0x1  }
0x3f: {  	[sflag:s31] =	ssyncpa.u1 $0x1  }
0x40: {  	p0 =	sne.s32 s0, $0x0;
	_ =	strace $0x9000004A  }
0x41: {  	s0 =	sadd.s32 @!p0 $0x100000, s1;
	[bflag:$0x2] =	sbarrier.arrive $0xFFFF  }
0x42: {  	[sflag:s0] =	ssyncadd.tile.s32 @!p0 $0x1;
	_ =	shalt  }
.Lfunc_end1:
_tile_overlayer_lowered:
.L_overlay_start_2:
0x43: {  	(tag) =	ssettag $0x2  }
0x44: {  	s0 =	rddreg [dreg:$0x0];
	s2 =	stileid.u32  }
0x45: {  	s1 =	rddreg [dreg:$0x1];
	p0 =	sne.s32 s2, $0x0  }
0x46: {  	s3 =	rddreg [dreg:$0x2];
	[bflag:$0x3] =	sbarrier.arrive $0xFFFF;
	s2 =	simm.s32 @!p0 $0x1C01  }
0x47: {  	[timem:s3], [sflag:s2] =	dma.local @!p0 [hbm:s0], s1  }
0x48: {  	s0 =	simm.s32 @!p0 $0x1  }
0x49: {  	_ =	swait.ge @!p0 [sflag:s0], s1  }
0x4a: {  	s1 =	ssub.s32 @!p0 $0x0, s1;
	[sflag:s0] =	ssyncset.done @!p0 $0x0  }
0x4b: {  	[sflag:s0] =	ssyncadd.s32 @!p0 s1  }
0x4c: {  	[bflag:$0x3] =	sbarrier.arrive $0xFFFF  }
0x4d: {  	_ =	shalt  }

</sc_bundles>
